<compile_context>
chip_gen: v7x
topology: tpu7x:2x2x1
jax: 0.10.2.dev20260603
libtpu: 0.0.44.dev20260713+nightly
codegen_flags: <defaults>
</compile_context>

<pallas_src>
import functools

import jax
import jax.numpy as jnp
from jax import lax
from jax.experimental import pallas as pl
from jax.experimental.pallas import tpu as pltpu, tpu_sc as plsc

_NE = 512
_D = 64
_BB = 16
_P = 256


def _tc_body(z_ref, e_ref, idx_ref):
    e_mat = e_ref[...]
    s = jnp.sum(e_mat * e_mat, axis=1, keepdims=True)
    jid = jax.lax.broadcasted_iota(jnp.int32, (_NE, _P), 0)
    for b in range(_BB):
        zb = z_ref[b]
        m = jax.lax.dot_general(
            e_mat, zb, (((1,), (0,)), ((), ())),
            preferred_element_type=jnp.float32,
            precision=jax.lax.Precision.DEFAULT)
        d = s - 2.0 * m
        idx = jnp.argmin(d, axis=0).astype(jnp.int32)
        idx_ref[b, :] = idx


def _tc_indices(z3, e):
    B = z3.shape[0]
    return pl.pallas_call(
        _tc_body,
        grid=(B // _BB,),
        in_specs=[
            pl.BlockSpec((_BB, _D, _P), lambda i: (i, 0, 0)),
            pl.BlockSpec((_NE, _D), lambda i: (0, 0)),
        ],
        out_specs=pl.BlockSpec((_BB, _P), lambda i: (i, 0)),
        out_shape=jax.ShapeDtypeStruct((B, _P), jnp.int32),
    )(z3, e)


def _sc_gather(e_t_flat, idx, B):
    info = plsc.get_sparse_core_info()
    nc, ns = info.num_cores, info.num_subcores
    nw = nc * ns
    ppw = _P // nw
    mesh = plsc.VectorSubcoreMesh(core_axis_name="c", subcore_axis_name="s")

    @functools.partial(
        pl.kernel,
        mesh=mesh,
        compiler_params=pltpu.CompilerParams(needs_layout_passes=False),
        out_type=jax.ShapeDtypeStruct((_D, _P, B), jnp.float32),
        scratch_types=[
            pltpu.VMEM((_NE * _D,), jnp.float32),
            pltpu.VMEM((ppw, B), jnp.int32),
            pltpu.VMEM((_D, ppw, B), jnp.float32),
        ],
    )
    def k(etf_hbm, idx_hbm, out_hbm, etf_v, idx_v, buf):
        wid = lax.axis_index("s") * nc + lax.axis_index("c")
        p0 = wid * ppw
        pltpu.sync_copy(etf_hbm, etf_v)
        pltpu.sync_copy(idx_hbm.at[pl.ds(p0, ppw)], idx_v)

        @plsc.parallel_loop(0, ppw * (B // 16), unroll=2)
        def pair(i):
            p = i // (B // 16)
            bc = i % (B // 16)
            idx16 = idx_v[p, pl.ds(bc * 16, 16)]
            for c in range(_D):
                vals = plsc.load_gather(etf_v, [idx16 + c * _NE])
                buf[c, i // (B // 16), pl.ds(bc * 16, 16)] = vals

        pltpu.sync_copy(buf, out_hbm.at[:, pl.ds(p0, ppw), :])

    return k(e_t_flat, idx)


@functools.partial(jax.jit, static_argnums=())
def kernel(z_e, e):
    B, C, H, W = z_e.shape
    z3 = z_e.reshape(B, C, H * W)
    idx = _tc_indices(z3, e)
    zq3 = _sc_gather(e.T.reshape(-1), idx.T, B)
    return jnp.transpose(zq3.reshape(C, H, W, B), (3, 0, 1, 2))

# --- scband reference (transcript-rebuilt; emitter-appended) ---
"""Pipeline reference for scband-quantizer-56307021250938 (READ-ONLY COPY).

The authoritative reference and input builder live on the scoring server;
editing this copy changes nothing except your own understanding.
"""

import jax, jax.numpy as jnp
import numpy as np

EMBEDDING_DIM = 64
NUM_EMBEDDINGS = 512

def setup_inputs(seed: int = 0) -> dict:
    key = jax.random.key(seed)
    k1, k2 = jax.random.split(key)
    z_e = jax.random.normal(k1, (128, EMBEDDING_DIM, 16, 16), dtype=jnp.float32)
    e = jax.random.normal(k2, (NUM_EMBEDDINGS, EMBEDDING_DIM), dtype=jnp.float32)
    return {"z_e": z_e, "e": e}

def reference(z_e, e):
    B, C, H, W = z_e.shape
    z_e_flat = jnp.transpose(z_e, (0, 2, 3, 1)).reshape(-1, EMBEDDING_DIM)
    # distance computed under no_grad in torch; forward value identical
    dist = (jnp.sum(z_e_flat ** 2, axis=1, keepdims=True)
            + jnp.sum(e ** 2, axis=1)[None, :]
            - 2.0 * z_e_flat @ e.T)
    indices_flat = jnp.argmin(dist, axis=1)
    z_q = jnp.take(e, indices_flat, axis=0).reshape(B, H, W, EMBEDDING_DIM)
    z_q = jnp.transpose(z_q, (0, 3, 1, 2))
    return z_q

if __name__ == "__main__":
    import jax
    _d = setup_inputs()
    print(jax.jit(kernel)(*tuple(_d.values())))

</pallas_src>

<mosaic_0001>
#map = affine_map<(d0, d1) -> (0)>
#map1 = affine_map<(d0, d1) -> (0, 0)>
#map2 = affine_map<(d0, d1) -> (0, 0, 0)>
module attributes {stable_mosaic.version = 14 : i64} {
  func.func @k(%arg0: i32, %arg1: i32, %arg2: memref<32768xf32, #tpu.memory_space<hbm>>, %arg3: memref<256x128xi32, #tpu.memory_space<hbm>>, %arg4: memref<64x256x128xf32, #tpu.memory_space<hbm>>, %arg5: memref<32768xf32, #tpu.memory_space<vmem>>, %arg6: memref<8x128xi32, #tpu.memory_space<vmem>>, %arg7: memref<64x8x128xf32, #tpu.memory_space<vmem>>) attributes {dimension_semantics = [#tpu.dimension_semantics<core_parallel>, #tpu.dimension_semantics<subcore_parallel>], iteration_bounds = array<i64: 2, 16>, scalar_prefetch = 0 : i64, scratch_operands = 3 : i64, tpu.core_type = #tpu.core_type<sc_vector_subcore>, window_params = [{transform_indices = #map}, {transform_indices = #map1}, {transform_indices = #map2}]} {
    %mul3A = arith.constant 2 : i32
    %mul3A_0 = arith.muli %arg1, %mul3A : i32
    %add3A = arith.addi %mul3A_0, %arg0 : i32
    %mul3A_1 = arith.constant 8 : i32
    %mul3A_2 = arith.muli %add3A, %mul3A_1 : i32
    "tpu.region"() ({
      %run_scoped3A = tpu.sem_alloc : memref<!tpu.dma_semaphore, #tpu.memory_space<semaphore_mem>>
      tpu.enqueue_dma source(%arg2 : memref<32768xf32, #tpu.memory_space<hbm>>) target(%arg5 : memref<32768xf32, #tpu.memory_space<vmem>>) target_semaphore(%run_scoped3A : memref<!tpu.dma_semaphore, #tpu.memory_space<semaphore_mem>>)
      tpu.wait_dma2 semaphore(%run_scoped3A : memref<!tpu.dma_semaphore, #tpu.memory_space<semaphore_mem>>) src(%arg2 : memref<32768xf32, #tpu.memory_space<hbm>>) dst(%arg5 : memref<32768xf32, #tpu.memory_space<vmem>>)
      tpu.yield
    }) : () -> ()
    "tpu.region"() ({
      %run_scoped3A = tpu.sem_alloc : memref<!tpu.dma_semaphore, #tpu.memory_space<semaphore_mem>>
      %dma_start3A = arith.constant 0 : i32
      %dma_start3A_5 = tpu.memref_slice %arg3[%mul3A_2, %dma_start3A] : memref<256x128xi32, #tpu.memory_space<hbm>> -> memref<8x128xi32, #tpu.memory_space<hbm>>
      %dma_start3A_6 = arith.constant 0 : i32
      %dma_start3A_7 = tpu.memref_slice %arg3[%mul3A_2, %dma_start3A_6] : memref<256x128xi32, #tpu.memory_space<hbm>> -> memref<8x128xi32, #tpu.memory_space<hbm>>
      tpu.enqueue_dma source(%dma_start3A_7 : memref<8x128xi32, #tpu.memory_space<hbm>>) target(%arg6 : memref<8x128xi32, #tpu.memory_space<vmem>>) target_semaphore(%run_scoped3A : memref<!tpu.dma_semaphore, #tpu.memory_space<semaphore_mem>>)
      %dma_wait3A = arith.constant 0 : i32
      %dma_wait3A_8 = tpu.memref_slice %arg3[%mul3A_2, %dma_wait3A] : memref<256x128xi32, #tpu.memory_space<hbm>> -> memref<8x128xi32, #tpu.memory_space<hbm>>
      %dma_wait3A_9 = arith.constant 0 : i32
      %dma_wait3A_10 = tpu.memref_slice %arg3[%mul3A_2, %dma_wait3A_9] : memref<256x128xi32, #tpu.memory_space<hbm>> -> memref<8x128xi32, #tpu.memory_space<hbm>>
      tpu.wait_dma2 semaphore(%run_scoped3A : memref<!tpu.dma_semaphore, #tpu.memory_space<semaphore_mem>>) src(%dma_wait3A_10 : memref<8x128xi32, #tpu.memory_space<hbm>>) dst(%arg6 : memref<8x128xi32, #tpu.memory_space<vmem>>)
      tpu.yield
    }) : () -> ()
    %parallel_loop3A = arith.constant 0 : i32
    %parallel_loop3A_3 = arith.constant 64 : i32
    %parallel_loop3A_4 = arith.constant 1 : i32
    scf.for %parallel_loop3A_5 = %parallel_loop3A to %parallel_loop3A_3 step %parallel_loop3A_4  : i32 {
      %parallel_loop3A_6 = arith.constant 8 : i32
      %parallel_loop3A_7 = arith.divsi %parallel_loop3A_5, %parallel_loop3A_6 : i32
      %parallel_loop3A_8 = arith.constant 0 : i32
      %parallel_loop3A_9 = arith.cmpi sgt, %parallel_loop3A_5, %parallel_loop3A_8 : i32
      %parallel_loop3A_10 = arith.extui %parallel_loop3A_9 : i1 to i32
      %parallel_loop3A_11 = arith.constant 0 : i32
      %parallel_loop3A_12 = arith.cmpi slt, %parallel_loop3A_5, %parallel_loop3A_11 : i32
      %parallel_loop3A_13 = arith.extui %parallel_loop3A_12 : i1 to i32
      %parallel_loop3A_14 = arith.subi %parallel_loop3A_10, %parallel_loop3A_13 : i32
      %parallel_loop3A_15 = arith.constant 0 : i32
      %parallel_loop3A_16 = arith.cmpi sgt, %parallel_loop3A_6, %parallel_loop3A_15 : i32
      %parallel_loop3A_17 = arith.extui %parallel_loop3A_16 : i1 to i32
      %parallel_loop3A_18 = arith.constant 0 : i32
      %parallel_loop3A_19 = arith.cmpi slt, %parallel_loop3A_6, %parallel_loop3A_18 : i32
      %parallel_loop3A_20 = arith.extui %parallel_loop3A_19 : i1 to i32
      %parallel_loop3A_21 = arith.subi %parallel_loop3A_17, %parallel_loop3A_20 : i32
      %parallel_loop3A_22 = arith.cmpi ne, %parallel_loop3A_14, %parallel_loop3A_21 : i32
      %parallel_loop3A_23 = arith.remsi %parallel_loop3A_5, %parallel_loop3A_6 : i32
      %parallel_loop3A_24 = arith.constant 0 : i32
      %parallel_loop3A_25 = arith.cmpi ne, %parallel_loop3A_23, %parallel_loop3A_24 : i32
      %parallel_loop3A_26 = arith.andi %parallel_loop3A_22, %parallel_loop3A_25 : i1
      %parallel_loop3A_27 = arith.constant 1 : i32
      %parallel_loop3A_28 = arith.subi %parallel_loop3A_7, %parallel_loop3A_27 : i32
      %parallel_loop3A_29 = arith.select %parallel_loop3A_26, %parallel_loop3A_28, %parallel_loop3A_7 : i32
      %parallel_loop3A_30 = arith.constant 8 : i32
      %parallel_loop3A_31 = arith.constant 0 : i32
      %parallel_loop3A_32 = arith.cmpi eq, %parallel_loop3A_30, %parallel_loop3A_31 : i32
      %parallel_loop3A_33 = arith.constant 1 : i32
      %parallel_loop3A_34 = arith.select %parallel_loop3A_32, %parallel_loop3A_33, %parallel_loop3A_30 : i32
      %parallel_loop3A_35 = arith.remsi %parallel_loop3A_5, %parallel_loop3A_34 : i32
      %parallel_loop3A_36 = arith.constant 0 : i32
      %parallel_loop3A_37 = arith.cmpi ne, %parallel_loop3A_35, %parallel_loop3A_36 : i32
      %parallel_loop3A_38 = arith.constant 0 : i32
      %parallel_loop3A_39 = arith.cmpi slt, %parallel_loop3A_35, %parallel_loop3A_38 : i32
      %parallel_loop3A_40 = arith.constant 0 : i32
      %parallel_loop3A_41 = arith.cmpi slt, %parallel_loop3A_34, %parallel_loop3A_40 : i32
      %parallel_loop3A_42 = arith.xori %parallel_loop3A_39, %parallel_loop3A_41 : i1
      %parallel_loop3A_43 = arith.andi %parallel_loop3A_42, %parallel_loop3A_37 : i1
      %parallel_loop3A_44 = arith.addi %parallel_loop3A_35, %parallel_loop3A_34 : i32
      %parallel_loop3A_45 = arith.select %parallel_loop3A_43, %parallel_loop3A_44, %parallel_loop3A_35 : i32
      %parallel_loop3A_46 = arith.constant 16 : i32
      %parallel_loop3A_47 = arith.muli %parallel_loop3A_45, %parallel_loop3A_46 : i32
      %parallel_loop3A_48 = arith.index_cast %parallel_loop3A_29 : i32 to index
      %parallel_loop3A_49 = arith.index_cast %parallel_loop3A_47 : i32 to index
      %parallel_loop3A_50 = tpu.vector_load %arg6[%parallel_loop3A_48, %parallel_loop3A_49] {strides = array<i32>} : memref<8x128xi32, #tpu.memory_space<vmem>>, vector<16xi32>,
      %parallel_loop3A_51 = arith.constant 0 : i32
      %parallel_loop3A_52 = vector.broadcast %parallel_loop3A_51 : i32 to vector<16xi32>
      %parallel_loop3A_53 = arith.addi %parallel_loop3A_50, %parallel_loop3A_52 : vector<16xi32>
      %parallel_loop3A_54 = tpu.vector_load_idx %arg5[%parallel_loop3A_53] : memref<32768xf32, #tpu.memory_space<vmem>>[vector<16xi32>], vector<16xf32>,
      %parallel_loop3A_55 = arith.constant 8 : i32
      %parallel_loop3A_56 = arith.divsi %parallel_loop3A_5, %parallel_loop3A_55 : i32
      %parallel_loop3A_57 = arith.constant 0 : i32
      %parallel_loop3A_58 = arith.cmpi sgt, %parallel_loop3A_5, %parallel_loop3A_57 : i32
      %parallel_loop3A_59 = arith.extui %parallel_loop3A_58 : i1 to i32
      %parallel_loop3A_60 = arith.constant 0 : i32
      %parallel_loop3A_61 = arith.cmpi slt, %parallel_loop3A_5, %parallel_loop3A_60 : i32
      %parallel_loop3A_62 = arith.extui %parallel_loop3A_61 : i1 to i32
      %parallel_loop3A_63 = arith.subi %parallel_loop3A_59, %parallel_loop3A_62 : i32
      %parallel_loop3A_64 = arith.constant 0 : i32
      %parallel_loop3A_65 = arith.cmpi sgt, %parallel_loop3A_55, %parallel_loop3A_64 : i32
      %parallel_loop3A_66 = arith.extui %parallel_loop3A_65 : i1 to i32
      %parallel_loop3A_67 = arith.constant 0 : i32
      %parallel_loop3A_68 = arith.cmpi slt, %parallel_loop3A_55, %parallel_loop3A_67 : i32
      %parallel_loop3A_69 = arith.extui %parallel_loop3A_68 : i1 to i32
      %parallel_loop3A_70 = arith.subi %parallel_loop3A_66, %parallel_loop3A_69 : i32
      %parallel_loop3A_71 = arith.cmpi ne, %parallel_loop3A_63, %parallel_loop3A_70 : i32
      %parallel_loop3A_72 = arith.remsi %parallel_loop3A_5, %parallel_loop3A_55 : i32
      %parallel_loop3A_73 = arith.constant 0 : i32
      %parallel_loop3A_74 = arith.cmpi ne, %parallel_loop3A_72, %parallel_loop3A_73 : i32
      %parallel_loop3A_75 = arith.andi %parallel_loop3A_71, %parallel_loop3A_74 : i1
      %parallel_loop3A_76 = arith.constant 1 : i32
      %parallel_loop3A_77 = arith.subi %parallel_loop3A_56, %parallel_loop3A_76 : i32
      %parallel_loop3A_78 = arith.select %parallel_loop3A_75, %parallel_loop3A_77, %parallel_loop3A_56 : i32
      %parallel_loop3A_79 = arith.constant 16 : i32
      %parallel_loop3A_80 = arith.muli %parallel_loop3A_45, %parallel_loop3A_79 : i32
      %parallel_loop3A_81 = arith.constant 0 : i32
      %parallel_loop3A_82 = arith.index_cast %parallel_loop3A_81 : i32 to index
      %parallel_loop3A_83 = arith.index_cast %parallel_loop3A_78 : i32 to index
      %parallel_loop3A_84 = arith.index_cast %parallel_loop3A_80 : i32 to index
      %parallel_loop3A_85 = tpu.vector_load %arg7[%parallel_loop3A_82, %parallel_loop3A_83, %parallel_loop3A_84] {strides = array<i32>} : memref<64x8x128xf32, #tpu.memory_space<vmem>>, vector<16xf32>,
      tpu.vector_store %arg7[%parallel_loop3A_82, %parallel_loop3A_83, %parallel_loop3A_84], %parallel_loop3A_54 {strides = array<i32>} : memref<64x8x128xf32, #tpu.memory_space<vmem>>, vector<16xf32>,
      %parallel_loop3A_86 = arith.constant 512 : i32
      %parallel_loop3A_87 = vector.broadcast %parallel_loop3A_86 : i32 to vector<16xi32>
      %parallel_loop3A_88 = arith.addi %parallel_loop3A_50, %parallel_loop3A_87 : vector<16xi32>
      %parallel_loop3A_89 = tpu.vector_load_idx %arg5[%parallel_loop3A_88] : memref<32768xf32, #tpu.memory_space<vmem>>[vector<16xi32>], vector<16xf32>,
      %parallel_loop3A_90 = arith.constant 8 : i32
      %parallel_loop3A_91 = arith.divsi %parallel_loop3A_5, %parallel_loop3A_90 : i32
      %parallel_loop3A_92 = arith.constant 0 : i32
      %parallel_loop3A_93 = arith.cmpi sgt, %parallel_loop3A_5, %parallel_loop3A_92 : i32
      %parallel_loop3A_94 = arith.extui %parallel_loop3A_93 : i1 to i32
      %parallel_loop3A_95 = arith.constant 0 : i32
      %parallel_loop3A_96 = arith.cmpi slt, %parallel_loop3A_5, %parallel_loop3A_95 : i32
      %parallel_loop3A_97 = arith.extui %parallel_loop3A_96 : i1 to i32
      %parallel_loop3A_98 = arith.subi %parallel_loop3A_94, %parallel_loop3A_97 : i32
      %parallel_loop3A_99 = arith.constant 0 : i32
      %parallel_loop3A_100 = arith.cmpi sgt, %parallel_loop3A_90, %parallel_loop3A_99 : i32
      %parallel_loop3A_101 = arith.extui %parallel_loop3A_100 : i1 to i32
      %parallel_loop3A_102 = arith.constant 0 : i32
      %parallel_loop3A_103 = arith.cmpi slt, %parallel_loop3A_90, %parallel_loop3A_102 : i32
      %parallel_loop3A_104 = arith.extui %parallel_loop3A_103 : i1 to i32
      %parallel_loop3A_105 = arith.subi %parallel_loop3A_101, %parallel_loop3A_104 : i32
      %parallel_loop3A_106 = arith.cmpi ne, %parallel_loop3A_98, %parallel_loop3A_105 : i32
      %parallel_loop3A_107 = arith.remsi %parallel_loop3A_5, %parallel_loop3A_90 : i32
      %parallel_loop3A_108 = arith.constant 0 : i32
      %parallel_loop3A_109 = arith.cmpi ne, %parallel_loop3A_107, %parallel_loop3A_108 : i32
      %parallel_loop3A_110 = arith.andi %parallel_loop3A_106, %parallel_loop3A_109 : i1
      %parallel_loop3A_111 = arith.constant 1 : i32
      %parallel_loop3A_112 = arith.subi %parallel_loop3A_91, %parallel_loop3A_111 : i32
      %parallel_loop3A_113 = arith.select %parallel_loop3A_110, %parallel_loop3A_112, %parallel_loop3A_91 : i32
      %parallel_loop3A_114 = arith.constant 16 : i32
      %parallel_loop3A_115 = arith.muli %parallel_loop3A_45, %parallel_loop3A_114 : i32
      %parallel_loop3A_116 = arith.constant 1 : i32
      %parallel_loop3A_117 = arith.index_cast %parallel_loop3A_116 : i32 to index
      %parallel_loop3A_118 = arith.index_cast %parallel_loop3A_113 : i32 to index
      %parallel_loop3A_119 = arith.index_cast %parallel_loop3A_115 : i32 to index
      %parallel_loop3A_120 = tpu.vector_load %arg7[%parallel_loop3A_117, %parallel_loop3A_118, %parallel_loop3A_119] {strides = array<i32>} : memref<64x8x128xf32, #tpu.memory_space<vmem>>, vector<16xf32>,
      tpu.vector_store %arg7[%parallel_loop3A_117, %parallel_loop3A_118, %parallel_loop3A_119], %parallel_loop3A_89 {strides = array<i32>} : memref<64x8x128xf32, #tpu.memory_space<vmem>>, vector<16xf32>,
      %parallel_loop3A_121 = arith.constant 1024 : i32
      %parallel_loop3A_122 = vector.broadcast %parallel_loop3A_121 : i32 to vector<16xi32>
      %parallel_loop3A_123 = arith.addi %parallel_loop3A_50, %parallel_loop3A_122 : vector<16xi32>
      %parallel_loop3A_124 = tpu.vector_load_idx %arg5[%parallel_loop3A_123] : memref<32768xf32, #tpu.memory_space<vmem>>[vector<16xi32>], vector<16xf32>,
      %parallel_loop3A_125 = arith.constant 8 : i32
      %parallel_loop3A_126 = arith.divsi %parallel_loop3A_5, %parallel_loop3A_125 : i32
      %parallel_loop3A_127 = arith.constant 0 : i32
      %parallel_loop3A_128 = arith.cmpi sgt, %parallel_loop3A_5, %parallel_loop3A_127 : i32
      %parallel_loop3A_129 = arith.extui %parallel_loop3A_128 : i1 to i32
      %parallel_loop3A_130 = arith.constant 0 : i32
      %parallel_loop3A_131 = arith.cmpi slt, %parallel_loop3A_5, %parallel_loop3A_130 : i32
      %parallel_loop3A_132 = arith.extui %parallel_loop3A_131 : i1 to i32
      %parallel_loop3A_133 = arith.subi %parallel_loop3A_129, %parallel_loop3A_132 : i32
      %parallel_loop3A_134 = arith.constant 0 : i32
      %parallel_loop3A_135 = arith.cmpi sgt, %parallel_loop3A_125, %parallel_loop3A_134 : i32
      %parallel_loop3A_136 = arith.extui %parallel_loop3A_135 : i1 to i32
      %parallel_loop3A_137 = arith.constant 0 : i32
      %parallel_loop3A_138 = arith.cmpi slt, %parallel_loop3A_125, %parallel_loop3A_137 : i32
      %parallel_loop3A_139 = arith.extui %parallel_loop3A_138 : i1 to i32
      %parallel_loop3A_140 = arith.subi %parallel_loop3A_136, %parallel_loop3A_139 : i32
      %parallel_loop3A_141 = arith.cmpi ne, %parallel_loop3A_133, %parallel_loop3A_140 : i32
      %parallel_loop3A_142 = arith.remsi %parallel_loop3A_5, %parallel_loop3A_125 : i32
      %parallel_loop3A_143 = arith.constant 0 : i32
      %parallel_loop3A_144 = arith.cmpi ne, %parallel_loop3A_142, %parallel_loop3A_143 : i32
      %parallel_loop3A_145 = arith.andi %parallel_loop3A_141, %parallel_loop3A_144 : i1
      %parallel_loop3A_146 = arith.constant 1 : i32
      %parallel_loop3A_147 = arith.subi %parallel_loop3A_126, %parallel_loop3A_146 : i32
      %parallel_loop3A_148 = arith.select %parallel_loop3A_145, %parallel_loop3A_147, %parallel_loop3A_126 : i32
      %parallel_loop3A_149 = arith.constant 16 : i32
      %parallel_loop3A_150 = arith.muli %parallel_loop3A_45, %parallel_loop3A_149 : i32
      %parallel_loop3A_151 = arith.constant 2 : i32
      %parallel_loop3A_152 = arith.index_cast %parallel_loop3A_151 : i32 to index
      %parallel_loop3A_153 = arith.index_cast %parallel_loop3A_148 : i32 to index
      %parallel_loop3A_154 = arith.index_cast %parallel_loop3A_150 : i32 to index
      %parallel_loop3A_155 = tpu.vector_load %arg7[%parallel_loop3A_152, %parallel_loop3A_153, %parallel_loop3A_154] {strides = array<i32>} : memref<64x8x128xf32, #tpu.memory_space<vmem>>, vector<16xf32>,
      tpu.vector_store %arg7[%parallel_loop3A_152, %parallel_loop3A_153, %parallel_loop3A_154], %parallel_loop3A_124 {strides = array<i32>} : memref<64x8x128xf32, #tpu.memory_space<vmem>>, vector<16xf32>,
      %parallel_loop3A_156 = arith.constant 1536 : i32
      %parallel_loop3A_157 = vector.broadcast %parallel_loop3A_156 : i32 to vector<16xi32>
      %parallel_loop3A_158 = arith.addi %parallel_loop3A_50, %parallel_loop3A_157 : vector<16xi32>
      %parallel_loop3A_159 = tpu.vector_load_idx %arg5[%parallel_loop3A_158] : memref<32768xf32, #tpu.memory_space<vmem>>[vector<16xi32>], vector<16xf32>,
      %parallel_loop3A_160 = arith.constant 8 : i32
      %parallel_loop3A_161 = arith.divsi %parallel_loop3A_5, %parallel_loop3A_160 : i32
      %parallel_loop3A_162 = arith.constant 0 : i32
      %parallel_loop3A_163 = arith.cmpi sgt, %parallel_loop3A_5, %parallel_loop3A_162 : i32
      %parallel_loop3A_164 = arith.extui %parallel_loop3A_163 : i1 to i32
      %parallel_loop3A_165 = arith.constant 0 : i32
      %parallel_loop3A_166 = arith.cmpi slt, %parallel_loop3A_5, %parallel_loop3A_165 : i32
      %parallel_loop3A_167 = arith.extui %parallel_loop3A_166 : i1 to i32
      %parallel_loop3A_168 = arith.subi %parallel_loop3A_164, %parallel_loop3A_167 : i32
      %parallel_loop3A_169 = arith.constant 0 : i32
      %parallel_loop3A_170 = arith.cmpi sgt, %parallel_loop3A_160, %parallel_loop3A_169 : i32
      %parallel_loop3A_171 = arith.extui %parallel_loop3A_170 : i1 to i32
      %parallel_loop3A_172 = arith.constant 0 : i32
      %parallel_loop3A_173 = arith.cmpi slt, %parallel_loop3A_160, %parallel_loop3A_172 : i32
      %parallel_loop3A_174 = arith.extui %parallel_loop3A_173 : i1 to i32
      %parallel_loop3A_175 = arith.subi %parallel_loop3A_171, %parallel_loop3A_174 : i32
      %parallel_loop3A_176 = arith.cmpi ne, %parallel_loop3A_168, %parallel_loop3A_175 : i32
      %parallel_loop3A_177 = arith.remsi %parallel_loop3A_5, %parallel_loop3A_160 : i32
      %parallel_loop3A_178 = arith.constant 0 : i32
      %parallel_loop3A_179 = arith.cmpi ne, %parallel_loop3A_177, %parallel_loop3A_178 : i32
      %parallel_loop3A_180 = arith.andi %parallel_loop3A_176, %parallel_loop3A_179 : i1
      %parallel_loop3A_181 = arith.constant 1 : i32
      %parallel_loop3A_182 = arith.subi %parallel_loop3A_161, %parallel_loop3A_181 : i32
      %parallel_loop3A_183 = arith.select %parallel_loop3A_180, %parallel_loop3A_182, %parallel_loop3A_161 : i32
      %parallel_loop3A_184 = arith.constant 16 : i32
      %parallel_loop3A_185 = arith.muli %parallel_loop3A_45, %parallel_loop3A_184 : i32
      %parallel_loop3A_186 = arith.constant 3 : i32
      %parallel_loop3A_187 = arith.index_cast %parallel_loop3A_186 : i32 to index
      %parallel_loop3A_188 = arith.index_cast %parallel_loop3A_183 : i32 to index
      %parallel_loop3A_189 = arith.index_cast %parallel_loop3A_185 : i32 to index
      %parallel_loop3A_190 = tpu.vector_load %arg7[%parallel_loop3A_187, %parallel_loop3A_188, %parallel_loop3A_189] {strides = array<i32>} : memref<64x8x128xf32, #tpu.memory_space<vmem>>, vector<16xf32>,
      tpu.vector_store %arg7[%parallel_loop3A_187, %parallel_loop3A_188, %parallel_loop3A_189], %parallel_loop3A_159 {strides = array<i32>} : memref<64x8x128xf32, #tpu.memory_space<vmem>>, vector<16xf32>,
      %parallel_loop3A_191 = arith.constant 2048 : i32
      %parallel_loop3A_192 = vector.broadcast %parallel_loop3A_191 : i32 to vector<16xi32>
      %parallel_loop3A_193 = arith.addi %parallel_loop3A_50, %parallel_loop3A_192 : vector<16xi32>
      %parallel_loop3A_194 = tpu.vector_load_idx %arg5[%parallel_loop3A_193] : memref<32768xf32, #tpu.memory_space<vmem>>[vector<16xi32>], vector<16xf32>,
      %parallel_loop3A_195 = arith.constant 8 : i32
      %parallel_loop3A_196 = arith.divsi %parallel_loop3A_5, %parallel_loop3A_195 : i32
      %parallel_loop3A_197 = arith.constant 0 : i32
      %parallel_loop3A_198 = arith.cmpi sgt, %parallel_loop3A_5, %parallel_loop3A_197 : i32
      %parallel_loop3A_199 = arith.extui %parallel_loop3A_198 : i1 to i32
      %parallel_loop3A_200 = arith.constant 0 : i32
      %parallel_loop3A_201 = arith.cmpi slt, %parallel_loop3A_5, %parallel_loop3A_200 : i32
      %parallel_loop3A_202 = arith.extui %parallel_loop3A_201 : i1 to i32
      %parallel_loop3A_203 = arith.subi %parallel_loop3A_199, %parallel_loop3A_202 : i32
      %parallel_loop3A_204 = arith.constant 0 : i32
      %parallel_loop3A_205 = arith.cmpi sgt, %parallel_loop3A_195, %parallel_loop3A_204 : i32
      %parallel_loop3A_206 = arith.extui %parallel_loop3A_205 : i1 to i32
      %parallel_loop3A_207 = arith.constant 0 : i32
      %parallel_loop3A_208 = arith.cmpi slt, %parallel_loop3A_195, %parallel_loop3A_207 : i32
      %parallel_loop3A_209 = arith.extui %parallel_loop3A_208 : i1 to i32
      %parallel_loop3A_210 = arith.subi %parallel_loop3A_206, %parallel_loop3A_209 : i32
      %parallel_loop3A_211 = arith.cmpi ne, %parallel_loop3A_203, %parallel_loop3A_210 : i32
      %parallel_loop3A_212 = arith.remsi %parallel_loop3A_5, %parallel_loop3A_195 : i32
      %parallel_loop3A_213 = arith.constant 0 : i32
      %parallel_loop3A_214 = arith.cmpi ne, %parallel_loop3A_212, %parallel_loop3A_213 : i32
      %parallel_loop3A_215 = arith.andi %parallel_loop3A_211, %parallel_loop3A_214 : i1
      %parallel_loop3A_216 = arith.constant 1 : i32
      %parallel_loop3A_217 = arith.subi %parallel_loop3A_196, %parallel_loop3A_216 : i32
      %parallel_loop3A_218 = arith.select %parallel_loop3A_215, %parallel_loop3A_217, %parallel_loop3A_196 : i32
      %parallel_loop3A_219 = arith.constant 16 : i32
      %parallel_loop3A_220 = arith.muli %parallel_loop3A_45, %parallel_loop3A_219 : i32
      %parallel_loop3A_221 = arith.constant 4 : i32
      %parallel_loop3A_222 = arith.index_cast %parallel_loop3A_221 : i32 to index
      %parallel_loop3A_223 = arith.index_cast %parallel_loop3A_218 : i32 to index
      %parallel_loop3A_224 = arith.index_cast %parallel_loop3A_220 : i32 to index
      %parallel_loop3A_225 = tpu.vector_load %arg7[%parallel_loop3A_222, %parallel_loop3A_223, %parallel_loop3A_224] {strides = array<i32>} : memref<64x8x128xf32, #tpu.memory_space<vmem>>, vector<16xf32>,
      tpu.vector_store %arg7[%parallel_loop3A_222, %parallel_loop3A_223, %parallel_loop3A_224], %parallel_loop3A_194 {strides = array<i32>} : memref<64x8x128xf32, #tpu.memory_space<vmem>>, vector<16xf32>,
      %parallel_loop3A_226 = arith.constant 2560 : i32
      %parallel_loop3A_227 = vector.broadcast %parallel_loop3A_226 : i32 to vector<16xi32>
      %parallel_loop3A_228 = arith.addi %parallel_loop3A_50, %parallel_loop3A_227 : vector<16xi32>
      %parallel_loop3A_229 = tpu.vector_load_idx %arg5[%parallel_loop3A_228] : memref<32768xf32, #tpu.memory_space<vmem>>[vector<16xi32>], vector<16xf32>,
      %parallel_loop3A_230 = arith.constant 8 : i32
      %parallel_loop3A_231 = arith.divsi %parallel_loop3A_5, %parallel_loop3A_230 : i32
      %parallel_loop3A_232 = arith.constant 0 : i32
      %parallel_loop3A_233 = arith.cmpi sgt, %parallel_loop3A_5, %parallel_loop3A_232 : i32
      %parallel_loop3A_234 = arith.extui %parallel_loop3A_233 : i1 to i32
      %parallel_loop3A_235 = arith.constant 0 : i32
      %parallel_loop3A_236 = arith.cmpi slt, %parallel_loop3A_5, %parallel_loop3A_235 : i32
      %parallel_loop3A_237 = arith.extui %parallel_loop3A_236 : i1 to i32
      %parallel_loop3A_238 = arith.subi %parallel_loop3A_234, %parallel_loop3A_237 : i32
      %parallel_loop3A_239 = arith.constant 0 : i32
      %parallel_loop3A_240 = arith.cmpi sgt, %parallel_loop3A_230, %parallel_loop3A_239 : i32
      %parallel_loop3A_241 = arith.extui %parallel_loop3A_240 : i1 to i32
      %parallel_loop3A_242 = arith.constant 0 : i32
      %parallel_loop3A_243 = arith.cmpi slt, %parallel_loop3A_230, %parallel_loop3A_242 : i32
      %parallel_loop3A_244 = arith.extui %parallel_loop3A_243 : i1 to i32
      %parallel_loop3A_245 = arith.subi %parallel_loop3A_241, %parallel_loop3A_244 : i32
      %parallel_loop3A_246 = arith.cmpi ne, %parallel_loop3A_238, %parallel_loop3A_245 : i32
      %parallel_loop3A_247 = arith.remsi %parallel_loop3A_5, %parallel_loop3A_230 : i32
      %parallel_loop3A_248 = arith.constant 0 : i32
      %parallel_loop3A_249 = arith.cmpi ne, %parallel_loop3A_247, %parallel_loop3A_248 : i32
      %parallel_loop3A_250 = arith.andi %parallel_loop3A_246, %parallel_loop3A_249 : i1
      %parallel_loop3A_251 = arith.constant 1 : i32
      %parallel_loop3A_252 = arith.subi %parallel_loop3A_231, %parallel_loop3A_251 : i32
      %parallel_loop3A_253 = arith.select %parallel_loop3A_250, %parallel_loop3A_252, %parallel_loop3A_231 : i32
      %parallel_loop3A_254 = arith.constant 16 : i32
      %parallel_loop3A_255 = arith.muli %parallel_loop3A_45, %parallel_loop3A_254 : i32
      %parallel_loop3A_256 = arith.constant 5 : i32
      %parallel_loop3A_257 = arith.index_cast %parallel_loop3A_256 : i32 to index
      %parallel_loop3A_258 = arith.index_cast %parallel_loop3A_253 : i32 to index
      %parallel_loop3A_259 = arith.index_cast %parallel_loop3A_255 : i32 to index
      %parallel_loop3A_260 = tpu.vector_load %arg7[%parallel_loop3A_257, %parallel_loop3A_258, %parallel_loop3A_259] {strides = array<i32>} : memref<64x8x128xf32, #tpu.memory_space<vmem>>, vector<16xf32>,
      tpu.vector_store %arg7[%parallel_loop3A_257, %parallel_loop3A_258, %parallel_loop3A_259], %parallel_loop3A_229 {strides = array<i32>} : memref<64x8x128xf32, #tpu.memory_space<vmem>>, vector<16xf32>,
      %parallel_loop3A_261 = arith.constant 3072 : i32
      %parallel_loop3A_262 = vector.broadcast %parallel_loop3A_261 : i32 to vector<16xi32>
      %parallel_loop3A_263 = arith.addi %parallel_loop3A_50, %parallel_loop3A_262 : vector<16xi32>
      %parallel_loop3A_264 = tpu.vector_load_idx %arg5[%parallel_loop3A_263] : memref<32768xf32, #tpu.memory_space<vmem>>[vector<16xi32>], vector<16xf32>,
      %parallel_loop3A_265 = arith.constant 8 : i32
      %parallel_loop3A_266 = arith.divsi %parallel_loop3A_5, %parallel_loop3A_265 : i32
      %parallel_loop3A_267 = arith.constant 0 : i32
      %parallel_loop3A_268 = arith.cmpi sgt, %parallel_loop3A_5, %parallel_loop3A_267 : i32
      %parallel_loop3A_269 = arith.extui %parallel_loop3A_268 : i1 to i32
      %parallel_loop3A_270 = arith.constant 0 : i32
      %parallel_loop3A_271 = arith.cmpi slt, %parallel_loop3A_5, %parallel_loop3A_270 : i32
      %parallel_loop3A_272 = arith.extui %parallel_loop3A_271 : i1 to i32
      %parallel_loop3A_273 = arith.subi %parallel_loop3A_269, %parallel_loop3A_272 : i32
      %parallel_loop3A_274 = arith.constant 0 : i32
      %parallel_loop3A_275 = arith.cmpi sgt, %parallel_loop3A_265, %parallel_loop3A_274 : i32
      %parallel_loop3A_276 = arith.extui %parallel_loop3A_275 : i1 to i32
      %parallel_loop3A_277 = arith.constant 0 : i32
      %parallel_loop3A_278 = arith.cmpi slt, %parallel_loop3A_265, %parallel_loop3A_277 : i32
      %parallel_loop3A_279 = arith.extui %parallel_loop3A_278 : i1 to i32
      %parallel_loop3A_280 = arith.subi %parallel_loop3A_276, %parallel_loop3A_279 : i32
      %parallel_loop3A_281 = arith.cmpi ne, %parallel_loop3A_273, %parallel_loop3A_280 : i32
      %parallel_loop3A_282 = arith.remsi %parallel_loop3A_5, %parallel_loop3A_265 : i32
      %parallel_loop3A_283 = arith.constant 0 : i32
      %parallel_loop3A_284 = arith.cmpi ne, %parallel_loop3A_282, %parallel_loop3A_283 : i32
      %parallel_loop3A_285 = arith.andi %parallel_loop3A_281, %parallel_loop3A_284 : i1
      %parallel_loop3A_286 = arith.constant 1 : i32
      %parallel_loop3A_287 = arith.subi %parallel_loop3A_266, %parallel_loop3A_286 : i32
      %parallel_loop3A_288 = arith.select %parallel_loop3A_285, %parallel_loop3A_287, %parallel_loop3A_266 : i32
      %parallel_loop3A_289 = arith.constant 16 : i32
      %parallel_loop3A_290 = arith.muli %parallel_loop3A_45, %parallel_loop3A_289 : i32
      %parallel_loop3A_291 = arith.constant 6 : i32
      %parallel_loop3A_292 = arith.index_cast %parallel_loop3A_291 : i32 to index
      %parallel_loop3A_293 = arith.index_cast %parallel_loop3A_288 : i32 to index
      %parallel_loop3A_294 = arith.index_cast %parallel_loop3A_290 : i32 to index
      %parallel_loop3A_295 = tpu.vector_load %arg7[%parallel_loop3A_292, %parallel_loop3A_293, %parallel_loop3A_294] {strides = array<i32>} : memref<64x8x128xf32, #tpu.memory_space<vmem>>, vector<16xf32>,
      tpu.vector_store %arg7[%parallel_loop3A_292, %parallel_loop3A_293, %parallel_loop3A_294], %parallel_loop3A_264 {strides = array<i32>} : memref<64x8x128xf32, #tpu.memory_space<vmem>>, vector<16xf32>,
      %parallel_loop3A_296 = arith.constant 3584 : i32
      %parallel_loop3A_297 = vector.broadcast %parallel_loop3A_296 : i32 to vector<16xi32>
      %parallel_loop3A_298 = arith.addi %parallel_loop3A_50, %parallel_loop3A_297 : vector<16xi32>
      %parallel_loop3A_299 = tpu.vector_load_idx %arg5[%parallel_loop3A_298] : memref<32768xf32, #tpu.memory_space<vmem>>[vector<16xi32>], vector<16xf32>,
      %parallel_loop3A_300 = arith.constant 8 : i32
      %parallel_loop3A_301 = arith.divsi %parallel_loop3A_5, %parallel_loop3A_300 : i32
      %parallel_loop3A_302 = arith.constant 0 : i32
      %parallel_loop3A_303 = arith.cmpi sgt, %parallel_loop3A_5, %parallel_loop3A_302 : i32
      %parallel_loop3A_304 = arith.extui %parallel_loop3A_303 : i1 to i32
      %parallel_loop3A_305 = arith.constant 0 : i32
      %parallel_loop3A_306 = arith.cmpi slt, %parallel_loop3A_5, %parallel_loop3A_305 : i32
      %parallel_loop3A_307 = arith.extui %parallel_loop3A_306 : i1 to i32
      %parallel_loop3A_308 = arith.subi %parallel_loop3A_304, %parallel_loop3A_307 : i32
      %parallel_loop3A_309 = arith.constant 0 : i32
      %parallel_loop3A_310 = arith.cmpi sgt, %parallel_loop3A_300, %parallel_loop3A_309 : i32
      %parallel_loop3A_311 = arith.extui %parallel_loop3A_310 : i1 to i32
      %parallel_loop3A_312 = arith.constant 0 : i32
      %parallel_loop3A_313 = arith.cmpi slt, %parallel_loop3A_300, %parallel_loop3A_312 : i32
      %parallel_loop3A_314 = arith.extui %parallel_loop3A_313 : i1 to i32
      %parallel_loop3A_315 = arith.subi %parallel_loop3A_311, %parallel_loop3A_314 : i32
      %parallel_loop3A_316 = arith.cmpi ne, %parallel_loop3A_308, %parallel_loop3A_315 : i32
      %parallel_loop3A_317 = arith.remsi %parallel_loop3A_5, %parallel_loop3A_300 : i32
      %parallel_loop3A_318 = arith.constant 0 : i32
      %parallel_loop3A_319 = arith.cmpi ne, %parallel_loop3A_317, %parallel_loop3A_318 : i32
      %parallel_loop3A_320 = arith.andi %parallel_loop3A_316, %parallel_loop3A_319 : i1
      %parallel_loop3A_321 = arith.constant 1 : i32
      %parallel_loop3A_322 = arith.subi %parallel_loop3A_301, %parallel_loop3A_321 : i32
      %parallel_loop3A_323 = arith.select %parallel_loop3A_320, %parallel_loop3A_322, %parallel_loop3A_301 : i32
      %parallel_loop3A_324 = arith.constant 16 : i32
      %parallel_loop3A_325 = arith.muli %parallel_loop3A_45, %parallel_loop3A_324 : i32
      %parallel_loop3A_326 = arith.constant 7 : i32
      %parallel_loop3A_327 = arith.index_cast %parallel_loop3A_326 : i32 to index
      %parallel_loop3A_328 = arith.index_cast %parallel_loop3A_323 : i32 to index
      %parallel_loop3A_329 = arith.index_cast %parallel_loop3A_325 : i32 to index
      %parallel_loop3A_330 = tpu.vector_load %arg7[%parallel_loop3A_327, %parallel_loop3A_328, %parallel_loop3A_329] {strides = array<i32>} : memref<64x8x128xf32, #tpu.memory_space<vmem>>, vector<16xf32>,
      tpu.vector_store %arg7[%parallel_loop3A_327, %parallel_loop3A_328, %parallel_loop3A_329], %parallel_loop3A_299 {strides = array<i32>} : memref<64x8x128xf32, #tpu.memory_space<vmem>>, vector<16xf32>,
      %parallel_loop3A_331 = arith.constant 4096 : i32
      %parallel_loop3A_332 = vector.broadcast %parallel_loop3A_331 : i32 to vector<16xi32>
      %parallel_loop3A_333 = arith.addi %parallel_loop3A_50, %parallel_loop3A_332 : vector<16xi32>
      %parallel_loop3A_334 = tpu.vector_load_idx %arg5[%parallel_loop3A_333] : memref<32768xf32, #tpu.memory_space<vmem>>[vector<16xi32>], vector<16xf32>,
      %parallel_loop3A_335 = arith.constant 8 : i32
      %parallel_loop3A_336 = arith.divsi %parallel_loop3A_5, %parallel_loop3A_335 : i32
      %parallel_loop3A_337 = arith.constant 0 : i32
      %parallel_loop3A_338 = arith.cmpi sgt, %parallel_loop3A_5, %parallel_loop3A_337 : i32
      %parallel_loop3A_339 = arith.extui %parallel_loop3A_338 : i1 to i32
      %parallel_loop3A_340 = arith.constant 0 : i32
      %parallel_loop3A_341 = arith.cmpi slt, %parallel_loop3A_5, %parallel_loop3A_340 : i32
      %parallel_loop3A_342 = arith.extui %parallel_loop3A_341 : i1 to i32
      %parallel_loop3A_343 = arith.subi %parallel_loop3A_339, %parallel_loop3A_342 : i32
      %parallel_loop3A_344 = arith.constant 0 : i32
      %parallel_loop3A_345 = arith.cmpi sgt, %parallel_loop3A_335, %parallel_loop3A_344 : i32
      %parallel_loop3A_346 = arith.extui %parallel_loop3A_345 : i1 to i32
      %parallel_loop3A_347 = arith.constant 0 : i32
      %parallel_loop3A_348 = arith.cmpi slt, %parallel_loop3A_335, %parallel_loop3A_347 : i32
      %parallel_loop3A_349 = arith.extui %parallel_loop3A_348 : i1 to i32
      %parallel_loop3A_350 = arith.subi %parallel_loop3A_346, %parallel_loop3A_349 : i32
      %parallel_loop3A_351 = arith.cmpi ne, %parallel_loop3A_343, %parallel_loop3A_350 : i32
      %parallel_loop3A_352 = arith.remsi %parallel_loop3A_5, %parallel_loop3A_335 : i32
      %parallel_loop3A_353 = arith.constant 0 : i32
      %parallel_loop3A_354 = arith.cmpi ne, %parallel_loop3A_352, %parallel_loop3A_353 : i32
      %parallel_loop3A_355 = arith.andi %parallel_loop3A_351, %parallel_loop3A_354 : i1
      %parallel_loop3A_356 = arith.constant 1 : i32
      %parallel_loop3A_357 = arith.subi %parallel_loop3A_336, %parallel_loop3A_356 : i32
      %parallel_loop3A_358 = arith.select %parallel_loop3A_355, %parallel_loop3A_357, %parallel_loop3A_336 : i32
      %parallel_loop3A_359 = arith.constant 16 : i32
      %parallel_loop3A_360 = arith.muli %parallel_loop3A_45, %parallel_loop3A_359 : i32
      %parallel_loop3A_361 = arith.constant 8 : i32
      %parallel_loop3A_362 = arith.index_cast %parallel_loop3A_361 : i32 to index
      %parallel_loop3A_363 = arith.index_cast %parallel_loop3A_358 : i32 to index
      %parallel_loop3A_364 = arith.index_cast %parallel_loop3A_360 : i32 to index
      %parallel_loop3A_365 = tpu.vector_load %arg7[%parallel_loop3A_362, %parallel_loop3A_363, %parallel_loop3A_364] {strides = array<i32>} : memref<64x8x128xf32, #tpu.memory_space<vmem>>, vector<16xf32>,
      tpu.vector_store %arg7[%parallel_loop3A_362, %parallel_loop3A_363, %parallel_loop3A_364], %parallel_loop3A_334 {strides = array<i32>} : memref<64x8x128xf32, #tpu.memory_space<vmem>>, vector<16xf32>,
      %parallel_loop3A_366 = arith.constant 4608 : i32
      %parallel_loop3A_367 = vector.broadcast %parallel_loop3A_366 : i32 to vector<16xi32>
      %parallel_loop3A_368 = arith.addi %parallel_loop3A_50, %parallel_loop3A_367 : vector<16xi32>
      %parallel_loop3A_369 = tpu.vector_load_idx %arg5[%parallel_loop3A_368] : memref<32768xf32, #tpu.memory_space<vmem>>[vector<16xi32>], vector<16xf32>,
      %parallel_loop3A_370 = arith.constant 8 : i32
      %parallel_loop3A_371 = arith.divsi %parallel_loop3A_5, %parallel_loop3A_370 : i32
      %parallel_loop3A_372 = arith.constant 0 : i32
      %parallel_loop3A_373 = arith.cmpi sgt, %parallel_loop3A_5, %parallel_loop3A_372 : i32
      %parallel_loop3A_374 = arith.extui %parallel_loop3A_373 : i1 to i32
      %parallel_loop3A_375 = arith.constant 0 : i32
      %parallel_loop3A_376 = arith.cmpi slt, %parallel_loop3A_5, %parallel_loop3A_375 : i32
      %parallel_loop3A_377 = arith.extui %parallel_loop3A_376 : i1 to i32
      %parallel_loop3A_378 = arith.subi %parallel_loop3A_374, %parallel_loop3A_377 : i32
      %parallel_loop3A_379 = arith.constant 0 : i32
      %parallel_loop3A_380 = arith.cmpi sgt, %parallel_loop3A_370, %parallel_loop3A_379 : i32
      %parallel_loop3A_381 = arith.extui %parallel_loop3A_380 : i1 to i32
      %parallel_loop3A_382 = arith.constant 0 : i32
      %parallel_loop3A_383 = arith.cmpi slt, %parallel_loop3A_370, %parallel_loop3A_382 : i32
      %parallel_loop3A_384 = arith.extui %parallel_loop3A_383 : i1 to i32
      %parallel_loop3A_385 = arith.subi %parallel_loop3A_381, %parallel_loop3A_384 : i32
      %parallel_loop3A_386 = arith.cmpi ne, %parallel_loop3A_378, %parallel_loop3A_385 : i32
      %parallel_loop3A_387 = arith.remsi %parallel_loop3A_5, %parallel_loop3A_370 : i32
      %parallel_loop3A_388 = arith.constant 0 : i32
      %parallel_loop3A_389 = arith.cmpi ne, %parallel_loop3A_387, %parallel_loop3A_388 : i32
      %parallel_loop3A_390 = arith.andi %parallel_loop3A_386, %parallel_loop3A_389 : i1
      %parallel_loop3A_391 = arith.constant 1 : i32
      %parallel_loop3A_392 = arith.subi %parallel_loop3A_371, %parallel_loop3A_391 : i32
      %parallel_loop3A_393 = arith.select %parallel_loop3A_390, %parallel_loop3A_392, %parallel_loop3A_371 : i32
      %parallel_loop3A_394 = arith.constant 16 : i32
      %parallel_loop3A_395 = arith.muli %parallel_loop3A_45, %parallel_loop3A_394 : i32
      %parallel_loop3A_396 = arith.constant 9 : i32
      %parallel_loop3A_397 = arith.index_cast %parallel_loop3A_396 : i32 to index
      %parallel_loop3A_398 = arith.index_cast %parallel_loop3A_393 : i32 to index
      %parallel_loop3A_399 = arith.index_cast %parallel_loop3A_395 : i32 to index
      %parallel_loop3A_400 = tpu.vector_load %arg7[%parallel_loop3A_397, %parallel_loop3A_398, %parallel_loop3A_399] {strides = array<i32>} : memref<64x8x128xf32, #tpu.memory_space<vmem>>, vector<16xf32>,
      tpu.vector_store %arg7[%parallel_loop3A_397, %parallel_loop3A_398, %parallel_loop3A_399], %parallel_loop3A_369 {strides = array<i32>} : memref<64x8x128xf32, #tpu.memory_space<vmem>>, vector<16xf32>,
      %parallel_loop3A_401 = arith.constant 5120 : i32
      %parallel_loop3A_402 = vector.broadcast %parallel_loop3A_401 : i32 to vector<16xi32>
      %parallel_loop3A_403 = arith.addi %parallel_loop3A_50, %parallel_loop3A_402 : vector<16xi32>
      %parallel_loop3A_404 = tpu.vector_load_idx %arg5[%parallel_loop3A_403] : memref<32768xf32, #tpu.memory_space<vmem>>[vector<16xi32>], vector<16xf32>,
      %parallel_loop3A_405 = arith.constant 8 : i32
      %parallel_loop3A_406 = arith.divsi %parallel_loop3A_5, %parallel_loop3A_405 : i32
      %parallel_loop3A_407 = arith.constant 0 : i32
      %parallel_loop3A_408 = arith.cmpi sgt, %parallel_loop3A_5, %parallel_loop3A_407 : i32
      %parallel_loop3A_409 = arith.extui %parallel_loop3A_408 : i1 to i32
      %parallel_loop3A_410 = arith.constant 0 : i32
      %parallel_loop3A_411 = arith.cmpi slt, %parallel_loop3A_5, %parallel_loop3A_410 : i32
      %parallel_loop3A_412 = arith.extui %parallel_loop3A_411 : i1 to i32
      %parallel_loop3A_413 = arith.subi %parallel_loop3A_409, %parallel_loop3A_412 : i32
      %parallel_loop3A_414 = arith.constant 0 : i32
      %parallel_loop3A_415 = arith.cmpi sgt, %parallel_loop3A_405, %parallel_loop3A_414 : i32
      %parallel_loop3A_416 = arith.extui %parallel_loop3A_415 : i1 to i32
      %parallel_loop3A_417 = arith.constant 0 : i32
      %parallel_loop3A_418 = arith.cmpi slt, %parallel_loop3A_405, %parallel_loop3A_417 : i32
      %parallel_loop3A_419 = arith.extui %parallel_loop3A_418 : i1 to i32
      %parallel_loop3A_420 = arith.subi %parallel_loop3A_416, %parallel_loop3A_419 : i32
      %parallel_loop3A_421 = arith.cmpi ne, %parallel_loop3A_413, %parallel_loop3A_420 : i32
      %parallel_loop3A_422 = arith.remsi %parallel_loop3A_5, %parallel_loop3A_405 : i32
      %parallel_loop3A_423 = arith.constant 0 : i32
      %parallel_loop3A_424 = arith.cmpi ne, %parallel_loop3A_422, %parallel_loop3A_423 : i32
      %parallel_loop3A_425 = arith.andi %parallel_loop3A_421, %parallel_loop3A_424 : i1
      %parallel_loop3A_426 = arith.constant 1 : i32
      %parallel_loop3A_427 = arith.subi %parallel_loop3A_406, %parallel_loop3A_426 : i32
      %parallel_loop3A_428 = arith.select %parallel_loop3A_425, %parallel_loop3A_427, %parallel_loop3A_406 : i32
      %parallel_loop3A_429 = arith.constant 16 : i32
      %parallel_loop3A_430 = arith.muli %parallel_loop3A_45, %parallel_loop3A_429 : i32
      %parallel_loop3A_431 = arith.constant 10 : i32
      %parallel_loop3A_432 = arith.index_cast %parallel_loop3A_431 : i32 to index
      %parallel_loop3A_433 = arith.index_cast %parallel_loop3A_428 : i32 to index
      %parallel_loop3A_434 = arith.index_cast %parallel_loop3A_430 : i32 to index
      %parallel_loop3A_435 = tpu.vector_load %arg7[%parallel_loop3A_432, %parallel_loop3A_433, %parallel_loop3A_434] {strides = array<i32>} : memref<64x8x128xf32, #tpu.memory_space<vmem>>, vector<16xf32>,
      tpu.vector_store %arg7[%parallel_loop3A_432, %parallel_loop3A_433, %parallel_loop3A_434], %parallel_loop3A_404 {strides = array<i32>} : memref<64x8x128xf32, #tpu.memory_space<vmem>>, vector<16xf32>,
      %parallel_loop3A_436 = arith.constant 5632 : i32
      %parallel_loop3A_437 = vector.broadcast %parallel_loop3A_436 : i32 to vector<16xi32>
      %parallel_loop3A_438 = arith.addi %parallel_loop3A_50, %parallel_loop3A_437 : vector<16xi32>
      %parallel_loop3A_439 = tpu.vector_load_idx %arg5[%parallel_loop3A_438] : memref<32768xf32, #tpu.memory_space<vmem>>[vector<16xi32>], vector<16xf32>,
      %parallel_loop3A_440 = arith.constant 8 : i32
      %parallel_loop3A_441 = arith.divsi %parallel_loop3A_5, %parallel_loop3A_440 : i32
      %parallel_loop3A_442 = arith.constant 0 : i32
      %parallel_loop3A_443 = arith.cmpi sgt, %parallel_loop3A_5, %parallel_loop3A_442 : i32
      %parallel_loop3A_444 = arith.extui %parallel_loop3A_443 : i1 to i32
      %parallel_loop3A_445 = arith.constant 0 : i32
      %parallel_loop3A_446 = arith.cmpi slt, %parallel_loop3A_5, %parallel_loop3A_445 : i32
      %parallel_loop3A_447 = arith.extui %parallel_loop3A_446 : i1 to i32
      %parallel_loop3A_448 = arith.subi %parallel_loop3A_444, %parallel_loop3A_447 : i32
      %parallel_loop3A_449 = arith.constant 0 : i32
      %parallel_loop3A_450 = arith.cmpi sgt, %parallel_loop3A_440, %parallel_loop3A_449 : i32
      %parallel_loop3A_451 = arith.extui %parallel_loop3A_450 : i1 to i32
      %parallel_loop3A_452 = arith.constant 0 : i32
      %parallel_loop3A_453 = arith.cmpi slt, %parallel_loop3A_440, %parallel_loop3A_452 : i32
      %parallel_loop3A_454 = arith.extui %parallel_loop3A_453 : i1 to i32
      %parallel_loop3A_455 = arith.subi %parallel_loop3A_451, %parallel_loop3A_454 : i32
      %parallel_loop3A_456 = arith.cmpi ne, %parallel_loop3A_448, %parallel_loop3A_455 : i32
      %parallel_loop3A_457 = arith.remsi %parallel_loop3A_5, %parallel_loop3A_440 : i32
      %parallel_loop3A_458 = arith.constant 0 : i32
      %parallel_loop3A_459 = arith.cmpi ne, %parallel_loop3A_457, %parallel_loop3A_458 : i32
      %parallel_loop3A_460 = arith.andi %parallel_loop3A_456, %parallel_loop3A_459 : i1
      %parallel_loop3A_461 = arith.constant 1 : i32
      %parallel_loop3A_462 = arith.subi %parallel_loop3A_441, %parallel_loop3A_461 : i32
      %parallel_loop3A_463 = arith.select %parallel_loop3A_460, %parallel_loop3A_462, %parallel_loop3A_441 : i32
      %parallel_loop3A_464 = arith.constant 16 : i32
      %parallel_loop3A_465 = arith.muli %parallel_loop3A_45, %parallel_loop3A_464 : i32
      %parallel_loop3A_466 = arith.constant 11 : i32
      %parallel_loop3A_467 = arith.index_cast %parallel_loop3A_466 : i32 to index
      %parallel_loop3A_468 = arith.index_cast %parallel_loop3A_463 : i32 to index
      %parallel_loop3A_469 = arith.index_cast %parallel_loop3A_465 : i32 to index
      %parallel_loop3A_470 = tpu.vector_load %arg7[%parallel_loop3A_467, %parallel_loop3A_468, %parallel_loop3A_469] {strides = array<i32>} : memref<64x8x128xf32, #tpu.memory_space<vmem>>, vector<16xf32>,
      tpu.vector_store %arg7[%parallel_loop3A_467, %parallel_loop3A_468, %parallel_loop3A_469], %parallel_loop3A_439 {strides = array<i32>} : memref<64x8x128xf32, #tpu.memory_space<vmem>>, vector<16xf32>,
      %parallel_loop3A_471 = arith.constant 6144 : i32
      %parallel_loop3A_472 = vector.broadcast %parallel_loop3A_471 : i32 to vector<16xi32>
      %parallel_loop3A_473 = arith.addi %parallel_loop3A_50, %parallel_loop3A_472 : vector<16xi32>
      %parallel_loop3A_474 = tpu.vector_load_idx %arg5[%parallel_loop3A_473] : memref<32768xf32, #tpu.memory_space<vmem>>[vector<16xi32>], vector<16xf32>,
      %parallel_loop3A_475 = arith.constant 8 : i32
      %parallel_loop3A_476 = arith.divsi %parallel_loop3A_5, %parallel_loop3A_475 : i32
      %parallel_loop3A_477 = arith.constant 0 : i32
      %parallel_loop3A_478 = arith.cmpi sgt, %parallel_loop3A_5, %parallel_loop3A_477 : i32
      %parallel_loop3A_479 = arith.extui %parallel_loop3A_478 : i1 to i32
      %parallel_loop3A_480 = arith.constant 0 : i32
      %parallel_loop3A_481 = arith.cmpi slt, %parallel_loop3A_5, %parallel_loop3A_480 : i32
      %parallel_loop3A_482 = arith.extui %parallel_loop3A_481 : i1 to i32
      %parallel_loop3A_483 = arith.subi %parallel_loop3A_479, %parallel_loop3A_482 : i32
      %parallel_loop3A_484 = arith.constant 0 : i32
      %parallel_loop3A_485 = arith.cmpi sgt, %parallel_loop3A_475, %parallel_loop3A_484 : i32
      %parallel_loop3A_486 = arith.extui %parallel_loop3A_485 : i1 to i32
      %parallel_loop3A_487 = arith.constant 0 : i32
      %parallel_loop3A_488 = arith.cmpi slt, %parallel_loop3A_475, %parallel_loop3A_487 : i32
      %parallel_loop3A_489 = arith.extui %parallel_loop3A_488 : i1 to i32
      %parallel_loop3A_490 = arith.subi %parallel_loop3A_486, %parallel_loop3A_489 : i32
      %parallel_loop3A_491 = arith.cmpi ne, %parallel_loop3A_483, %parallel_loop3A_490 : i32
      %parallel_loop3A_492 = arith.remsi %parallel_loop3A_5, %parallel_loop3A_475 : i32
      %parallel_loop3A_493 = arith.constant 0 : i32
      %parallel_loop3A_494 = arith.cmpi ne, %parallel_loop3A_492, %parallel_loop3A_493 : i32
      %parallel_loop3A_495 = arith.andi %parallel_loop3A_491, %parallel_loop3A_494 : i1
      %parallel_loop3A_496 = arith.constant 1 : i32
      %parallel_loop3A_497 = arith.subi %parallel_loop3A_476, %parallel_loop3A_496 : i32
      %parallel_loop3A_498 = arith.select %parallel_loop3A_495, %parallel_loop3A_497, %parallel_loop3A_476 : i32
      %parallel_loop3A_499 = arith.constant 16 : i32
      %parallel_loop3A_500 = arith.muli %parallel_loop3A_45, %parallel_loop3A_499 : i32
      %parallel_loop3A_501 = arith.constant 12 : i32
      %parallel_loop3A_502 = arith.index_cast %parallel_loop3A_501 : i32 to index
      %parallel_loop3A_503 = arith.index_cast %parallel_loop3A_498 : i32 to index
      %parallel_loop3A_504 = arith.index_cast %parallel_loop3A_500 : i32 to index
      %parallel_loop3A_505 = tpu.vector_load %arg7[%parallel_loop3A_502, %parallel_loop3A_503, %parallel_loop3A_504] {strides = array<i32>} : memref<64x8x128xf32, #tpu.memory_space<vmem>>, vector<16xf32>,
      tpu.vector_store %arg7[%parallel_loop3A_502, %parallel_loop3A_503, %parallel_loop3A_504], %parallel_loop3A_474 {strides = array<i32>} : memref<64x8x128xf32, #tpu.memory_space<vmem>>, vector<16xf32>,
      %parallel_loop3A_506 = arith.constant 6656 : i32
      %parallel_loop3A_507 = vector.broadcast %parallel_loop3A_506 : i32 to vector<16xi32>
      %parallel_loop3A_508 = arith.addi %parallel_loop3A_50, %parallel_loop3A_507 : vector<16xi32>
      %parallel_loop3A_509 = tpu.vector_load_idx %arg5[%parallel_loop3A_508] : memref<32768xf32, #tpu.memory_space<vmem>>[vector<16xi32>], vector<16xf32>,
      %parallel_loop3A_510 = arith.constant 8 : i32
      %parallel_loop3A_511 = arith.divsi %parallel_loop3A_5, %parallel_loop3A_510 : i32
      %parallel_loop3A_512 = arith.constant 0 : i32
      %parallel_loop3A_513 = arith.cmpi sgt, %parallel_loop3A_5, %parallel_loop3A_512 : i32
      %parallel_loop3A_514 = arith.extui %parallel_loop3A_513 : i1 to i32
      %parallel_loop3A_515 = arith.constant 0 : i32
      %parallel_loop3A_516 = arith.cmpi slt, %parallel_loop3A_5, %parallel_loop3A_515 : i32
      %parallel_loop3A_517 = arith.extui %parallel_loop3A_516 : i1 to i32
      %parallel_loop3A_518 = arith.subi %parallel_loop3A_514, %parallel_loop3A_517 : i32
      %parallel_loop3A_519 = arith.constant 0 : i32
      %parallel_loop3A_520 = arith.cmpi sgt, %parallel_loop3A_510, %parallel_loop3A_519 : i32
      %parallel_loop3A_521 = arith.extui %parallel_loop3A_520 : i1 to i32
      %parallel_loop3A_522 = arith.constant 0 : i32
      %parallel_loop3A_523 = arith.cmpi slt, %parallel_loop3A_510, %parallel_loop3A_522 : i32
      %parallel_loop3A_524 = arith.extui %parallel_loop3A_523 : i1 to i32
      %parallel_loop3A_525 = arith.subi %parallel_loop3A_521, %parallel_loop3A_524 : i32
      %parallel_loop3A_526 = arith.cmpi ne, %parallel_loop3A_518, %parallel_loop3A_525 : i32
      %parallel_loop3A_527 = arith.remsi %parallel_loop3A_5, %parallel_loop3A_510 : i32
      %parallel_loop3A_528 = arith.constant 0 : i32
      %parallel_loop3A_529 = arith.cmpi ne, %parallel_loop3A_527, %parallel_loop3A_528 : i32
      %parallel_loop3A_530 = arith.andi %parallel_loop3A_526, %parallel_loop3A_529 : i1
      %parallel_loop3A_531 = arith.constant 1 : i32
      %parallel_loop3A_532 = arith.subi %parallel_loop3A_511, %parallel_loop3A_531 : i32
      %parallel_loop3A_533 = arith.select %parallel_loop3A_530, %parallel_loop3A_532, %parallel_loop3A_511 : i32
      %parallel_loop3A_534 = arith.constant 16 : i32
      %parallel_loop3A_535 = arith.muli %parallel_loop3A_45, %parallel_loop3A_534 : i32
      %parallel_loop3A_536 = arith.constant 13 : i32
      %parallel_loop3A_537 = arith.index_cast %parallel_loop3A_536 : i32 to index
      %parallel_loop3A_538 = arith.index_cast %parallel_loop3A_533 : i32 to index
      %parallel_loop3A_539 = arith.index_cast %parallel_loop3A_535 : i32 to index
      %parallel_loop3A_540 = tpu.vector_load %arg7[%parallel_loop3A_537, %parallel_loop3A_538, %parallel_loop3A_539] {strides = array<i32>} : memref<64x8x128xf32, #tpu.memory_space<vmem>>, vector<16xf32>,
      tpu.vector_store %arg7[%parallel_loop3A_537, %parallel_loop3A_538, %parallel_loop3A_539], %parallel_loop3A_509 {strides = array<i32>} : memref<64x8x128xf32, #tpu.memory_space<vmem>>, vector<16xf32>,
      %parallel_loop3A_541 = arith.constant 7168 : i32
      %parallel_loop3A_542 = vector.broadcast %parallel_loop3A_541 : i32 to vector<16xi32>
      %parallel_loop3A_543 = arith.addi %parallel_loop3A_50, %parallel_loop3A_542 : vector<16xi32>
      %parallel_loop3A_544 = tpu.vector_load_idx %arg5[%parallel_loop3A_543] : memref<32768xf32, #tpu.memory_space<vmem>>[vector<16xi32>], vector<16xf32>,
      %parallel_loop3A_545 = arith.constant 8 : i32
      %parallel_loop3A_546 = arith.divsi %parallel_loop3A_5, %parallel_loop3A_545 : i32
      %parallel_loop3A_547 = arith.constant 0 : i32
      %parallel_loop3A_548 = arith.cmpi sgt, %parallel_loop3A_5, %parallel_loop3A_547 : i32
      %parallel_loop3A_549 = arith.extui %parallel_loop3A_548 : i1 to i32
      %parallel_loop3A_550 = arith.constant 0 : i32
      %parallel_loop3A_551 = arith.cmpi slt, %parallel_loop3A_5, %parallel_loop3A_550 : i32
      %parallel_loop3A_552 = arith.extui %parallel_loop3A_551 : i1 to i32
      %parallel_loop3A_553 = arith.subi %parallel_loop3A_549, %parallel_loop3A_552 : i32
      %parallel_loop3A_554 = arith.constant 0 : i32
      %parallel_loop3A_555 = arith.cmpi sgt, %parallel_loop3A_545, %parallel_loop3A_554 : i32
      %parallel_loop3A_556 = arith.extui %parallel_loop3A_555 : i1 to i32
      %parallel_loop3A_557 = arith.constant 0 : i32
      %parallel_loop3A_558 = arith.cmpi slt, %parallel_loop3A_545, %parallel_loop3A_557 : i32
      %parallel_loop3A_559 = arith.extui %parallel_loop3A_558 : i1 to i32
      %parallel_loop3A_560 = arith.subi %parallel_loop3A_556, %parallel_loop3A_559 : i32
      %parallel_loop3A_561 = arith.cmpi ne, %parallel_loop3A_553, %parallel_loop3A_560 : i32
      %parallel_loop3A_562 = arith.remsi %parallel_loop3A_5, %parallel_loop3A_545 : i32
      %parallel_loop3A_563 = arith.constant 0 : i32
      %parallel_loop3A_564 = arith.cmpi ne, %parallel_loop3A_562, %parallel_loop3A_563 : i32
      %parallel_loop3A_565 = arith.andi %parallel_loop3A_561, %parallel_loop3A_564 : i1
      %parallel_loop3A_566 = arith.constant 1 : i32
      %parallel_loop3A_567 = arith.subi %parallel_loop3A_546, %parallel_loop3A_566 : i32
      %parallel_loop3A_568 = arith.select %parallel_loop3A_565, %parallel_loop3A_567, %parallel_loop3A_546 : i32
      %parallel_loop3A_569 = arith.constant 16 : i32
      %parallel_loop3A_570 = arith.muli %parallel_loop3A_45, %parallel_loop3A_569 : i32
      %parallel_loop3A_571 = arith.constant 14 : i32
      %parallel_loop3A_572 = arith.index_cast %parallel_loop3A_571 : i32 to index
      %parallel_loop3A_573 = arith.index_cast %parallel_loop3A_568 : i32 to index
      %parallel_loop3A_574 = arith.index_cast %parallel_loop3A_570 : i32 to index
      %parallel_loop3A_575 = tpu.vector_load %arg7[%parallel_loop3A_572, %parallel_loop3A_573, %parallel_loop3A_574] {strides = array<i32>} : memref<64x8x128xf32, #tpu.memory_space<vmem>>, vector<16xf32>,
      tpu.vector_store %arg7[%parallel_loop3A_572, %parallel_loop3A_573, %parallel_loop3A_574], %parallel_loop3A_544 {strides = array<i32>} : memref<64x8x128xf32, #tpu.memory_space<vmem>>, vector<16xf32>,
      %parallel_loop3A_576 = arith.constant 7680 : i32
      %parallel_loop3A_577 = vector.broadcast %parallel_loop3A_576 : i32 to vector<16xi32>
      %parallel_loop3A_578 = arith.addi %parallel_loop3A_50, %parallel_loop3A_577 : vector<16xi32>
      %parallel_loop3A_579 = tpu.vector_load_idx %arg5[%parallel_loop3A_578] : memref<32768xf32, #tpu.memory_space<vmem>>[vector<16xi32>], vector<16xf32>,
      %parallel_loop3A_580 = arith.constant 8 : i32
      %parallel_loop3A_581 = arith.divsi %parallel_loop3A_5, %parallel_loop3A_580 : i32
      %parallel_loop3A_582 = arith.constant 0 : i32
      %parallel_loop3A_583 = arith.cmpi sgt, %parallel_loop3A_5, %parallel_loop3A_582 : i32
      %parallel_loop3A_584 = arith.extui %parallel_loop3A_583 : i1 to i32
      %parallel_loop3A_585 = arith.constant 0 : i32
      %parallel_loop3A_586 = arith.cmpi slt, %parallel_loop3A_5, %parallel_loop3A_585 : i32
      %parallel_loop3A_587 = arith.extui %parallel_loop3A_586 : i1 to i32
      %parallel_loop3A_588 = arith.subi %parallel_loop3A_584, %parallel_loop3A_587 : i32
      %parallel_loop3A_589 = arith.constant 0 : i32
      %parallel_loop3A_590 = arith.cmpi sgt, %parallel_loop3A_580, %parallel_loop3A_589 : i32
      %parallel_loop3A_591 = arith.extui %parallel_loop3A_590 : i1 to i32
      %parallel_loop3A_592 = arith.constant 0 : i32
      %parallel_loop3A_593 = arith.cmpi slt, %parallel_loop3A_580, %parallel_loop3A_592 : i32
      %parallel_loop3A_594 = arith.extui %parallel_loop3A_593 : i1 to i32
      %parallel_loop3A_595 = arith.subi %parallel_loop3A_591, %parallel_loop3A_594 : i32
      %parallel_loop3A_596 = arith.cmpi ne, %parallel_loop3A_588, %parallel_loop3A_595 : i32
      %parallel_loop3A_597 = arith.remsi %parallel_loop3A_5, %parallel_loop3A_580 : i32
      %parallel_loop3A_598 = arith.constant 0 : i32
      %parallel_loop3A_599 = arith.cmpi ne, %parallel_loop3A_597, %parallel_loop3A_598 : i32
      %parallel_loop3A_600 = arith.andi %parallel_loop3A_596, %parallel_loop3A_599 : i1
      %parallel_loop3A_601 = arith.constant 1 : i32
      %parallel_loop3A_602 = arith.subi %parallel_loop3A_581, %parallel_loop3A_601 : i32
      %parallel_loop3A_603 = arith.select %parallel_loop3A_600, %parallel_loop3A_602, %parallel_loop3A_581 : i32
      %parallel_loop3A_604 = arith.constant 16 : i32
      %parallel_loop3A_605 = arith.muli %parallel_loop3A_45, %parallel_loop3A_604 : i32
      %parallel_loop3A_606 = arith.constant 15 : i32
      %parallel_loop3A_607 = arith.index_cast %parallel_loop3A_606 : i32 to index
      %parallel_loop3A_608 = arith.index_cast %parallel_loop3A_603 : i32 to index
      %parallel_loop3A_609 = arith.index_cast %parallel_loop3A_605 : i32 to index
      %parallel_loop3A_610 = tpu.vector_load %arg7[%parallel_loop3A_607, %parallel_loop3A_608, %parallel_loop3A_609] {strides = array<i32>} : memref<64x8x128xf32, #tpu.memory_space<vmem>>, vector<16xf32>,
      tpu.vector_store %arg7[%parallel_loop3A_607, %parallel_loop3A_608, %parallel_loop3A_609], %parallel_loop3A_579 {strides = array<i32>} : memref<64x8x128xf32, #tpu.memory_space<vmem>>, vector<16xf32>,
      %parallel_loop3A_611 = arith.constant 8192 : i32
      %parallel_loop3A_612 = vector.broadcast %parallel_loop3A_611 : i32 to vector<16xi32>
      %parallel_loop3A_613 = arith.addi %parallel_loop3A_50, %parallel_loop3A_612 : vector<16xi32>
      %parallel_loop3A_614 = tpu.vector_load_idx %arg5[%parallel_loop3A_613] : memref<32768xf32, #tpu.memory_space<vmem>>[vector<16xi32>], vector<16xf32>,
      %parallel_loop3A_615 = arith.constant 8 : i32
      %parallel_loop3A_616 = arith.divsi %parallel_loop3A_5, %parallel_loop3A_615 : i32
      %parallel_loop3A_617 = arith.constant 0 : i32
      %parallel_loop3A_618 = arith.cmpi sgt, %parallel_loop3A_5, %parallel_loop3A_617 : i32
      %parallel_loop3A_619 = arith.extui %parallel_loop3A_618 : i1 to i32
      %parallel_loop3A_620 = arith.constant 0 : i32
      %parallel_loop3A_621 = arith.cmpi slt, %parallel_loop3A_5, %parallel_loop3A_620 : i32
      %parallel_loop3A_622 = arith.extui %parallel_loop3A_621 : i1 to i32
      %parallel_loop3A_623 = arith.subi %parallel_loop3A_619, %parallel_loop3A_622 : i32
      %parallel_loop3A_624 = arith.constant 0 : i32
      %parallel_loop3A_625 = arith.cmpi sgt, %parallel_loop3A_615, %parallel_loop3A_624 : i32
      %parallel_loop3A_626 = arith.extui %parallel_loop3A_625 : i1 to i32
      %parallel_loop3A_627 = arith.constant 0 : i32
      %parallel_loop3A_628 = arith.cmpi slt, %parallel_loop3A_615, %parallel_loop3A_627 : i32
      %parallel_loop3A_629 = arith.extui %parallel_loop3A_628 : i1 to i32
      %parallel_loop3A_630 = arith.subi %parallel_loop3A_626, %parallel_loop3A_629 : i32
      %parallel_loop3A_631 = arith.cmpi ne, %parallel_loop3A_623, %parallel_loop3A_630 : i32
      %parallel_loop3A_632 = arith.remsi %parallel_loop3A_5, %parallel_loop3A_615 : i32
      %parallel_loop3A_633 = arith.constant 0 : i32
      %parallel_loop3A_634 = arith.cmpi ne, %parallel_loop3A_632, %parallel_loop3A_633 : i32
      %parallel_loop3A_635 = arith.andi %parallel_loop3A_631, %parallel_loop3A_634 : i1
      %parallel_loop3A_636 = arith.constant 1 : i32
      %parallel_loop3A_637 = arith.subi %parallel_loop3A_616, %parallel_loop3A_636 : i32
      %parallel_loop3A_638 = arith.select %parallel_loop3A_635, %parallel_loop3A_637, %parallel_loop3A_616 : i32
      %parallel_loop3A_639 = arith.constant 16 : i32
      %parallel_loop3A_640 = arith.muli %parallel_loop3A_45, %parallel_loop3A_639 : i32
      %parallel_loop3A_641 = arith.constant 16 : i32
      %parallel_loop3A_642 = arith.index_cast %parallel_loop3A_641 : i32 to index
      %parallel_loop3A_643 = arith.index_cast %parallel_loop3A_638 : i32 to index
      %parallel_loop3A_644 = arith.index_cast %parallel_loop3A_640 : i32 to index
      %parallel_loop3A_645 = tpu.vector_load %arg7[%parallel_loop3A_642, %parallel_loop3A_643, %parallel_loop3A_644] {strides = array<i32>} : memref<64x8x128xf32, #tpu.memory_space<vmem>>, vector<16xf32>,
      tpu.vector_store %arg7[%parallel_loop3A_642, %parallel_loop3A_643, %parallel_loop3A_644], %parallel_loop3A_614 {strides = array<i32>} : memref<64x8x128xf32, #tpu.memory_space<vmem>>, vector<16xf32>,
      %parallel_loop3A_646 = arith.constant 8704 : i32
      %parallel_loop3A_647 = vector.broadcast %parallel_loop3A_646 : i32 to vector<16xi32>
      %parallel_loop3A_648 = arith.addi %parallel_loop3A_50, %parallel_loop3A_647 : vector<16xi32>
      %parallel_loop3A_649 = tpu.vector_load_idx %arg5[%parallel_loop3A_648] : memref<32768xf32, #tpu.memory_space<vmem>>[vector<16xi32>], vector<16xf32>,
      %parallel_loop3A_650 = arith.constant 8 : i32
      %parallel_loop3A_651 = arith.divsi %parallel_loop3A_5, %parallel_loop3A_650 : i32
      %parallel_loop3A_652 = arith.constant 0 : i32
      %parallel_loop3A_653 = arith.cmpi sgt, %parallel_loop3A_5, %parallel_loop3A_652 : i32
      %parallel_loop3A_654 = arith.extui %parallel_loop3A_653 : i1 to i32
      %parallel_loop3A_655 = arith.constant 0 : i32
      %parallel_loop3A_656 = arith.cmpi slt, %parallel_loop3A_5, %parallel_loop3A_655 : i32
      %parallel_loop3A_657 = arith.extui %parallel_loop3A_656 : i1 to i32
      %parallel_loop3A_658 = arith.subi %parallel_loop3A_654, %parallel_loop3A_657 : i32
      %parallel_loop3A_659 = arith.constant 0 : i32
      %parallel_loop3A_660 = arith.cmpi sgt, %parallel_loop3A_650, %parallel_loop3A_659 : i32
      %parallel_loop3A_661 = arith.extui %parallel_loop3A_660 : i1 to i32
      %parallel_loop3A_662 = arith.constant 0 : i32
      %parallel_loop3A_663 = arith.cmpi slt, %parallel_loop3A_650, %parallel_loop3A_662 : i32
      %parallel_loop3A_664 = arith.extui %parallel_loop3A_663 : i1 to i32
      %parallel_loop3A_665 = arith.subi %parallel_loop3A_661, %parallel_loop3A_664 : i32
      %parallel_loop3A_666 = arith.cmpi ne, %parallel_loop3A_658, %parallel_loop3A_665 : i32
      %parallel_loop3A_667 = arith.remsi %parallel_loop3A_5, %parallel_loop3A_650 : i32
      %parallel_loop3A_668 = arith.constant 0 : i32
      %parallel_loop3A_669 = arith.cmpi ne, %parallel_loop3A_667, %parallel_loop3A_668 : i32
      %parallel_loop3A_670 = arith.andi %parallel_loop3A_666, %parallel_loop3A_669 : i1
      %parallel_loop3A_671 = arith.constant 1 : i32
      %parallel_loop3A_672 = arith.subi %parallel_loop3A_651, %parallel_loop3A_671 : i32
      %parallel_loop3A_673 = arith.select %parallel_loop3A_670, %parallel_loop3A_672, %parallel_loop3A_651 : i32
      %parallel_loop3A_674 = arith.constant 16 : i32
      %parallel_loop3A_675 = arith.muli %parallel_loop3A_45, %parallel_loop3A_674 : i32
      %parallel_loop3A_676 = arith.constant 17 : i32
      %parallel_loop3A_677 = arith.index_cast %parallel_loop3A_676 : i32 to index
      %parallel_loop3A_678 = arith.index_cast %parallel_loop3A_673 : i32 to index
      %parallel_loop3A_679 = arith.index_cast %parallel_loop3A_675 : i32 to index
      %parallel_loop3A_680 = tpu.vector_load %arg7[%parallel_loop3A_677, %parallel_loop3A_678, %parallel_loop3A_679] {strides = array<i32>} : memref<64x8x128xf32, #tpu.memory_space<vmem>>, vector<16xf32>,
      tpu.vector_store %arg7[%parallel_loop3A_677, %parallel_loop3A_678, %parallel_loop3A_679], %parallel_loop3A_649 {strides = array<i32>} : memref<64x8x128xf32, #tpu.memory_space<vmem>>, vector<16xf32>,
      %parallel_loop3A_681 = arith.constant 9216 : i32
      %parallel_loop3A_682 = vector.broadcast %parallel_loop3A_681 : i32 to vector<16xi32>
      %parallel_loop3A_683 = arith.addi %parallel_loop3A_50, %parallel_loop3A_682 : vector<16xi32>
      %parallel_loop3A_684 = tpu.vector_load_idx %arg5[%parallel_loop3A_683] : memref<32768xf32, #tpu.memory_space<vmem>>[vector<16xi32>], vector<16xf32>,
      %parallel_loop3A_685 = arith.constant 8 : i32
      %parallel_loop3A_686 = arith.divsi %parallel_loop3A_5, %parallel_loop3A_685 : i32
      %parallel_loop3A_687 = arith.constant 0 : i32
      %parallel_loop3A_688 = arith.cmpi sgt, %parallel_loop3A_5, %parallel_loop3A_687 : i32
      %parallel_loop3A_689 = arith.extui %parallel_loop3A_688 : i1 to i32
      %parallel_loop3A_690 = arith.constant 0 : i32
      %parallel_loop3A_691 = arith.cmpi slt, %parallel_loop3A_5, %parallel_loop3A_690 : i32
      %parallel_loop3A_692 = arith.extui %parallel_loop3A_691 : i1 to i32
      %parallel_loop3A_693 = arith.subi %parallel_loop3A_689, %parallel_loop3A_692 : i32
      %parallel_loop3A_694 = arith.constant 0 : i32
      %parallel_loop3A_695 = arith.cmpi sgt, %parallel_loop3A_685, %parallel_loop3A_694 : i32
      %parallel_loop3A_696 = arith.extui %parallel_loop3A_695 : i1 to i32
      %parallel_loop3A_697 = arith.constant 0 : i32
      %parallel_loop3A_698 = arith.cmpi slt, %parallel_loop3A_685, %parallel_loop3A_697 : i32
      %parallel_loop3A_699 = arith.extui %parallel_loop3A_698 : i1 to i32
      %parallel_loop3A_700 = arith.subi %parallel_loop3A_696, %parallel_loop3A_699 : i32
      %parallel_loop3A_701 = arith.cmpi ne, %parallel_loop3A_693, %parallel_loop3A_700 : i32
      %parallel_loop3A_702 = arith.remsi %parallel_loop3A_5, %parallel_loop3A_685 : i32
      %parallel_loop3A_703 = arith.constant 0 : i32
      %parallel_loop3A_704 = arith.cmpi ne, %parallel_loop3A_702, %parallel_loop3A_703 : i32
      %parallel_loop3A_705 = arith.andi %parallel_loop3A_701, %parallel_loop3A_704 : i1
      %parallel_loop3A_706 = arith.constant 1 : i32
      %parallel_loop3A_707 = arith.subi %parallel_loop3A_686, %parallel_loop3A_706 : i32
      %parallel_loop3A_708 = arith.select %parallel_loop3A_705, %parallel_loop3A_707, %parallel_loop3A_686 : i32
      %parallel_loop3A_709 = arith.constant 16 : i32
      %parallel_loop3A_710 = arith.muli %parallel_loop3A_45, %parallel_loop3A_709 : i32
      %parallel_loop3A_711 = arith.constant 18 : i32
      %parallel_loop3A_712 = arith.index_cast %parallel_loop3A_711 : i32 to index
      %parallel_loop3A_713 = arith.index_cast %parallel_loop3A_708 : i32 to index
      %parallel_loop3A_714 = arith.index_cast %parallel_loop3A_710 : i32 to index
      %parallel_loop3A_715 = tpu.vector_load %arg7[%parallel_loop3A_712, %parallel_loop3A_713, %parallel_loop3A_714] {strides = array<i32>} : memref<64x8x128xf32, #tpu.memory_space<vmem>>, vector<16xf32>,
      tpu.vector_store %arg7[%parallel_loop3A_712, %parallel_loop3A_713, %parallel_loop3A_714], %parallel_loop3A_684 {strides = array<i32>} : memref<64x8x128xf32, #tpu.memory_space<vmem>>, vector<16xf32>,
      %parallel_loop3A_716 = arith.constant 9728 : i32
      %parallel_loop3A_717 = vector.broadcast %parallel_loop3A_716 : i32 to vector<16xi32>
      %parallel_loop3A_718 = arith.addi %parallel_loop3A_50, %parallel_loop3A_717 : vector<16xi32>
      %parallel_loop3A_719 = tpu.vector_load_idx %arg5[%parallel_loop3A_718] : memref<32768xf32, #tpu.memory_space<vmem>>[vector<16xi32>], vector<16xf32>,
      %parallel_loop3A_720 = arith.constant 8 : i32
      %parallel_loop3A_721 = arith.divsi %parallel_loop3A_5, %parallel_loop3A_720 : i32
      %parallel_loop3A_722 = arith.constant 0 : i32
      %parallel_loop3A_723 = arith.cmpi sgt, %parallel_loop3A_5, %parallel_loop3A_722 : i32
      %parallel_loop3A_724 = arith.extui %parallel_loop3A_723 : i1 to i32
      %parallel_loop3A_725 = arith.constant 0 : i32
      %parallel_loop3A_726 = arith.cmpi slt, %parallel_loop3A_5, %parallel_loop3A_725 : i32
      %parallel_loop3A_727 = arith.extui %parallel_loop3A_726 : i1 to i32
      %parallel_loop3A_728 = arith.subi %parallel_loop3A_724, %parallel_loop3A_727 : i32
      %parallel_loop3A_729 = arith.constant 0 : i32
      %parallel_loop3A_730 = arith.cmpi sgt, %parallel_loop3A_720, %parallel_loop3A_729 : i32
      %parallel_loop3A_731 = arith.extui %parallel_loop3A_730 : i1 to i32
      %parallel_loop3A_732 = arith.constant 0 : i32
      %parallel_loop3A_733 = arith.cmpi slt, %parallel_loop3A_720, %parallel_loop3A_732 : i32
      %parallel_loop3A_734 = arith.extui %parallel_loop3A_733 : i1 to i32
      %parallel_loop3A_735 = arith.subi %parallel_loop3A_731, %parallel_loop3A_734 : i32
      %parallel_loop3A_736 = arith.cmpi ne, %parallel_loop3A_728, %parallel_loop3A_735 : i32
      %parallel_loop3A_737 = arith.remsi %parallel_loop3A_5, %parallel_loop3A_720 : i32
      %parallel_loop3A_738 = arith.constant 0 : i32
      %parallel_loop3A_739 = arith.cmpi ne, %parallel_loop3A_737, %parallel_loop3A_738 : i32
      %parallel_loop3A_740 = arith.andi %parallel_loop3A_736, %parallel_loop3A_739 : i1
      %parallel_loop3A_741 = arith.constant 1 : i32
      %parallel_loop3A_742 = arith.subi %parallel_loop3A_721, %parallel_loop3A_741 : i32
      %parallel_loop3A_743 = arith.select %parallel_loop3A_740, %parallel_loop3A_742, %parallel_loop3A_721 : i32
      %parallel_loop3A_744 = arith.constant 16 : i32
      %parallel_loop3A_745 = arith.muli %parallel_loop3A_45, %parallel_loop3A_744 : i32
      %parallel_loop3A_746 = arith.constant 19 : i32
      %parallel_loop3A_747 = arith.index_cast %parallel_loop3A_746 : i32 to index
      %parallel_loop3A_748 = arith.index_cast %parallel_loop3A_743 : i32 to index
      %parallel_loop3A_749 = arith.index_cast %parallel_loop3A_745 : i32 to index
      %parallel_loop3A_750 = tpu.vector_load %arg7[%parallel_loop3A_747, %parallel_loop3A_748, %parallel_loop3A_749] {strides = array<i32>} : memref<64x8x128xf32, #tpu.memory_space<vmem>>, vector<16xf32>,
      tpu.vector_store %arg7[%parallel_loop3A_747, %parallel_loop3A_748, %parallel_loop3A_749], %parallel_loop3A_719 {strides = array<i32>} : memref<64x8x128xf32, #tpu.memory_space<vmem>>, vector<16xf32>,
      %parallel_loop3A_751 = arith.constant 10240 : i32
      %parallel_loop3A_752 = vector.broadcast %parallel_loop3A_751 : i32 to vector<16xi32>
      %parallel_loop3A_753 = arith.addi %parallel_loop3A_50, %parallel_loop3A_752 : vector<16xi32>
      %parallel_loop3A_754 = tpu.vector_load_idx %arg5[%parallel_loop3A_753] : memref<32768xf32, #tpu.memory_space<vmem>>[vector<16xi32>], vector<16xf32>,
      %parallel_loop3A_755 = arith.constant 8 : i32
      %parallel_loop3A_756 = arith.divsi %parallel_loop3A_5, %parallel_loop3A_755 : i32
      %parallel_loop3A_757 = arith.constant 0 : i32
      %parallel_loop3A_758 = arith.cmpi sgt, %parallel_loop3A_5, %parallel_loop3A_757 : i32
      %parallel_loop3A_759 = arith.extui %parallel_loop3A_758 : i1 to i32
      %parallel_loop3A_760 = arith.constant 0 : i32
      %parallel_loop3A_761 = arith.cmpi slt, %parallel_loop3A_5, %parallel_loop3A_760 : i32
      %parallel_loop3A_762 = arith.extui %parallel_loop3A_761 : i1 to i32
      %parallel_loop3A_763 = arith.subi %parallel_loop3A_759, %parallel_loop3A_762 : i32
      %parallel_loop3A_764 = arith.constant 0 : i32
      %parallel_loop3A_765 = arith.cmpi sgt, %parallel_loop3A_755, %parallel_loop3A_764 : i32
      %parallel_loop3A_766 = arith.extui %parallel_loop3A_765 : i1 to i32
      %parallel_loop3A_767 = arith.constant 0 : i32
      %parallel_loop3A_768 = arith.cmpi slt, %parallel_loop3A_755, %parallel_loop3A_767 : i32
      %parallel_loop3A_769 = arith.extui %parallel_loop3A_768 : i1 to i32
      %parallel_loop3A_770 = arith.subi %parallel_loop3A_766, %parallel_loop3A_769 : i32
      %parallel_loop3A_771 = arith.cmpi ne, %parallel_loop3A_763, %parallel_loop3A_770 : i32
      %parallel_loop3A_772 = arith.remsi %parallel_loop3A_5, %parallel_loop3A_755 : i32
      %parallel_loop3A_773 = arith.constant 0 : i32
      %parallel_loop3A_774 = arith.cmpi ne, %parallel_loop3A_772, %parallel_loop3A_773 : i32
      %parallel_loop3A_775 = arith.andi %parallel_loop3A_771, %parallel_loop3A_774 : i1
      %parallel_loop3A_776 = arith.constant 1 : i32
      %parallel_loop3A_777 = arith.subi %parallel_loop3A_756, %parallel_loop3A_776 : i32
      %parallel_loop3A_778 = arith.select %parallel_loop3A_775, %parallel_loop3A_777, %parallel_loop3A_756 : i32
      %parallel_loop3A_779 = arith.constant 16 : i32
      %parallel_loop3A_780 = arith.muli %parallel_loop3A_45, %parallel_loop3A_779 : i32
      %parallel_loop3A_781 = arith.constant 20 : i32
      %parallel_loop3A_782 = arith.index_cast %parallel_loop3A_781 : i32 to index
      %parallel_loop3A_783 = arith.index_cast %parallel_loop3A_778 : i32 to index
      %parallel_loop3A_784 = arith.index_cast %parallel_loop3A_780 : i32 to index
      %parallel_loop3A_785 = tpu.vector_load %arg7[%parallel_loop3A_782, %parallel_loop3A_783, %parallel_loop3A_784] {strides = array<i32>} : memref<64x8x128xf32, #tpu.memory_space<vmem>>, vector<16xf32>,
      tpu.vector_store %arg7[%parallel_loop3A_782, %parallel_loop3A_783, %parallel_loop3A_784], %parallel_loop3A_754 {strides = array<i32>} : memref<64x8x128xf32, #tpu.memory_space<vmem>>, vector<16xf32>,
      %parallel_loop3A_786 = arith.constant 10752 : i32
      %parallel_loop3A_787 = vector.broadcast %parallel_loop3A_786 : i32 to vector<16xi32>
      %parallel_loop3A_788 = arith.addi %parallel_loop3A_50, %parallel_loop3A_787 : vector<16xi32>
      %parallel_loop3A_789 = tpu.vector_load_idx %arg5[%parallel_loop3A_788] : memref<32768xf32, #tpu.memory_space<vmem>>[vector<16xi32>], vector<16xf32>,
      %parallel_loop3A_790 = arith.constant 8 : i32
      %parallel_loop3A_791 = arith.divsi %parallel_loop3A_5, %parallel_loop3A_790 : i32
      %parallel_loop3A_792 = arith.constant 0 : i32
      %parallel_loop3A_793 = arith.cmpi sgt, %parallel_loop3A_5, %parallel_loop3A_792 : i32
      %parallel_loop3A_794 = arith.extui %parallel_loop3A_793 : i1 to i32
      %parallel_loop3A_795 = arith.constant 0 : i32
      %parallel_loop3A_796 = arith.cmpi slt, %parallel_loop3A_5, %parallel_loop3A_795 : i32
      %parallel_loop3A_797 = arith.extui %parallel_loop3A_796 : i1 to i32
      %parallel_loop3A_798 = arith.subi %parallel_loop3A_794, %parallel_loop3A_797 : i32
      %parallel_loop3A_799 = arith.constant 0 : i32
      %parallel_loop3A_800 = arith.cmpi sgt, %parallel_loop3A_790, %parallel_loop3A_799 : i32
      %parallel_loop3A_801 = arith.extui %parallel_loop3A_800 : i1 to i32
      %parallel_loop3A_802 = arith.constant 0 : i32
      %parallel_loop3A_803 = arith.cmpi slt, %parallel_loop3A_790, %parallel_loop3A_802 : i32
      %parallel_loop3A_804 = arith.extui %parallel_loop3A_803 : i1 to i32
      %parallel_loop3A_805 = arith.subi %parallel_loop3A_801, %parallel_loop3A_804 : i32
      %parallel_loop3A_806 = arith.cmpi ne, %parallel_loop3A_798, %parallel_loop3A_805 : i32
      %parallel_loop3A_807 = arith.remsi %parallel_loop3A_5, %parallel_loop3A_790 : i32
      %parallel_loop3A_808 = arith.constant 0 : i32
      %parallel_loop3A_809 = arith.cmpi ne, %parallel_loop3A_807, %parallel_loop3A_808 : i32
      %parallel_loop3A_810 = arith.andi %parallel_loop3A_806, %parallel_loop3A_809 : i1
      %parallel_loop3A_811 = arith.constant 1 : i32
      %parallel_loop3A_812 = arith.subi %parallel_loop3A_791, %parallel_loop3A_811 : i32
      %parallel_loop3A_813 = arith.select %parallel_loop3A_810, %parallel_loop3A_812, %parallel_loop3A_791 : i32
      %parallel_loop3A_814 = arith.constant 16 : i32
      %parallel_loop3A_815 = arith.muli %parallel_loop3A_45, %parallel_loop3A_814 : i32
      %parallel_loop3A_816 = arith.constant 21 : i32
      %parallel_loop3A_817 = arith.index_cast %parallel_loop3A_816 : i32 to index
      %parallel_loop3A_818 = arith.index_cast %parallel_loop3A_813 : i32 to index
      %parallel_loop3A_819 = arith.index_cast %parallel_loop3A_815 : i32 to index
      %parallel_loop3A_820 = tpu.vector_load %arg7[%parallel_loop3A_817, %parallel_loop3A_818, %parallel_loop3A_819] {strides = array<i32>} : memref<64x8x128xf32, #tpu.memory_space<vmem>>, vector<16xf32>,
      tpu.vector_store %arg7[%parallel_loop3A_817, %parallel_loop3A_818, %parallel_loop3A_819], %parallel_loop3A_789 {strides = array<i32>} : memref<64x8x128xf32, #tpu.memory_space<vmem>>, vector<16xf32>,
      %parallel_loop3A_821 = arith.constant 11264 : i32
      %parallel_loop3A_822 = vector.broadcast %parallel_loop3A_821 : i32 to vector<16xi32>
      %parallel_loop3A_823 = arith.addi %parallel_loop3A_50, %parallel_loop3A_822 : vector<16xi32>
      %parallel_loop3A_824 = tpu.vector_load_idx %arg5[%parallel_loop3A_823] : memref<32768xf32, #tpu.memory_space<vmem>>[vector<16xi32>], vector<16xf32>,
      %parallel_loop3A_825 = arith.constant 8 : i32
      %parallel_loop3A_826 = arith.divsi %parallel_loop3A_5, %parallel_loop3A_825 : i32
      %parallel_loop3A_827 = arith.constant 0 : i32
      %parallel_loop3A_828 = arith.cmpi sgt, %parallel_loop3A_5, %parallel_loop3A_827 : i32
      %parallel_loop3A_829 = arith.extui %parallel_loop3A_828 : i1 to i32
      %parallel_loop3A_830 = arith.constant 0 : i32
      %parallel_loop3A_831 = arith.cmpi slt, %parallel_loop3A_5, %parallel_loop3A_830 : i32
      %parallel_loop3A_832 = arith.extui %parallel_loop3A_831 : i1 to i32
      %parallel_loop3A_833 = arith.subi %parallel_loop3A_829, %parallel_loop3A_832 : i32
      %parallel_loop3A_834 = arith.constant 0 : i32
      %parallel_loop3A_835 = arith.cmpi sgt, %parallel_loop3A_825, %parallel_loop3A_834 : i32
      %parallel_loop3A_836 = arith.extui %parallel_loop3A_835 : i1 to i32
      %parallel_loop3A_837 = arith.constant 0 : i32
      %parallel_loop3A_838 = arith.cmpi slt, %parallel_loop3A_825, %parallel_loop3A_837 : i32
      %parallel_loop3A_839 = arith.extui %parallel_loop3A_838 : i1 to i32
      %parallel_loop3A_840 = arith.subi %parallel_loop3A_836, %parallel_loop3A_839 : i32
      %parallel_loop3A_841 = arith.cmpi ne, %parallel_loop3A_833, %parallel_loop3A_840 : i32
      %parallel_loop3A_842 = arith.remsi %parallel_loop3A_5, %parallel_loop3A_825 : i32
      %parallel_loop3A_843 = arith.constant 0 : i32
      %parallel_loop3A_844 = arith.cmpi ne, %parallel_loop3A_842, %parallel_loop3A_843 : i32
      %parallel_loop3A_845 = arith.andi %parallel_loop3A_841, %parallel_loop3A_844 : i1
      %parallel_loop3A_846 = arith.constant 1 : i32
      %parallel_loop3A_847 = arith.subi %parallel_loop3A_826, %parallel_loop3A_846 : i32
      %parallel_loop3A_848 = arith.select %parallel_loop3A_845, %parallel_loop3A_847, %parallel_loop3A_826 : i32
      %parallel_loop3A_849 = arith.constant 16 : i32
      %parallel_loop3A_850 = arith.muli %parallel_loop3A_45, %parallel_loop3A_849 : i32
      %parallel_loop3A_851 = arith.constant 22 : i32
      %parallel_loop3A_852 = arith.index_cast %parallel_loop3A_851 : i32 to index
      %parallel_loop3A_853 = arith.index_cast %parallel_loop3A_848 : i32 to index
      %parallel_loop3A_854 = arith.index_cast %parallel_loop3A_850 : i32 to index
      %parallel_loop3A_855 = tpu.vector_load %arg7[%parallel_loop3A_852, %parallel_loop3A_853, %parallel_loop3A_854] {strides = array<i32>} : memref<64x8x128xf32, #tpu.memory_space<vmem>>, vector<16xf32>,
      tpu.vector_store %arg7[%parallel_loop3A_852, %parallel_loop3A_853, %parallel_loop3A_854], %parallel_loop3A_824 {strides = array<i32>} : memref<64x8x128xf32, #tpu.memory_space<vmem>>, vector<16xf32>,
      %parallel_loop3A_856 = arith.constant 11776 : i32
      %parallel_loop3A_857 = vector.broadcast %parallel_loop3A_856 : i32 to vector<16xi32>
      %parallel_loop3A_858 = arith.addi %parallel_loop3A_50, %parallel_loop3A_857 : vector<16xi32>
      %parallel_loop3A_859 = tpu.vector_load_idx %arg5[%parallel_loop3A_858] : memref<32768xf32, #tpu.memory_space<vmem>>[vector<16xi32>], vector<16xf32>,
      %parallel_loop3A_860 = arith.constant 8 : i32
      %parallel_loop3A_861 = arith.divsi %parallel_loop3A_5, %parallel_loop3A_860 : i32
      %parallel_loop3A_862 = arith.constant 0 : i32
      %parallel_loop3A_863 = arith.cmpi sgt, %parallel_loop3A_5, %parallel_loop3A_862 : i32
      %parallel_loop3A_864 = arith.extui %parallel_loop3A_863 : i1 to i32
      %parallel_loop3A_865 = arith.constant 0 : i32
      %parallel_loop3A_866 = arith.cmpi slt, %parallel_loop3A_5, %parallel_loop3A_865 : i32
      %parallel_loop3A_867 = arith.extui %parallel_loop3A_866 : i1 to i32
      %parallel_loop3A_868 = arith.subi %parallel_loop3A_864, %parallel_loop3A_867 : i32
      %parallel_loop3A_869 = arith.constant 0 : i32
      %parallel_loop3A_870 = arith.cmpi sgt, %parallel_loop3A_860, %parallel_loop3A_869 : i32
      %parallel_loop3A_871 = arith.extui %parallel_loop3A_870 : i1 to i32
      %parallel_loop3A_872 = arith.constant 0 : i32
      %parallel_loop3A_873 = arith.cmpi slt, %parallel_loop3A_860, %parallel_loop3A_872 : i32
      %parallel_loop3A_874 = arith.extui %parallel_loop3A_873 : i1 to i32
      %parallel_loop3A_875 = arith.subi %parallel_loop3A_871, %parallel_loop3A_874 : i32
      %parallel_loop3A_876 = arith.cmpi ne, %parallel_loop3A_868, %parallel_loop3A_875 : i32
      %parallel_loop3A_877 = arith.remsi %parallel_loop3A_5, %parallel_loop3A_860 : i32
      %parallel_loop3A_878 = arith.constant 0 : i32
      %parallel_loop3A_879 = arith.cmpi ne, %parallel_loop3A_877, %parallel_loop3A_878 : i32
      %parallel_loop3A_880 = arith.andi %parallel_loop3A_876, %parallel_loop3A_879 : i1
      %parallel_loop3A_881 = arith.constant 1 : i32
      %parallel_loop3A_882 = arith.subi %parallel_loop3A_861, %parallel_loop3A_881 : i32
      %parallel_loop3A_883 = arith.select %parallel_loop3A_880, %parallel_loop3A_882, %parallel_loop3A_861 : i32
      %parallel_loop3A_884 = arith.constant 16 : i32
      %parallel_loop3A_885 = arith.muli %parallel_loop3A_45, %parallel_loop3A_884 : i32
      %parallel_loop3A_886 = arith.constant 23 : i32
      %parallel_loop3A_887 = arith.index_cast %parallel_loop3A_886 : i32 to index
      %parallel_loop3A_888 = arith.index_cast %parallel_loop3A_883 : i32 to index
      %parallel_loop3A_889 = arith.index_cast %parallel_loop3A_885 : i32 to index
      %parallel_loop3A_890 = tpu.vector_load %arg7[%parallel_loop3A_887, %parallel_loop3A_888, %parallel_loop3A_889] {strides = array<i32>} : memref<64x8x128xf32, #tpu.memory_space<vmem>>, vector<16xf32>,
      tpu.vector_store %arg7[%parallel_loop3A_887, %parallel_loop3A_888, %parallel_loop3A_889], %parallel_loop3A_859 {strides = array<i32>} : memref<64x8x128xf32, #tpu.memory_space<vmem>>, vector<16xf32>,
      %parallel_loop3A_891 = arith.constant 12288 : i32
      %parallel_loop3A_892 = vector.broadcast %parallel_loop3A_891 : i32 to vector<16xi32>
      %parallel_loop3A_893 = arith.addi %parallel_loop3A_50, %parallel_loop3A_892 : vector<16xi32>
      %parallel_loop3A_894 = tpu.vector_load_idx %arg5[%parallel_loop3A_893] : memref<32768xf32, #tpu.memory_space<vmem>>[vector<16xi32>], vector<16xf32>,
      %parallel_loop3A_895 = arith.constant 8 : i32
      %parallel_loop3A_896 = arith.divsi %parallel_loop3A_5, %parallel_loop3A_895 : i32
      %parallel_loop3A_897 = arith.constant 0 : i32
      %parallel_loop3A_898 = arith.cmpi sgt, %parallel_loop3A_5, %parallel_loop3A_897 : i32
      %parallel_loop3A_899 = arith.extui %parallel_loop3A_898 : i1 to i32
      %parallel_loop3A_900 = arith.constant 0 : i32
      %parallel_loop3A_901 = arith.cmpi slt, %parallel_loop3A_5, %parallel_loop3A_900 : i32
      %parallel_loop3A_902 = arith.extui %parallel_loop3A_901 : i1 to i32
      %parallel_loop3A_903 = arith.subi %parallel_loop3A_899, %parallel_loop3A_902 : i32
      %parallel_loop3A_904 = arith.constant 0 : i32
      %parallel_loop3A_905 = arith.cmpi sgt, %parallel_loop3A_895, %parallel_loop3A_904 : i32
      %parallel_loop3A_906 = arith.extui %parallel_loop3A_905 : i1 to i32
      %parallel_loop3A_907 = arith.constant 0 : i32
      %parallel_loop3A_908 = arith.cmpi slt, %parallel_loop3A_895, %parallel_loop3A_907 : i32
      %parallel_loop3A_909 = arith.extui %parallel_loop3A_908 : i1 to i32
      %parallel_loop3A_910 = arith.subi %parallel_loop3A_906, %parallel_loop3A_909 : i32
      %parallel_loop3A_911 = arith.cmpi ne, %parallel_loop3A_903, %parallel_loop3A_910 : i32
      %parallel_loop3A_912 = arith.remsi %parallel_loop3A_5, %parallel_loop3A_895 : i32
      %parallel_loop3A_913 = arith.constant 0 : i32
      %parallel_loop3A_914 = arith.cmpi ne, %parallel_loop3A_912, %parallel_loop3A_913 : i32
      %parallel_loop3A_915 = arith.andi %parallel_loop3A_911, %parallel_loop3A_914 : i1
      %parallel_loop3A_916 = arith.constant 1 : i32
      %parallel_loop3A_917 = arith.subi %parallel_loop3A_896, %parallel_loop3A_916 : i32
      %parallel_loop3A_918 = arith.select %parallel_loop3A_915, %parallel_loop3A_917, %parallel_loop3A_896 : i32
      %parallel_loop3A_919 = arith.constant 16 : i32
      %parallel_loop3A_920 = arith.muli %parallel_loop3A_45, %parallel_loop3A_919 : i32
      %parallel_loop3A_921 = arith.constant 24 : i32
      %parallel_loop3A_922 = arith.index_cast %parallel_loop3A_921 : i32 to index
      %parallel_loop3A_923 = arith.index_cast %parallel_loop3A_918 : i32 to index
      %parallel_loop3A_924 = arith.index_cast %parallel_loop3A_920 : i32 to index
      %parallel_loop3A_925 = tpu.vector_load %arg7[%parallel_loop3A_922, %parallel_loop3A_923, %parallel_loop3A_924] {strides = array<i32>} : memref<64x8x128xf32, #tpu.memory_space<vmem>>, vector<16xf32>,
      tpu.vector_store %arg7[%parallel_loop3A_922, %parallel_loop3A_923, %parallel_loop3A_924], %parallel_loop3A_894 {strides = array<i32>} : memref<64x8x128xf32, #tpu.memory_space<vmem>>, vector<16xf32>,
      %parallel_loop3A_926 = arith.constant 12800 : i32
      %parallel_loop3A_927 = vector.broadcast %parallel_loop3A_926 : i32 to vector<16xi32>
      %parallel_loop3A_928 = arith.addi %parallel_loop3A_50, %parallel_loop3A_927 : vector<16xi32>
      %parallel_loop3A_929 = tpu.vector_load_idx %arg5[%parallel_loop3A_928] : memref<32768xf32, #tpu.memory_space<vmem>>[vector<16xi32>], vector<16xf32>,
      %parallel_loop3A_930 = arith.constant 8 : i32
      %parallel_loop3A_931 = arith.divsi %parallel_loop3A_5, %parallel_loop3A_930 : i32
      %parallel_loop3A_932 = arith.constant 0 : i32
      %parallel_loop3A_933 = arith.cmpi sgt, %parallel_loop3A_5, %parallel_loop3A_932 : i32
      %parallel_loop3A_934 = arith.extui %parallel_loop3A_933 : i1 to i32
      %parallel_loop3A_935 = arith.constant 0 : i32
      %parallel_loop3A_936 = arith.cmpi slt, %parallel_loop3A_5, %parallel_loop3A_935 : i32
      %parallel_loop3A_937 = arith.extui %parallel_loop3A_936 : i1 to i32
      %parallel_loop3A_938 = arith.subi %parallel_loop3A_934, %parallel_loop3A_937 : i32
      %parallel_loop3A_939 = arith.constant 0 : i32
      %parallel_loop3A_940 = arith.cmpi sgt, %parallel_loop3A_930, %parallel_loop3A_939 : i32
      %parallel_loop3A_941 = arith.extui %parallel_loop3A_940 : i1 to i32
      %parallel_loop3A_942 = arith.constant 0 : i32
      %parallel_loop3A_943 = arith.cmpi slt, %parallel_loop3A_930, %parallel_loop3A_942 : i32
      %parallel_loop3A_944 = arith.extui %parallel_loop3A_943 : i1 to i32
      %parallel_loop3A_945 = arith.subi %parallel_loop3A_941, %parallel_loop3A_944 : i32
      %parallel_loop3A_946 = arith.cmpi ne, %parallel_loop3A_938, %parallel_loop3A_945 : i32
      %parallel_loop3A_947 = arith.remsi %parallel_loop3A_5, %parallel_loop3A_930 : i32
      %parallel_loop3A_948 = arith.constant 0 : i32
      %parallel_loop3A_949 = arith.cmpi ne, %parallel_loop3A_947, %parallel_loop3A_948 : i32
      %parallel_loop3A_950 = arith.andi %parallel_loop3A_946, %parallel_loop3A_949 : i1
      %parallel_loop3A_951 = arith.constant 1 : i32
      %parallel_loop3A_952 = arith.subi %parallel_loop3A_931, %parallel_loop3A_951 : i32
      %parallel_loop3A_953 = arith.select %parallel_loop3A_950, %parallel_loop3A_952, %parallel_loop3A_931 : i32
      %parallel_loop3A_954 = arith.constant 16 : i32
      %parallel_loop3A_955 = arith.muli %parallel_loop3A_45, %parallel_loop3A_954 : i32
      %parallel_loop3A_956 = arith.constant 25 : i32
      %parallel_loop3A_957 = arith.index_cast %parallel_loop3A_956 : i32 to index
      %parallel_loop3A_958 = arith.index_cast %parallel_loop3A_953 : i32 to index
      %parallel_loop3A_959 = arith.index_cast %parallel_loop3A_955 : i32 to index
      %parallel_loop3A_960 = tpu.vector_load %arg7[%parallel_loop3A_957, %parallel_loop3A_958, %parallel_loop3A_959] {strides = array<i32>} : memref<64x8x128xf32, #tpu.memory_space<vmem>>, vector<16xf32>,
      tpu.vector_store %arg7[%parallel_loop3A_957, %parallel_loop3A_958, %parallel_loop3A_959], %parallel_loop3A_929 {strides = array<i32>} : memref<64x8x128xf32, #tpu.memory_space<vmem>>, vector<16xf32>,
      %parallel_loop3A_961 = arith.constant 13312 : i32
      %parallel_loop3A_962 = vector.broadcast %parallel_loop3A_961 : i32 to vector<16xi32>
      %parallel_loop3A_963 = arith.addi %parallel_loop3A_50, %parallel_loop3A_962 : vector<16xi32>
      %parallel_loop3A_964 = tpu.vector_load_idx %arg5[%parallel_loop3A_963] : memref<32768xf32, #tpu.memory_space<vmem>>[vector<16xi32>], vector<16xf32>,
      %parallel_loop3A_965 = arith.constant 8 : i32
      %parallel_loop3A_966 = arith.divsi %parallel_loop3A_5, %parallel_loop3A_965 : i32
      %parallel_loop3A_967 = arith.constant 0 : i32
      %parallel_loop3A_968 = arith.cmpi sgt, %parallel_loop3A_5, %parallel_loop3A_967 : i32
      %parallel_loop3A_969 = arith.extui %parallel_loop3A_968 : i1 to i32
      %parallel_loop3A_970 = arith.constant 0 : i32
      %parallel_loop3A_971 = arith.cmpi slt, %parallel_loop3A_5, %parallel_loop3A_970 : i32
      %parallel_loop3A_972 = arith.extui %parallel_loop3A_971 : i1 to i32
      %parallel_loop3A_973 = arith.subi %parallel_loop3A_969, %parallel_loop3A_972 : i32
      %parallel_loop3A_974 = arith.constant 0 : i32
      %parallel_loop3A_975 = arith.cmpi sgt, %parallel_loop3A_965, %parallel_loop3A_974 : i32
      %parallel_loop3A_976 = arith.extui %parallel_loop3A_975 : i1 to i32
      %parallel_loop3A_977 = arith.constant 0 : i32
      %parallel_loop3A_978 = arith.cmpi slt, %parallel_loop3A_965, %parallel_loop3A_977 : i32
      %parallel_loop3A_979 = arith.extui %parallel_loop3A_978 : i1 to i32
      %parallel_loop3A_980 = arith.subi %parallel_loop3A_976, %parallel_loop3A_979 : i32
      %parallel_loop3A_981 = arith.cmpi ne, %parallel_loop3A_973, %parallel_loop3A_980 : i32
      %parallel_loop3A_982 = arith.remsi %parallel_loop3A_5, %parallel_loop3A_965 : i32
      %parallel_loop3A_983 = arith.constant 0 : i32
      %parallel_loop3A_984 = arith.cmpi ne, %parallel_loop3A_982, %parallel_loop3A_983 : i32
      %parallel_loop3A_985 = arith.andi %parallel_loop3A_981, %parallel_loop3A_984 : i1
      %parallel_loop3A_986 = arith.constant 1 : i32
      %parallel_loop3A_987 = arith.subi %parallel_loop3A_966, %parallel_loop3A_986 : i32
      %parallel_loop3A_988 = arith.select %parallel_loop3A_985, %parallel_loop3A_987, %parallel_loop3A_966 : i32
      %parallel_loop3A_989 = arith.constant 16 : i32
      %parallel_loop3A_990 = arith.muli %parallel_loop3A_45, %parallel_loop3A_989 : i32
      %parallel_loop3A_991 = arith.constant 26 : i32
      %parallel_loop3A_992 = arith.index_cast %parallel_loop3A_991 : i32 to index
      %parallel_loop3A_993 = arith.index_cast %parallel_loop3A_988 : i32 to index
      %parallel_loop3A_994 = arith.index_cast %parallel_loop3A_990 : i32 to index
      %parallel_loop3A_995 = tpu.vector_load %arg7[%parallel_loop3A_992, %parallel_loop3A_993, %parallel_loop3A_994] {strides = array<i32>} : memref<64x8x128xf32, #tpu.memory_space<vmem>>, vector<16xf32>,
      tpu.vector_store %arg7[%parallel_loop3A_992, %parallel_loop3A_993, %parallel_loop3A_994], %parallel_loop3A_964 {strides = array<i32>} : memref<64x8x128xf32, #tpu.memory_space<vmem>>, vector<16xf32>,
      %parallel_loop3A_996 = arith.constant 13824 : i32
      %parallel_loop3A_997 = vector.broadcast %parallel_loop3A_996 : i32 to vector<16xi32>
      %parallel_loop3A_998 = arith.addi %parallel_loop3A_50, %parallel_loop3A_997 : vector<16xi32>
      %parallel_loop3A_999 = tpu.vector_load_idx %arg5[%parallel_loop3A_998] : memref<32768xf32, #tpu.memory_space<vmem>>[vector<16xi32>], vector<16xf32>,
      %parallel_loop3A_1000 = arith.constant 8 : i32
      %parallel_loop3A_1001 = arith.divsi %parallel_loop3A_5, %parallel_loop3A_1000 : i32
      %parallel_loop3A_1002 = arith.constant 0 : i32
      %parallel_loop3A_1003 = arith.cmpi sgt, %parallel_loop3A_5, %parallel_loop3A_1002 : i32
      %parallel_loop3A_1004 = arith.extui %parallel_loop3A_1003 : i1 to i32
      %parallel_loop3A_1005 = arith.constant 0 : i32
      %parallel_loop3A_1006 = arith.cmpi slt, %parallel_loop3A_5, %parallel_loop3A_1005 : i32
      %parallel_loop3A_1007 = arith.extui %parallel_loop3A_1006 : i1 to i32
      %parallel_loop3A_1008 = arith.subi %parallel_loop3A_1004, %parallel_loop3A_1007 : i32
      %parallel_loop3A_1009 = arith.constant 0 : i32
      %parallel_loop3A_1010 = arith.cmpi sgt, %parallel_loop3A_1000, %parallel_loop3A_1009 : i32
      %parallel_loop3A_1011 = arith.extui %parallel_loop3A_1010 : i1 to i32
      %parallel_loop3A_1012 = arith.constant 0 : i32
      %parallel_loop3A_1013 = arith.cmpi slt, %parallel_loop3A_1000, %parallel_loop3A_1012 : i32
      %parallel_loop3A_1014 = arith.extui %parallel_loop3A_1013 : i1 to i32
      %parallel_loop3A_1015 = arith.subi %parallel_loop3A_1011, %parallel_loop3A_1014 : i32
      %parallel_loop3A_1016 = arith.cmpi ne, %parallel_loop3A_1008, %parallel_loop3A_1015 : i32
      %parallel_loop3A_1017 = arith.remsi %parallel_loop3A_5, %parallel_loop3A_1000 : i32
      %parallel_loop3A_1018 = arith.constant 0 : i32
      %parallel_loop3A_1019 = arith.cmpi ne, %parallel_loop3A_1017, %parallel_loop3A_1018 : i32
      %parallel_loop3A_1020 = arith.andi %parallel_loop3A_1016, %parallel_loop3A_1019 : i1
      %parallel_loop3A_1021 = arith.constant 1 : i32
      %parallel_loop3A_1022 = arith.subi %parallel_loop3A_1001, %parallel_loop3A_1021 : i32
      %parallel_loop3A_1023 = arith.select %parallel_loop3A_1020, %parallel_loop3A_1022, %parallel_loop3A_1001 : i32
      %parallel_loop3A_1024 = arith.constant 16 : i32
      %parallel_loop3A_1025 = arith.muli %parallel_loop3A_45, %parallel_loop3A_1024 : i32
      %parallel_loop3A_1026 = arith.constant 27 : i32
      %parallel_loop3A_1027 = arith.index_cast %parallel_loop3A_1026 : i32 to index
      %parallel_loop3A_1028 = arith.index_cast %parallel_loop3A_1023 : i32 to index
      %parallel_loop3A_1029 = arith.index_cast %parallel_loop3A_1025 : i32 to index
      %parallel_loop3A_1030 = tpu.vector_load %arg7[%parallel_loop3A_1027, %parallel_loop3A_1028, %parallel_loop3A_1029] {strides = array<i32>} : memref<64x8x128xf32, #tpu.memory_space<vmem>>, vector<16xf32>,
      tpu.vector_store %arg7[%parallel_loop3A_1027, %parallel_loop3A_1028, %parallel_loop3A_1029], %parallel_loop3A_999 {strides = array<i32>} : memref<64x8x128xf32, #tpu.memory_space<vmem>>, vector<16xf32>,
      %parallel_loop3A_1031 = arith.constant 14336 : i32
      %parallel_loop3A_1032 = vector.broadcast %parallel_loop3A_1031 : i32 to vector<16xi32>
      %parallel_loop3A_1033 = arith.addi %parallel_loop3A_50, %parallel_loop3A_1032 : vector<16xi32>
      %parallel_loop3A_1034 = tpu.vector_load_idx %arg5[%parallel_loop3A_1033] : memref<32768xf32, #tpu.memory_space<vmem>>[vector<16xi32>], vector<16xf32>,
      %parallel_loop3A_1035 = arith.constant 8 : i32
      %parallel_loop3A_1036 = arith.divsi %parallel_loop3A_5, %parallel_loop3A_1035 : i32
      %parallel_loop3A_1037 = arith.constant 0 : i32
      %parallel_loop3A_1038 = arith.cmpi sgt, %parallel_loop3A_5, %parallel_loop3A_1037 : i32
      %parallel_loop3A_1039 = arith.extui %parallel_loop3A_1038 : i1 to i32
      %parallel_loop3A_1040 = arith.constant 0 : i32
      %parallel_loop3A_1041 = arith.cmpi slt, %parallel_loop3A_5, %parallel_loop3A_1040 : i32
      %parallel_loop3A_1042 = arith.extui %parallel_loop3A_1041 : i1 to i32
      %parallel_loop3A_1043 = arith.subi %parallel_loop3A_1039, %parallel_loop3A_1042 : i32
      %parallel_loop3A_1044 = arith.constant 0 : i32
      %parallel_loop3A_1045 = arith.cmpi sgt, %parallel_loop3A_1035, %parallel_loop3A_1044 : i32
      %parallel_loop3A_1046 = arith.extui %parallel_loop3A_1045 : i1 to i32
      %parallel_loop3A_1047 = arith.constant 0 : i32
      %parallel_loop3A_1048 = arith.cmpi slt, %parallel_loop3A_1035, %parallel_loop3A_1047 : i32
      %parallel_loop3A_1049 = arith.extui %parallel_loop3A_1048 : i1 to i32
      %parallel_loop3A_1050 = arith.subi %parallel_loop3A_1046, %parallel_loop3A_1049 : i32
      %parallel_loop3A_1051 = arith.cmpi ne, %parallel_loop3A_1043, %parallel_loop3A_1050 : i32
      %parallel_loop3A_1052 = arith.remsi %parallel_loop3A_5, %parallel_loop3A_1035 : i32
      %parallel_loop3A_1053 = arith.constant 0 : i32
      %parallel_loop3A_1054 = arith.cmpi ne, %parallel_loop3A_1052, %parallel_loop3A_1053 : i32
      %parallel_loop3A_1055 = arith.andi %parallel_loop3A_1051, %parallel_loop3A_1054 : i1
      %parallel_loop3A_1056 = arith.constant 1 : i32
      %parallel_loop3A_1057 = arith.subi %parallel_loop3A_1036, %parallel_loop3A_1056 : i32
      %parallel_loop3A_1058 = arith.select %parallel_loop3A_1055, %parallel_loop3A_1057, %parallel_loop3A_1036 : i32
      %parallel_loop3A_1059 = arith.constant 16 : i32
      %parallel_loop3A_1060 = arith.muli %parallel_loop3A_45, %parallel_loop3A_1059 : i32
      %parallel_loop3A_1061 = arith.constant 28 : i32
      %parallel_loop3A_1062 = arith.index_cast %parallel_loop3A_1061 : i32 to index
      %parallel_loop3A_1063 = arith.index_cast %parallel_loop3A_1058 : i32 to index
      %parallel_loop3A_1064 = arith.index_cast %parallel_loop3A_1060 : i32 to index
      %parallel_loop3A_1065 = tpu.vector_load %arg7[%parallel_loop3A_1062, %parallel_loop3A_1063, %parallel_loop3A_1064] {strides = array<i32>} : memref<64x8x128xf32, #tpu.memory_space<vmem>>, vector<16xf32>,
      tpu.vector_store %arg7[%parallel_loop3A_1062, %parallel_loop3A_1063, %parallel_loop3A_1064], %parallel_loop3A_1034 {strides = array<i32>} : memref<64x8x128xf32, #tpu.memory_space<vmem>>, vector<16xf32>,
      %parallel_loop3A_1066 = arith.constant 14848 : i32
      %parallel_loop3A_1067 = vector.broadcast %parallel_loop3A_1066 : i32 to vector<16xi32>
      %parallel_loop3A_1068 = arith.addi %parallel_loop3A_50, %parallel_loop3A_1067 : vector<16xi32>
      %parallel_loop3A_1069 = tpu.vector_load_idx %arg5[%parallel_loop3A_1068] : memref<32768xf32, #tpu.memory_space<vmem>>[vector<16xi32>], vector<16xf32>,
      %parallel_loop3A_1070 = arith.constant 8 : i32
      %parallel_loop3A_1071 = arith.divsi %parallel_loop3A_5, %parallel_loop3A_1070 : i32
      %parallel_loop3A_1072 = arith.constant 0 : i32
      %parallel_loop3A_1073 = arith.cmpi sgt, %parallel_loop3A_5, %parallel_loop3A_1072 : i32
      %parallel_loop3A_1074 = arith.extui %parallel_loop3A_1073 : i1 to i32
      %parallel_loop3A_1075 = arith.constant 0 : i32
      %parallel_loop3A_1076 = arith.cmpi slt, %parallel_loop3A_5, %parallel_loop3A_1075 : i32
      %parallel_loop3A_1077 = arith.extui %parallel_loop3A_1076 : i1 to i32
      %parallel_loop3A_1078 = arith.subi %parallel_loop3A_1074, %parallel_loop3A_1077 : i32
      %parallel_loop3A_1079 = arith.constant 0 : i32
      %parallel_loop3A_1080 = arith.cmpi sgt, %parallel_loop3A_1070, %parallel_loop3A_1079 : i32
      %parallel_loop3A_1081 = arith.extui %parallel_loop3A_1080 : i1 to i32
      %parallel_loop3A_1082 = arith.constant 0 : i32
      %parallel_loop3A_1083 = arith.cmpi slt, %parallel_loop3A_1070, %parallel_loop3A_1082 : i32
      %parallel_loop3A_1084 = arith.extui %parallel_loop3A_1083 : i1 to i32
      %parallel_loop3A_1085 = arith.subi %parallel_loop3A_1081, %parallel_loop3A_1084 : i32
      %parallel_loop3A_1086 = arith.cmpi ne, %parallel_loop3A_1078, %parallel_loop3A_1085 : i32
      %parallel_loop3A_1087 = arith.remsi %parallel_loop3A_5, %parallel_loop3A_1070 : i32
      %parallel_loop3A_1088 = arith.constant 0 : i32
      %parallel_loop3A_1089 = arith.cmpi ne, %parallel_loop3A_1087, %parallel_loop3A_1088 : i32
      %parallel_loop3A_1090 = arith.andi %parallel_loop3A_1086, %parallel_loop3A_1089 : i1
      %parallel_loop3A_1091 = arith.constant 1 : i32
      %parallel_loop3A_1092 = arith.subi %parallel_loop3A_1071, %parallel_loop3A_1091 : i32
      %parallel_loop3A_1093 = arith.select %parallel_loop3A_1090, %parallel_loop3A_1092, %parallel_loop3A_1071 : i32
      %parallel_loop3A_1094 = arith.constant 16 : i32
      %parallel_loop3A_1095 = arith.muli %parallel_loop3A_45, %parallel_loop3A_1094 : i32
      %parallel_loop3A_1096 = arith.constant 29 : i32
      %parallel_loop3A_1097 = arith.index_cast %parallel_loop3A_1096 : i32 to index
      %parallel_loop3A_1098 = arith.index_cast %parallel_loop3A_1093 : i32 to index
      %parallel_loop3A_1099 = arith.index_cast %parallel_loop3A_1095 : i32 to index
      %parallel_loop3A_1100 = tpu.vector_load %arg7[%parallel_loop3A_1097, %parallel_loop3A_1098, %parallel_loop3A_1099] {strides = array<i32>} : memref<64x8x128xf32, #tpu.memory_space<vmem>>, vector<16xf32>,
      tpu.vector_store %arg7[%parallel_loop3A_1097, %parallel_loop3A_1098, %parallel_loop3A_1099], %parallel_loop3A_1069 {strides = array<i32>} : memref<64x8x128xf32, #tpu.memory_space<vmem>>, vector<16xf32>,
      %parallel_loop3A_1101 = arith.constant 15360 : i32
      %parallel_loop3A_1102 = vector.broadcast %parallel_loop3A_1101 : i32 to vector<16xi32>
      %parallel_loop3A_1103 = arith.addi %parallel_loop3A_50, %parallel_loop3A_1102 : vector<16xi32>
      %parallel_loop3A_1104 = tpu.vector_load_idx %arg5[%parallel_loop3A_1103] : memref<32768xf32, #tpu.memory_space<vmem>>[vector<16xi32>], vector<16xf32>,
      %parallel_loop3A_1105 = arith.constant 8 : i32
      %parallel_loop3A_1106 = arith.divsi %parallel_loop3A_5, %parallel_loop3A_1105 : i32
      %parallel_loop3A_1107 = arith.constant 0 : i32
      %parallel_loop3A_1108 = arith.cmpi sgt, %parallel_loop3A_5, %parallel_loop3A_1107 : i32
      %parallel_loop3A_1109 = arith.extui %parallel_loop3A_1108 : i1 to i32
      %parallel_loop3A_1110 = arith.constant 0 : i32
      %parallel_loop3A_1111 = arith.cmpi slt, %parallel_loop3A_5, %parallel_loop3A_1110 : i32
      %parallel_loop3A_1112 = arith.extui %parallel_loop3A_1111 : i1 to i32
      %parallel_loop3A_1113 = arith.subi %parallel_loop3A_1109, %parallel_loop3A_1112 : i32
      %parallel_loop3A_1114 = arith.constant 0 : i32
      %parallel_loop3A_1115 = arith.cmpi sgt, %parallel_loop3A_1105, %parallel_loop3A_1114 : i32
      %parallel_loop3A_1116 = arith.extui %parallel_loop3A_1115 : i1 to i32
      %parallel_loop3A_1117 = arith.constant 0 : i32
      %parallel_loop3A_1118 = arith.cmpi slt, %parallel_loop3A_1105, %parallel_loop3A_1117 : i32
      %parallel_loop3A_1119 = arith.extui %parallel_loop3A_1118 : i1 to i32
      %parallel_loop3A_1120 = arith.subi %parallel_loop3A_1116, %parallel_loop3A_1119 : i32
      %parallel_loop3A_1121 = arith.cmpi ne, %parallel_loop3A_1113, %parallel_loop3A_1120 : i32
      %parallel_loop3A_1122 = arith.remsi %parallel_loop3A_5, %parallel_loop3A_1105 : i32
      %parallel_loop3A_1123 = arith.constant 0 : i32
      %parallel_loop3A_1124 = arith.cmpi ne, %parallel_loop3A_1122, %parallel_loop3A_1123 : i32
      %parallel_loop3A_1125 = arith.andi %parallel_loop3A_1121, %parallel_loop3A_1124 : i1
      %parallel_loop3A_1126 = arith.constant 1 : i32
      %parallel_loop3A_1127 = arith.subi %parallel_loop3A_1106, %parallel_loop3A_1126 : i32
      %parallel_loop3A_1128 = arith.select %parallel_loop3A_1125, %parallel_loop3A_1127, %parallel_loop3A_1106 : i32
      %parallel_loop3A_1129 = arith.constant 16 : i32
      %parallel_loop3A_1130 = arith.muli %parallel_loop3A_45, %parallel_loop3A_1129 : i32
      %parallel_loop3A_1131 = arith.constant 30 : i32
      %parallel_loop3A_1132 = arith.index_cast %parallel_loop3A_1131 : i32 to index
      %parallel_loop3A_1133 = arith.index_cast %parallel_loop3A_1128 : i32 to index
      %parallel_loop3A_1134 = arith.index_cast %parallel_loop3A_1130 : i32 to index
      %parallel_loop3A_1135 = tpu.vector_load %arg7[%parallel_loop3A_1132, %parallel_loop3A_1133, %parallel_loop3A_1134] {strides = array<i32>} : memref<64x8x128xf32, #tpu.memory_space<vmem>>, vector<16xf32>,
      tpu.vector_store %arg7[%parallel_loop3A_1132, %parallel_loop3A_1133, %parallel_loop3A_1134], %parallel_loop3A_1104 {strides = array<i32>} : memref<64x8x128xf32, #tpu.memory_space<vmem>>, vector<16xf32>,
      %parallel_loop3A_1136 = arith.constant 15872 : i32
      %parallel_loop3A_1137 = vector.broadcast %parallel_loop3A_1136 : i32 to vector<16xi32>
      %parallel_loop3A_1138 = arith.addi %parallel_loop3A_50, %parallel_loop3A_1137 : vector<16xi32>
      %parallel_loop3A_1139 = tpu.vector_load_idx %arg5[%parallel_loop3A_1138] : memref<32768xf32, #tpu.memory_space<vmem>>[vector<16xi32>], vector<16xf32>,
      %parallel_loop3A_1140 = arith.constant 8 : i32
      %parallel_loop3A_1141 = arith.divsi %parallel_loop3A_5, %parallel_loop3A_1140 : i32
      %parallel_loop3A_1142 = arith.constant 0 : i32
      %parallel_loop3A_1143 = arith.cmpi sgt, %parallel_loop3A_5, %parallel_loop3A_1142 : i32
      %parallel_loop3A_1144 = arith.extui %parallel_loop3A_1143 : i1 to i32
      %parallel_loop3A_1145 = arith.constant 0 : i32
      %parallel_loop3A_1146 = arith.cmpi slt, %parallel_loop3A_5, %parallel_loop3A_1145 : i32
      %parallel_loop3A_1147 = arith.extui %parallel_loop3A_1146 : i1 to i32
      %parallel_loop3A_1148 = arith.subi %parallel_loop3A_1144, %parallel_loop3A_1147 : i32
      %parallel_loop3A_1149 = arith.constant 0 : i32
      %parallel_loop3A_1150 = arith.cmpi sgt, %parallel_loop3A_1140, %parallel_loop3A_1149 : i32
      %parallel_loop3A_1151 = arith.extui %parallel_loop3A_1150 : i1 to i32
      %parallel_loop3A_1152 = arith.constant 0 : i32
      %parallel_loop3A_1153 = arith.cmpi slt, %parallel_loop3A_1140, %parallel_loop3A_1152 : i32
      %parallel_loop3A_1154 = arith.extui %parallel_loop3A_1153 : i1 to i32
      %parallel_loop3A_1155 = arith.subi %parallel_loop3A_1151, %parallel_loop3A_1154 : i32
      %parallel_loop3A_1156 = arith.cmpi ne, %parallel_loop3A_1148, %parallel_loop3A_1155 : i32
      %parallel_loop3A_1157 = arith.remsi %parallel_loop3A_5, %parallel_loop3A_1140 : i32
      %parallel_loop3A_1158 = arith.constant 0 : i32
      %parallel_loop3A_1159 = arith.cmpi ne, %parallel_loop3A_1157, %parallel_loop3A_1158 : i32
      %parallel_loop3A_1160 = arith.andi %parallel_loop3A_1156, %parallel_loop3A_1159 : i1
      %parallel_loop3A_1161 = arith.constant 1 : i32
      %parallel_loop3A_1162 = arith.subi %parallel_loop3A_1141, %parallel_loop3A_1161 : i32
      %parallel_loop3A_1163 = arith.select %parallel_loop3A_1160, %parallel_loop3A_1162, %parallel_loop3A_1141 : i32
      %parallel_loop3A_1164 = arith.constant 16 : i32
      %parallel_loop3A_1165 = arith.muli %parallel_loop3A_45, %parallel_loop3A_1164 : i32
      %parallel_loop3A_1166 = arith.constant 31 : i32
      %parallel_loop3A_1167 = arith.index_cast %parallel_loop3A_1166 : i32 to index
      %parallel_loop3A_1168 = arith.index_cast %parallel_loop3A_1163 : i32 to index
      %parallel_loop3A_1169 = arith.index_cast %parallel_loop3A_1165 : i32 to index
      %parallel_loop3A_1170 = tpu.vector_load %arg7[%parallel_loop3A_1167, %parallel_loop3A_1168, %parallel_loop3A_1169] {strides = array<i32>} : memref<64x8x128xf32, #tpu.memory_space<vmem>>, vector<16xf32>,
      tpu.vector_store %arg7[%parallel_loop3A_1167, %parallel_loop3A_1168, %parallel_loop3A_1169], %parallel_loop3A_1139 {strides = array<i32>} : memref<64x8x128xf32, #tpu.memory_space<vmem>>, vector<16xf32>,
      %parallel_loop3A_1171 = arith.constant 16384 : i32
      %parallel_loop3A_1172 = vector.broadcast %parallel_loop3A_1171 : i32 to vector<16xi32>
      %parallel_loop3A_1173 = arith.addi %parallel_loop3A_50, %parallel_loop3A_1172 : vector<16xi32>
      %parallel_loop3A_1174 = tpu.vector_load_idx %arg5[%parallel_loop3A_1173] : memref<32768xf32, #tpu.memory_space<vmem>>[vector<16xi32>], vector<16xf32>,
      %parallel_loop3A_1175 = arith.constant 8 : i32
      %parallel_loop3A_1176 = arith.divsi %parallel_loop3A_5, %parallel_loop3A_1175 : i32
      %parallel_loop3A_1177 = arith.constant 0 : i32
      %parallel_loop3A_1178 = arith.cmpi sgt, %parallel_loop3A_5, %parallel_loop3A_1177 : i32
      %parallel_loop3A_1179 = arith.extui %parallel_loop3A_1178 : i1 to i32
      %parallel_loop3A_1180 = arith.constant 0 : i32
      %parallel_loop3A_1181 = arith.cmpi slt, %parallel_loop3A_5, %parallel_loop3A_1180 : i32
      %parallel_loop3A_1182 = arith.extui %parallel_loop3A_1181 : i1 to i32
      %parallel_loop3A_1183 = arith.subi %parallel_loop3A_1179, %parallel_loop3A_1182 : i32
      %parallel_loop3A_1184 = arith.constant 0 : i32
      %parallel_loop3A_1185 = arith.cmpi sgt, %parallel_loop3A_1175, %parallel_loop3A_1184 : i32
      %parallel_loop3A_1186 = arith.extui %parallel_loop3A_1185 : i1 to i32
      %parallel_loop3A_1187 = arith.constant 0 : i32
      %parallel_loop3A_1188 = arith.cmpi slt, %parallel_loop3A_1175, %parallel_loop3A_1187 : i32
      %parallel_loop3A_1189 = arith.extui %parallel_loop3A_1188 : i1 to i32
      %parallel_loop3A_1190 = arith.subi %parallel_loop3A_1186, %parallel_loop3A_1189 : i32
      %parallel_loop3A_1191 = arith.cmpi ne, %parallel_loop3A_1183, %parallel_loop3A_1190 : i32
      %parallel_loop3A_1192 = arith.remsi %parallel_loop3A_5, %parallel_loop3A_1175 : i32
      %parallel_loop3A_1193 = arith.constant 0 : i32
      %parallel_loop3A_1194 = arith.cmpi ne, %parallel_loop3A_1192, %parallel_loop3A_1193 : i32
      %parallel_loop3A_1195 = arith.andi %parallel_loop3A_1191, %parallel_loop3A_1194 : i1
      %parallel_loop3A_1196 = arith.constant 1 : i32
      %parallel_loop3A_1197 = arith.subi %parallel_loop3A_1176, %parallel_loop3A_1196 : i32
      %parallel_loop3A_1198 = arith.select %parallel_loop3A_1195, %parallel_loop3A_1197, %parallel_loop3A_1176 : i32
      %parallel_loop3A_1199 = arith.constant 16 : i32
      %parallel_loop3A_1200 = arith.muli %parallel_loop3A_45, %parallel_loop3A_1199 : i32
      %parallel_loop3A_1201 = arith.constant 32 : i32
      %parallel_loop3A_1202 = arith.index_cast %parallel_loop3A_1201 : i32 to index
      %parallel_loop3A_1203 = arith.index_cast %parallel_loop3A_1198 : i32 to index
      %parallel_loop3A_1204 = arith.index_cast %parallel_loop3A_1200 : i32 to index
      %parallel_loop3A_1205 = tpu.vector_load %arg7[%parallel_loop3A_1202, %parallel_loop3A_1203, %parallel_loop3A_1204] {strides = array<i32>} : memref<64x8x128xf32, #tpu.memory_space<vmem>>, vector<16xf32>,
      tpu.vector_store %arg7[%parallel_loop3A_1202, %parallel_loop3A_1203, %parallel_loop3A_1204], %parallel_loop3A_1174 {strides = array<i32>} : memref<64x8x128xf32, #tpu.memory_space<vmem>>, vector<16xf32>,
      %parallel_loop3A_1206 = arith.constant 16896 : i32
      %parallel_loop3A_1207 = vector.broadcast %parallel_loop3A_1206 : i32 to vector<16xi32>
      %parallel_loop3A_1208 = arith.addi %parallel_loop3A_50, %parallel_loop3A_1207 : vector<16xi32>
      %parallel_loop3A_1209 = tpu.vector_load_idx %arg5[%parallel_loop3A_1208] : memref<32768xf32, #tpu.memory_space<vmem>>[vector<16xi32>], vector<16xf32>,
      %parallel_loop3A_1210 = arith.constant 8 : i32
      %parallel_loop3A_1211 = arith.divsi %parallel_loop3A_5, %parallel_loop3A_1210 : i32
      %parallel_loop3A_1212 = arith.constant 0 : i32
      %parallel_loop3A_1213 = arith.cmpi sgt, %parallel_loop3A_5, %parallel_loop3A_1212 : i32
      %parallel_loop3A_1214 = arith.extui %parallel_loop3A_1213 : i1 to i32
      %parallel_loop3A_1215 = arith.constant 0 : i32
      %parallel_loop3A_1216 = arith.cmpi slt, %parallel_loop3A_5, %parallel_loop3A_1215 : i32
      %parallel_loop3A_1217 = arith.extui %parallel_loop3A_1216 : i1 to i32
      %parallel_loop3A_1218 = arith.subi %parallel_loop3A_1214, %parallel_loop3A_1217 : i32
      %parallel_loop3A_1219 = arith.constant 0 : i32
      %parallel_loop3A_1220 = arith.cmpi sgt, %parallel_loop3A_1210, %parallel_loop3A_1219 : i32
      %parallel_loop3A_1221 = arith.extui %parallel_loop3A_1220 : i1 to i32
      %parallel_loop3A_1222 = arith.constant 0 : i32
      %parallel_loop3A_1223 = arith.cmpi slt, %parallel_loop3A_1210, %parallel_loop3A_1222 : i32
      %parallel_loop3A_1224 = arith.extui %parallel_loop3A_1223 : i1 to i32
      %parallel_loop3A_1225 = arith.subi %parallel_loop3A_1221, %parallel_loop3A_1224 : i32
      %parallel_loop3A_1226 = arith.cmpi ne, %parallel_loop3A_1218, %parallel_loop3A_1225 : i32
      %parallel_loop3A_1227 = arith.remsi %parallel_loop3A_5, %parallel_loop3A_1210 : i32
      %parallel_loop3A_1228 = arith.constant 0 : i32
      %parallel_loop3A_1229 = arith.cmpi ne, %parallel_loop3A_1227, %parallel_loop3A_1228 : i32
      %parallel_loop3A_1230 = arith.andi %parallel_loop3A_1226, %parallel_loop3A_1229 : i1
      %parallel_loop3A_1231 = arith.constant 1 : i32
      %parallel_loop3A_1232 = arith.subi %parallel_loop3A_1211, %parallel_loop3A_1231 : i32
      %parallel_loop3A_1233 = arith.select %parallel_loop3A_1230, %parallel_loop3A_1232, %parallel_loop3A_1211 : i32
      %parallel_loop3A_1234 = arith.constant 16 : i32
      %parallel_loop3A_1235 = arith.muli %parallel_loop3A_45, %parallel_loop3A_1234 : i32
      %parallel_loop3A_1236 = arith.constant 33 : i32
      %parallel_loop3A_1237 = arith.index_cast %parallel_loop3A_1236 : i32 to index
      %parallel_loop3A_1238 = arith.index_cast %parallel_loop3A_1233 : i32 to index
      %parallel_loop3A_1239 = arith.index_cast %parallel_loop3A_1235 : i32 to index
      %parallel_loop3A_1240 = tpu.vector_load %arg7[%parallel_loop3A_1237, %parallel_loop3A_1238, %parallel_loop3A_1239] {strides = array<i32>} : memref<64x8x128xf32, #tpu.memory_space<vmem>>, vector<16xf32>,
      tpu.vector_store %arg7[%parallel_loop3A_1237, %parallel_loop3A_1238, %parallel_loop3A_1239], %parallel_loop3A_1209 {strides = array<i32>} : memref<64x8x128xf32, #tpu.memory_space<vmem>>, vector<16xf32>,
      %parallel_loop3A_1241 = arith.constant 17408 : i32
      %parallel_loop3A_1242 = vector.broadcast %parallel_loop3A_1241 : i32 to vector<16xi32>
      %parallel_loop3A_1243 = arith.addi %parallel_loop3A_50, %parallel_loop3A_1242 : vector<16xi32>
      %parallel_loop3A_1244 = tpu.vector_load_idx %arg5[%parallel_loop3A_1243] : memref<32768xf32, #tpu.memory_space<vmem>>[vector<16xi32>], vector<16xf32>,
      %parallel_loop3A_1245 = arith.constant 8 : i32
      %parallel_loop3A_1246 = arith.divsi %parallel_loop3A_5, %parallel_loop3A_1245 : i32
      %parallel_loop3A_1247 = arith.constant 0 : i32
      %parallel_loop3A_1248 = arith.cmpi sgt, %parallel_loop3A_5, %parallel_loop3A_1247 : i32
      %parallel_loop3A_1249 = arith.extui %parallel_loop3A_1248 : i1 to i32
      %parallel_loop3A_1250 = arith.constant 0 : i32
      %parallel_loop3A_1251 = arith.cmpi slt, %parallel_loop3A_5, %parallel_loop3A_1250 : i32
      %parallel_loop3A_1252 = arith.extui %parallel_loop3A_1251 : i1 to i32
      %parallel_loop3A_1253 = arith.subi %parallel_loop3A_1249, %parallel_loop3A_1252 : i32
      %parallel_loop3A_1254 = arith.constant 0 : i32
      %parallel_loop3A_1255 = arith.cmpi sgt, %parallel_loop3A_1245, %parallel_loop3A_1254 : i32
      %parallel_loop3A_1256 = arith.extui %parallel_loop3A_1255 : i1 to i32
      %parallel_loop3A_1257 = arith.constant 0 : i32
      %parallel_loop3A_1258 = arith.cmpi slt, %parallel_loop3A_1245, %parallel_loop3A_1257 : i32
      %parallel_loop3A_1259 = arith.extui %parallel_loop3A_1258 : i1 to i32
      %parallel_loop3A_1260 = arith.subi %parallel_loop3A_1256, %parallel_loop3A_1259 : i32
      %parallel_loop3A_1261 = arith.cmpi ne, %parallel_loop3A_1253, %parallel_loop3A_1260 : i32
      %parallel_loop3A_1262 = arith.remsi %parallel_loop3A_5, %parallel_loop3A_1245 : i32
      %parallel_loop3A_1263 = arith.constant 0 : i32
      %parallel_loop3A_1264 = arith.cmpi ne, %parallel_loop3A_1262, %parallel_loop3A_1263 : i32
      %parallel_loop3A_1265 = arith.andi %parallel_loop3A_1261, %parallel_loop3A_1264 : i1
      %parallel_loop3A_1266 = arith.constant 1 : i32
      %parallel_loop3A_1267 = arith.subi %parallel_loop3A_1246, %parallel_loop3A_1266 : i32
      %parallel_loop3A_1268 = arith.select %parallel_loop3A_1265, %parallel_loop3A_1267, %parallel_loop3A_1246 : i32
      %parallel_loop3A_1269 = arith.constant 16 : i32
      %parallel_loop3A_1270 = arith.muli %parallel_loop3A_45, %parallel_loop3A_1269 : i32
      %parallel_loop3A_1271 = arith.constant 34 : i32
      %parallel_loop3A_1272 = arith.index_cast %parallel_loop3A_1271 : i32 to index
      %parallel_loop3A_1273 = arith.index_cast %parallel_loop3A_1268 : i32 to index
      %parallel_loop3A_1274 = arith.index_cast %parallel_loop3A_1270 : i32 to index
      %parallel_loop3A_1275 = tpu.vector_load %arg7[%parallel_loop3A_1272, %parallel_loop3A_1273, %parallel_loop3A_1274] {strides = array<i32>} : memref<64x8x128xf32, #tpu.memory_space<vmem>>, vector<16xf32>,
      tpu.vector_store %arg7[%parallel_loop3A_1272, %parallel_loop3A_1273, %parallel_loop3A_1274], %parallel_loop3A_1244 {strides = array<i32>} : memref<64x8x128xf32, #tpu.memory_space<vmem>>, vector<16xf32>,
      %parallel_loop3A_1276 = arith.constant 17920 : i32
      %parallel_loop3A_1277 = vector.broadcast %parallel_loop3A_1276 : i32 to vector<16xi32>
      %parallel_loop3A_1278 = arith.addi %parallel_loop3A_50, %parallel_loop3A_1277 : vector<16xi32>
      %parallel_loop3A_1279 = tpu.vector_load_idx %arg5[%parallel_loop3A_1278] : memref<32768xf32, #tpu.memory_space<vmem>>[vector<16xi32>], vector<16xf32>,
      %parallel_loop3A_1280 = arith.constant 8 : i32
      %parallel_loop3A_1281 = arith.divsi %parallel_loop3A_5, %parallel_loop3A_1280 : i32
      %parallel_loop3A_1282 = arith.constant 0 : i32
      %parallel_loop3A_1283 = arith.cmpi sgt, %parallel_loop3A_5, %parallel_loop3A_1282 : i32
      %parallel_loop3A_1284 = arith.extui %parallel_loop3A_1283 : i1 to i32
      %parallel_loop3A_1285 = arith.constant 0 : i32
      %parallel_loop3A_1286 = arith.cmpi slt, %parallel_loop3A_5, %parallel_loop3A_1285 : i32
      %parallel_loop3A_1287 = arith.extui %parallel_loop3A_1286 : i1 to i32
      %parallel_loop3A_1288 = arith.subi %parallel_loop3A_1284, %parallel_loop3A_1287 : i32
      %parallel_loop3A_1289 = arith.constant 0 : i32
      %parallel_loop3A_1290 = arith.cmpi sgt, %parallel_loop3A_1280, %parallel_loop3A_1289 : i32
      %parallel_loop3A_1291 = arith.extui %parallel_loop3A_1290 : i1 to i32
      %parallel_loop3A_1292 = arith.constant 0 : i32
      %parallel_loop3A_1293 = arith.cmpi slt, %parallel_loop3A_1280, %parallel_loop3A_1292 : i32
      %parallel_loop3A_1294 = arith.extui %parallel_loop3A_1293 : i1 to i32
      %parallel_loop3A_1295 = arith.subi %parallel_loop3A_1291, %parallel_loop3A_1294 : i32
      %parallel_loop3A_1296 = arith.cmpi ne, %parallel_loop3A_1288, %parallel_loop3A_1295 : i32
      %parallel_loop3A_1297 = arith.remsi %parallel_loop3A_5, %parallel_loop3A_1280 : i32
      %parallel_loop3A_1298 = arith.constant 0 : i32
      %parallel_loop3A_1299 = arith.cmpi ne, %parallel_loop3A_1297, %parallel_loop3A_1298 : i32
      %parallel_loop3A_1300 = arith.andi %parallel_loop3A_1296, %parallel_loop3A_1299 : i1
      %parallel_loop3A_1301 = arith.constant 1 : i32
      %parallel_loop3A_1302 = arith.subi %parallel_loop3A_1281, %parallel_loop3A_1301 : i32
      %parallel_loop3A_1303 = arith.select %parallel_loop3A_1300, %parallel_loop3A_1302, %parallel_loop3A_1281 : i32
      %parallel_loop3A_1304 = arith.constant 16 : i32
      %parallel_loop3A_1305 = arith.muli %parallel_loop3A_45, %parallel_loop3A_1304 : i32
      %parallel_loop3A_1306 = arith.constant 35 : i32
      %parallel_loop3A_1307 = arith.index_cast %parallel_loop3A_1306 : i32 to index
      %parallel_loop3A_1308 = arith.index_cast %parallel_loop3A_1303 : i32 to index
      %parallel_loop3A_1309 = arith.index_cast %parallel_loop3A_1305 : i32 to index
      %parallel_loop3A_1310 = tpu.vector_load %arg7[%parallel_loop3A_1307, %parallel_loop3A_1308, %parallel_loop3A_1309] {strides = array<i32>} : memref<64x8x128xf32, #tpu.memory_space<vmem>>, vector<16xf32>,
      tpu.vector_store %arg7[%parallel_loop3A_1307, %parallel_loop3A_1308, %parallel_loop3A_1309], %parallel_loop3A_1279 {strides = array<i32>} : memref<64x8x128xf32, #tpu.memory_space<vmem>>, vector<16xf32>,
      %parallel_loop3A_1311 = arith.constant 18432 : i32
      %parallel_loop3A_1312 = vector.broadcast %parallel_loop3A_1311 : i32 to vector<16xi32>
      %parallel_loop3A_1313 = arith.addi %parallel_loop3A_50, %parallel_loop3A_1312 : vector<16xi32>
      %parallel_loop3A_1314 = tpu.vector_load_idx %arg5[%parallel_loop3A_1313] : memref<32768xf32, #tpu.memory_space<vmem>>[vector<16xi32>], vector<16xf32>,
      %parallel_loop3A_1315 = arith.constant 8 : i32
      %parallel_loop3A_1316 = arith.divsi %parallel_loop3A_5, %parallel_loop3A_1315 : i32
      %parallel_loop3A_1317 = arith.constant 0 : i32
      %parallel_loop3A_1318 = arith.cmpi sgt, %parallel_loop3A_5, %parallel_loop3A_1317 : i32
      %parallel_loop3A_1319 = arith.extui %parallel_loop3A_1318 : i1 to i32
      %parallel_loop3A_1320 = arith.constant 0 : i32
      %parallel_loop3A_1321 = arith.cmpi slt, %parallel_loop3A_5, %parallel_loop3A_1320 : i32
      %parallel_loop3A_1322 = arith.extui %parallel_loop3A_1321 : i1 to i32
      %parallel_loop3A_1323 = arith.subi %parallel_loop3A_1319, %parallel_loop3A_1322 : i32
      %parallel_loop3A_1324 = arith.constant 0 : i32
      %parallel_loop3A_1325 = arith.cmpi sgt, %parallel_loop3A_1315, %parallel_loop3A_1324 : i32
      %parallel_loop3A_1326 = arith.extui %parallel_loop3A_1325 : i1 to i32
      %parallel_loop3A_1327 = arith.constant 0 : i32
      %parallel_loop3A_1328 = arith.cmpi slt, %parallel_loop3A_1315, %parallel_loop3A_1327 : i32
      %parallel_loop3A_1329 = arith.extui %parallel_loop3A_1328 : i1 to i32
      %parallel_loop3A_1330 = arith.subi %parallel_loop3A_1326, %parallel_loop3A_1329 : i32
      %parallel_loop3A_1331 = arith.cmpi ne, %parallel_loop3A_1323, %parallel_loop3A_1330 : i32
      %parallel_loop3A_1332 = arith.remsi %parallel_loop3A_5, %parallel_loop3A_1315 : i32
      %parallel_loop3A_1333 = arith.constant 0 : i32
      %parallel_loop3A_1334 = arith.cmpi ne, %parallel_loop3A_1332, %parallel_loop3A_1333 : i32
      %parallel_loop3A_1335 = arith.andi %parallel_loop3A_1331, %parallel_loop3A_1334 : i1
      %parallel_loop3A_1336 = arith.constant 1 : i32
      %parallel_loop3A_1337 = arith.subi %parallel_loop3A_1316, %parallel_loop3A_1336 : i32
      %parallel_loop3A_1338 = arith.select %parallel_loop3A_1335, %parallel_loop3A_1337, %parallel_loop3A_1316 : i32
      %parallel_loop3A_1339 = arith.constant 16 : i32
      %parallel_loop3A_1340 = arith.muli %parallel_loop3A_45, %parallel_loop3A_1339 : i32
      %parallel_loop3A_1341 = arith.constant 36 : i32
      %parallel_loop3A_1342 = arith.index_cast %parallel_loop3A_1341 : i32 to index
      %parallel_loop3A_1343 = arith.index_cast %parallel_loop3A_1338 : i32 to index
      %parallel_loop3A_1344 = arith.index_cast %parallel_loop3A_1340 : i32 to index
      %parallel_loop3A_1345 = tpu.vector_load %arg7[%parallel_loop3A_1342, %parallel_loop3A_1343, %parallel_loop3A_1344] {strides = array<i32>} : memref<64x8x128xf32, #tpu.memory_space<vmem>>, vector<16xf32>,
      tpu.vector_store %arg7[%parallel_loop3A_1342, %parallel_loop3A_1343, %parallel_loop3A_1344], %parallel_loop3A_1314 {strides = array<i32>} : memref<64x8x128xf32, #tpu.memory_space<vmem>>, vector<16xf32>,
      %parallel_loop3A_1346 = arith.constant 18944 : i32
      %parallel_loop3A_1347 = vector.broadcast %parallel_loop3A_1346 : i32 to vector<16xi32>
      %parallel_loop3A_1348 = arith.addi %parallel_loop3A_50, %parallel_loop3A_1347 : vector<16xi32>
      %parallel_loop3A_1349 = tpu.vector_load_idx %arg5[%parallel_loop3A_1348] : memref<32768xf32, #tpu.memory_space<vmem>>[vector<16xi32>], vector<16xf32>,
      %parallel_loop3A_1350 = arith.constant 8 : i32
      %parallel_loop3A_1351 = arith.divsi %parallel_loop3A_5, %parallel_loop3A_1350 : i32
      %parallel_loop3A_1352 = arith.constant 0 : i32
      %parallel_loop3A_1353 = arith.cmpi sgt, %parallel_loop3A_5, %parallel_loop3A_1352 : i32
      %parallel_loop3A_1354 = arith.extui %parallel_loop3A_1353 : i1 to i32
      %parallel_loop3A_1355 = arith.constant 0 : i32
      %parallel_loop3A_1356 = arith.cmpi slt, %parallel_loop3A_5, %parallel_loop3A_1355 : i32
      %parallel_loop3A_1357 = arith.extui %parallel_loop3A_1356 : i1 to i32
      %parallel_loop3A_1358 = arith.subi %parallel_loop3A_1354, %parallel_loop3A_1357 : i32
      %parallel_loop3A_1359 = arith.constant 0 : i32
      %parallel_loop3A_1360 = arith.cmpi sgt, %parallel_loop3A_1350, %parallel_loop3A_1359 : i32
      %parallel_loop3A_1361 = arith.extui %parallel_loop3A_1360 : i1 to i32
      %parallel_loop3A_1362 = arith.constant 0 : i32
      %parallel_loop3A_1363 = arith.cmpi slt, %parallel_loop3A_1350, %parallel_loop3A_1362 : i32
      %parallel_loop3A_1364 = arith.extui %parallel_loop3A_1363 : i1 to i32
      %parallel_loop3A_1365 = arith.subi %parallel_loop3A_1361, %parallel_loop3A_1364 : i32
      %parallel_loop3A_1366 = arith.cmpi ne, %parallel_loop3A_1358, %parallel_loop3A_1365 : i32
      %parallel_loop3A_1367 = arith.remsi %parallel_loop3A_5, %parallel_loop3A_1350 : i32
      %parallel_loop3A_1368 = arith.constant 0 : i32
      %parallel_loop3A_1369 = arith.cmpi ne, %parallel_loop3A_1367, %parallel_loop3A_1368 : i32
      %parallel_loop3A_1370 = arith.andi %parallel_loop3A_1366, %parallel_loop3A_1369 : i1
      %parallel_loop3A_1371 = arith.constant 1 : i32
      %parallel_loop3A_1372 = arith.subi %parallel_loop3A_1351, %parallel_loop3A_1371 : i32
      %parallel_loop3A_1373 = arith.select %parallel_loop3A_1370, %parallel_loop3A_1372, %parallel_loop3A_1351 : i32
      %parallel_loop3A_1374 = arith.constant 16 : i32
      %parallel_loop3A_1375 = arith.muli %parallel_loop3A_45, %parallel_loop3A_1374 : i32
      %parallel_loop3A_1376 = arith.constant 37 : i32
      %parallel_loop3A_1377 = arith.index_cast %parallel_loop3A_1376 : i32 to index
      %parallel_loop3A_1378 = arith.index_cast %parallel_loop3A_1373 : i32 to index
      %parallel_loop3A_1379 = arith.index_cast %parallel_loop3A_1375 : i32 to index
      %parallel_loop3A_1380 = tpu.vector_load %arg7[%parallel_loop3A_1377, %parallel_loop3A_1378, %parallel_loop3A_1379] {strides = array<i32>} : memref<64x8x128xf32, #tpu.memory_space<vmem>>, vector<16xf32>,
      tpu.vector_store %arg7[%parallel_loop3A_1377, %parallel_loop3A_1378, %parallel_loop3A_1379], %parallel_loop3A_1349 {strides = array<i32>} : memref<64x8x128xf32, #tpu.memory_space<vmem>>, vector<16xf32>,
      %parallel_loop3A_1381 = arith.constant 19456 : i32
      %parallel_loop3A_1382 = vector.broadcast %parallel_loop3A_1381 : i32 to vector<16xi32>
      %parallel_loop3A_1383 = arith.addi %parallel_loop3A_50, %parallel_loop3A_1382 : vector<16xi32>
      %parallel_loop3A_1384 = tpu.vector_load_idx %arg5[%parallel_loop3A_1383] : memref<32768xf32, #tpu.memory_space<vmem>>[vector<16xi32>], vector<16xf32>,
      %parallel_loop3A_1385 = arith.constant 8 : i32
      %parallel_loop3A_1386 = arith.divsi %parallel_loop3A_5, %parallel_loop3A_1385 : i32
      %parallel_loop3A_1387 = arith.constant 0 : i32
      %parallel_loop3A_1388 = arith.cmpi sgt, %parallel_loop3A_5, %parallel_loop3A_1387 : i32
      %parallel_loop3A_1389 = arith.extui %parallel_loop3A_1388 : i1 to i32
      %parallel_loop3A_1390 = arith.constant 0 : i32
      %parallel_loop3A_1391 = arith.cmpi slt, %parallel_loop3A_5, %parallel_loop3A_1390 : i32
      %parallel_loop3A_1392 = arith.extui %parallel_loop3A_1391 : i1 to i32
      %parallel_loop3A_1393 = arith.subi %parallel_loop3A_1389, %parallel_loop3A_1392 : i32
      %parallel_loop3A_1394 = arith.constant 0 : i32
      %parallel_loop3A_1395 = arith.cmpi sgt, %parallel_loop3A_1385, %parallel_loop3A_1394 : i32
      %parallel_loop3A_1396 = arith.extui %parallel_loop3A_1395 : i1 to i32
      %parallel_loop3A_1397 = arith.constant 0 : i32
      %parallel_loop3A_1398 = arith.cmpi slt, %parallel_loop3A_1385, %parallel_loop3A_1397 : i32
      %parallel_loop3A_1399 = arith.extui %parallel_loop3A_1398 : i1 to i32
      %parallel_loop3A_1400 = arith.subi %parallel_loop3A_1396, %parallel_loop3A_1399 : i32
      %parallel_loop3A_1401 = arith.cmpi ne, %parallel_loop3A_1393, %parallel_loop3A_1400 : i32
      %parallel_loop3A_1402 = arith.remsi %parallel_loop3A_5, %parallel_loop3A_1385 : i32
      %parallel_loop3A_1403 = arith.constant 0 : i32
      %parallel_loop3A_1404 = arith.cmpi ne, %parallel_loop3A_1402, %parallel_loop3A_1403 : i32
      %parallel_loop3A_1405 = arith.andi %parallel_loop3A_1401, %parallel_loop3A_1404 : i1
      %parallel_loop3A_1406 = arith.constant 1 : i32
      %parallel_loop3A_1407 = arith.subi %parallel_loop3A_1386, %parallel_loop3A_1406 : i32
      %parallel_loop3A_1408 = arith.select %parallel_loop3A_1405, %parallel_loop3A_1407, %parallel_loop3A_1386 : i32
      %parallel_loop3A_1409 = arith.constant 16 : i32
      %parallel_loop3A_1410 = arith.muli %parallel_loop3A_45, %parallel_loop3A_1409 : i32
      %parallel_loop3A_1411 = arith.constant 38 : i32
      %parallel_loop3A_1412 = arith.index_cast %parallel_loop3A_1411 : i32 to index
      %parallel_loop3A_1413 = arith.index_cast %parallel_loop3A_1408 : i32 to index
      %parallel_loop3A_1414 = arith.index_cast %parallel_loop3A_1410 : i32 to index
      %parallel_loop3A_1415 = tpu.vector_load %arg7[%parallel_loop3A_1412, %parallel_loop3A_1413, %parallel_loop3A_1414] {strides = array<i32>} : memref<64x8x128xf32, #tpu.memory_space<vmem>>, vector<16xf32>,
      tpu.vector_store %arg7[%parallel_loop3A_1412, %parallel_loop3A_1413, %parallel_loop3A_1414], %parallel_loop3A_1384 {strides = array<i32>} : memref<64x8x128xf32, #tpu.memory_space<vmem>>, vector<16xf32>,
      %parallel_loop3A_1416 = arith.constant 19968 : i32
      %parallel_loop3A_1417 = vector.broadcast %parallel_loop3A_1416 : i32 to vector<16xi32>
      %parallel_loop3A_1418 = arith.addi %parallel_loop3A_50, %parallel_loop3A_1417 : vector<16xi32>
      %parallel_loop3A_1419 = tpu.vector_load_idx %arg5[%parallel_loop3A_1418] : memref<32768xf32, #tpu.memory_space<vmem>>[vector<16xi32>], vector<16xf32>,
      %parallel_loop3A_1420 = arith.constant 8 : i32
      %parallel_loop3A_1421 = arith.divsi %parallel_loop3A_5, %parallel_loop3A_1420 : i32
      %parallel_loop3A_1422 = arith.constant 0 : i32
      %parallel_loop3A_1423 = arith.cmpi sgt, %parallel_loop3A_5, %parallel_loop3A_1422 : i32
      %parallel_loop3A_1424 = arith.extui %parallel_loop3A_1423 : i1 to i32
      %parallel_loop3A_1425 = arith.constant 0 : i32
      %parallel_loop3A_1426 = arith.cmpi slt, %parallel_loop3A_5, %parallel_loop3A_1425 : i32
      %parallel_loop3A_1427 = arith.extui %parallel_loop3A_1426 : i1 to i32
      %parallel_loop3A_1428 = arith.subi %parallel_loop3A_1424, %parallel_loop3A_1427 : i32
      %parallel_loop3A_1429 = arith.constant 0 : i32
      %parallel_loop3A_1430 = arith.cmpi sgt, %parallel_loop3A_1420, %parallel_loop3A_1429 : i32
      %parallel_loop3A_1431 = arith.extui %parallel_loop3A_1430 : i1 to i32
      %parallel_loop3A_1432 = arith.constant 0 : i32
      %parallel_loop3A_1433 = arith.cmpi slt, %parallel_loop3A_1420, %parallel_loop3A_1432 : i32
      %parallel_loop3A_1434 = arith.extui %parallel_loop3A_1433 : i1 to i32
      %parallel_loop3A_1435 = arith.subi %parallel_loop3A_1431, %parallel_loop3A_1434 : i32
      %parallel_loop3A_1436 = arith.cmpi ne, %parallel_loop3A_1428, %parallel_loop3A_1435 : i32
      %parallel_loop3A_1437 = arith.remsi %parallel_loop3A_5, %parallel_loop3A_1420 : i32
      %parallel_loop3A_1438 = arith.constant 0 : i32
      %parallel_loop3A_1439 = arith.cmpi ne, %parallel_loop3A_1437, %parallel_loop3A_1438 : i32
      %parallel_loop3A_1440 = arith.andi %parallel_loop3A_1436, %parallel_loop3A_1439 : i1
      %parallel_loop3A_1441 = arith.constant 1 : i32
      %parallel_loop3A_1442 = arith.subi %parallel_loop3A_1421, %parallel_loop3A_1441 : i32
      %parallel_loop3A_1443 = arith.select %parallel_loop3A_1440, %parallel_loop3A_1442, %parallel_loop3A_1421 : i32
      %parallel_loop3A_1444 = arith.constant 16 : i32
      %parallel_loop3A_1445 = arith.muli %parallel_loop3A_45, %parallel_loop3A_1444 : i32
      %parallel_loop3A_1446 = arith.constant 39 : i32
      %parallel_loop3A_1447 = arith.index_cast %parallel_loop3A_1446 : i32 to index
      %parallel_loop3A_1448 = arith.index_cast %parallel_loop3A_1443 : i32 to index
      %parallel_loop3A_1449 = arith.index_cast %parallel_loop3A_1445 : i32 to index
      %parallel_loop3A_1450 = tpu.vector_load %arg7[%parallel_loop3A_1447, %parallel_loop3A_1448, %parallel_loop3A_1449] {strides = array<i32>} : memref<64x8x128xf32, #tpu.memory_space<vmem>>, vector<16xf32>,
      tpu.vector_store %arg7[%parallel_loop3A_1447, %parallel_loop3A_1448, %parallel_loop3A_1449], %parallel_loop3A_1419 {strides = array<i32>} : memref<64x8x128xf32, #tpu.memory_space<vmem>>, vector<16xf32>,
      %parallel_loop3A_1451 = arith.constant 20480 : i32
      %parallel_loop3A_1452 = vector.broadcast %parallel_loop3A_1451 : i32 to vector<16xi32>
      %parallel_loop3A_1453 = arith.addi %parallel_loop3A_50, %parallel_loop3A_1452 : vector<16xi32>
      %parallel_loop3A_1454 = tpu.vector_load_idx %arg5[%parallel_loop3A_1453] : memref<32768xf32, #tpu.memory_space<vmem>>[vector<16xi32>], vector<16xf32>,
      %parallel_loop3A_1455 = arith.constant 8 : i32
      %parallel_loop3A_1456 = arith.divsi %parallel_loop3A_5, %parallel_loop3A_1455 : i32
      %parallel_loop3A_1457 = arith.constant 0 : i32
      %parallel_loop3A_1458 = arith.cmpi sgt, %parallel_loop3A_5, %parallel_loop3A_1457 : i32
      %parallel_loop3A_1459 = arith.extui %parallel_loop3A_1458 : i1 to i32
      %parallel_loop3A_1460 = arith.constant 0 : i32
      %parallel_loop3A_1461 = arith.cmpi slt, %parallel_loop3A_5, %parallel_loop3A_1460 : i32
      %parallel_loop3A_1462 = arith.extui %parallel_loop3A_1461 : i1 to i32
      %parallel_loop3A_1463 = arith.subi %parallel_loop3A_1459, %parallel_loop3A_1462 : i32
      %parallel_loop3A_1464 = arith.constant 0 : i32
      %parallel_loop3A_1465 = arith.cmpi sgt, %parallel_loop3A_1455, %parallel_loop3A_1464 : i32
      %parallel_loop3A_1466 = arith.extui %parallel_loop3A_1465 : i1 to i32
      %parallel_loop3A_1467 = arith.constant 0 : i32
      %parallel_loop3A_1468 = arith.cmpi slt, %parallel_loop3A_1455, %parallel_loop3A_1467 : i32
      %parallel_loop3A_1469 = arith.extui %parallel_loop3A_1468 : i1 to i32
      %parallel_loop3A_1470 = arith.subi %parallel_loop3A_1466, %parallel_loop3A_1469 : i32
      %parallel_loop3A_1471 = arith.cmpi ne, %parallel_loop3A_1463, %parallel_loop3A_1470 : i32
      %parallel_loop3A_1472 = arith.remsi %parallel_loop3A_5, %parallel_loop3A_1455 : i32
      %parallel_loop3A_1473 = arith.constant 0 : i32
      %parallel_loop3A_1474 = arith.cmpi ne, %parallel_loop3A_1472, %parallel_loop3A_1473 : i32
      %parallel_loop3A_1475 = arith.andi %parallel_loop3A_1471, %parallel_loop3A_1474 : i1
      %parallel_loop3A_1476 = arith.constant 1 : i32
      %parallel_loop3A_1477 = arith.subi %parallel_loop3A_1456, %parallel_loop3A_1476 : i32
      %parallel_loop3A_1478 = arith.select %parallel_loop3A_1475, %parallel_loop3A_1477, %parallel_loop3A_1456 : i32
      %parallel_loop3A_1479 = arith.constant 16 : i32
      %parallel_loop3A_1480 = arith.muli %parallel_loop3A_45, %parallel_loop3A_1479 : i32
      %parallel_loop3A_1481 = arith.constant 40 : i32
      %parallel_loop3A_1482 = arith.index_cast %parallel_loop3A_1481 : i32 to index
      %parallel_loop3A_1483 = arith.index_cast %parallel_loop3A_1478 : i32 to index
      %parallel_loop3A_1484 = arith.index_cast %parallel_loop3A_1480 : i32 to index
      %parallel_loop3A_1485 = tpu.vector_load %arg7[%parallel_loop3A_1482, %parallel_loop3A_1483, %parallel_loop3A_1484] {strides = array<i32>} : memref<64x8x128xf32, #tpu.memory_space<vmem>>, vector<16xf32>,
      tpu.vector_store %arg7[%parallel_loop3A_1482, %parallel_loop3A_1483, %parallel_loop3A_1484], %parallel_loop3A_1454 {strides = array<i32>} : memref<64x8x128xf32, #tpu.memory_space<vmem>>, vector<16xf32>,
      %parallel_loop3A_1486 = arith.constant 20992 : i32
      %parallel_loop3A_1487 = vector.broadcast %parallel_loop3A_1486 : i32 to vector<16xi32>
      %parallel_loop3A_1488 = arith.addi %parallel_loop3A_50, %parallel_loop3A_1487 : vector<16xi32>
      %parallel_loop3A_1489 = tpu.vector_load_idx %arg5[%parallel_loop3A_1488] : memref<32768xf32, #tpu.memory_space<vmem>>[vector<16xi32>], vector<16xf32>,
      %parallel_loop3A_1490 = arith.constant 8 : i32
      %parallel_loop3A_1491 = arith.divsi %parallel_loop3A_5, %parallel_loop3A_1490 : i32
      %parallel_loop3A_1492 = arith.constant 0 : i32
      %parallel_loop3A_1493 = arith.cmpi sgt, %parallel_loop3A_5, %parallel_loop3A_1492 : i32
      %parallel_loop3A_1494 = arith.extui %parallel_loop3A_1493 : i1 to i32
      %parallel_loop3A_1495 = arith.constant 0 : i32
      %parallel_loop3A_1496 = arith.cmpi slt, %parallel_loop3A_5, %parallel_loop3A_1495 : i32
      %parallel_loop3A_1497 = arith.extui %parallel_loop3A_1496 : i1 to i32
      %parallel_loop3A_1498 = arith.subi %parallel_loop3A_1494, %parallel_loop3A_1497 : i32
      %parallel_loop3A_1499 = arith.constant 0 : i32
      %parallel_loop3A_1500 = arith.cmpi sgt, %parallel_loop3A_1490, %parallel_loop3A_1499 : i32
      %parallel_loop3A_1501 = arith.extui %parallel_loop3A_1500 : i1 to i32
      %parallel_loop3A_1502 = arith.constant 0 : i32
      %parallel_loop3A_1503 = arith.cmpi slt, %parallel_loop3A_1490, %parallel_loop3A_1502 : i32
      %parallel_loop3A_1504 = arith.extui %parallel_loop3A_1503 : i1 to i32
      %parallel_loop3A_1505 = arith.subi %parallel_loop3A_1501, %parallel_loop3A_1504 : i32
      %parallel_loop3A_1506 = arith.cmpi ne, %parallel_loop3A_1498, %parallel_loop3A_1505 : i32
      %parallel_loop3A_1507 = arith.remsi %parallel_loop3A_5, %parallel_loop3A_1490 : i32
      %parallel_loop3A_1508 = arith.constant 0 : i32
      %parallel_loop3A_1509 = arith.cmpi ne, %parallel_loop3A_1507, %parallel_loop3A_1508 : i32
      %parallel_loop3A_1510 = arith.andi %parallel_loop3A_1506, %parallel_loop3A_1509 : i1
      %parallel_loop3A_1511 = arith.constant 1 : i32
      %parallel_loop3A_1512 = arith.subi %parallel_loop3A_1491, %parallel_loop3A_1511 : i32
      %parallel_loop3A_1513 = arith.select %parallel_loop3A_1510, %parallel_loop3A_1512, %parallel_loop3A_1491 : i32
      %parallel_loop3A_1514 = arith.constant 16 : i32
      %parallel_loop3A_1515 = arith.muli %parallel_loop3A_45, %parallel_loop3A_1514 : i32
      %parallel_loop3A_1516 = arith.constant 41 : i32
      %parallel_loop3A_1517 = arith.index_cast %parallel_loop3A_1516 : i32 to index
      %parallel_loop3A_1518 = arith.index_cast %parallel_loop3A_1513 : i32 to index
      %parallel_loop3A_1519 = arith.index_cast %parallel_loop3A_1515 : i32 to index
      %parallel_loop3A_1520 = tpu.vector_load %arg7[%parallel_loop3A_1517, %parallel_loop3A_1518, %parallel_loop3A_1519] {strides = array<i32>} : memref<64x8x128xf32, #tpu.memory_space<vmem>>, vector<16xf32>,
      tpu.vector_store %arg7[%parallel_loop3A_1517, %parallel_loop3A_1518, %parallel_loop3A_1519], %parallel_loop3A_1489 {strides = array<i32>} : memref<64x8x128xf32, #tpu.memory_space<vmem>>, vector<16xf32>,
      %parallel_loop3A_1521 = arith.constant 21504 : i32
      %parallel_loop3A_1522 = vector.broadcast %parallel_loop3A_1521 : i32 to vector<16xi32>
      %parallel_loop3A_1523 = arith.addi %parallel_loop3A_50, %parallel_loop3A_1522 : vector<16xi32>
      %parallel_loop3A_1524 = tpu.vector_load_idx %arg5[%parallel_loop3A_1523] : memref<32768xf32, #tpu.memory_space<vmem>>[vector<16xi32>], vector<16xf32>,
      %parallel_loop3A_1525 = arith.constant 8 : i32
      %parallel_loop3A_1526 = arith.divsi %parallel_loop3A_5, %parallel_loop3A_1525 : i32
      %parallel_loop3A_1527 = arith.constant 0 : i32
      %parallel_loop3A_1528 = arith.cmpi sgt, %parallel_loop3A_5, %parallel_loop3A_1527 : i32
      %parallel_loop3A_1529 = arith.extui %parallel_loop3A_1528 : i1 to i32
      %parallel_loop3A_1530 = arith.constant 0 : i32
      %parallel_loop3A_1531 = arith.cmpi slt, %parallel_loop3A_5, %parallel_loop3A_1530 : i32
      %parallel_loop3A_1532 = arith.extui %parallel_loop3A_1531 : i1 to i32
      %parallel_loop3A_1533 = arith.subi %parallel_loop3A_1529, %parallel_loop3A_1532 : i32
      %parallel_loop3A_1534 = arith.constant 0 : i32
      %parallel_loop3A_1535 = arith.cmpi sgt, %parallel_loop3A_1525, %parallel_loop3A_1534 : i32
      %parallel_loop3A_1536 = arith.extui %parallel_loop3A_1535 : i1 to i32
      %parallel_loop3A_1537 = arith.constant 0 : i32
      %parallel_loop3A_1538 = arith.cmpi slt, %parallel_loop3A_1525, %parallel_loop3A_1537 : i32
      %parallel_loop3A_1539 = arith.extui %parallel_loop3A_1538 : i1 to i32
      %parallel_loop3A_1540 = arith.subi %parallel_loop3A_1536, %parallel_loop3A_1539 : i32
      %parallel_loop3A_1541 = arith.cmpi ne, %parallel_loop3A_1533, %parallel_loop3A_1540 : i32
      %parallel_loop3A_1542 = arith.remsi %parallel_loop3A_5, %parallel_loop3A_1525 : i32
      %parallel_loop3A_1543 = arith.constant 0 : i32
      %parallel_loop3A_1544 = arith.cmpi ne, %parallel_loop3A_1542, %parallel_loop3A_1543 : i32
      %parallel_loop3A_1545 = arith.andi %parallel_loop3A_1541, %parallel_loop3A_1544 : i1
      %parallel_loop3A_1546 = arith.constant 1 : i32
      %parallel_loop3A_1547 = arith.subi %parallel_loop3A_1526, %parallel_loop3A_1546 : i32
      %parallel_loop3A_1548 = arith.select %parallel_loop3A_1545, %parallel_loop3A_1547, %parallel_loop3A_1526 : i32
      %parallel_loop3A_1549 = arith.constant 16 : i32
      %parallel_loop3A_1550 = arith.muli %parallel_loop3A_45, %parallel_loop3A_1549 : i32
      %parallel_loop3A_1551 = arith.constant 42 : i32
      %parallel_loop3A_1552 = arith.index_cast %parallel_loop3A_1551 : i32 to index
      %parallel_loop3A_1553 = arith.index_cast %parallel_loop3A_1548 : i32 to index
      %parallel_loop3A_1554 = arith.index_cast %parallel_loop3A_1550 : i32 to index
      %parallel_loop3A_1555 = tpu.vector_load %arg7[%parallel_loop3A_1552, %parallel_loop3A_1553, %parallel_loop3A_1554] {strides = array<i32>} : memref<64x8x128xf32, #tpu.memory_space<vmem>>, vector<16xf32>,
      tpu.vector_store %arg7[%parallel_loop3A_1552, %parallel_loop3A_1553, %parallel_loop3A_1554], %parallel_loop3A_1524 {strides = array<i32>} : memref<64x8x128xf32, #tpu.memory_space<vmem>>, vector<16xf32>,
      %parallel_loop3A_1556 = arith.constant 22016 : i32
      %parallel_loop3A_1557 = vector.broadcast %parallel_loop3A_1556 : i32 to vector<16xi32>
      %parallel_loop3A_1558 = arith.addi %parallel_loop3A_50, %parallel_loop3A_1557 : vector<16xi32>
      %parallel_loop3A_1559 = tpu.vector_load_idx %arg5[%parallel_loop3A_1558] : memref<32768xf32, #tpu.memory_space<vmem>>[vector<16xi32>], vector<16xf32>,
      %parallel_loop3A_1560 = arith.constant 8 : i32
      %parallel_loop3A_1561 = arith.divsi %parallel_loop3A_5, %parallel_loop3A_1560 : i32
      %parallel_loop3A_1562 = arith.constant 0 : i32
      %parallel_loop3A_1563 = arith.cmpi sgt, %parallel_loop3A_5, %parallel_loop3A_1562 : i32
      %parallel_loop3A_1564 = arith.extui %parallel_loop3A_1563 : i1 to i32
      %parallel_loop3A_1565 = arith.constant 0 : i32
      %parallel_loop3A_1566 = arith.cmpi slt, %parallel_loop3A_5, %parallel_loop3A_1565 : i32
      %parallel_loop3A_1567 = arith.extui %parallel_loop3A_1566 : i1 to i32
      %parallel_loop3A_1568 = arith.subi %parallel_loop3A_1564, %parallel_loop3A_1567 : i32
      %parallel_loop3A_1569 = arith.constant 0 : i32
      %parallel_loop3A_1570 = arith.cmpi sgt, %parallel_loop3A_1560, %parallel_loop3A_1569 : i32
      %parallel_loop3A_1571 = arith.extui %parallel_loop3A_1570 : i1 to i32
      %parallel_loop3A_1572 = arith.constant 0 : i32
      %parallel_loop3A_1573 = arith.cmpi slt, %parallel_loop3A_1560, %parallel_loop3A_1572 : i32
      %parallel_loop3A_1574 = arith.extui %parallel_loop3A_1573 : i1 to i32
      %parallel_loop3A_1575 = arith.subi %parallel_loop3A_1571, %parallel_loop3A_1574 : i32
      %parallel_loop3A_1576 = arith.cmpi ne, %parallel_loop3A_1568, %parallel_loop3A_1575 : i32
      %parallel_loop3A_1577 = arith.remsi %parallel_loop3A_5, %parallel_loop3A_1560 : i32
      %parallel_loop3A_1578 = arith.constant 0 : i32
      %parallel_loop3A_1579 = arith.cmpi ne, %parallel_loop3A_1577, %parallel_loop3A_1578 : i32
      %parallel_loop3A_1580 = arith.andi %parallel_loop3A_1576, %parallel_loop3A_1579 : i1
      %parallel_loop3A_1581 = arith.constant 1 : i32
      %parallel_loop3A_1582 = arith.subi %parallel_loop3A_1561, %parallel_loop3A_1581 : i32
      %parallel_loop3A_1583 = arith.select %parallel_loop3A_1580, %parallel_loop3A_1582, %parallel_loop3A_1561 : i32
      %parallel_loop3A_1584 = arith.constant 16 : i32
      %parallel_loop3A_1585 = arith.muli %parallel_loop3A_45, %parallel_loop3A_1584 : i32
      %parallel_loop3A_1586 = arith.constant 43 : i32
      %parallel_loop3A_1587 = arith.index_cast %parallel_loop3A_1586 : i32 to index
      %parallel_loop3A_1588 = arith.index_cast %parallel_loop3A_1583 : i32 to index
      %parallel_loop3A_1589 = arith.index_cast %parallel_loop3A_1585 : i32 to index
      %parallel_loop3A_1590 = tpu.vector_load %arg7[%parallel_loop3A_1587, %parallel_loop3A_1588, %parallel_loop3A_1589] {strides = array<i32>} : memref<64x8x128xf32, #tpu.memory_space<vmem>>, vector<16xf32>,
      tpu.vector_store %arg7[%parallel_loop3A_1587, %parallel_loop3A_1588, %parallel_loop3A_1589], %parallel_loop3A_1559 {strides = array<i32>} : memref<64x8x128xf32, #tpu.memory_space<vmem>>, vector<16xf32>,
      %parallel_loop3A_1591 = arith.constant 22528 : i32
      %parallel_loop3A_1592 = vector.broadcast %parallel_loop3A_1591 : i32 to vector<16xi32>
      %parallel_loop3A_1593 = arith.addi %parallel_loop3A_50, %parallel_loop3A_1592 : vector<16xi32>
      %parallel_loop3A_1594 = tpu.vector_load_idx %arg5[%parallel_loop3A_1593] : memref<32768xf32, #tpu.memory_space<vmem>>[vector<16xi32>], vector<16xf32>,
      %parallel_loop3A_1595 = arith.constant 8 : i32
      %parallel_loop3A_1596 = arith.divsi %parallel_loop3A_5, %parallel_loop3A_1595 : i32
      %parallel_loop3A_1597 = arith.constant 0 : i32
      %parallel_loop3A_1598 = arith.cmpi sgt, %parallel_loop3A_5, %parallel_loop3A_1597 : i32
      %parallel_loop3A_1599 = arith.extui %parallel_loop3A_1598 : i1 to i32
      %parallel_loop3A_1600 = arith.constant 0 : i32
      %parallel_loop3A_1601 = arith.cmpi slt, %parallel_loop3A_5, %parallel_loop3A_1600 : i32
      %parallel_loop3A_1602 = arith.extui %parallel_loop3A_1601 : i1 to i32
      %parallel_loop3A_1603 = arith.subi %parallel_loop3A_1599, %parallel_loop3A_1602 : i32
      %parallel_loop3A_1604 = arith.constant 0 : i32
      %parallel_loop3A_1605 = arith.cmpi sgt, %parallel_loop3A_1595, %parallel_loop3A_1604 : i32
      %parallel_loop3A_1606 = arith.extui %parallel_loop3A_1605 : i1 to i32
      %parallel_loop3A_1607 = arith.constant 0 : i32
      %parallel_loop3A_1608 = arith.cmpi slt, %parallel_loop3A_1595, %parallel_loop3A_1607 : i32
      %parallel_loop3A_1609 = arith.extui %parallel_loop3A_1608 : i1 to i32
      %parallel_loop3A_1610 = arith.subi %parallel_loop3A_1606, %parallel_loop3A_1609 : i32
      %parallel_loop3A_1611 = arith.cmpi ne, %parallel_loop3A_1603, %parallel_loop3A_1610 : i32
      %parallel_loop3A_1612 = arith.remsi %parallel_loop3A_5, %parallel_loop3A_1595 : i32
      %parallel_loop3A_1613 = arith.constant 0 : i32
      %parallel_loop3A_1614 = arith.cmpi ne, %parallel_loop3A_1612, %parallel_loop3A_1613 : i32
      %parallel_loop3A_1615 = arith.andi %parallel_loop3A_1611, %parallel_loop3A_1614 : i1
      %parallel_loop3A_1616 = arith.constant 1 : i32
      %parallel_loop3A_1617 = arith.subi %parallel_loop3A_1596, %parallel_loop3A_1616 : i32
      %parallel_loop3A_1618 = arith.select %parallel_loop3A_1615, %parallel_loop3A_1617, %parallel_loop3A_1596 : i32
      %parallel_loop3A_1619 = arith.constant 16 : i32
      %parallel_loop3A_1620 = arith.muli %parallel_loop3A_45, %parallel_loop3A_1619 : i32
      %parallel_loop3A_1621 = arith.constant 44 : i32
      %parallel_loop3A_1622 = arith.index_cast %parallel_loop3A_1621 : i32 to index
      %parallel_loop3A_1623 = arith.index_cast %parallel_loop3A_1618 : i32 to index
      %parallel_loop3A_1624 = arith.index_cast %parallel_loop3A_1620 : i32 to index
      %parallel_loop3A_1625 = tpu.vector_load %arg7[%parallel_loop3A_1622, %parallel_loop3A_1623, %parallel_loop3A_1624] {strides = array<i32>} : memref<64x8x128xf32, #tpu.memory_space<vmem>>, vector<16xf32>,
      tpu.vector_store %arg7[%parallel_loop3A_1622, %parallel_loop3A_1623, %parallel_loop3A_1624], %parallel_loop3A_1594 {strides = array<i32>} : memref<64x8x128xf32, #tpu.memory_space<vmem>>, vector<16xf32>,
      %parallel_loop3A_1626 = arith.constant 23040 : i32
      %parallel_loop3A_1627 = vector.broadcast %parallel_loop3A_1626 : i32 to vector<16xi32>
      %parallel_loop3A_1628 = arith.addi %parallel_loop3A_50, %parallel_loop3A_1627 : vector<16xi32>
      %parallel_loop3A_1629 = tpu.vector_load_idx %arg5[%parallel_loop3A_1628] : memref<32768xf32, #tpu.memory_space<vmem>>[vector<16xi32>], vector<16xf32>,
      %parallel_loop3A_1630 = arith.constant 8 : i32
      %parallel_loop3A_1631 = arith.divsi %parallel_loop3A_5, %parallel_loop3A_1630 : i32
      %parallel_loop3A_1632 = arith.constant 0 : i32
      %parallel_loop3A_1633 = arith.cmpi sgt, %parallel_loop3A_5, %parallel_loop3A_1632 : i32
      %parallel_loop3A_1634 = arith.extui %parallel_loop3A_1633 : i1 to i32
      %parallel_loop3A_1635 = arith.constant 0 : i32
      %parallel_loop3A_1636 = arith.cmpi slt, %parallel_loop3A_5, %parallel_loop3A_1635 : i32
      %parallel_loop3A_1637 = arith.extui %parallel_loop3A_1636 : i1 to i32
      %parallel_loop3A_1638 = arith.subi %parallel_loop3A_1634, %parallel_loop3A_1637 : i32
      %parallel_loop3A_1639 = arith.constant 0 : i32
      %parallel_loop3A_1640 = arith.cmpi sgt, %parallel_loop3A_1630, %parallel_loop3A_1639 : i32
      %parallel_loop3A_1641 = arith.extui %parallel_loop3A_1640 : i1 to i32
      %parallel_loop3A_1642 = arith.constant 0 : i32
      %parallel_loop3A_1643 = arith.cmpi slt, %parallel_loop3A_1630, %parallel_loop3A_1642 : i32
      %parallel_loop3A_1644 = arith.extui %parallel_loop3A_1643 : i1 to i32
      %parallel_loop3A_1645 = arith.subi %parallel_loop3A_1641, %parallel_loop3A_1644 : i32
      %parallel_loop3A_1646 = arith.cmpi ne, %parallel_loop3A_1638, %parallel_loop3A_1645 : i32
      %parallel_loop3A_1647 = arith.remsi %parallel_loop3A_5, %parallel_loop3A_1630 : i32
      %parallel_loop3A_1648 = arith.constant 0 : i32
      %parallel_loop3A_1649 = arith.cmpi ne, %parallel_loop3A_1647, %parallel_loop3A_1648 : i32
      %parallel_loop3A_1650 = arith.andi %parallel_loop3A_1646, %parallel_loop3A_1649 : i1
      %parallel_loop3A_1651 = arith.constant 1 : i32
      %parallel_loop3A_1652 = arith.subi %parallel_loop3A_1631, %parallel_loop3A_1651 : i32
      %parallel_loop3A_1653 = arith.select %parallel_loop3A_1650, %parallel_loop3A_1652, %parallel_loop3A_1631 : i32
      %parallel_loop3A_1654 = arith.constant 16 : i32
      %parallel_loop3A_1655 = arith.muli %parallel_loop3A_45, %parallel_loop3A_1654 : i32
      %parallel_loop3A_1656 = arith.constant 45 : i32
      %parallel_loop3A_1657 = arith.index_cast %parallel_loop3A_1656 : i32 to index
      %parallel_loop3A_1658 = arith.index_cast %parallel_loop3A_1653 : i32 to index
      %parallel_loop3A_1659 = arith.index_cast %parallel_loop3A_1655 : i32 to index
      %parallel_loop3A_1660 = tpu.vector_load %arg7[%parallel_loop3A_1657, %parallel_loop3A_1658, %parallel_loop3A_1659] {strides = array<i32>} : memref<64x8x128xf32, #tpu.memory_space<vmem>>, vector<16xf32>,
      tpu.vector_store %arg7[%parallel_loop3A_1657, %parallel_loop3A_1658, %parallel_loop3A_1659], %parallel_loop3A_1629 {strides = array<i32>} : memref<64x8x128xf32, #tpu.memory_space<vmem>>, vector<16xf32>,
      %parallel_loop3A_1661 = arith.constant 23552 : i32
      %parallel_loop3A_1662 = vector.broadcast %parallel_loop3A_1661 : i32 to vector<16xi32>
      %parallel_loop3A_1663 = arith.addi %parallel_loop3A_50, %parallel_loop3A_1662 : vector<16xi32>
      %parallel_loop3A_1664 = tpu.vector_load_idx %arg5[%parallel_loop3A_1663] : memref<32768xf32, #tpu.memory_space<vmem>>[vector<16xi32>], vector<16xf32>,
      %parallel_loop3A_1665 = arith.constant 8 : i32
      %parallel_loop3A_1666 = arith.divsi %parallel_loop3A_5, %parallel_loop3A_1665 : i32
      %parallel_loop3A_1667 = arith.constant 0 : i32
      %parallel_loop3A_1668 = arith.cmpi sgt, %parallel_loop3A_5, %parallel_loop3A_1667 : i32
      %parallel_loop3A_1669 = arith.extui %parallel_loop3A_1668 : i1 to i32
      %parallel_loop3A_1670 = arith.constant 0 : i32
      %parallel_loop3A_1671 = arith.cmpi slt, %parallel_loop3A_5, %parallel_loop3A_1670 : i32
      %parallel_loop3A_1672 = arith.extui %parallel_loop3A_1671 : i1 to i32
      %parallel_loop3A_1673 = arith.subi %parallel_loop3A_1669, %parallel_loop3A_1672 : i32
      %parallel_loop3A_1674 = arith.constant 0 : i32
      %parallel_loop3A_1675 = arith.cmpi sgt, %parallel_loop3A_1665, %parallel_loop3A_1674 : i32
      %parallel_loop3A_1676 = arith.extui %parallel_loop3A_1675 : i1 to i32
      %parallel_loop3A_1677 = arith.constant 0 : i32
      %parallel_loop3A_1678 = arith.cmpi slt, %parallel_loop3A_1665, %parallel_loop3A_1677 : i32
      %parallel_loop3A_1679 = arith.extui %parallel_loop3A_1678 : i1 to i32
      %parallel_loop3A_1680 = arith.subi %parallel_loop3A_1676, %parallel_loop3A_1679 : i32
      %parallel_loop3A_1681 = arith.cmpi ne, %parallel_loop3A_1673, %parallel_loop3A_1680 : i32
      %parallel_loop3A_1682 = arith.remsi %parallel_loop3A_5, %parallel_loop3A_1665 : i32
      %parallel_loop3A_1683 = arith.constant 0 : i32
      %parallel_loop3A_1684 = arith.cmpi ne, %parallel_loop3A_1682, %parallel_loop3A_1683 : i32
      %parallel_loop3A_1685 = arith.andi %parallel_loop3A_1681, %parallel_loop3A_1684 : i1
      %parallel_loop3A_1686 = arith.constant 1 : i32
      %parallel_loop3A_1687 = arith.subi %parallel_loop3A_1666, %parallel_loop3A_1686 : i32
      %parallel_loop3A_1688 = arith.select %parallel_loop3A_1685, %parallel_loop3A_1687, %parallel_loop3A_1666 : i32
      %parallel_loop3A_1689 = arith.constant 16 : i32
      %parallel_loop3A_1690 = arith.muli %parallel_loop3A_45, %parallel_loop3A_1689 : i32
      %parallel_loop3A_1691 = arith.constant 46 : i32
      %parallel_loop3A_1692 = arith.index_cast %parallel_loop3A_1691 : i32 to index
      %parallel_loop3A_1693 = arith.index_cast %parallel_loop3A_1688 : i32 to index
      %parallel_loop3A_1694 = arith.index_cast %parallel_loop3A_1690 : i32 to index
      %parallel_loop3A_1695 = tpu.vector_load %arg7[%parallel_loop3A_1692, %parallel_loop3A_1693, %parallel_loop3A_1694] {strides = array<i32>} : memref<64x8x128xf32, #tpu.memory_space<vmem>>, vector<16xf32>,
      tpu.vector_store %arg7[%parallel_loop3A_1692, %parallel_loop3A_1693, %parallel_loop3A_1694], %parallel_loop3A_1664 {strides = array<i32>} : memref<64x8x128xf32, #tpu.memory_space<vmem>>, vector<16xf32>,
      %parallel_loop3A_1696 = arith.constant 24064 : i32
      %parallel_loop3A_1697 = vector.broadcast %parallel_loop3A_1696 : i32 to vector<16xi32>
      %parallel_loop3A_1698 = arith.addi %parallel_loop3A_50, %parallel_loop3A_1697 : vector<16xi32>
      %parallel_loop3A_1699 = tpu.vector_load_idx %arg5[%parallel_loop3A_1698] : memref<32768xf32, #tpu.memory_space<vmem>>[vector<16xi32>], vector<16xf32>,
      %parallel_loop3A_1700 = arith.constant 8 : i32
      %parallel_loop3A_1701 = arith.divsi %parallel_loop3A_5, %parallel_loop3A_1700 : i32
      %parallel_loop3A_1702 = arith.constant 0 : i32
      %parallel_loop3A_1703 = arith.cmpi sgt, %parallel_loop3A_5, %parallel_loop3A_1702 : i32
      %parallel_loop3A_1704 = arith.extui %parallel_loop3A_1703 : i1 to i32
      %parallel_loop3A_1705 = arith.constant 0 : i32
      %parallel_loop3A_1706 = arith.cmpi slt, %parallel_loop3A_5, %parallel_loop3A_1705 : i32
      %parallel_loop3A_1707 = arith.extui %parallel_loop3A_1706 : i1 to i32
      %parallel_loop3A_1708 = arith.subi %parallel_loop3A_1704, %parallel_loop3A_1707 : i32
      %parallel_loop3A_1709 = arith.constant 0 : i32
      %parallel_loop3A_1710 = arith.cmpi sgt, %parallel_loop3A_1700, %parallel_loop3A_1709 : i32
      %parallel_loop3A_1711 = arith.extui %parallel_loop3A_1710 : i1 to i32
      %parallel_loop3A_1712 = arith.constant 0 : i32
      %parallel_loop3A_1713 = arith.cmpi slt, %parallel_loop3A_1700, %parallel_loop3A_1712 : i32
      %parallel_loop3A_1714 = arith.extui %parallel_loop3A_1713 : i1 to i32
      %parallel_loop3A_1715 = arith.subi %parallel_loop3A_1711, %parallel_loop3A_1714 : i32
      %parallel_loop3A_1716 = arith.cmpi ne, %parallel_loop3A_1708, %parallel_loop3A_1715 : i32
      %parallel_loop3A_1717 = arith.remsi %parallel_loop3A_5, %parallel_loop3A_1700 : i32
      %parallel_loop3A_1718 = arith.constant 0 : i32
      %parallel_loop3A_1719 = arith.cmpi ne, %parallel_loop3A_1717, %parallel_loop3A_1718 : i32
      %parallel_loop3A_1720 = arith.andi %parallel_loop3A_1716, %parallel_loop3A_1719 : i1
      %parallel_loop3A_1721 = arith.constant 1 : i32
      %parallel_loop3A_1722 = arith.subi %parallel_loop3A_1701, %parallel_loop3A_1721 : i32
      %parallel_loop3A_1723 = arith.select %parallel_loop3A_1720, %parallel_loop3A_1722, %parallel_loop3A_1701 : i32
      %parallel_loop3A_1724 = arith.constant 16 : i32
      %parallel_loop3A_1725 = arith.muli %parallel_loop3A_45, %parallel_loop3A_1724 : i32
      %parallel_loop3A_1726 = arith.constant 47 : i32
      %parallel_loop3A_1727 = arith.index_cast %parallel_loop3A_1726 : i32 to index
      %parallel_loop3A_1728 = arith.index_cast %parallel_loop3A_1723 : i32 to index
      %parallel_loop3A_1729 = arith.index_cast %parallel_loop3A_1725 : i32 to index
      %parallel_loop3A_1730 = tpu.vector_load %arg7[%parallel_loop3A_1727, %parallel_loop3A_1728, %parallel_loop3A_1729] {strides = array<i32>} : memref<64x8x128xf32, #tpu.memory_space<vmem>>, vector<16xf32>,
      tpu.vector_store %arg7[%parallel_loop3A_1727, %parallel_loop3A_1728, %parallel_loop3A_1729], %parallel_loop3A_1699 {strides = array<i32>} : memref<64x8x128xf32, #tpu.memory_space<vmem>>, vector<16xf32>,
      %parallel_loop3A_1731 = arith.constant 24576 : i32
      %parallel_loop3A_1732 = vector.broadcast %parallel_loop3A_1731 : i32 to vector<16xi32>
      %parallel_loop3A_1733 = arith.addi %parallel_loop3A_50, %parallel_loop3A_1732 : vector<16xi32>
      %parallel_loop3A_1734 = tpu.vector_load_idx %arg5[%parallel_loop3A_1733] : memref<32768xf32, #tpu.memory_space<vmem>>[vector<16xi32>], vector<16xf32>,
      %parallel_loop3A_1735 = arith.constant 8 : i32
      %parallel_loop3A_1736 = arith.divsi %parallel_loop3A_5, %parallel_loop3A_1735 : i32
      %parallel_loop3A_1737 = arith.constant 0 : i32
      %parallel_loop3A_1738 = arith.cmpi sgt, %parallel_loop3A_5, %parallel_loop3A_1737 : i32
      %parallel_loop3A_1739 = arith.extui %parallel_loop3A_1738 : i1 to i32
      %parallel_loop3A_1740 = arith.constant 0 : i32
      %parallel_loop3A_1741 = arith.cmpi slt, %parallel_loop3A_5, %parallel_loop3A_1740 : i32
      %parallel_loop3A_1742 = arith.extui %parallel_loop3A_1741 : i1 to i32
      %parallel_loop3A_1743 = arith.subi %parallel_loop3A_1739, %parallel_loop3A_1742 : i32
      %parallel_loop3A_1744 = arith.constant 0 : i32
      %parallel_loop3A_1745 = arith.cmpi sgt, %parallel_loop3A_1735, %parallel_loop3A_1744 : i32
      %parallel_loop3A_1746 = arith.extui %parallel_loop3A_1745 : i1 to i32
      %parallel_loop3A_1747 = arith.constant 0 : i32
      %parallel_loop3A_1748 = arith.cmpi slt, %parallel_loop3A_1735, %parallel_loop3A_1747 : i32
      %parallel_loop3A_1749 = arith.extui %parallel_loop3A_1748 : i1 to i32
      %parallel_loop3A_1750 = arith.subi %parallel_loop3A_1746, %parallel_loop3A_1749 : i32
      %parallel_loop3A_1751 = arith.cmpi ne, %parallel_loop3A_1743, %parallel_loop3A_1750 : i32
      %parallel_loop3A_1752 = arith.remsi %parallel_loop3A_5, %parallel_loop3A_1735 : i32
      %parallel_loop3A_1753 = arith.constant 0 : i32
      %parallel_loop3A_1754 = arith.cmpi ne, %parallel_loop3A_1752, %parallel_loop3A_1753 : i32
      %parallel_loop3A_1755 = arith.andi %parallel_loop3A_1751, %parallel_loop3A_1754 : i1
      %parallel_loop3A_1756 = arith.constant 1 : i32
      %parallel_loop3A_1757 = arith.subi %parallel_loop3A_1736, %parallel_loop3A_1756 : i32
      %parallel_loop3A_1758 = arith.select %parallel_loop3A_1755, %parallel_loop3A_1757, %parallel_loop3A_1736 : i32
      %parallel_loop3A_1759 = arith.constant 16 : i32
      %parallel_loop3A_1760 = arith.muli %parallel_loop3A_45, %parallel_loop3A_1759 : i32
      %parallel_loop3A_1761 = arith.constant 48 : i32
      %parallel_loop3A_1762 = arith.index_cast %parallel_loop3A_1761 : i32 to index
      %parallel_loop3A_1763 = arith.index_cast %parallel_loop3A_1758 : i32 to index
      %parallel_loop3A_1764 = arith.index_cast %parallel_loop3A_1760 : i32 to index
      %parallel_loop3A_1765 = tpu.vector_load %arg7[%parallel_loop3A_1762, %parallel_loop3A_1763, %parallel_loop3A_1764] {strides = array<i32>} : memref<64x8x128xf32, #tpu.memory_space<vmem>>, vector<16xf32>,
      tpu.vector_store %arg7[%parallel_loop3A_1762, %parallel_loop3A_1763, %parallel_loop3A_1764], %parallel_loop3A_1734 {strides = array<i32>} : memref<64x8x128xf32, #tpu.memory_space<vmem>>, vector<16xf32>,
      %parallel_loop3A_1766 = arith.constant 25088 : i32
      %parallel_loop3A_1767 = vector.broadcast %parallel_loop3A_1766 : i32 to vector<16xi32>
      %parallel_loop3A_1768 = arith.addi %parallel_loop3A_50, %parallel_loop3A_1767 : vector<16xi32>
      %parallel_loop3A_1769 = tpu.vector_load_idx %arg5[%parallel_loop3A_1768] : memref<32768xf32, #tpu.memory_space<vmem>>[vector<16xi32>], vector<16xf32>,
      %parallel_loop3A_1770 = arith.constant 8 : i32
      %parallel_loop3A_1771 = arith.divsi %parallel_loop3A_5, %parallel_loop3A_1770 : i32
      %parallel_loop3A_1772 = arith.constant 0 : i32
      %parallel_loop3A_1773 = arith.cmpi sgt, %parallel_loop3A_5, %parallel_loop3A_1772 : i32
      %parallel_loop3A_1774 = arith.extui %parallel_loop3A_1773 : i1 to i32
      %parallel_loop3A_1775 = arith.constant 0 : i32
      %parallel_loop3A_1776 = arith.cmpi slt, %parallel_loop3A_5, %parallel_loop3A_1775 : i32
      %parallel_loop3A_1777 = arith.extui %parallel_loop3A_1776 : i1 to i32
      %parallel_loop3A_1778 = arith.subi %parallel_loop3A_1774, %parallel_loop3A_1777 : i32
      %parallel_loop3A_1779 = arith.constant 0 : i32
      %parallel_loop3A_1780 = arith.cmpi sgt, %parallel_loop3A_1770, %parallel_loop3A_1779 : i32
      %parallel_loop3A_1781 = arith.extui %parallel_loop3A_1780 : i1 to i32
      %parallel_loop3A_1782 = arith.constant 0 : i32
      %parallel_loop3A_1783 = arith.cmpi slt, %parallel_loop3A_1770, %parallel_loop3A_1782 : i32
      %parallel_loop3A_1784 = arith.extui %parallel_loop3A_1783 : i1 to i32
      %parallel_loop3A_1785 = arith.subi %parallel_loop3A_1781, %parallel_loop3A_1784 : i32
      %parallel_loop3A_1786 = arith.cmpi ne, %parallel_loop3A_1778, %parallel_loop3A_1785 : i32
      %parallel_loop3A_1787 = arith.remsi %parallel_loop3A_5, %parallel_loop3A_1770 : i32
      %parallel_loop3A_1788 = arith.constant 0 : i32
      %parallel_loop3A_1789 = arith.cmpi ne, %parallel_loop3A_1787, %parallel_loop3A_1788 : i32
      %parallel_loop3A_1790 = arith.andi %parallel_loop3A_1786, %parallel_loop3A_1789 : i1
      %parallel_loop3A_1791 = arith.constant 1 : i32
      %parallel_loop3A_1792 = arith.subi %parallel_loop3A_1771, %parallel_loop3A_1791 : i32
      %parallel_loop3A_1793 = arith.select %parallel_loop3A_1790, %parallel_loop3A_1792, %parallel_loop3A_1771 : i32
      %parallel_loop3A_1794 = arith.constant 16 : i32
      %parallel_loop3A_1795 = arith.muli %parallel_loop3A_45, %parallel_loop3A_1794 : i32
      %parallel_loop3A_1796 = arith.constant 49 : i32
      %parallel_loop3A_1797 = arith.index_cast %parallel_loop3A_1796 : i32 to index
      %parallel_loop3A_1798 = arith.index_cast %parallel_loop3A_1793 : i32 to index
      %parallel_loop3A_1799 = arith.index_cast %parallel_loop3A_1795 : i32 to index
      %parallel_loop3A_1800 = tpu.vector_load %arg7[%parallel_loop3A_1797, %parallel_loop3A_1798, %parallel_loop3A_1799] {strides = array<i32>} : memref<64x8x128xf32, #tpu.memory_space<vmem>>, vector<16xf32>,
      tpu.vector_store %arg7[%parallel_loop3A_1797, %parallel_loop3A_1798, %parallel_loop3A_1799], %parallel_loop3A_1769 {strides = array<i32>} : memref<64x8x128xf32, #tpu.memory_space<vmem>>, vector<16xf32>,
      %parallel_loop3A_1801 = arith.constant 25600 : i32
      %parallel_loop3A_1802 = vector.broadcast %parallel_loop3A_1801 : i32 to vector<16xi32>
      %parallel_loop3A_1803 = arith.addi %parallel_loop3A_50, %parallel_loop3A_1802 : vector<16xi32>
      %parallel_loop3A_1804 = tpu.vector_load_idx %arg5[%parallel_loop3A_1803] : memref<32768xf32, #tpu.memory_space<vmem>>[vector<16xi32>], vector<16xf32>,
      %parallel_loop3A_1805 = arith.constant 8 : i32
      %parallel_loop3A_1806 = arith.divsi %parallel_loop3A_5, %parallel_loop3A_1805 : i32
      %parallel_loop3A_1807 = arith.constant 0 : i32
      %parallel_loop3A_1808 = arith.cmpi sgt, %parallel_loop3A_5, %parallel_loop3A_1807 : i32
      %parallel_loop3A_1809 = arith.extui %parallel_loop3A_1808 : i1 to i32
      %parallel_loop3A_1810 = arith.constant 0 : i32
      %parallel_loop3A_1811 = arith.cmpi slt, %parallel_loop3A_5, %parallel_loop3A_1810 : i32
      %parallel_loop3A_1812 = arith.extui %parallel_loop3A_1811 : i1 to i32
      %parallel_loop3A_1813 = arith.subi %parallel_loop3A_1809, %parallel_loop3A_1812 : i32
      %parallel_loop3A_1814 = arith.constant 0 : i32
      %parallel_loop3A_1815 = arith.cmpi sgt, %parallel_loop3A_1805, %parallel_loop3A_1814 : i32
      %parallel_loop3A_1816 = arith.extui %parallel_loop3A_1815 : i1 to i32
      %parallel_loop3A_1817 = arith.constant 0 : i32
      %parallel_loop3A_1818 = arith.cmpi slt, %parallel_loop3A_1805, %parallel_loop3A_1817 : i32
      %parallel_loop3A_1819 = arith.extui %parallel_loop3A_1818 : i1 to i32
      %parallel_loop3A_1820 = arith.subi %parallel_loop3A_1816, %parallel_loop3A_1819 : i32
      %parallel_loop3A_1821 = arith.cmpi ne, %parallel_loop3A_1813, %parallel_loop3A_1820 : i32
      %parallel_loop3A_1822 = arith.remsi %parallel_loop3A_5, %parallel_loop3A_1805 : i32
      %parallel_loop3A_1823 = arith.constant 0 : i32
      %parallel_loop3A_1824 = arith.cmpi ne, %parallel_loop3A_1822, %parallel_loop3A_1823 : i32
      %parallel_loop3A_1825 = arith.andi %parallel_loop3A_1821, %parallel_loop3A_1824 : i1
      %parallel_loop3A_1826 = arith.constant 1 : i32
      %parallel_loop3A_1827 = arith.subi %parallel_loop3A_1806, %parallel_loop3A_1826 : i32
      %parallel_loop3A_1828 = arith.select %parallel_loop3A_1825, %parallel_loop3A_1827, %parallel_loop3A_1806 : i32
      %parallel_loop3A_1829 = arith.constant 16 : i32
      %parallel_loop3A_1830 = arith.muli %parallel_loop3A_45, %parallel_loop3A_1829 : i32
      %parallel_loop3A_1831 = arith.constant 50 : i32
      %parallel_loop3A_1832 = arith.index_cast %parallel_loop3A_1831 : i32 to index
      %parallel_loop3A_1833 = arith.index_cast %parallel_loop3A_1828 : i32 to index
      %parallel_loop3A_1834 = arith.index_cast %parallel_loop3A_1830 : i32 to index
      %parallel_loop3A_1835 = tpu.vector_load %arg7[%parallel_loop3A_1832, %parallel_loop3A_1833, %parallel_loop3A_1834] {strides = array<i32>} : memref<64x8x128xf32, #tpu.memory_space<vmem>>, vector<16xf32>,
      tpu.vector_store %arg7[%parallel_loop3A_1832, %parallel_loop3A_1833, %parallel_loop3A_1834], %parallel_loop3A_1804 {strides = array<i32>} : memref<64x8x128xf32, #tpu.memory_space<vmem>>, vector<16xf32>,
      %parallel_loop3A_1836 = arith.constant 26112 : i32
      %parallel_loop3A_1837 = vector.broadcast %parallel_loop3A_1836 : i32 to vector<16xi32>
      %parallel_loop3A_1838 = arith.addi %parallel_loop3A_50, %parallel_loop3A_1837 : vector<16xi32>
      %parallel_loop3A_1839 = tpu.vector_load_idx %arg5[%parallel_loop3A_1838] : memref<32768xf32, #tpu.memory_space<vmem>>[vector<16xi32>], vector<16xf32>,
      %parallel_loop3A_1840 = arith.constant 8 : i32
      %parallel_loop3A_1841 = arith.divsi %parallel_loop3A_5, %parallel_loop3A_1840 : i32
      %parallel_loop3A_1842 = arith.constant 0 : i32
      %parallel_loop3A_1843 = arith.cmpi sgt, %parallel_loop3A_5, %parallel_loop3A_1842 : i32
      %parallel_loop3A_1844 = arith.extui %parallel_loop3A_1843 : i1 to i32
      %parallel_loop3A_1845 = arith.constant 0 : i32
      %parallel_loop3A_1846 = arith.cmpi slt, %parallel_loop3A_5, %parallel_loop3A_1845 : i32
      %parallel_loop3A_1847 = arith.extui %parallel_loop3A_1846 : i1 to i32
      %parallel_loop3A_1848 = arith.subi %parallel_loop3A_1844, %parallel_loop3A_1847 : i32
      %parallel_loop3A_1849 = arith.constant 0 : i32
      %parallel_loop3A_1850 = arith.cmpi sgt, %parallel_loop3A_1840, %parallel_loop3A_1849 : i32
      %parallel_loop3A_1851 = arith.extui %parallel_loop3A_1850 : i1 to i32
      %parallel_loop3A_1852 = arith.constant 0 : i32
      %parallel_loop3A_1853 = arith.cmpi slt, %parallel_loop3A_1840, %parallel_loop3A_1852 : i32
      %parallel_loop3A_1854 = arith.extui %parallel_loop3A_1853 : i1 to i32
      %parallel_loop3A_1855 = arith.subi %parallel_loop3A_1851, %parallel_loop3A_1854 : i32
      %parallel_loop3A_1856 = arith.cmpi ne, %parallel_loop3A_1848, %parallel_loop3A_1855 : i32
      %parallel_loop3A_1857 = arith.remsi %parallel_loop3A_5, %parallel_loop3A_1840 : i32
      %parallel_loop3A_1858 = arith.constant 0 : i32
      %parallel_loop3A_1859 = arith.cmpi ne, %parallel_loop3A_1857, %parallel_loop3A_1858 : i32
      %parallel_loop3A_1860 = arith.andi %parallel_loop3A_1856, %parallel_loop3A_1859 : i1
      %parallel_loop3A_1861 = arith.constant 1 : i32
      %parallel_loop3A_1862 = arith.subi %parallel_loop3A_1841, %parallel_loop3A_1861 : i32
      %parallel_loop3A_1863 = arith.select %parallel_loop3A_1860, %parallel_loop3A_1862, %parallel_loop3A_1841 : i32
      %parallel_loop3A_1864 = arith.constant 16 : i32
      %parallel_loop3A_1865 = arith.muli %parallel_loop3A_45, %parallel_loop3A_1864 : i32
      %parallel_loop3A_1866 = arith.constant 51 : i32
      %parallel_loop3A_1867 = arith.index_cast %parallel_loop3A_1866 : i32 to index
      %parallel_loop3A_1868 = arith.index_cast %parallel_loop3A_1863 : i32 to index
      %parallel_loop3A_1869 = arith.index_cast %parallel_loop3A_1865 : i32 to index
      %parallel_loop3A_1870 = tpu.vector_load %arg7[%parallel_loop3A_1867, %parallel_loop3A_1868, %parallel_loop3A_1869] {strides = array<i32>} : memref<64x8x128xf32, #tpu.memory_space<vmem>>, vector<16xf32>,
      tpu.vector_store %arg7[%parallel_loop3A_1867, %parallel_loop3A_1868, %parallel_loop3A_1869], %parallel_loop3A_1839 {strides = array<i32>} : memref<64x8x128xf32, #tpu.memory_space<vmem>>, vector<16xf32>,
      %parallel_loop3A_1871 = arith.constant 26624 : i32
      %parallel_loop3A_1872 = vector.broadcast %parallel_loop3A_1871 : i32 to vector<16xi32>
      %parallel_loop3A_1873 = arith.addi %parallel_loop3A_50, %parallel_loop3A_1872 : vector<16xi32>
      %parallel_loop3A_1874 = tpu.vector_load_idx %arg5[%parallel_loop3A_1873] : memref<32768xf32, #tpu.memory_space<vmem>>[vector<16xi32>], vector<16xf32>,
      %parallel_loop3A_1875 = arith.constant 8 : i32
      %parallel_loop3A_1876 = arith.divsi %parallel_loop3A_5, %parallel_loop3A_1875 : i32
      %parallel_loop3A_1877 = arith.constant 0 : i32
      %parallel_loop3A_1878 = arith.cmpi sgt, %parallel_loop3A_5, %parallel_loop3A_1877 : i32
      %parallel_loop3A_1879 = arith.extui %parallel_loop3A_1878 : i1 to i32
      %parallel_loop3A_1880 = arith.constant 0 : i32
      %parallel_loop3A_1881 = arith.cmpi slt, %parallel_loop3A_5, %parallel_loop3A_1880 : i32
      %parallel_loop3A_1882 = arith.extui %parallel_loop3A_1881 : i1 to i32
      %parallel_loop3A_1883 = arith.subi %parallel_loop3A_1879, %parallel_loop3A_1882 : i32
      %parallel_loop3A_1884 = arith.constant 0 : i32
      %parallel_loop3A_1885 = arith.cmpi sgt, %parallel_loop3A_1875, %parallel_loop3A_1884 : i32
      %parallel_loop3A_1886 = arith.extui %parallel_loop3A_1885 : i1 to i32
      %parallel_loop3A_1887 = arith.constant 0 : i32
      %parallel_loop3A_1888 = arith.cmpi slt, %parallel_loop3A_1875, %parallel_loop3A_1887 : i32
      %parallel_loop3A_1889 = arith.extui %parallel_loop3A_1888 : i1 to i32
      %parallel_loop3A_1890 = arith.subi %parallel_loop3A_1886, %parallel_loop3A_1889 : i32
      %parallel_loop3A_1891 = arith.cmpi ne, %parallel_loop3A_1883, %parallel_loop3A_1890 : i32
      %parallel_loop3A_1892 = arith.remsi %parallel_loop3A_5, %parallel_loop3A_1875 : i32
      %parallel_loop3A_1893 = arith.constant 0 : i32
      %parallel_loop3A_1894 = arith.cmpi ne, %parallel_loop3A_1892, %parallel_loop3A_1893 : i32
      %parallel_loop3A_1895 = arith.andi %parallel_loop3A_1891, %parallel_loop3A_1894 : i1
      %parallel_loop3A_1896 = arith.constant 1 : i32
      %parallel_loop3A_1897 = arith.subi %parallel_loop3A_1876, %parallel_loop3A_1896 : i32
      %parallel_loop3A_1898 = arith.select %parallel_loop3A_1895, %parallel_loop3A_1897, %parallel_loop3A_1876 : i32
      %parallel_loop3A_1899 = arith.constant 16 : i32
      %parallel_loop3A_1900 = arith.muli %parallel_loop3A_45, %parallel_loop3A_1899 : i32
      %parallel_loop3A_1901 = arith.constant 52 : i32
      %parallel_loop3A_1902 = arith.index_cast %parallel_loop3A_1901 : i32 to index
      %parallel_loop3A_1903 = arith.index_cast %parallel_loop3A_1898 : i32 to index
      %parallel_loop3A_1904 = arith.index_cast %parallel_loop3A_1900 : i32 to index
      %parallel_loop3A_1905 = tpu.vector_load %arg7[%parallel_loop3A_1902, %parallel_loop3A_1903, %parallel_loop3A_1904] {strides = array<i32>} : memref<64x8x128xf32, #tpu.memory_space<vmem>>, vector<16xf32>,
      tpu.vector_store %arg7[%parallel_loop3A_1902, %parallel_loop3A_1903, %parallel_loop3A_1904], %parallel_loop3A_1874 {strides = array<i32>} : memref<64x8x128xf32, #tpu.memory_space<vmem>>, vector<16xf32>,
      %parallel_loop3A_1906 = arith.constant 27136 : i32
      %parallel_loop3A_1907 = vector.broadcast %parallel_loop3A_1906 : i32 to vector<16xi32>
      %parallel_loop3A_1908 = arith.addi %parallel_loop3A_50, %parallel_loop3A_1907 : vector<16xi32>
      %parallel_loop3A_1909 = tpu.vector_load_idx %arg5[%parallel_loop3A_1908] : memref<32768xf32, #tpu.memory_space<vmem>>[vector<16xi32>], vector<16xf32>,
      %parallel_loop3A_1910 = arith.constant 8 : i32
      %parallel_loop3A_1911 = arith.divsi %parallel_loop3A_5, %parallel_loop3A_1910 : i32
      %parallel_loop3A_1912 = arith.constant 0 : i32
      %parallel_loop3A_1913 = arith.cmpi sgt, %parallel_loop3A_5, %parallel_loop3A_1912 : i32
      %parallel_loop3A_1914 = arith.extui %parallel_loop3A_1913 : i1 to i32
      %parallel_loop3A_1915 = arith.constant 0 : i32
      %parallel_loop3A_1916 = arith.cmpi slt, %parallel_loop3A_5, %parallel_loop3A_1915 : i32
      %parallel_loop3A_1917 = arith.extui %parallel_loop3A_1916 : i1 to i32
      %parallel_loop3A_1918 = arith.subi %parallel_loop3A_1914, %parallel_loop3A_1917 : i32
      %parallel_loop3A_1919 = arith.constant 0 : i32
      %parallel_loop3A_1920 = arith.cmpi sgt, %parallel_loop3A_1910, %parallel_loop3A_1919 : i32
      %parallel_loop3A_1921 = arith.extui %parallel_loop3A_1920 : i1 to i32
      %parallel_loop3A_1922 = arith.constant 0 : i32
      %parallel_loop3A_1923 = arith.cmpi slt, %parallel_loop3A_1910, %parallel_loop3A_1922 : i32
      %parallel_loop3A_1924 = arith.extui %parallel_loop3A_1923 : i1 to i32
      %parallel_loop3A_1925 = arith.subi %parallel_loop3A_1921, %parallel_loop3A_1924 : i32
      %parallel_loop3A_1926 = arith.cmpi ne, %parallel_loop3A_1918, %parallel_loop3A_1925 : i32
      %parallel_loop3A_1927 = arith.remsi %parallel_loop3A_5, %parallel_loop3A_1910 : i32
      %parallel_loop3A_1928 = arith.constant 0 : i32
      %parallel_loop3A_1929 = arith.cmpi ne, %parallel_loop3A_1927, %parallel_loop3A_1928 : i32
      %parallel_loop3A_1930 = arith.andi %parallel_loop3A_1926, %parallel_loop3A_1929 : i1
      %parallel_loop3A_1931 = arith.constant 1 : i32
      %parallel_loop3A_1932 = arith.subi %parallel_loop3A_1911, %parallel_loop3A_1931 : i32
      %parallel_loop3A_1933 = arith.select %parallel_loop3A_1930, %parallel_loop3A_1932, %parallel_loop3A_1911 : i32
      %parallel_loop3A_1934 = arith.constant 16 : i32
      %parallel_loop3A_1935 = arith.muli %parallel_loop3A_45, %parallel_loop3A_1934 : i32
      %parallel_loop3A_1936 = arith.constant 53 : i32
      %parallel_loop3A_1937 = arith.index_cast %parallel_loop3A_1936 : i32 to index
      %parallel_loop3A_1938 = arith.index_cast %parallel_loop3A_1933 : i32 to index
      %parallel_loop3A_1939 = arith.index_cast %parallel_loop3A_1935 : i32 to index
      %parallel_loop3A_1940 = tpu.vector_load %arg7[%parallel_loop3A_1937, %parallel_loop3A_1938, %parallel_loop3A_1939] {strides = array<i32>} : memref<64x8x128xf32, #tpu.memory_space<vmem>>, vector<16xf32>,
      tpu.vector_store %arg7[%parallel_loop3A_1937, %parallel_loop3A_1938, %parallel_loop3A_1939], %parallel_loop3A_1909 {strides = array<i32>} : memref<64x8x128xf32, #tpu.memory_space<vmem>>, vector<16xf32>,
      %parallel_loop3A_1941 = arith.constant 27648 : i32
      %parallel_loop3A_1942 = vector.broadcast %parallel_loop3A_1941 : i32 to vector<16xi32>
      %parallel_loop3A_1943 = arith.addi %parallel_loop3A_50, %parallel_loop3A_1942 : vector<16xi32>
      %parallel_loop3A_1944 = tpu.vector_load_idx %arg5[%parallel_loop3A_1943] : memref<32768xf32, #tpu.memory_space<vmem>>[vector<16xi32>], vector<16xf32>,
      %parallel_loop3A_1945 = arith.constant 8 : i32
      %parallel_loop3A_1946 = arith.divsi %parallel_loop3A_5, %parallel_loop3A_1945 : i32
      %parallel_loop3A_1947 = arith.constant 0 : i32
      %parallel_loop3A_1948 = arith.cmpi sgt, %parallel_loop3A_5, %parallel_loop3A_1947 : i32
      %parallel_loop3A_1949 = arith.extui %parallel_loop3A_1948 : i1 to i32
      %parallel_loop3A_1950 = arith.constant 0 : i32
      %parallel_loop3A_1951 = arith.cmpi slt, %parallel_loop3A_5, %parallel_loop3A_1950 : i32
      %parallel_loop3A_1952 = arith.extui %parallel_loop3A_1951 : i1 to i32
      %parallel_loop3A_1953 = arith.subi %parallel_loop3A_1949, %parallel_loop3A_1952 : i32
      %parallel_loop3A_1954 = arith.constant 0 : i32
      %parallel_loop3A_1955 = arith.cmpi sgt, %parallel_loop3A_1945, %parallel_loop3A_1954 : i32
      %parallel_loop3A_1956 = arith.extui %parallel_loop3A_1955 : i1 to i32
      %parallel_loop3A_1957 = arith.constant 0 : i32
      %parallel_loop3A_1958 = arith.cmpi slt, %parallel_loop3A_1945, %parallel_loop3A_1957 : i32
      %parallel_loop3A_1959 = arith.extui %parallel_loop3A_1958 : i1 to i32
      %parallel_loop3A_1960 = arith.subi %parallel_loop3A_1956, %parallel_loop3A_1959 : i32
      %parallel_loop3A_1961 = arith.cmpi ne, %parallel_loop3A_1953, %parallel_loop3A_1960 : i32
      %parallel_loop3A_1962 = arith.remsi %parallel_loop3A_5, %parallel_loop3A_1945 : i32
      %parallel_loop3A_1963 = arith.constant 0 : i32
      %parallel_loop3A_1964 = arith.cmpi ne, %parallel_loop3A_1962, %parallel_loop3A_1963 : i32
      %parallel_loop3A_1965 = arith.andi %parallel_loop3A_1961, %parallel_loop3A_1964 : i1
      %parallel_loop3A_1966 = arith.constant 1 : i32
      %parallel_loop3A_1967 = arith.subi %parallel_loop3A_1946, %parallel_loop3A_1966 : i32
      %parallel_loop3A_1968 = arith.select %parallel_loop3A_1965, %parallel_loop3A_1967, %parallel_loop3A_1946 : i32
      %parallel_loop3A_1969 = arith.constant 16 : i32
      %parallel_loop3A_1970 = arith.muli %parallel_loop3A_45, %parallel_loop3A_1969 : i32
      %parallel_loop3A_1971 = arith.constant 54 : i32
      %parallel_loop3A_1972 = arith.index_cast %parallel_loop3A_1971 : i32 to index
      %parallel_loop3A_1973 = arith.index_cast %parallel_loop3A_1968 : i32 to index
      %parallel_loop3A_1974 = arith.index_cast %parallel_loop3A_1970 : i32 to index
      %parallel_loop3A_1975 = tpu.vector_load %arg7[%parallel_loop3A_1972, %parallel_loop3A_1973, %parallel_loop3A_1974] {strides = array<i32>} : memref<64x8x128xf32, #tpu.memory_space<vmem>>, vector<16xf32>,
      tpu.vector_store %arg7[%parallel_loop3A_1972, %parallel_loop3A_1973, %parallel_loop3A_1974], %parallel_loop3A_1944 {strides = array<i32>} : memref<64x8x128xf32, #tpu.memory_space<vmem>>, vector<16xf32>,
      %parallel_loop3A_1976 = arith.constant 28160 : i32
      %parallel_loop3A_1977 = vector.broadcast %parallel_loop3A_1976 : i32 to vector<16xi32>
      %parallel_loop3A_1978 = arith.addi %parallel_loop3A_50, %parallel_loop3A_1977 : vector<16xi32>
      %parallel_loop3A_1979 = tpu.vector_load_idx %arg5[%parallel_loop3A_1978] : memref<32768xf32, #tpu.memory_space<vmem>>[vector<16xi32>], vector<16xf32>,
      %parallel_loop3A_1980 = arith.constant 8 : i32
      %parallel_loop3A_1981 = arith.divsi %parallel_loop3A_5, %parallel_loop3A_1980 : i32
      %parallel_loop3A_1982 = arith.constant 0 : i32
      %parallel_loop3A_1983 = arith.cmpi sgt, %parallel_loop3A_5, %parallel_loop3A_1982 : i32
      %parallel_loop3A_1984 = arith.extui %parallel_loop3A_1983 : i1 to i32
      %parallel_loop3A_1985 = arith.constant 0 : i32
      %parallel_loop3A_1986 = arith.cmpi slt, %parallel_loop3A_5, %parallel_loop3A_1985 : i32
      %parallel_loop3A_1987 = arith.extui %parallel_loop3A_1986 : i1 to i32
      %parallel_loop3A_1988 = arith.subi %parallel_loop3A_1984, %parallel_loop3A_1987 : i32
      %parallel_loop3A_1989 = arith.constant 0 : i32
      %parallel_loop3A_1990 = arith.cmpi sgt, %parallel_loop3A_1980, %parallel_loop3A_1989 : i32
      %parallel_loop3A_1991 = arith.extui %parallel_loop3A_1990 : i1 to i32
      %parallel_loop3A_1992 = arith.constant 0 : i32
      %parallel_loop3A_1993 = arith.cmpi slt, %parallel_loop3A_1980, %parallel_loop3A_1992 : i32
      %parallel_loop3A_1994 = arith.extui %parallel_loop3A_1993 : i1 to i32
      %parallel_loop3A_1995 = arith.subi %parallel_loop3A_1991, %parallel_loop3A_1994 : i32
      %parallel_loop3A_1996 = arith.cmpi ne, %parallel_loop3A_1988, %parallel_loop3A_1995 : i32
      %parallel_loop3A_1997 = arith.remsi %parallel_loop3A_5, %parallel_loop3A_1980 : i32
      %parallel_loop3A_1998 = arith.constant 0 : i32
      %parallel_loop3A_1999 = arith.cmpi ne, %parallel_loop3A_1997, %parallel_loop3A_1998 : i32
      %parallel_loop3A_2000 = arith.andi %parallel_loop3A_1996, %parallel_loop3A_1999 : i1
      %parallel_loop3A_2001 = arith.constant 1 : i32
      %parallel_loop3A_2002 = arith.subi %parallel_loop3A_1981, %parallel_loop3A_2001 : i32
      %parallel_loop3A_2003 = arith.select %parallel_loop3A_2000, %parallel_loop3A_2002, %parallel_loop3A_1981 : i32
      %parallel_loop3A_2004 = arith.constant 16 : i32
      %parallel_loop3A_2005 = arith.muli %parallel_loop3A_45, %parallel_loop3A_2004 : i32
      %parallel_loop3A_2006 = arith.constant 55 : i32
      %parallel_loop3A_2007 = arith.index_cast %parallel_loop3A_2006 : i32 to index
      %parallel_loop3A_2008 = arith.index_cast %parallel_loop3A_2003 : i32 to index
      %parallel_loop3A_2009 = arith.index_cast %parallel_loop3A_2005 : i32 to index
      %parallel_loop3A_2010 = tpu.vector_load %arg7[%parallel_loop3A_2007, %parallel_loop3A_2008, %parallel_loop3A_2009] {strides = array<i32>} : memref<64x8x128xf32, #tpu.memory_space<vmem>>, vector<16xf32>,
      tpu.vector_store %arg7[%parallel_loop3A_2007, %parallel_loop3A_2008, %parallel_loop3A_2009], %parallel_loop3A_1979 {strides = array<i32>} : memref<64x8x128xf32, #tpu.memory_space<vmem>>, vector<16xf32>,
      %parallel_loop3A_2011 = arith.constant 28672 : i32
      %parallel_loop3A_2012 = vector.broadcast %parallel_loop3A_2011 : i32 to vector<16xi32>
      %parallel_loop3A_2013 = arith.addi %parallel_loop3A_50, %parallel_loop3A_2012 : vector<16xi32>
      %parallel_loop3A_2014 = tpu.vector_load_idx %arg5[%parallel_loop3A_2013] : memref<32768xf32, #tpu.memory_space<vmem>>[vector<16xi32>], vector<16xf32>,
      %parallel_loop3A_2015 = arith.constant 8 : i32
      %parallel_loop3A_2016 = arith.divsi %parallel_loop3A_5, %parallel_loop3A_2015 : i32
      %parallel_loop3A_2017 = arith.constant 0 : i32
      %parallel_loop3A_2018 = arith.cmpi sgt, %parallel_loop3A_5, %parallel_loop3A_2017 : i32
      %parallel_loop3A_2019 = arith.extui %parallel_loop3A_2018 : i1 to i32
      %parallel_loop3A_2020 = arith.constant 0 : i32
      %parallel_loop3A_2021 = arith.cmpi slt, %parallel_loop3A_5, %parallel_loop3A_2020 : i32
      %parallel_loop3A_2022 = arith.extui %parallel_loop3A_2021 : i1 to i32
      %parallel_loop3A_2023 = arith.subi %parallel_loop3A_2019, %parallel_loop3A_2022 : i32
      %parallel_loop3A_2024 = arith.constant 0 : i32
      %parallel_loop3A_2025 = arith.cmpi sgt, %parallel_loop3A_2015, %parallel_loop3A_2024 : i32
      %parallel_loop3A_2026 = arith.extui %parallel_loop3A_2025 : i1 to i32
      %parallel_loop3A_2027 = arith.constant 0 : i32
      %parallel_loop3A_2028 = arith.cmpi slt, %parallel_loop3A_2015, %parallel_loop3A_2027 : i32
      %parallel_loop3A_2029 = arith.extui %parallel_loop3A_2028 : i1 to i32
      %parallel_loop3A_2030 = arith.subi %parallel_loop3A_2026, %parallel_loop3A_2029 : i32
      %parallel_loop3A_2031 = arith.cmpi ne, %parallel_loop3A_2023, %parallel_loop3A_2030 : i32
      %parallel_loop3A_2032 = arith.remsi %parallel_loop3A_5, %parallel_loop3A_2015 : i32
      %parallel_loop3A_2033 = arith.constant 0 : i32
      %parallel_loop3A_2034 = arith.cmpi ne, %parallel_loop3A_2032, %parallel_loop3A_2033 : i32
      %parallel_loop3A_2035 = arith.andi %parallel_loop3A_2031, %parallel_loop3A_2034 : i1
      %parallel_loop3A_2036 = arith.constant 1 : i32
      %parallel_loop3A_2037 = arith.subi %parallel_loop3A_2016, %parallel_loop3A_2036 : i32
      %parallel_loop3A_2038 = arith.select %parallel_loop3A_2035, %parallel_loop3A_2037, %parallel_loop3A_2016 : i32
      %parallel_loop3A_2039 = arith.constant 16 : i32
      %parallel_loop3A_2040 = arith.muli %parallel_loop3A_45, %parallel_loop3A_2039 : i32
      %parallel_loop3A_2041 = arith.constant 56 : i32
      %parallel_loop3A_2042 = arith.index_cast %parallel_loop3A_2041 : i32 to index
      %parallel_loop3A_2043 = arith.index_cast %parallel_loop3A_2038 : i32 to index
      %parallel_loop3A_2044 = arith.index_cast %parallel_loop3A_2040 : i32 to index
      %parallel_loop3A_2045 = tpu.vector_load %arg7[%parallel_loop3A_2042, %parallel_loop3A_2043, %parallel_loop3A_2044] {strides = array<i32>} : memref<64x8x128xf32, #tpu.memory_space<vmem>>, vector<16xf32>,
      tpu.vector_store %arg7[%parallel_loop3A_2042, %parallel_loop3A_2043, %parallel_loop3A_2044], %parallel_loop3A_2014 {strides = array<i32>} : memref<64x8x128xf32, #tpu.memory_space<vmem>>, vector<16xf32>,
      %parallel_loop3A_2046 = arith.constant 29184 : i32
      %parallel_loop3A_2047 = vector.broadcast %parallel_loop3A_2046 : i32 to vector<16xi32>
      %parallel_loop3A_2048 = arith.addi %parallel_loop3A_50, %parallel_loop3A_2047 : vector<16xi32>
      %parallel_loop3A_2049 = tpu.vector_load_idx %arg5[%parallel_loop3A_2048] : memref<32768xf32, #tpu.memory_space<vmem>>[vector<16xi32>], vector<16xf32>,
      %parallel_loop3A_2050 = arith.constant 8 : i32
      %parallel_loop3A_2051 = arith.divsi %parallel_loop3A_5, %parallel_loop3A_2050 : i32
      %parallel_loop3A_2052 = arith.constant 0 : i32
      %parallel_loop3A_2053 = arith.cmpi sgt, %parallel_loop3A_5, %parallel_loop3A_2052 : i32
      %parallel_loop3A_2054 = arith.extui %parallel_loop3A_2053 : i1 to i32
      %parallel_loop3A_2055 = arith.constant 0 : i32
      %parallel_loop3A_2056 = arith.cmpi slt, %parallel_loop3A_5, %parallel_loop3A_2055 : i32
      %parallel_loop3A_2057 = arith.extui %parallel_loop3A_2056 : i1 to i32
      %parallel_loop3A_2058 = arith.subi %parallel_loop3A_2054, %parallel_loop3A_2057 : i32
      %parallel_loop3A_2059 = arith.constant 0 : i32
      %parallel_loop3A_2060 = arith.cmpi sgt, %parallel_loop3A_2050, %parallel_loop3A_2059 : i32
      %parallel_loop3A_2061 = arith.extui %parallel_loop3A_2060 : i1 to i32
      %parallel_loop3A_2062 = arith.constant 0 : i32
      %parallel_loop3A_2063 = arith.cmpi slt, %parallel_loop3A_2050, %parallel_loop3A_2062 : i32
      %parallel_loop3A_2064 = arith.extui %parallel_loop3A_2063 : i1 to i32
      %parallel_loop3A_2065 = arith.subi %parallel_loop3A_2061, %parallel_loop3A_2064 : i32
      %parallel_loop3A_2066 = arith.cmpi ne, %parallel_loop3A_2058, %parallel_loop3A_2065 : i32
      %parallel_loop3A_2067 = arith.remsi %parallel_loop3A_5, %parallel_loop3A_2050 : i32
      %parallel_loop3A_2068 = arith.constant 0 : i32
      %parallel_loop3A_2069 = arith.cmpi ne, %parallel_loop3A_2067, %parallel_loop3A_2068 : i32
      %parallel_loop3A_2070 = arith.andi %parallel_loop3A_2066, %parallel_loop3A_2069 : i1
      %parallel_loop3A_2071 = arith.constant 1 : i32
      %parallel_loop3A_2072 = arith.subi %parallel_loop3A_2051, %parallel_loop3A_2071 : i32
      %parallel_loop3A_2073 = arith.select %parallel_loop3A_2070, %parallel_loop3A_2072, %parallel_loop3A_2051 : i32
      %parallel_loop3A_2074 = arith.constant 16 : i32
      %parallel_loop3A_2075 = arith.muli %parallel_loop3A_45, %parallel_loop3A_2074 : i32
      %parallel_loop3A_2076 = arith.constant 57 : i32
      %parallel_loop3A_2077 = arith.index_cast %parallel_loop3A_2076 : i32 to index
      %parallel_loop3A_2078 = arith.index_cast %parallel_loop3A_2073 : i32 to index
      %parallel_loop3A_2079 = arith.index_cast %parallel_loop3A_2075 : i32 to index
      %parallel_loop3A_2080 = tpu.vector_load %arg7[%parallel_loop3A_2077, %parallel_loop3A_2078, %parallel_loop3A_2079] {strides = array<i32>} : memref<64x8x128xf32, #tpu.memory_space<vmem>>, vector<16xf32>,
      tpu.vector_store %arg7[%parallel_loop3A_2077, %parallel_loop3A_2078, %parallel_loop3A_2079], %parallel_loop3A_2049 {strides = array<i32>} : memref<64x8x128xf32, #tpu.memory_space<vmem>>, vector<16xf32>,
      %parallel_loop3A_2081 = arith.constant 29696 : i32
      %parallel_loop3A_2082 = vector.broadcast %parallel_loop3A_2081 : i32 to vector<16xi32>
      %parallel_loop3A_2083 = arith.addi %parallel_loop3A_50, %parallel_loop3A_2082 : vector<16xi32>
      %parallel_loop3A_2084 = tpu.vector_load_idx %arg5[%parallel_loop3A_2083] : memref<32768xf32, #tpu.memory_space<vmem>>[vector<16xi32>], vector<16xf32>,
      %parallel_loop3A_2085 = arith.constant 8 : i32
      %parallel_loop3A_2086 = arith.divsi %parallel_loop3A_5, %parallel_loop3A_2085 : i32
      %parallel_loop3A_2087 = arith.constant 0 : i32
      %parallel_loop3A_2088 = arith.cmpi sgt, %parallel_loop3A_5, %parallel_loop3A_2087 : i32
      %parallel_loop3A_2089 = arith.extui %parallel_loop3A_2088 : i1 to i32
      %parallel_loop3A_2090 = arith.constant 0 : i32
      %parallel_loop3A_2091 = arith.cmpi slt, %parallel_loop3A_5, %parallel_loop3A_2090 : i32
      %parallel_loop3A_2092 = arith.extui %parallel_loop3A_2091 : i1 to i32
      %parallel_loop3A_2093 = arith.subi %parallel_loop3A_2089, %parallel_loop3A_2092 : i32
      %parallel_loop3A_2094 = arith.constant 0 : i32
      %parallel_loop3A_2095 = arith.cmpi sgt, %parallel_loop3A_2085, %parallel_loop3A_2094 : i32
      %parallel_loop3A_2096 = arith.extui %parallel_loop3A_2095 : i1 to i32
      %parallel_loop3A_2097 = arith.constant 0 : i32
      %parallel_loop3A_2098 = arith.cmpi slt, %parallel_loop3A_2085, %parallel_loop3A_2097 : i32
      %parallel_loop3A_2099 = arith.extui %parallel_loop3A_2098 : i1 to i32
      %parallel_loop3A_2100 = arith.subi %parallel_loop3A_2096, %parallel_loop3A_2099 : i32
      %parallel_loop3A_2101 = arith.cmpi ne, %parallel_loop3A_2093, %parallel_loop3A_2100 : i32
      %parallel_loop3A_2102 = arith.remsi %parallel_loop3A_5, %parallel_loop3A_2085 : i32
      %parallel_loop3A_2103 = arith.constant 0 : i32
      %parallel_loop3A_2104 = arith.cmpi ne, %parallel_loop3A_2102, %parallel_loop3A_2103 : i32
      %parallel_loop3A_2105 = arith.andi %parallel_loop3A_2101, %parallel_loop3A_2104 : i1
      %parallel_loop3A_2106 = arith.constant 1 : i32
      %parallel_loop3A_2107 = arith.subi %parallel_loop3A_2086, %parallel_loop3A_2106 : i32
      %parallel_loop3A_2108 = arith.select %parallel_loop3A_2105, %parallel_loop3A_2107, %parallel_loop3A_2086 : i32
      %parallel_loop3A_2109 = arith.constant 16 : i32
      %parallel_loop3A_2110 = arith.muli %parallel_loop3A_45, %parallel_loop3A_2109 : i32
      %parallel_loop3A_2111 = arith.constant 58 : i32
      %parallel_loop3A_2112 = arith.index_cast %parallel_loop3A_2111 : i32 to index
      %parallel_loop3A_2113 = arith.index_cast %parallel_loop3A_2108 : i32 to index
      %parallel_loop3A_2114 = arith.index_cast %parallel_loop3A_2110 : i32 to index
      %parallel_loop3A_2115 = tpu.vector_load %arg7[%parallel_loop3A_2112, %parallel_loop3A_2113, %parallel_loop3A_2114] {strides = array<i32>} : memref<64x8x128xf32, #tpu.memory_space<vmem>>, vector<16xf32>,
      tpu.vector_store %arg7[%parallel_loop3A_2112, %parallel_loop3A_2113, %parallel_loop3A_2114], %parallel_loop3A_2084 {strides = array<i32>} : memref<64x8x128xf32, #tpu.memory_space<vmem>>, vector<16xf32>,
      %parallel_loop3A_2116 = arith.constant 30208 : i32
      %parallel_loop3A_2117 = vector.broadcast %parallel_loop3A_2116 : i32 to vector<16xi32>
      %parallel_loop3A_2118 = arith.addi %parallel_loop3A_50, %parallel_loop3A_2117 : vector<16xi32>
      %parallel_loop3A_2119 = tpu.vector_load_idx %arg5[%parallel_loop3A_2118] : memref<32768xf32, #tpu.memory_space<vmem>>[vector<16xi32>], vector<16xf32>,
      %parallel_loop3A_2120 = arith.constant 8 : i32
      %parallel_loop3A_2121 = arith.divsi %parallel_loop3A_5, %parallel_loop3A_2120 : i32
      %parallel_loop3A_2122 = arith.constant 0 : i32
      %parallel_loop3A_2123 = arith.cmpi sgt, %parallel_loop3A_5, %parallel_loop3A_2122 : i32
      %parallel_loop3A_2124 = arith.extui %parallel_loop3A_2123 : i1 to i32
      %parallel_loop3A_2125 = arith.constant 0 : i32
      %parallel_loop3A_2126 = arith.cmpi slt, %parallel_loop3A_5, %parallel_loop3A_2125 : i32
      %parallel_loop3A_2127 = arith.extui %parallel_loop3A_2126 : i1 to i32
      %parallel_loop3A_2128 = arith.subi %parallel_loop3A_2124, %parallel_loop3A_2127 : i32
      %parallel_loop3A_2129 = arith.constant 0 : i32
      %parallel_loop3A_2130 = arith.cmpi sgt, %parallel_loop3A_2120, %parallel_loop3A_2129 : i32
      %parallel_loop3A_2131 = arith.extui %parallel_loop3A_2130 : i1 to i32
      %parallel_loop3A_2132 = arith.constant 0 : i32
      %parallel_loop3A_2133 = arith.cmpi slt, %parallel_loop3A_2120, %parallel_loop3A_2132 : i32
      %parallel_loop3A_2134 = arith.extui %parallel_loop3A_2133 : i1 to i32
      %parallel_loop3A_2135 = arith.subi %parallel_loop3A_2131, %parallel_loop3A_2134 : i32
      %parallel_loop3A_2136 = arith.cmpi ne, %parallel_loop3A_2128, %parallel_loop3A_2135 : i32
      %parallel_loop3A_2137 = arith.remsi %parallel_loop3A_5, %parallel_loop3A_2120 : i32
      %parallel_loop3A_2138 = arith.constant 0 : i32
      %parallel_loop3A_2139 = arith.cmpi ne, %parallel_loop3A_2137, %parallel_loop3A_2138 : i32
      %parallel_loop3A_2140 = arith.andi %parallel_loop3A_2136, %parallel_loop3A_2139 : i1
      %parallel_loop3A_2141 = arith.constant 1 : i32
      %parallel_loop3A_2142 = arith.subi %parallel_loop3A_2121, %parallel_loop3A_2141 : i32
      %parallel_loop3A_2143 = arith.select %parallel_loop3A_2140, %parallel_loop3A_2142, %parallel_loop3A_2121 : i32
      %parallel_loop3A_2144 = arith.constant 16 : i32
      %parallel_loop3A_2145 = arith.muli %parallel_loop3A_45, %parallel_loop3A_2144 : i32
      %parallel_loop3A_2146 = arith.constant 59 : i32
      %parallel_loop3A_2147 = arith.index_cast %parallel_loop3A_2146 : i32 to index
      %parallel_loop3A_2148 = arith.index_cast %parallel_loop3A_2143 : i32 to index
      %parallel_loop3A_2149 = arith.index_cast %parallel_loop3A_2145 : i32 to index
      %parallel_loop3A_2150 = tpu.vector_load %arg7[%parallel_loop3A_2147, %parallel_loop3A_2148, %parallel_loop3A_2149] {strides = array<i32>} : memref<64x8x128xf32, #tpu.memory_space<vmem>>, vector<16xf32>,
      tpu.vector_store %arg7[%parallel_loop3A_2147, %parallel_loop3A_2148, %parallel_loop3A_2149], %parallel_loop3A_2119 {strides = array<i32>} : memref<64x8x128xf32, #tpu.memory_space<vmem>>, vector<16xf32>,
      %parallel_loop3A_2151 = arith.constant 30720 : i32
      %parallel_loop3A_2152 = vector.broadcast %parallel_loop3A_2151 : i32 to vector<16xi32>
      %parallel_loop3A_2153 = arith.addi %parallel_loop3A_50, %parallel_loop3A_2152 : vector<16xi32>
      %parallel_loop3A_2154 = tpu.vector_load_idx %arg5[%parallel_loop3A_2153] : memref<32768xf32, #tpu.memory_space<vmem>>[vector<16xi32>], vector<16xf32>,
      %parallel_loop3A_2155 = arith.constant 8 : i32
      %parallel_loop3A_2156 = arith.divsi %parallel_loop3A_5, %parallel_loop3A_2155 : i32
      %parallel_loop3A_2157 = arith.constant 0 : i32
      %parallel_loop3A_2158 = arith.cmpi sgt, %parallel_loop3A_5, %parallel_loop3A_2157 : i32
      %parallel_loop3A_2159 = arith.extui %parallel_loop3A_2158 : i1 to i32
      %parallel_loop3A_2160 = arith.constant 0 : i32
      %parallel_loop3A_2161 = arith.cmpi slt, %parallel_loop3A_5, %parallel_loop3A_2160 : i32
      %parallel_loop3A_2162 = arith.extui %parallel_loop3A_2161 : i1 to i32
      %parallel_loop3A_2163 = arith.subi %parallel_loop3A_2159, %parallel_loop3A_2162 : i32
      %parallel_loop3A_2164 = arith.constant 0 : i32
      %parallel_loop3A_2165 = arith.cmpi sgt, %parallel_loop3A_2155, %parallel_loop3A_2164 : i32
      %parallel_loop3A_2166 = arith.extui %parallel_loop3A_2165 : i1 to i32
      %parallel_loop3A_2167 = arith.constant 0 : i32
      %parallel_loop3A_2168 = arith.cmpi slt, %parallel_loop3A_2155, %parallel_loop3A_2167 : i32
      %parallel_loop3A_2169 = arith.extui %parallel_loop3A_2168 : i1 to i32
      %parallel_loop3A_2170 = arith.subi %parallel_loop3A_2166, %parallel_loop3A_2169 : i32
      %parallel_loop3A_2171 = arith.cmpi ne, %parallel_loop3A_2163, %parallel_loop3A_2170 : i32
      %parallel_loop3A_2172 = arith.remsi %parallel_loop3A_5, %parallel_loop3A_2155 : i32
      %parallel_loop3A_2173 = arith.constant 0 : i32
      %parallel_loop3A_2174 = arith.cmpi ne, %parallel_loop3A_2172, %parallel_loop3A_2173 : i32
      %parallel_loop3A_2175 = arith.andi %parallel_loop3A_2171, %parallel_loop3A_2174 : i1
      %parallel_loop3A_2176 = arith.constant 1 : i32
      %parallel_loop3A_2177 = arith.subi %parallel_loop3A_2156, %parallel_loop3A_2176 : i32
      %parallel_loop3A_2178 = arith.select %parallel_loop3A_2175, %parallel_loop3A_2177, %parallel_loop3A_2156 : i32
      %parallel_loop3A_2179 = arith.constant 16 : i32
      %parallel_loop3A_2180 = arith.muli %parallel_loop3A_45, %parallel_loop3A_2179 : i32
      %parallel_loop3A_2181 = arith.constant 60 : i32
      %parallel_loop3A_2182 = arith.index_cast %parallel_loop3A_2181 : i32 to index
      %parallel_loop3A_2183 = arith.index_cast %parallel_loop3A_2178 : i32 to index
      %parallel_loop3A_2184 = arith.index_cast %parallel_loop3A_2180 : i32 to index
      %parallel_loop3A_2185 = tpu.vector_load %arg7[%parallel_loop3A_2182, %parallel_loop3A_2183, %parallel_loop3A_2184] {strides = array<i32>} : memref<64x8x128xf32, #tpu.memory_space<vmem>>, vector<16xf32>,
      tpu.vector_store %arg7[%parallel_loop3A_2182, %parallel_loop3A_2183, %parallel_loop3A_2184], %parallel_loop3A_2154 {strides = array<i32>} : memref<64x8x128xf32, #tpu.memory_space<vmem>>, vector<16xf32>,
      %parallel_loop3A_2186 = arith.constant 31232 : i32
      %parallel_loop3A_2187 = vector.broadcast %parallel_loop3A_2186 : i32 to vector<16xi32>
      %parallel_loop3A_2188 = arith.addi %parallel_loop3A_50, %parallel_loop3A_2187 : vector<16xi32>
      %parallel_loop3A_2189 = tpu.vector_load_idx %arg5[%parallel_loop3A_2188] : memref<32768xf32, #tpu.memory_space<vmem>>[vector<16xi32>], vector<16xf32>,
      %parallel_loop3A_2190 = arith.constant 8 : i32
      %parallel_loop3A_2191 = arith.divsi %parallel_loop3A_5, %parallel_loop3A_2190 : i32
      %parallel_loop3A_2192 = arith.constant 0 : i32
      %parallel_loop3A_2193 = arith.cmpi sgt, %parallel_loop3A_5, %parallel_loop3A_2192 : i32
      %parallel_loop3A_2194 = arith.extui %parallel_loop3A_2193 : i1 to i32
      %parallel_loop3A_2195 = arith.constant 0 : i32
      %parallel_loop3A_2196 = arith.cmpi slt, %parallel_loop3A_5, %parallel_loop3A_2195 : i32
      %parallel_loop3A_2197 = arith.extui %parallel_loop3A_2196 : i1 to i32
      %parallel_loop3A_2198 = arith.subi %parallel_loop3A_2194, %parallel_loop3A_2197 : i32
      %parallel_loop3A_2199 = arith.constant 0 : i32
      %parallel_loop3A_2200 = arith.cmpi sgt, %parallel_loop3A_2190, %parallel_loop3A_2199 : i32
      %parallel_loop3A_2201 = arith.extui %parallel_loop3A_2200 : i1 to i32
      %parallel_loop3A_2202 = arith.constant 0 : i32
      %parallel_loop3A_2203 = arith.cmpi slt, %parallel_loop3A_2190, %parallel_loop3A_2202 : i32
      %parallel_loop3A_2204 = arith.extui %parallel_loop3A_2203 : i1 to i32
      %parallel_loop3A_2205 = arith.subi %parallel_loop3A_2201, %parallel_loop3A_2204 : i32
      %parallel_loop3A_2206 = arith.cmpi ne, %parallel_loop3A_2198, %parallel_loop3A_2205 : i32
      %parallel_loop3A_2207 = arith.remsi %parallel_loop3A_5, %parallel_loop3A_2190 : i32
      %parallel_loop3A_2208 = arith.constant 0 : i32
      %parallel_loop3A_2209 = arith.cmpi ne, %parallel_loop3A_2207, %parallel_loop3A_2208 : i32
      %parallel_loop3A_2210 = arith.andi %parallel_loop3A_2206, %parallel_loop3A_2209 : i1
      %parallel_loop3A_2211 = arith.constant 1 : i32
      %parallel_loop3A_2212 = arith.subi %parallel_loop3A_2191, %parallel_loop3A_2211 : i32
      %parallel_loop3A_2213 = arith.select %parallel_loop3A_2210, %parallel_loop3A_2212, %parallel_loop3A_2191 : i32
      %parallel_loop3A_2214 = arith.constant 16 : i32
      %parallel_loop3A_2215 = arith.muli %parallel_loop3A_45, %parallel_loop3A_2214 : i32
      %parallel_loop3A_2216 = arith.constant 61 : i32
      %parallel_loop3A_2217 = arith.index_cast %parallel_loop3A_2216 : i32 to index
      %parallel_loop3A_2218 = arith.index_cast %parallel_loop3A_2213 : i32 to index
      %parallel_loop3A_2219 = arith.index_cast %parallel_loop3A_2215 : i32 to index
      %parallel_loop3A_2220 = tpu.vector_load %arg7[%parallel_loop3A_2217, %parallel_loop3A_2218, %parallel_loop3A_2219] {strides = array<i32>} : memref<64x8x128xf32, #tpu.memory_space<vmem>>, vector<16xf32>,
      tpu.vector_store %arg7[%parallel_loop3A_2217, %parallel_loop3A_2218, %parallel_loop3A_2219], %parallel_loop3A_2189 {strides = array<i32>} : memref<64x8x128xf32, #tpu.memory_space<vmem>>, vector<16xf32>,
      %parallel_loop3A_2221 = arith.constant 31744 : i32
      %parallel_loop3A_2222 = vector.broadcast %parallel_loop3A_2221 : i32 to vector<16xi32>
      %parallel_loop3A_2223 = arith.addi %parallel_loop3A_50, %parallel_loop3A_2222 : vector<16xi32>
      %parallel_loop3A_2224 = tpu.vector_load_idx %arg5[%parallel_loop3A_2223] : memref<32768xf32, #tpu.memory_space<vmem>>[vector<16xi32>], vector<16xf32>,
      %parallel_loop3A_2225 = arith.constant 8 : i32
      %parallel_loop3A_2226 = arith.divsi %parallel_loop3A_5, %parallel_loop3A_2225 : i32
      %parallel_loop3A_2227 = arith.constant 0 : i32
      %parallel_loop3A_2228 = arith.cmpi sgt, %parallel_loop3A_5, %parallel_loop3A_2227 : i32
      %parallel_loop3A_2229 = arith.extui %parallel_loop3A_2228 : i1 to i32
      %parallel_loop3A_2230 = arith.constant 0 : i32
      %parallel_loop3A_2231 = arith.cmpi slt, %parallel_loop3A_5, %parallel_loop3A_2230 : i32
      %parallel_loop3A_2232 = arith.extui %parallel_loop3A_2231 : i1 to i32
      %parallel_loop3A_2233 = arith.subi %parallel_loop3A_2229, %parallel_loop3A_2232 : i32
      %parallel_loop3A_2234 = arith.constant 0 : i32
      %parallel_loop3A_2235 = arith.cmpi sgt, %parallel_loop3A_2225, %parallel_loop3A_2234 : i32
      %parallel_loop3A_2236 = arith.extui %parallel_loop3A_2235 : i1 to i32
      %parallel_loop3A_2237 = arith.constant 0 : i32
      %parallel_loop3A_2238 = arith.cmpi slt, %parallel_loop3A_2225, %parallel_loop3A_2237 : i32
      %parallel_loop3A_2239 = arith.extui %parallel_loop3A_2238 : i1 to i32
      %parallel_loop3A_2240 = arith.subi %parallel_loop3A_2236, %parallel_loop3A_2239 : i32
      %parallel_loop3A_2241 = arith.cmpi ne, %parallel_loop3A_2233, %parallel_loop3A_2240 : i32
      %parallel_loop3A_2242 = arith.remsi %parallel_loop3A_5, %parallel_loop3A_2225 : i32
      %parallel_loop3A_2243 = arith.constant 0 : i32
      %parallel_loop3A_2244 = arith.cmpi ne, %parallel_loop3A_2242, %parallel_loop3A_2243 : i32
      %parallel_loop3A_2245 = arith.andi %parallel_loop3A_2241, %parallel_loop3A_2244 : i1
      %parallel_loop3A_2246 = arith.constant 1 : i32
      %parallel_loop3A_2247 = arith.subi %parallel_loop3A_2226, %parallel_loop3A_2246 : i32
      %parallel_loop3A_2248 = arith.select %parallel_loop3A_2245, %parallel_loop3A_2247, %parallel_loop3A_2226 : i32
      %parallel_loop3A_2249 = arith.constant 16 : i32
      %parallel_loop3A_2250 = arith.muli %parallel_loop3A_45, %parallel_loop3A_2249 : i32
      %parallel_loop3A_2251 = arith.constant 62 : i32
      %parallel_loop3A_2252 = arith.index_cast %parallel_loop3A_2251 : i32 to index
      %parallel_loop3A_2253 = arith.index_cast %parallel_loop3A_2248 : i32 to index
      %parallel_loop3A_2254 = arith.index_cast %parallel_loop3A_2250 : i32 to index
      %parallel_loop3A_2255 = tpu.vector_load %arg7[%parallel_loop3A_2252, %parallel_loop3A_2253, %parallel_loop3A_2254] {strides = array<i32>} : memref<64x8x128xf32, #tpu.memory_space<vmem>>, vector<16xf32>,
      tpu.vector_store %arg7[%parallel_loop3A_2252, %parallel_loop3A_2253, %parallel_loop3A_2254], %parallel_loop3A_2224 {strides = array<i32>} : memref<64x8x128xf32, #tpu.memory_space<vmem>>, vector<16xf32>,
      %parallel_loop3A_2256 = arith.constant 32256 : i32
      %parallel_loop3A_2257 = vector.broadcast %parallel_loop3A_2256 : i32 to vector<16xi32>
      %parallel_loop3A_2258 = arith.addi %parallel_loop3A_50, %parallel_loop3A_2257 : vector<16xi32>
      %parallel_loop3A_2259 = tpu.vector_load_idx %arg5[%parallel_loop3A_2258] : memref<32768xf32, #tpu.memory_space<vmem>>[vector<16xi32>], vector<16xf32>,
      %parallel_loop3A_2260 = arith.constant 8 : i32
      %parallel_loop3A_2261 = arith.divsi %parallel_loop3A_5, %parallel_loop3A_2260 : i32
      %parallel_loop3A_2262 = arith.constant 0 : i32
      %parallel_loop3A_2263 = arith.cmpi sgt, %parallel_loop3A_5, %parallel_loop3A_2262 : i32
      %parallel_loop3A_2264 = arith.extui %parallel_loop3A_2263 : i1 to i32
      %parallel_loop3A_2265 = arith.constant 0 : i32
      %parallel_loop3A_2266 = arith.cmpi slt, %parallel_loop3A_5, %parallel_loop3A_2265 : i32
      %parallel_loop3A_2267 = arith.extui %parallel_loop3A_2266 : i1 to i32
      %parallel_loop3A_2268 = arith.subi %parallel_loop3A_2264, %parallel_loop3A_2267 : i32
      %parallel_loop3A_2269 = arith.constant 0 : i32
      %parallel_loop3A_2270 = arith.cmpi sgt, %parallel_loop3A_2260, %parallel_loop3A_2269 : i32
      %parallel_loop3A_2271 = arith.extui %parallel_loop3A_2270 : i1 to i32
      %parallel_loop3A_2272 = arith.constant 0 : i32
      %parallel_loop3A_2273 = arith.cmpi slt, %parallel_loop3A_2260, %parallel_loop3A_2272 : i32
      %parallel_loop3A_2274 = arith.extui %parallel_loop3A_2273 : i1 to i32
      %parallel_loop3A_2275 = arith.subi %parallel_loop3A_2271, %parallel_loop3A_2274 : i32
      %parallel_loop3A_2276 = arith.cmpi ne, %parallel_loop3A_2268, %parallel_loop3A_2275 : i32
      %parallel_loop3A_2277 = arith.remsi %parallel_loop3A_5, %parallel_loop3A_2260 : i32
      %parallel_loop3A_2278 = arith.constant 0 : i32
      %parallel_loop3A_2279 = arith.cmpi ne, %parallel_loop3A_2277, %parallel_loop3A_2278 : i32
      %parallel_loop3A_2280 = arith.andi %parallel_loop3A_2276, %parallel_loop3A_2279 : i1
      %parallel_loop3A_2281 = arith.constant 1 : i32
      %parallel_loop3A_2282 = arith.subi %parallel_loop3A_2261, %parallel_loop3A_2281 : i32
      %parallel_loop3A_2283 = arith.select %parallel_loop3A_2280, %parallel_loop3A_2282, %parallel_loop3A_2261 : i32
      %parallel_loop3A_2284 = arith.constant 16 : i32
      %parallel_loop3A_2285 = arith.muli %parallel_loop3A_45, %parallel_loop3A_2284 : i32
      %parallel_loop3A_2286 = arith.constant 63 : i32
      %parallel_loop3A_2287 = arith.index_cast %parallel_loop3A_2286 : i32 to index
      %parallel_loop3A_2288 = arith.index_cast %parallel_loop3A_2283 : i32 to index
      %parallel_loop3A_2289 = arith.index_cast %parallel_loop3A_2285 : i32 to index
      %parallel_loop3A_2290 = tpu.vector_load %arg7[%parallel_loop3A_2287, %parallel_loop3A_2288, %parallel_loop3A_2289] {strides = array<i32>} : memref<64x8x128xf32, #tpu.memory_space<vmem>>, vector<16xf32>,
      tpu.vector_store %arg7[%parallel_loop3A_2287, %parallel_loop3A_2288, %parallel_loop3A_2289], %parallel_loop3A_2259 {strides = array<i32>} : memref<64x8x128xf32, #tpu.memory_space<vmem>>, vector<16xf32>,
    } {sc.loop_unroll_factor = 2 : i64, sc.parallel_access}
    "tpu.region"() ({
      %run_scoped3A = tpu.sem_alloc : memref<!tpu.dma_semaphore, #tpu.memory_space<semaphore_mem>>
      %dma_start3A = arith.constant 0 : i32
      %dma_start3A_5 = arith.constant 0 : i32
      %dma_start3A_6 = tpu.memref_slice %arg4[%dma_start3A, %mul3A_2, %dma_start3A_5] : memref<64x256x128xf32, #tpu.memory_space<hbm>> -> memref<64x8x128xf32, #tpu.memory_space<hbm>>
      %dma_start3A_7 = arith.constant 0 : i32
      %dma_start3A_8 = arith.constant 0 : i32
      %dma_start3A_9 = tpu.memref_slice %arg4[%dma_start3A_7, %mul3A_2, %dma_start3A_8] : memref<64x256x128xf32, #tpu.memory_space<hbm>> -> memref<64x8x128xf32, #tpu.memory_space<hbm>>
      tpu.enqueue_dma source(%arg7 : memref<64x8x128xf32, #tpu.memory_space<vmem>>) target(%dma_start3A_9 : memref<64x8x128xf32, #tpu.memory_space<hbm>>) target_semaphore(%run_scoped3A : memref<!tpu.dma_semaphore, #tpu.memory_space<semaphore_mem>>)
      %dma_wait3A = arith.constant 0 : i32
      %dma_wait3A_10 = arith.constant 0 : i32
      %dma_wait3A_11 = tpu.memref_slice %arg4[%dma_wait3A, %mul3A_2, %dma_wait3A_10] : memref<64x256x128xf32, #tpu.memory_space<hbm>> -> memref<64x8x128xf32, #tpu.memory_space<hbm>>
      %dma_wait3A_12 = arith.constant 0 : i32
      %dma_wait3A_13 = arith.constant 0 : i32
      %dma_wait3A_14 = tpu.memref_slice %arg4[%dma_wait3A_12, %mul3A_2, %dma_wait3A_13] : memref<64x256x128xf32, #tpu.memory_space<hbm>> -> memref<64x8x128xf32, #tpu.memory_space<hbm>>
      tpu.wait_dma2 semaphore(%run_scoped3A : memref<!tpu.dma_semaphore, #tpu.memory_space<semaphore_mem>>) src(%arg7 : memref<64x8x128xf32, #tpu.memory_space<vmem>>) dst(%dma_wait3A_14 : memref<64x8x128xf32, #tpu.memory_space<hbm>>)
      tpu.yield
    }) : () -> ()
    return
  }
}

module attributes {stable_mosaic.version = 14 : i64} {
  func.func @_tc_body(%arg0: i32, %arg1: memref<16x64x256xf32, #tpu.memory_space<vmem>>, %arg2: memref<512x64xf32, #tpu.memory_space<vmem>>, %arg3: memref<16x256xi32, #tpu.memory_space<vmem>>) attributes {dimension_semantics = [#tpu.dimension_semantics<arbitrary>], iteration_bounds = array<i64: 8>, scalar_prefetch = 0 : i64, scratch_operands = 0 : i64, tpu.core_type = #tpu.core_type<tc>, window_params = [{transform_indices = @transform_0, window_bounds = array<i64: 16, 64, 256>}, {pipeline_mode = #tpu.pipeline_mode<synchronous>, transform_indices = @transform_1, window_bounds = array<i64: 512, 64>}, {transform_indices = @transform_2, window_bounds = array<i64: 16, 256>}]} {
    %get3A = arith.constant 0 : index
    %get3A_0 = arith.constant 0 : index
    %get3A_1 = vector.load %arg2[%get3A, %get3A_0] : memref<512x64xf32, #tpu.memory_space<vmem>>, vector<512x64xf32>
    %mul3A = arith.mulf %get3A_1, %get3A_1 : vector<512x64xf32>
    %reduce_sum3A = arith.constant dense<0.000000e+00> : vector<512xf32>
    %reduce_sum3A_2 = vector.multi_reduction <add>, %mul3A, %reduce_sum3A [1] : vector<512x64xf32> to vector<512xf32>
    %broadcast_in_dim3A = vector.shape_cast %reduce_sum3A_2 : vector<512xf32> to vector<512x1xf32>
    %get3A_3 = arith.constant 0 : index
    %get3A_4 = arith.constant 0 : index
    %get3A_5 = arith.constant 0 : index
    %get3A_6 = vector.load %arg1[%get3A_3, %get3A_4, %get3A_5] : memref<16x64x256xf32, #tpu.memory_space<vmem>>, vector<1x64x256xf32>
    %get3A_7 = vector.shape_cast %get3A_6 : vector<1x64x256xf32> to vector<64x256xf32>
    %dot_general3A = arith.constant dense<0.000000e+00> : vector<512x256xf32>
    %dot_general3A_8 = tpu.matmul %get3A_1, %get3A_7, %dot_general3A {dimension_numbers = #tpu.dot_dimension_numbers<[1], [0], [0], [1], [0, 0, 1, 1], [], []>, transpose_lhs_hint = false} : vector<512x64xf32>, vector<64x256xf32>, vector<512x256xf32> -> vector<512x256xf32>
    %mul3A_9 = arith.constant 2.000000e+00 : f32
    %mul3A_10 = vector.broadcast %mul3A_9 : f32 to vector<512x256xf32>
    %mul3A_11 = arith.mulf %mul3A_10, %dot_general3A_8 : vector<512x256xf32>
    %sub3A = vector.broadcast %broadcast_in_dim3A : vector<512x1xf32> to vector<512x256xf32>
    %sub3A_12 = arith.subf %sub3A, %mul3A_11 : vector<512x256xf32>
    %argmin3A = tpu.reduce_index %sub3A_12 {axis = 0 : i32, kind = #tpu.reduction_kind<arg_min>} : vector<512x256xf32> -> vector<256xi32>
    %swap3A = arith.constant 0 : index
    %swap3A_13 = arith.constant 0 : index
    %swap3A_14 = vector.load %arg3[%swap3A, %swap3A_13] : memref<16x256xi32, #tpu.memory_space<vmem>>, vector<1x256xi32>
    %swap3A_15 = vector.shape_cast %swap3A_14 : vector<1x256xi32> to vector<256xi32>
    %swap3A_16 = vector.shape_cast %argmin3A : vector<256xi32> to vector<1x256xi32>
    tpu.vector_store %arg3[%swap3A, %swap3A_13], %swap3A_16 {strides = array<i32>} : memref<16x256xi32, #tpu.memory_space<vmem>>, vector<1x256xi32>,
    %get3A_17 = arith.constant 1 : index
    %get3A_18 = arith.constant 0 : index
    %get3A_19 = arith.constant 0 : index
    %get3A_20 = vector.load %arg1[%get3A_17, %get3A_18, %get3A_19] : memref<16x64x256xf32, #tpu.memory_space<vmem>>, vector<1x64x256xf32>
    %get3A_21 = vector.shape_cast %get3A_20 : vector<1x64x256xf32> to vector<64x256xf32>
    %dot_general3A_22 = arith.constant dense<0.000000e+00> : vector<512x256xf32>
    %dot_general3A_23 = tpu.matmul %get3A_1, %get3A_21, %dot_general3A_22 {dimension_numbers = #tpu.dot_dimension_numbers<[1], [0], [0], [1], [0, 0, 1, 1], [], []>, transpose_lhs_hint = false} : vector<512x64xf32>, vector<64x256xf32>, vector<512x256xf32> -> vector<512x256xf32>
    %mul3A_24 = arith.constant 2.000000e+00 : f32
    %mul3A_25 = vector.broadcast %mul3A_24 : f32 to vector<512x256xf32>
    %mul3A_26 = arith.mulf %mul3A_25, %dot_general3A_23 : vector<512x256xf32>
    %sub3A_27 = vector.broadcast %broadcast_in_dim3A : vector<512x1xf32> to vector<512x256xf32>
    %sub3A_28 = arith.subf %sub3A_27, %mul3A_26 : vector<512x256xf32>
    %argmin3A_29 = tpu.reduce_index %sub3A_28 {axis = 0 : i32, kind = #tpu.reduction_kind<arg_min>} : vector<512x256xf32> -> vector<256xi32>
    %swap3A_30 = arith.constant 1 : index
    %swap3A_31 = arith.constant 0 : index
    %swap3A_32 = vector.load %arg3[%swap3A_30, %swap3A_31] : memref<16x256xi32, #tpu.memory_space<vmem>>, vector<1x256xi32>
    %swap3A_33 = vector.shape_cast %swap3A_32 : vector<1x256xi32> to vector<256xi32>
    %swap3A_34 = vector.shape_cast %argmin3A_29 : vector<256xi32> to vector<1x256xi32>
    tpu.vector_store %arg3[%swap3A_30, %swap3A_31], %swap3A_34 {strides = array<i32>} : memref<16x256xi32, #tpu.memory_space<vmem>>, vector<1x256xi32>,
    %get3A_35 = arith.constant 2 : index
    %get3A_36 = arith.constant 0 : index
    %get3A_37 = arith.constant 0 : index
    %get3A_38 = vector.load %arg1[%get3A_35, %get3A_36, %get3A_37] : memref<16x64x256xf32, #tpu.memory_space<vmem>>, vector<1x64x256xf32>
    %get3A_39 = vector.shape_cast %get3A_38 : vector<1x64x256xf32> to vector<64x256xf32>
    %dot_general3A_40 = arith.constant dense<0.000000e+00> : vector<512x256xf32>
    %dot_general3A_41 = tpu.matmul %get3A_1, %get3A_39, %dot_general3A_40 {dimension_numbers = #tpu.dot_dimension_numbers<[1], [0], [0], [1], [0, 0, 1, 1], [], []>, transpose_lhs_hint = false} : vector<512x64xf32>, vector<64x256xf32>, vector<512x256xf32> -> vector<512x256xf32>
    %mul3A_42 = arith.constant 2.000000e+00 : f32
    %mul3A_43 = vector.broadcast %mul3A_42 : f32 to vector<512x256xf32>
    %mul3A_44 = arith.mulf %mul3A_43, %dot_general3A_41 : vector<512x256xf32>
    %sub3A_45 = vector.broadcast %broadcast_in_dim3A : vector<512x1xf32> to vector<512x256xf32>
    %sub3A_46 = arith.subf %sub3A_45, %mul3A_44 : vector<512x256xf32>
    %argmin3A_47 = tpu.reduce_index %sub3A_46 {axis = 0 : i32, kind = #tpu.reduction_kind<arg_min>} : vector<512x256xf32> -> vector<256xi32>
    %swap3A_48 = arith.constant 2 : index
    %swap3A_49 = arith.constant 0 : index
    %swap3A_50 = vector.load %arg3[%swap3A_48, %swap3A_49] : memref<16x256xi32, #tpu.memory_space<vmem>>, vector<1x256xi32>
    %swap3A_51 = vector.shape_cast %swap3A_50 : vector<1x256xi32> to vector<256xi32>
    %swap3A_52 = vector.shape_cast %argmin3A_47 : vector<256xi32> to vector<1x256xi32>
    tpu.vector_store %arg3[%swap3A_48, %swap3A_49], %swap3A_52 {strides = array<i32>} : memref<16x256xi32, #tpu.memory_space<vmem>>, vector<1x256xi32>,
    %get3A_53 = arith.constant 3 : index
    %get3A_54 = arith.constant 0 : index
    %get3A_55 = arith.constant 0 : index
    %get3A_56 = vector.load %arg1[%get3A_53, %get3A_54, %get3A_55] : memref<16x64x256xf32, #tpu.memory_space<vmem>>, vector<1x64x256xf32>
    %get3A_57 = vector.shape_cast %get3A_56 : vector<1x64x256xf32> to vector<64x256xf32>
    %dot_general3A_58 = arith.constant dense<0.000000e+00> : vector<512x256xf32>
    %dot_general3A_59 = tpu.matmul %get3A_1, %get3A_57, %dot_general3A_58 {dimension_numbers = #tpu.dot_dimension_numbers<[1], [0], [0], [1], [0, 0, 1, 1], [], []>, transpose_lhs_hint = false} : vector<512x64xf32>, vector<64x256xf32>, vector<512x256xf32> -> vector<512x256xf32>
    %mul3A_60 = arith.constant 2.000000e+00 : f32
    %mul3A_61 = vector.broadcast %mul3A_60 : f32 to vector<512x256xf32>
    %mul3A_62 = arith.mulf %mul3A_61, %dot_general3A_59 : vector<512x256xf32>
    %sub3A_63 = vector.broadcast %broadcast_in_dim3A : vector<512x1xf32> to vector<512x256xf32>
    %sub3A_64 = arith.subf %sub3A_63, %mul3A_62 : vector<512x256xf32>
    %argmin3A_65 = tpu.reduce_index %sub3A_64 {axis = 0 : i32, kind = #tpu.reduction_kind<arg_min>} : vector<512x256xf32> -> vector<256xi32>
    %swap3A_66 = arith.constant 3 : index
    %swap3A_67 = arith.constant 0 : index
    %swap3A_68 = vector.load %arg3[%swap3A_66, %swap3A_67] : memref<16x256xi32, #tpu.memory_space<vmem>>, vector<1x256xi32>
    %swap3A_69 = vector.shape_cast %swap3A_68 : vector<1x256xi32> to vector<256xi32>
    %swap3A_70 = vector.shape_cast %argmin3A_65 : vector<256xi32> to vector<1x256xi32>
    tpu.vector_store %arg3[%swap3A_66, %swap3A_67], %swap3A_70 {strides = array<i32>} : memref<16x256xi32, #tpu.memory_space<vmem>>, vector<1x256xi32>,
    %get3A_71 = arith.constant 4 : index
    %get3A_72 = arith.constant 0 : index
    %get3A_73 = arith.constant 0 : index
    %get3A_74 = vector.load %arg1[%get3A_71, %get3A_72, %get3A_73] : memref<16x64x256xf32, #tpu.memory_space<vmem>>, vector<1x64x256xf32>
    %get3A_75 = vector.shape_cast %get3A_74 : vector<1x64x256xf32> to vector<64x256xf32>
    %dot_general3A_76 = arith.constant dense<0.000000e+00> : vector<512x256xf32>
    %dot_general3A_77 = tpu.matmul %get3A_1, %get3A_75, %dot_general3A_76 {dimension_numbers = #tpu.dot_dimension_numbers<[1], [0], [0], [1], [0, 0, 1, 1], [], []>, transpose_lhs_hint = false} : vector<512x64xf32>, vector<64x256xf32>, vector<512x256xf32> -> vector<512x256xf32>
    %mul3A_78 = arith.constant 2.000000e+00 : f32
    %mul3A_79 = vector.broadcast %mul3A_78 : f32 to vector<512x256xf32>
    %mul3A_80 = arith.mulf %mul3A_79, %dot_general3A_77 : vector<512x256xf32>
    %sub3A_81 = vector.broadcast %broadcast_in_dim3A : vector<512x1xf32> to vector<512x256xf32>
    %sub3A_82 = arith.subf %sub3A_81, %mul3A_80 : vector<512x256xf32>
    %argmin3A_83 = tpu.reduce_index %sub3A_82 {axis = 0 : i32, kind = #tpu.reduction_kind<arg_min>} : vector<512x256xf32> -> vector<256xi32>
    %swap3A_84 = arith.constant 4 : index
    %swap3A_85 = arith.constant 0 : index
    %swap3A_86 = vector.load %arg3[%swap3A_84, %swap3A_85] : memref<16x256xi32, #tpu.memory_space<vmem>>, vector<1x256xi32>
    %swap3A_87 = vector.shape_cast %swap3A_86 : vector<1x256xi32> to vector<256xi32>
    %swap3A_88 = vector.shape_cast %argmin3A_83 : vector<256xi32> to vector<1x256xi32>
    tpu.vector_store %arg3[%swap3A_84, %swap3A_85], %swap3A_88 {strides = array<i32>} : memref<16x256xi32, #tpu.memory_space<vmem>>, vector<1x256xi32>,
    %get3A_89 = arith.constant 5 : index
    %get3A_90 = arith.constant 0 : index
    %get3A_91 = arith.constant 0 : index
    %get3A_92 = vector.load %arg1[%get3A_89, %get3A_90, %get3A_91] : memref<16x64x256xf32, #tpu.memory_space<vmem>>, vector<1x64x256xf32>
    %get3A_93 = vector.shape_cast %get3A_92 : vector<1x64x256xf32> to vector<64x256xf32>
    %dot_general3A_94 = arith.constant dense<0.000000e+00> : vector<512x256xf32>
    %dot_general3A_95 = tpu.matmul %get3A_1, %get3A_93, %dot_general3A_94 {dimension_numbers = #tpu.dot_dimension_numbers<[1], [0], [0], [1], [0, 0, 1, 1], [], []>, transpose_lhs_hint = false} : vector<512x64xf32>, vector<64x256xf32>, vector<512x256xf32> -> vector<512x256xf32>
    %mul3A_96 = arith.constant 2.000000e+00 : f32
    %mul3A_97 = vector.broadcast %mul3A_96 : f32 to vector<512x256xf32>
    %mul3A_98 = arith.mulf %mul3A_97, %dot_general3A_95 : vector<512x256xf32>
    %sub3A_99 = vector.broadcast %broadcast_in_dim3A : vector<512x1xf32> to vector<512x256xf32>
    %sub3A_100 = arith.subf %sub3A_99, %mul3A_98 : vector<512x256xf32>
    %argmin3A_101 = tpu.reduce_index %sub3A_100 {axis = 0 : i32, kind = #tpu.reduction_kind<arg_min>} : vector<512x256xf32> -> vector<256xi32>
    %swap3A_102 = arith.constant 5 : index
    %swap3A_103 = arith.constant 0 : index
    %swap3A_104 = vector.load %arg3[%swap3A_102, %swap3A_103] : memref<16x256xi32, #tpu.memory_space<vmem>>, vector<1x256xi32>
    %swap3A_105 = vector.shape_cast %swap3A_104 : vector<1x256xi32> to vector<256xi32>
    %swap3A_106 = vector.shape_cast %argmin3A_101 : vector<256xi32> to vector<1x256xi32>
    tpu.vector_store %arg3[%swap3A_102, %swap3A_103], %swap3A_106 {strides = array<i32>} : memref<16x256xi32, #tpu.memory_space<vmem>>, vector<1x256xi32>,
    %get3A_107 = arith.constant 6 : index
    %get3A_108 = arith.constant 0 : index
    %get3A_109 = arith.constant 0 : index
    %get3A_110 = vector.load %arg1[%get3A_107, %get3A_108, %get3A_109] : memref<16x64x256xf32, #tpu.memory_space<vmem>>, vector<1x64x256xf32>
    %get3A_111 = vector.shape_cast %get3A_110 : vector<1x64x256xf32> to vector<64x256xf32>
    %dot_general3A_112 = arith.constant dense<0.000000e+00> : vector<512x256xf32>
    %dot_general3A_113 = tpu.matmul %get3A_1, %get3A_111, %dot_general3A_112 {dimension_numbers = #tpu.dot_dimension_numbers<[1], [0], [0], [1], [0, 0, 1, 1], [], []>, transpose_lhs_hint = false} : vector<512x64xf32>, vector<64x256xf32>, vector<512x256xf32> -> vector<512x256xf32>
    %mul3A_114 = arith.constant 2.000000e+00 : f32
    %mul3A_115 = vector.broadcast %mul3A_114 : f32 to vector<512x256xf32>
    %mul3A_116 = arith.mulf %mul3A_115, %dot_general3A_113 : vector<512x256xf32>
    %sub3A_117 = vector.broadcast %broadcast_in_dim3A : vector<512x1xf32> to vector<512x256xf32>
    %sub3A_118 = arith.subf %sub3A_117, %mul3A_116 : vector<512x256xf32>
    %argmin3A_119 = tpu.reduce_index %sub3A_118 {axis = 0 : i32, kind = #tpu.reduction_kind<arg_min>} : vector<512x256xf32> -> vector<256xi32>
    %swap3A_120 = arith.constant 6 : index
    %swap3A_121 = arith.constant 0 : index
    %swap3A_122 = vector.load %arg3[%swap3A_120, %swap3A_121] : memref<16x256xi32, #tpu.memory_space<vmem>>, vector<1x256xi32>
    %swap3A_123 = vector.shape_cast %swap3A_122 : vector<1x256xi32> to vector<256xi32>
    %swap3A_124 = vector.shape_cast %argmin3A_119 : vector<256xi32> to vector<1x256xi32>
    tpu.vector_store %arg3[%swap3A_120, %swap3A_121], %swap3A_124 {strides = array<i32>} : memref<16x256xi32, #tpu.memory_space<vmem>>, vector<1x256xi32>,
    %get3A_125 = arith.constant 7 : index
    %get3A_126 = arith.constant 0 : index
    %get3A_127 = arith.constant 0 : index
    %get3A_128 = vector.load %arg1[%get3A_125, %get3A_126, %get3A_127] : memref<16x64x256xf32, #tpu.memory_space<vmem>>, vector<1x64x256xf32>
    %get3A_129 = vector.shape_cast %get3A_128 : vector<1x64x256xf32> to vector<64x256xf32>
    %dot_general3A_130 = arith.constant dense<0.000000e+00> : vector<512x256xf32>
    %dot_general3A_131 = tpu.matmul %get3A_1, %get3A_129, %dot_general3A_130 {dimension_numbers = #tpu.dot_dimension_numbers<[1], [0], [0], [1], [0, 0, 1, 1], [], []>, transpose_lhs_hint = false} : vector<512x64xf32>, vector<64x256xf32>, vector<512x256xf32> -> vector<512x256xf32>
    %mul3A_132 = arith.constant 2.000000e+00 : f32
    %mul3A_133 = vector.broadcast %mul3A_132 : f32 to vector<512x256xf32>
    %mul3A_134 = arith.mulf %mul3A_133, %dot_general3A_131 : vector<512x256xf32>
    %sub3A_135 = vector.broadcast %broadcast_in_dim3A : vector<512x1xf32> to vector<512x256xf32>
    %sub3A_136 = arith.subf %sub3A_135, %mul3A_134 : vector<512x256xf32>
    %argmin3A_137 = tpu.reduce_index %sub3A_136 {axis = 0 : i32, kind = #tpu.reduction_kind<arg_min>} : vector<512x256xf32> -> vector<256xi32>
    %swap3A_138 = arith.constant 7 : index
    %swap3A_139 = arith.constant 0 : index
    %swap3A_140 = vector.load %arg3[%swap3A_138, %swap3A_139] : memref<16x256xi32, #tpu.memory_space<vmem>>, vector<1x256xi32>
    %swap3A_141 = vector.shape_cast %swap3A_140 : vector<1x256xi32> to vector<256xi32>
    %swap3A_142 = vector.shape_cast %argmin3A_137 : vector<256xi32> to vector<1x256xi32>
    tpu.vector_store %arg3[%swap3A_138, %swap3A_139], %swap3A_142 {strides = array<i32>} : memref<16x256xi32, #tpu.memory_space<vmem>>, vector<1x256xi32>,
    %get3A_143 = arith.constant 8 : index
    %get3A_144 = arith.constant 0 : index
    %get3A_145 = arith.constant 0 : index
    %get3A_146 = vector.load %arg1[%get3A_143, %get3A_144, %get3A_145] : memref<16x64x256xf32, #tpu.memory_space<vmem>>, vector<1x64x256xf32>
    %get3A_147 = vector.shape_cast %get3A_146 : vector<1x64x256xf32> to vector<64x256xf32>
    %dot_general3A_148 = arith.constant dense<0.000000e+00> : vector<512x256xf32>
    %dot_general3A_149 = tpu.matmul %get3A_1, %get3A_147, %dot_general3A_148 {dimension_numbers = #tpu.dot_dimension_numbers<[1], [0], [0], [1], [0, 0, 1, 1], [], []>, transpose_lhs_hint = false} : vector<512x64xf32>, vector<64x256xf32>, vector<512x256xf32> -> vector<512x256xf32>
    %mul3A_150 = arith.constant 2.000000e+00 : f32
    %mul3A_151 = vector.broadcast %mul3A_150 : f32 to vector<512x256xf32>
    %mul3A_152 = arith.mulf %mul3A_151, %dot_general3A_149 : vector<512x256xf32>
    %sub3A_153 = vector.broadcast %broadcast_in_dim3A : vector<512x1xf32> to vector<512x256xf32>
    %sub3A_154 = arith.subf %sub3A_153, %mul3A_152 : vector<512x256xf32>
    %argmin3A_155 = tpu.reduce_index %sub3A_154 {axis = 0 : i32, kind = #tpu.reduction_kind<arg_min>} : vector<512x256xf32> -> vector<256xi32>
    %swap3A_156 = arith.constant 8 : index
    %swap3A_157 = arith.constant 0 : index
    %swap3A_158 = vector.load %arg3[%swap3A_156, %swap3A_157] : memref<16x256xi32, #tpu.memory_space<vmem>>, vector<1x256xi32>
    %swap3A_159 = vector.shape_cast %swap3A_158 : vector<1x256xi32> to vector<256xi32>
    %swap3A_160 = vector.shape_cast %argmin3A_155 : vector<256xi32> to vector<1x256xi32>
    tpu.vector_store %arg3[%swap3A_156, %swap3A_157], %swap3A_160 {strides = array<i32>} : memref<16x256xi32, #tpu.memory_space<vmem>>, vector<1x256xi32>,
    %get3A_161 = arith.constant 9 : index
    %get3A_162 = arith.constant 0 : index
    %get3A_163 = arith.constant 0 : index
    %get3A_164 = vector.load %arg1[%get3A_161, %get3A_162, %get3A_163] : memref<16x64x256xf32, #tpu.memory_space<vmem>>, vector<1x64x256xf32>
    %get3A_165 = vector.shape_cast %get3A_164 : vector<1x64x256xf32> to vector<64x256xf32>
    %dot_general3A_166 = arith.constant dense<0.000000e+00> : vector<512x256xf32>
    %dot_general3A_167 = tpu.matmul %get3A_1, %get3A_165, %dot_general3A_166 {dimension_numbers = #tpu.dot_dimension_numbers<[1], [0], [0], [1], [0, 0, 1, 1], [], []>, transpose_lhs_hint = false} : vector<512x64xf32>, vector<64x256xf32>, vector<512x256xf32> -> vector<512x256xf32>
    %mul3A_168 = arith.constant 2.000000e+00 : f32
    %mul3A_169 = vector.broadcast %mul3A_168 : f32 to vector<512x256xf32>
    %mul3A_170 = arith.mulf %mul3A_169, %dot_general3A_167 : vector<512x256xf32>
    %sub3A_171 = vector.broadcast %broadcast_in_dim3A : vector<512x1xf32> to vector<512x256xf32>
    %sub3A_172 = arith.subf %sub3A_171, %mul3A_170 : vector<512x256xf32>
    %argmin3A_173 = tpu.reduce_index %sub3A_172 {axis = 0 : i32, kind = #tpu.reduction_kind<arg_min>} : vector<512x256xf32> -> vector<256xi32>
    %swap3A_174 = arith.constant 9 : index
    %swap3A_175 = arith.constant 0 : index
    %swap3A_176 = vector.load %arg3[%swap3A_174, %swap3A_175] : memref<16x256xi32, #tpu.memory_space<vmem>>, vector<1x256xi32>
    %swap3A_177 = vector.shape_cast %swap3A_176 : vector<1x256xi32> to vector<256xi32>
    %swap3A_178 = vector.shape_cast %argmin3A_173 : vector<256xi32> to vector<1x256xi32>
    tpu.vector_store %arg3[%swap3A_174, %swap3A_175], %swap3A_178 {strides = array<i32>} : memref<16x256xi32, #tpu.memory_space<vmem>>, vector<1x256xi32>,
    %get3A_179 = arith.constant 10 : index
    %get3A_180 = arith.constant 0 : index
    %get3A_181 = arith.constant 0 : index
    %get3A_182 = vector.load %arg1[%get3A_179, %get3A_180, %get3A_181] : memref<16x64x256xf32, #tpu.memory_space<vmem>>, vector<1x64x256xf32>
    %get3A_183 = vector.shape_cast %get3A_182 : vector<1x64x256xf32> to vector<64x256xf32>
    %dot_general3A_184 = arith.constant dense<0.000000e+00> : vector<512x256xf32>
    %dot_general3A_185 = tpu.matmul %get3A_1, %get3A_183, %dot_general3A_184 {dimension_numbers = #tpu.dot_dimension_numbers<[1], [0], [0], [1], [0, 0, 1, 1], [], []>, transpose_lhs_hint = false} : vector<512x64xf32>, vector<64x256xf32>, vector<512x256xf32> -> vector<512x256xf32>
    %mul3A_186 = arith.constant 2.000000e+00 : f32
    %mul3A_187 = vector.broadcast %mul3A_186 : f32 to vector<512x256xf32>
    %mul3A_188 = arith.mulf %mul3A_187, %dot_general3A_185 : vector<512x256xf32>
    %sub3A_189 = vector.broadcast %broadcast_in_dim3A : vector<512x1xf32> to vector<512x256xf32>
    %sub3A_190 = arith.subf %sub3A_189, %mul3A_188 : vector<512x256xf32>
    %argmin3A_191 = tpu.reduce_index %sub3A_190 {axis = 0 : i32, kind = #tpu.reduction_kind<arg_min>} : vector<512x256xf32> -> vector<256xi32>
    %swap3A_192 = arith.constant 10 : index
    %swap3A_193 = arith.constant 0 : index
    %swap3A_194 = vector.load %arg3[%swap3A_192, %swap3A_193] : memref<16x256xi32, #tpu.memory_space<vmem>>, vector<1x256xi32>
    %swap3A_195 = vector.shape_cast %swap3A_194 : vector<1x256xi32> to vector<256xi32>
    %swap3A_196 = vector.shape_cast %argmin3A_191 : vector<256xi32> to vector<1x256xi32>
    tpu.vector_store %arg3[%swap3A_192, %swap3A_193], %swap3A_196 {strides = array<i32>} : memref<16x256xi32, #tpu.memory_space<vmem>>, vector<1x256xi32>,
    %get3A_197 = arith.constant 11 : index
    %get3A_198 = arith.constant 0 : index
    %get3A_199 = arith.constant 0 : index
    %get3A_200 = vector.load %arg1[%get3A_197, %get3A_198, %get3A_199] : memref<16x64x256xf32, #tpu.memory_space<vmem>>, vector<1x64x256xf32>
    %get3A_201 = vector.shape_cast %get3A_200 : vector<1x64x256xf32> to vector<64x256xf32>
    %dot_general3A_202 = arith.constant dense<0.000000e+00> : vector<512x256xf32>
    %dot_general3A_203 = tpu.matmul %get3A_1, %get3A_201, %dot_general3A_202 {dimension_numbers = #tpu.dot_dimension_numbers<[1], [0], [0], [1], [0, 0, 1, 1], [], []>, transpose_lhs_hint = false} : vector<512x64xf32>, vector<64x256xf32>, vector<512x256xf32> -> vector<512x256xf32>
    %mul3A_204 = arith.constant 2.000000e+00 : f32
    %mul3A_205 = vector.broadcast %mul3A_204 : f32 to vector<512x256xf32>
    %mul3A_206 = arith.mulf %mul3A_205, %dot_general3A_203 : vector<512x256xf32>
    %sub3A_207 = vector.broadcast %broadcast_in_dim3A : vector<512x1xf32> to vector<512x256xf32>
    %sub3A_208 = arith.subf %sub3A_207, %mul3A_206 : vector<512x256xf32>
    %argmin3A_209 = tpu.reduce_index %sub3A_208 {axis = 0 : i32, kind = #tpu.reduction_kind<arg_min>} : vector<512x256xf32> -> vector<256xi32>
    %swap3A_210 = arith.constant 11 : index
    %swap3A_211 = arith.constant 0 : index
    %swap3A_212 = vector.load %arg3[%swap3A_210, %swap3A_211] : memref<16x256xi32, #tpu.memory_space<vmem>>, vector<1x256xi32>
    %swap3A_213 = vector.shape_cast %swap3A_212 : vector<1x256xi32> to vector<256xi32>
    %swap3A_214 = vector.shape_cast %argmin3A_209 : vector<256xi32> to vector<1x256xi32>
    tpu.vector_store %arg3[%swap3A_210, %swap3A_211], %swap3A_214 {strides = array<i32>} : memref<16x256xi32, #tpu.memory_space<vmem>>, vector<1x256xi32>,
    %get3A_215 = arith.constant 12 : index
    %get3A_216 = arith.constant 0 : index
    %get3A_217 = arith.constant 0 : index
    %get3A_218 = vector.load %arg1[%get3A_215, %get3A_216, %get3A_217] : memref<16x64x256xf32, #tpu.memory_space<vmem>>, vector<1x64x256xf32>
    %get3A_219 = vector.shape_cast %get3A_218 : vector<1x64x256xf32> to vector<64x256xf32>
    %dot_general3A_220 = arith.constant dense<0.000000e+00> : vector<512x256xf32>
    %dot_general3A_221 = tpu.matmul %get3A_1, %get3A_219, %dot_general3A_220 {dimension_numbers = #tpu.dot_dimension_numbers<[1], [0], [0], [1], [0, 0, 1, 1], [], []>, transpose_lhs_hint = false} : vector<512x64xf32>, vector<64x256xf32>, vector<512x256xf32> -> vector<512x256xf32>
    %mul3A_222 = arith.constant 2.000000e+00 : f32
    %mul3A_223 = vector.broadcast %mul3A_222 : f32 to vector<512x256xf32>
    %mul3A_224 = arith.mulf %mul3A_223, %dot_general3A_221 : vector<512x256xf32>
    %sub3A_225 = vector.broadcast %broadcast_in_dim3A : vector<512x1xf32> to vector<512x256xf32>
    %sub3A_226 = arith.subf %sub3A_225, %mul3A_224 : vector<512x256xf32>
    %argmin3A_227 = tpu.reduce_index %sub3A_226 {axis = 0 : i32, kind = #tpu.reduction_kind<arg_min>} : vector<512x256xf32> -> vector<256xi32>
    %swap3A_228 = arith.constant 12 : index
    %swap3A_229 = arith.constant 0 : index
    %swap3A_230 = vector.load %arg3[%swap3A_228, %swap3A_229] : memref<16x256xi32, #tpu.memory_space<vmem>>, vector<1x256xi32>
    %swap3A_231 = vector.shape_cast %swap3A_230 : vector<1x256xi32> to vector<256xi32>
    %swap3A_232 = vector.shape_cast %argmin3A_227 : vector<256xi32> to vector<1x256xi32>
    tpu.vector_store %arg3[%swap3A_228, %swap3A_229], %swap3A_232 {strides = array<i32>} : memref<16x256xi32, #tpu.memory_space<vmem>>, vector<1x256xi32>,
    %get3A_233 = arith.constant 13 : index
    %get3A_234 = arith.constant 0 : index
    %get3A_235 = arith.constant 0 : index
    %get3A_236 = vector.load %arg1[%get3A_233, %get3A_234, %get3A_235] : memref<16x64x256xf32, #tpu.memory_space<vmem>>, vector<1x64x256xf32>
    %get3A_237 = vector.shape_cast %get3A_236 : vector<1x64x256xf32> to vector<64x256xf32>
    %dot_general3A_238 = arith.constant dense<0.000000e+00> : vector<512x256xf32>
    %dot_general3A_239 = tpu.matmul %get3A_1, %get3A_237, %dot_general3A_238 {dimension_numbers = #tpu.dot_dimension_numbers<[1], [0], [0], [1], [0, 0, 1, 1], [], []>, transpose_lhs_hint = false} : vector<512x64xf32>, vector<64x256xf32>, vector<512x256xf32> -> vector<512x256xf32>
    %mul3A_240 = arith.constant 2.000000e+00 : f32
    %mul3A_241 = vector.broadcast %mul3A_240 : f32 to vector<512x256xf32>
    %mul3A_242 = arith.mulf %mul3A_241, %dot_general3A_239 : vector<512x256xf32>
    %sub3A_243 = vector.broadcast %broadcast_in_dim3A : vector<512x1xf32> to vector<512x256xf32>
    %sub3A_244 = arith.subf %sub3A_243, %mul3A_242 : vector<512x256xf32>
    %argmin3A_245 = tpu.reduce_index %sub3A_244 {axis = 0 : i32, kind = #tpu.reduction_kind<arg_min>} : vector<512x256xf32> -> vector<256xi32>
    %swap3A_246 = arith.constant 13 : index
    %swap3A_247 = arith.constant 0 : index
    %swap3A_248 = vector.load %arg3[%swap3A_246, %swap3A_247] : memref<16x256xi32, #tpu.memory_space<vmem>>, vector<1x256xi32>
    %swap3A_249 = vector.shape_cast %swap3A_248 : vector<1x256xi32> to vector<256xi32>
    %swap3A_250 = vector.shape_cast %argmin3A_245 : vector<256xi32> to vector<1x256xi32>
    tpu.vector_store %arg3[%swap3A_246, %swap3A_247], %swap3A_250 {strides = array<i32>} : memref<16x256xi32, #tpu.memory_space<vmem>>, vector<1x256xi32>,
    %get3A_251 = arith.constant 14 : index
    %get3A_252 = arith.constant 0 : index
    %get3A_253 = arith.constant 0 : index
    %get3A_254 = vector.load %arg1[%get3A_251, %get3A_252, %get3A_253] : memref<16x64x256xf32, #tpu.memory_space<vmem>>, vector<1x64x256xf32>
    %get3A_255 = vector.shape_cast %get3A_254 : vector<1x64x256xf32> to vector<64x256xf32>
    %dot_general3A_256 = arith.constant dense<0.000000e+00> : vector<512x256xf32>
    %dot_general3A_257 = tpu.matmul %get3A_1, %get3A_255, %dot_general3A_256 {dimension_numbers = #tpu.dot_dimension_numbers<[1], [0], [0], [1], [0, 0, 1, 1], [], []>, transpose_lhs_hint = false} : vector<512x64xf32>, vector<64x256xf32>, vector<512x256xf32> -> vector<512x256xf32>
    %mul3A_258 = arith.constant 2.000000e+00 : f32
    %mul3A_259 = vector.broadcast %mul3A_258 : f32 to vector<512x256xf32>
    %mul3A_260 = arith.mulf %mul3A_259, %dot_general3A_257 : vector<512x256xf32>
    %sub3A_261 = vector.broadcast %broadcast_in_dim3A : vector<512x1xf32> to vector<512x256xf32>
    %sub3A_262 = arith.subf %sub3A_261, %mul3A_260 : vector<512x256xf32>
    %argmin3A_263 = tpu.reduce_index %sub3A_262 {axis = 0 : i32, kind = #tpu.reduction_kind<arg_min>} : vector<512x256xf32> -> vector<256xi32>
    %swap3A_264 = arith.constant 14 : index
    %swap3A_265 = arith.constant 0 : index
    %swap3A_266 = vector.load %arg3[%swap3A_264, %swap3A_265] : memref<16x256xi32, #tpu.memory_space<vmem>>, vector<1x256xi32>
    %swap3A_267 = vector.shape_cast %swap3A_266 : vector<1x256xi32> to vector<256xi32>
    %swap3A_268 = vector.shape_cast %argmin3A_263 : vector<256xi32> to vector<1x256xi32>
    tpu.vector_store %arg3[%swap3A_264, %swap3A_265], %swap3A_268 {strides = array<i32>} : memref<16x256xi32, #tpu.memory_space<vmem>>, vector<1x256xi32>,
    %get3A_269 = arith.constant 15 : index
    %get3A_270 = arith.constant 0 : index
    %get3A_271 = arith.constant 0 : index
    %get3A_272 = vector.load %arg1[%get3A_269, %get3A_270, %get3A_271] : memref<16x64x256xf32, #tpu.memory_space<vmem>>, vector<1x64x256xf32>
    %get3A_273 = vector.shape_cast %get3A_272 : vector<1x64x256xf32> to vector<64x256xf32>
    %dot_general3A_274 = arith.constant dense<0.000000e+00> : vector<512x256xf32>
    %dot_general3A_275 = tpu.matmul %get3A_1, %get3A_273, %dot_general3A_274 {dimension_numbers = #tpu.dot_dimension_numbers<[1], [0], [0], [1], [0, 0, 1, 1], [], []>, transpose_lhs_hint = false} : vector<512x64xf32>, vector<64x256xf32>, vector<512x256xf32> -> vector<512x256xf32>
    %mul3A_276 = arith.constant 2.000000e+00 : f32
    %mul3A_277 = vector.broadcast %mul3A_276 : f32 to vector<512x256xf32>
    %mul3A_278 = arith.mulf %mul3A_277, %dot_general3A_275 : vector<512x256xf32>
    %sub3A_279 = vector.broadcast %broadcast_in_dim3A : vector<512x1xf32> to vector<512x256xf32>
    %sub3A_280 = arith.subf %sub3A_279, %mul3A_278 : vector<512x256xf32>
    %argmin3A_281 = tpu.reduce_index %sub3A_280 {axis = 0 : i32, kind = #tpu.reduction_kind<arg_min>} : vector<512x256xf32> -> vector<256xi32>
    %swap3A_282 = arith.constant 15 : index
    %swap3A_283 = arith.constant 0 : index
    %swap3A_284 = vector.load %arg3[%swap3A_282, %swap3A_283] : memref<16x256xi32, #tpu.memory_space<vmem>>, vector<1x256xi32>
    %swap3A_285 = vector.shape_cast %swap3A_284 : vector<1x256xi32> to vector<256xi32>
    %swap3A_286 = vector.shape_cast %argmin3A_281 : vector<256xi32> to vector<1x256xi32>
    tpu.vector_store %arg3[%swap3A_282, %swap3A_283], %swap3A_286 {strides = array<i32>} : memref<16x256xi32, #tpu.memory_space<vmem>>, vector<1x256xi32>,
    return
  }
  func.func @transform_0(%arg0: i32) -> (i32, i32, i32) {
    %c0_i32 = arith.constant 0 : i32
    %c0_i32_0 = arith.constant 0 : i32
    %c0_i32_1 = arith.constant 0 : i32
    return %arg0, %c0_i32, %c0_i32_0 : i32, i32, i32
  }
  func.func @transform_1(%arg0: i32) -> (i32, i32) {
    %c0_i32 = arith.constant 0 : i32
    %c0_i32_0 = arith.constant 0 : i32
    %c0_i32_1 = arith.constant 0 : i32
    return %c0_i32, %c0_i32_0 : i32, i32
  }
  func.func @transform_2(%arg0: i32) -> (i32, i32) {
    %c0_i32 = arith.constant 0 : i32
    %c0_i32_0 = arith.constant 0 : i32
    return %arg0, %c0_i32 : i32, i32
  }
}

</mosaic_0001>

<sc_bundles>
// kernel: kernel.4.cloned.1.call-start
scs
__scs_entry_jumppad:
0x0: {  	(pc) =	sbr.rel $0x88, $3  }
0x1: {  	(tag) =	ssettag $0x0;
	lr =	simm.s32 $0x1  }
0x2: {  	[smem:$0x3F9F] =	sst lr;
	_ =	strace $0xD0000000  }
0x3: {  	_ = 	snop  }
0x4: {  	_ = 	snop  }
0x5: {  	_ = 	snop  }
0x6: {  	_ = 	snop  }
0x7: {  	_ = 	snop  }
__scs_overlays_trampoline_lowered:
0x8: {  	[smem:$0x3FAE] =	sst s0  }
0x9: {  	[smem:$0x3FAF] =	sst s1  }
0xa: {  	[smem:$0x3FB0] =	sst s2  }
0xb: {  	[smem:$0x3FB1] =	sst s3  }
0xc: {  	[smem:$0x3FB2] =	sst s4  }
0xd: {  	[smem:$0x3FB3] =	sst s5  }
0xe: {  	[smem:$0x3FB4] =	sst s6  }
0xf: {  	[smem:$0x3FB5] =	sst s7  }
0x10: {  	[smem:$0x3FB6] =	sst s8  }
0x11: {  	[smem:$0x3FB7] =	sst s9;
	s0 =	simm.s32 @!p0 $0x0  }
0x12: {  	s1 =	sld [smem:$0x3F9D];
	s0 =	simm.s32 @p0 $0x1  }
0x13: {  	[smem:$0x3FB8] =	sst s0;
	s0 =	simm.s32 @!p1 $0x0  }
0x14: {  	s2 =	sld [smem:$0x3F9C];
	s0 =	simm.s32 @p1 $0x1  }
0x15: {  	[smem:$0x3FB9] =	sst s0;
	s0 =	simm.s32 @!p2 $0x0  }
0x16: {  	s3 =	sld [smem:$0x3FDB];
	s0 =	simm.s32 @p2 $0x1  }
0x17: {  	s4 =	simm.s32 $0x1BF5;
	[smem:$0x3FBB] =	sst s0  }
0x18: {  	s0 =	sld [smem:$0x3F9E];
	_ =	swait.ge [sflag:s4], $0x0  }
0x19: {  	s7 =	sld [smem:$0x3F9F]  }
0x1a: {  	s8 =	sadd.s32 $0xFFFFE003, lr  }
0x1b: {  	s9 =	sadd.s32 $0xFFFFFEF7, lr;
	s5 =	simm.s32 $0xFFFFFFFF;
	p2 =	slt.u32 s8, $0xFFFFF086  }
0x1c: {  	p1 =	slt.u32 s9, $0xF7A;
	s5 =	simm.s32 @!p2 $0x0  }
0x1d: {  	s5 =	simm.s32 @p1 $0x1;
	p0 =	seq.s32 s7, s2  }
0x1e: {  	s7 =	smul.u32 @!p0 $0xF7A, s2;
	p2 =	seq.s32 @!p0 s5, $0x0  }
0x1f: {  	s9 =	smul.u32 $0xF7A, s1;
	s8 =	simm.s32 @!p0 $0x1BF5;
	p2 =	por !p2, p0  }
0x20: {  	[sflag:s8] =	ssyncset.s32 @!p0 $0xFFFFF086;
	s6 =	sadd.s32 @!p0 s3, s7;
	s7 =	simm.s32 @!p0 $0x108  }
0x21: {  	s3 =	sadd.s32 s3, s9;
	s6 =	sadd.s32 @!p0 $0x88, s6;
	s7 =	simm.s32 @p2 $0x1082  }
0x22: {  	[simem:s7], [sflag:s8] =	dma.local @!p0 [hbm:s6], $0xF7A  }
0x23: {  	s9 =	sor.u32 $0xD0000000, s2;
	s6 =	simm.s32 $0x108;
	_ =	swait.ge @!p0 [sflag:s8], $0x0  }
0x24: {  	s3 =	sadd.s32 $0x88, s3;
	s6 =	simm.s32 @!p1 $0x1082;
	[sflag:s4] =	ssyncset.s32 $0xFFFFF086  }
0x25: {  	[simem:s6], [sflag:s4] =	dma.local [hbm:s3], $0xF7A  }
0x26: {  	[smem:$0x3F9F] =	sst s1;
	(tag) =	ssettag s2;
	_ =	strace s9  }
0x27: {  	s1 =	sld [smem:$0x3FAF]  }
0x28: {  	s2 =	sld [smem:$0x3FB0]  }
0x29: {  	s4 =	sld [smem:$0x3FB2]  }
0x2a: {  	p0 =	seq.s32 s5, $0x0;
	s5 =	sld [smem:$0x3FB3]  }
0x2b: {  	s6 =	sld [smem:$0x3FB4]  }
0x2c: {  	s7 =	sld [smem:$0x3FB5]  }
0x2d: {  	s3 =	simm.s32 $0x108;
	s8 =	sld [smem:$0x3FB6]  }
0x2e: {  	s3 =	simm.s32 @!p0 $0x1082;
	s9 =	sld [smem:$0x3FB7]  }
0x2f: {  	lr =	sadd.s32 s0, s3;
	s0 =	sld [smem:$0x3FAE]  }
0x30: {  	s3 =	sld [smem:$0x3FB1]  }
0x31: {  	[smem:$0x3FBA] =	sst s10  }
0x32: {  	s10 =	sld [smem:$0x3FB8];
	_ =	sdelay $0x3  }
0x33: {  	p0 =	seq.s32 s10, $0x1;
	s10 =	sld [smem:$0x3FBA];
	_ =	sdelay $0x3  }
0x34: {  	[smem:$0x3FBA] =	sst s10  }
0x35: {  	s10 =	sld [smem:$0x3FB9];
	_ =	sdelay $0x3  }
0x36: {  	p1 =	seq.s32 s10, $0x1;
	s10 =	sld [smem:$0x3FBA];
	_ =	sdelay $0x3  }
0x37: {  	[smem:$0x3FBA] =	sst s10  }
0x38: {  	s10 =	sld [smem:$0x3FBB]  }
0x39: {  	_ = 	snop;
	(pc) =	sbr.ind lr, $3  }
0x3a: {  	_ = 	snop  }
0x3b: {  	_ = 	snop  }
0x3c: {  	p2 =	seq.s32 s10, $0x1;
	s10 =	sld [smem:$0x3FBA]  }
0x3d: {  	_ =	shalt  }
0x3e: {  	_ =	shalt  }
0x3f: {  	_ =	shalt  }
0x40: {  	_ =	shalt  }
0x41: {  	_ =	shalt  }
0x42: {  	_ =	shalt  }
0x43: {  	_ =	shalt  }
0x44: {  	_ =	shalt  }
0x45: {  	_ =	shalt  }
0x46: {  	_ =	shalt  }
0x47: {  	_ =	shalt  }
0x48: {  	_ =	shalt  }
0x49: {  	_ =	shalt  }
0x4a: {  	_ =	shalt  }
0x4b: {  	_ =	shalt  }
0x4c: {  	_ =	shalt  }
0x4d: {  	_ =	shalt  }
0x4e: {  	_ =	shalt  }
0x4f: {  	_ =	shalt  }
0x50: {  	_ =	shalt  }
0x51: {  	_ =	shalt  }
0x52: {  	_ =	shalt  }
0x53: {  	_ =	shalt  }
0x54: {  	_ =	shalt  }
0x55: {  	_ =	shalt  }
0x56: {  	_ =	shalt  }
0x57: {  	_ =	shalt  }
0x58: {  	_ =	shalt  }
0x59: {  	_ =	shalt  }
0x5a: {  	_ =	shalt  }
0x5b: {  	_ =	shalt  }
0x5c: {  	_ =	shalt  }
0x5d: {  	_ =	shalt  }
0x5e: {  	_ =	shalt  }
0x5f: {  	_ =	shalt  }
0x60: {  	_ =	shalt  }
0x61: {  	_ =	shalt  }
0x62: {  	_ =	shalt  }
0x63: {  	_ =	shalt  }
0x64: {  	_ =	shalt  }
0x65: {  	_ =	shalt  }
0x66: {  	_ =	shalt  }
0x67: {  	_ =	shalt  }
0x68: {  	_ =	shalt  }
0x69: {  	_ =	shalt  }
0x6a: {  	_ =	shalt  }
0x6b: {  	_ =	shalt  }
0x6c: {  	_ =	shalt  }
0x6d: {  	_ =	shalt  }
0x6e: {  	_ =	shalt  }
0x6f: {  	_ =	shalt  }
0x70: {  	_ =	shalt  }
0x71: {  	_ =	shalt  }
0x72: {  	_ =	shalt  }
0x73: {  	_ =	shalt  }
0x74: {  	_ =	shalt  }
0x75: {  	_ =	shalt  }
0x76: {  	_ =	shalt  }
0x77: {  	_ =	shalt  }
0x78: {  	_ =	shalt  }
0x79: {  	_ =	shalt  }
0x7a: {  	_ =	shalt  }
0x7b: {  	_ =	shalt  }
0x7c: {  	_ =	shalt  }
0x7d: {  	_ =	shalt  }
0x7e: {  	_ =	shalt  }
0x7f: {  	_ =	shalt  }
0x80: {  	_ =	shalt  }
0x81: {  	_ =	shalt  }
0x82: {  	_ =	shalt  }
0x83: {  	_ =	shalt  }
0x84: {  	_ =	shalt  }
0x85: {  	_ =	shalt  }
0x86: {  	_ =	shalt  }
0x87: {  	_ =	shalt  }
.Lfunc_end0:
.L_simem_size_0:
called_computation_lowered:
.L_overlay_start_0:
0x88: {  	s2 =	sld [smem:$0x3FD9]  }
0x89: {  	s3 =	sld [smem:$0x3FFE];
	_ =	sdelay $0x1  }
0x8a: {  	s1 =	srdreg.scid  }
0x8b: {  	s0 =	sand.u32 $0x1, s1  }
0x8c: {  	s17 =	sshll.u32 s0, $0xA;
	s2 =	sadd.s32 s3, s2  }
0x8d: {  	s2 =	sadd.s32 s2, s17  }
0x8e: {  	[smem:$0x3FC6] =	sst s2  }
0x8f: {  	_ = 	snop  }
0x90: {  	s2 =	sld [smem:$0x3FD0];
	(tm) =	ssettm $0x1  }
0x91: {  	s18 =	sld [smem:$0x3FFB];
	_ =	sdelay $0x3  }
0x92: {  	_ =	strace s18  }
0x93: {  	s3 =	sld [smem:$0x3FFC];
	_ =	sdelay $0x3  }
0x94: {  	_ =	strace s3  }
0x95: {  	s3 =	sld [smem:$0x3FFD];
	_ =	sdelay $0x3  }
0x96: {  	_ =	strace s3  }
0x97: {  	_ =	strace $0x8FFFFFFF  }
0x98: {  	s19 =	sld [smem:$0x3FDB];
	_ =	sdelay $0x1  }
0x99: {  	s4 =	simm.s32 $_scs_section_size  }
0x9a: {  	s5 =	simm.s32 $_size__tile_overlayer_lowered;
	s6 =	simm.s32 $_tile_overlayer_lowered  }
0x9b: {  	s22 =	simm.s32 $0x1BFF;
	s21 =	sshll.u32 s6, $0x1;
	s3 =	sadd.s32 s4, s19  }
0x9c: {  	s7 =	simm.s32 $0x0;
	s20 =	sshll.u32 s5, $0x1;
	s5 =	sadd.s32 s21, s3  }
0x9d: {  	[timem:s7], [sflag:s22] =	dma.local [hbm:s5], s20  }
0x9e: {  	_ =	swait.ge [sflag:s22], s20  }
0x9f: {  	s4 =	ssub.s32 $0x0, s20;
	[sflag:s22] =	ssyncset.done $0x0  }
0xa0: {  	[sflag:s22] =	ssyncadd.s32 s4;
	_ =	sdelay $0x1  }
0xa1: {  	s23 =	simm.s32 $0x1B8B  }
0xa2: {  	_ =	swait.ge [sflag:s23], $0x1  }
0xa3: {  	[sflag:s23] =	ssyncset.done $0x0  }
0xa4: {  	s25 =	simm.s32 $0x1B8E;
	s24 =	sld [smem:$0x3FFE];
	[sflag:s23] =	ssyncadd.s32 $0xFFFFFFFF  }
0xa5: {  	s26 =	simm.s32 $execute0_lowered;
	[smem:$0x3FD2] =	sst s25  }
0xa6: {  	s5 =	sshll.u32 s26, $0x1;
	_ =	strace $0x80000046;
	[dreg:$0x1] =	wrdreg $0xFFFFFFFF  }
0xa7: {  	s28 =	simm.s32 $_size_execute0_lowered;
	s3 =	sadd.s32 s3, s5;
	[dreg:$0x0] =	wrdreg $0x0  }
0xa8: {  	s5 =	sshll.u32 s28, $0x1;
	[dreg:$0x2] =	wrdreg s3  }
0xa9: {  	[dreg:$0x3] =	wrdreg s5  }
0xaa: {  	[dreg:$0x4] =	wrdreg $0xC0  }
0xab: {  	_ =	task [dreg:s7], $0x5FFFF  }
0xac: {  	[dreg:$0x1] =	wrdreg $0xFFFFFFFF  }
0xad: {  	[dreg:$0x0] =	wrdreg $0x60  }
0xae: {  	[dreg:$0x2] =	wrdreg s24  }
0xaf: {  	[dreg:$0x3] =	wrdreg s2  }
0xb0: {  	[dreg:$0x4] =	wrdreg $0x9  }
0xb1: {  	_ =	task.clear_ibuf [dreg:s7], $0x5FFFF;
	_ =	strace $0x90000046  }
0xb2: {  	s29 =	simm.s32 $0x9;
	_ =	strace $0x80000048  }
0xb3: {  	_ =	swait.ge [sflag:s29], $0x1  }
0xb4: {  	[sflag:s29] =	ssyncadd.s32 $0xFFFFFFFF  }
0xb5: {  	_ =	strace $0x90000048  }
0xb6: {  	_ =	sfence  }
0xb7: {  	s30 =	sld [smem:$0x0];
	_ =	sdelay $0x2  }
0xb8: {  	s31 =	sshll.u32 s1, $0xD;
	s1 =	sshrl.u32 s1, $0x2  }
0xb9: {  	s3 =	sand.u32 $0x4000, s31;
	s1 =	sadd.s32 s1, s30  }
0xba: {  	s0 =	sor.u32 s3, s0;
	s1 =	sshll.u32 s1, $0x11  }
0xbb: {  	s0 =	sor.u32 s1, s0  }
0xbc: {  	s0 =	sadd.s32 $0x8F2B, s0  }
0xbd: {  	[sflag:s0] =	ssyncadd.remote.s32 $0x1  }
0xbe: {  	_ =	sfence.sel $0xFFFF  }
0xbf: {  	[dreg:$0x0] =	wrdreg $0xFFFFFFFF;
	(pc) =	sbr.abs _section_cstart, $3  }
0xc0: {  	[dreg:$0x1] =	wrdreg $0xFFFFFFFF  }
0xc1: {  	_ =	task.clear_ibuf [dreg:s7], $0x2FFFF;
	_ =	strace $0x9FFFFFFF  }
0xc2: {  	(tm) =	ssettm $0x7FFFFFFF  }
0xc3: {  	_ =	shalt  }
tec
execute0_lowered:
.L_overlay_start_1:
0x0: {  	(tag) =	ssettag $0x1  }
0x1: {  	s0 =	rddreg [dreg:$0x0]  }
0x2: {  	s1 =	rddreg [dreg:$0x1];
	s3 =	srdreg.scid  }
0x3: {  	s2 =	simm.s32 $0x0;
	s4 =	stileid.u32;
	s7 =	simm.s32 $0x1  }
0x4: {  	s3 =	sand.u32 $0x1, s3;
	[smem:$0x7FF] =	sst s2;
	s4 =	sshll.u32 s4, $0x8  }
0x5: {  	s28 =	sadd.s32 $0x1600, s0;
	s5 =	sshll.u32 s3, $0x7;
	_ =	strace $0x80000047  }
0x6: {  	s3 =	ssub.s32 $0x2, s3;
	[dreg:$0x3] =	wrdreg s28;
	s4 =	sor.u32 s5, s4  }
0x7: {  	s29 =	sshrl.u32 s3, $0x1;
	s0 =	sadd.s32 s4, s0;
	s30 =	sadd.s32 s1, s4  }
0x8: {  	s3 =	ssub.s32 s3, s29;
	s0 =	sadd.s32 $0x600, s0;
	[dreg:$0x5] =	wrdreg s30  }
0x9: {  	s9 =	simm.s32 $0x8000;
	s31 =	smax.u32 s3, $0x1;
	[dreg:$0x4] =	wrdreg s0  }
0xa: {  	s11 =	simm.s32 $0x0;
	s1 =	simm.s32 $0x8400;
	[dreg:$0x6] =	wrdreg s31  }
.LBB2_1:
0xb: {  	s0 =	rddreg [dreg:$0x3]  }
0xc: {  	[tilespmem:s2], [sflag:$0x1] =	stream.linear.gather [hbm4b:s0+s2], $0x8000, $0x38;
	[tilespmem:$0x18400] =	vst v63  }
0xd: {  	_ =	swait.ge [sflag:s7], $0x8000  }
0xe: {  	[sflag:s7] =	ssyncset.done $0x0  }
0xf: {  	s14 =	rddreg [dreg:$0x4];
	[sflag:s7] =	ssyncadd.s32 $0xFFFF8000  }
0x10: {  	[tilespmem:s9], [sflag:$0x1] =	stream.linear.gather [hbm4b:s14+s2], $0x400, $0x38;
	[tilespmem:$0x18400] =	vst v63  }
0x11: {  	s21 =	sand.u32 $0x60, s2;
	_ =	swait.ge [sflag:s7], $0x400  }
0x12: {  	s23 =	sand.u32 $0x380, s2;
	s22 =	sor.u32 $0x10, s21;
	[sflag:s7] =	ssyncset.done $0x0  }
0x13: {  	s15 =	sor.u32 s23, s22;
	[sflag:s7] =	ssyncadd.s32 $0xFFFFFC00  }
0x14: {  	v7 =	vld [tilespmem:s15+$0x8000];
	_ =	sdelay $0x1  }
0x15: {  	v2 =	vld [tilespmem:s9+$0x0];
	_ =	sdelay $0x5  }
0x16: {  	v0 =	vld.idx.msk [tilespmem:v7+s2+$0x0], $0xffff  }
0x17: {  	v1 =	vadd.s32 $0x200, v7  }
0x18: {  	v3 =	vld.idx.msk [tilespmem:v2+s2+$0x0], $0xffff  }
0x19: {  	v4 =	vadd.s32 $0x200, v2;
	_ =	sdelay $0x1  }
0x1a: {  	[tilespmem:s15+$0x8400] =	vst v0  }
0x1b: {  	v0 =	vld.idx.msk [tilespmem:v1+s2+$0x0], $0xffff  }
0x1c: {  	[tilespmem:s1+$0x0] =	vst v3;
	v1 =	vadd.s32 $0x400, v7  }
0x1d: {  	v3 =	vld.idx.msk [tilespmem:v4+s2+$0x0], $0xffff  }
0x1e: {  	s16 =	sor.u32 $0x8800, s23;
	v4 =	vadd.s32 $0x400, v2  }
0x1f: {  	s17 =	sor.u32 s22, s16  }
0x20: {  	[tilespmem:s17+$0x0] =	vst v0  }
0x21: {  	s0 =	sor.u32 s21, s16;
	v0 =	vld.idx.msk [tilespmem:v1+s2+$0x0], $0xffff  }
0x22: {  	[tilespmem:s0+$0x0] =	vst v3;
	v1 =	vadd.s32 $0x600, v7  }
0x23: {  	v3 =	vld.idx.msk [tilespmem:v4+s2+$0x0], $0xffff  }
0x24: {  	s18 =	sor.u32 $0x8C00, s23;
	v4 =	vadd.s32 $0x600, v2  }
0x25: {  	s19 =	sor.u32 s22, s18  }
0x26: {  	[tilespmem:s19+$0x0] =	vst v0  }
0x27: {  	s0 =	sor.u32 s21, s18;
	v0 =	vld.idx.msk [tilespmem:v1+s2+$0x0], $0xffff  }
0x28: {  	[tilespmem:s0+$0x0] =	vst v3;
	v1 =	vadd.s32 $0x800, v7  }
0x29: {  	v3 =	vld.idx.msk [tilespmem:v4+s2+$0x0], $0xffff  }
0x2a: {  	s20 =	sor.u32 $0x9000, s23;
	v4 =	vadd.s32 $0x800, v2  }
0x2b: {  	s24 =	sor.u32 s22, s20  }
0x2c: {  	[tilespmem:s24+$0x0] =	vst v0  }
0x2d: {  	s0 =	sor.u32 s21, s20;
	v0 =	vld.idx.msk [tilespmem:v1+s2+$0x0], $0xffff  }
0x2e: {  	[tilespmem:s0+$0x0] =	vst v3;
	v1 =	vadd.s32 $0xA00, v7  }
0x2f: {  	v3 =	vld.idx.msk [tilespmem:v4+s2+$0x0], $0xffff  }
0x30: {  	s25 =	sor.u32 $0x9400, s23;
	v4 =	vadd.s32 $0xA00, v2  }
0x31: {  	s26 =	sor.u32 s22, s25  }
0x32: {  	[tilespmem:s26+$0x0] =	vst v0  }
0x33: {  	s0 =	sor.u32 s21, s25;
	v0 =	vld.idx.msk [tilespmem:v1+s2+$0x0], $0xffff  }
0x34: {  	[tilespmem:s0+$0x0] =	vst v3;
	v1 =	vadd.s32 $0xC00, v7  }
0x35: {  	v3 =	vld.idx.msk [tilespmem:v4+s2+$0x0], $0xffff  }
0x36: {  	s3 =	sor.u32 $0x9800, s23;
	v4 =	vadd.s32 $0xC00, v2  }
0x37: {  	s4 =	sor.u32 s22, s3  }
0x38: {  	[tilespmem:s4+$0x0] =	vst v0  }
0x39: {  	s0 =	sor.u32 s21, s3;
	v0 =	vld.idx.msk [tilespmem:v1+s2+$0x0], $0xffff  }
0x3a: {  	[tilespmem:s0+$0x0] =	vst v3;
	v1 =	vadd.s32 $0xE00, v7  }
0x3b: {  	v3 =	vld.idx.msk [tilespmem:v4+s2+$0x0], $0xffff  }
0x3c: {  	s5 =	sor.u32 $0x9C00, s23;
	v4 =	vadd.s32 $0xE00, v2  }
0x3d: {  	s6 =	sor.u32 s22, s5  }
0x3e: {  	[tilespmem:s6+$0x0] =	vst v0  }
0x3f: {  	s0 =	sor.u32 s21, s5;
	v0 =	vld.idx.msk [tilespmem:v1+s2+$0x0], $0xffff  }
0x40: {  	[tilespmem:s0+$0x0] =	vst v3;
	v1 =	vadd.s32 $0x1000, v7  }
0x41: {  	v3 =	vld.idx.msk [tilespmem:v4+s2+$0x0], $0xffff  }
0x42: {  	s8 =	sor.u32 $0xA000, s23;
	v4 =	vadd.s32 $0x1000, v2  }
0x43: {  	s10 =	sor.u32 s22, s8  }
0x44: {  	[tilespmem:s10+$0x0] =	vst v0  }
0x45: {  	s0 =	sor.u32 s21, s8;
	v0 =	vld.idx.msk [tilespmem:v1+s2+$0x0], $0xffff  }
0x46: {  	[tilespmem:s0+$0x0] =	vst v3;
	v1 =	vadd.s32 $0x1200, v7  }
0x47: {  	v3 =	vld.idx.msk [tilespmem:v4+s2+$0x0], $0xffff  }
0x48: {  	s12 =	sor.u32 $0xA400, s23;
	v4 =	vadd.s32 $0x1200, v2  }
0x49: {  	s13 =	sor.u32 s22, s12  }
0x4a: {  	[tilespmem:s13+$0x0] =	vst v0  }
0x4b: {  	s0 =	sor.u32 s21, s12;
	v0 =	vld.idx.msk [tilespmem:v1+s2+$0x0], $0xffff  }
0x4c: {  	[tilespmem:s0+$0x0] =	vst v3;
	v1 =	vadd.s32 $0x1400, v7  }
0x4d: {  	v3 =	vld.idx.msk [tilespmem:v4+s2+$0x0], $0xffff  }
0x4e: {  	s14 =	sor.u32 $0xA800, s23;
	v4 =	vadd.s32 $0x1400, v2  }
0x4f: {  	s15 =	sor.u32 s22, s14  }
0x50: {  	[tilespmem:s15+$0x0] =	vst v0  }
0x51: {  	s0 =	sor.u32 s21, s14;
	v0 =	vld.idx.msk [tilespmem:v1+s2+$0x0], $0xffff  }
0x52: {  	[tilespmem:s0+$0x0] =	vst v3;
	v1 =	vadd.s32 $0x1600, v7  }
0x53: {  	v3 =	vld.idx.msk [tilespmem:v4+s2+$0x0], $0xffff  }
0x54: {  	s16 =	sor.u32 $0xAC00, s23;
	v4 =	vadd.s32 $0x1600, v2  }
0x55: {  	s17 =	sor.u32 s22, s16  }
0x56: {  	[tilespmem:s17+$0x0] =	vst v0  }
0x57: {  	s0 =	sor.u32 s21, s16;
	v0 =	vld.idx.msk [tilespmem:v1+s2+$0x0], $0xffff  }
0x58: {  	[tilespmem:s0+$0x0] =	vst v3;
	v1 =	vadd.s32 $0x1800, v7  }
0x59: {  	v3 =	vld.idx.msk [tilespmem:v4+s2+$0x0], $0xffff  }
0x5a: {  	s18 =	sor.u32 $0xB000, s23;
	v4 =	vadd.s32 $0x1800, v2  }
0x5b: {  	s19 =	sor.u32 s22, s18  }
0x5c: {  	[tilespmem:s19+$0x0] =	vst v0  }
0x5d: {  	s0 =	sor.u32 s21, s18;
	v0 =	vld.idx.msk [tilespmem:v1+s2+$0x0], $0xffff  }
0x5e: {  	[tilespmem:s0+$0x0] =	vst v3;
	v1 =	vadd.s32 $0x1A00, v7  }
0x5f: {  	v3 =	vld.idx.msk [tilespmem:v4+s2+$0x0], $0xffff  }
0x60: {  	s20 =	sor.u32 $0xB400, s23;
	v4 =	vadd.s32 $0x1A00, v2  }
0x61: {  	s24 =	sor.u32 s22, s20  }
0x62: {  	[tilespmem:s24+$0x0] =	vst v0  }
0x63: {  	s0 =	sor.u32 s21, s20;
	v0 =	vld.idx.msk [tilespmem:v1+s2+$0x0], $0xffff  }
0x64: {  	[tilespmem:s0+$0x0] =	vst v3;
	v1 =	vadd.s32 $0x1C00, v7  }
0x65: {  	v3 =	vld.idx.msk [tilespmem:v4+s2+$0x0], $0xffff  }
0x66: {  	s25 =	sor.u32 $0xB800, s23;
	v4 =	vadd.s32 $0x1C00, v2  }
0x67: {  	s26 =	sor.u32 s22, s25  }
0x68: {  	[tilespmem:s26+$0x0] =	vst v0  }
0x69: {  	s0 =	sor.u32 s21, s25;
	v0 =	vld.idx.msk [tilespmem:v1+s2+$0x0], $0xffff  }
0x6a: {  	[tilespmem:s0+$0x0] =	vst v3;
	v1 =	vadd.s32 $0x1E00, v7  }
0x6b: {  	v3 =	vld.idx.msk [tilespmem:v4+s2+$0x0], $0xffff  }
0x6c: {  	s3 =	sor.u32 $0xBC00, s23;
	v4 =	vadd.s32 $0x1E00, v2  }
0x6d: {  	s4 =	sor.u32 s22, s3  }
0x6e: {  	[tilespmem:s4+$0x0] =	vst v0  }
0x6f: {  	s0 =	sor.u32 s21, s3;
	v1 =	vld.idx.msk [tilespmem:v1+s2+$0x0], $0xffff  }
0x70: {  	[tilespmem:s0+$0x0] =	vst v3;
	v3 =	vadd.s32 $0x2000, v7  }
0x71: {  	s5 =	simm.s32 $0x8020;
	v4 =	vld.idx.msk [tilespmem:v4+s2+$0x0], $0xffff  }
0x72: {  	v5 =	vadd.s32 $0x2000, v2;
	s6 =	sor.u32 $0xC000, s23;
	v0 =	vld [tilespmem:s5+$0x0]  }
0x73: {  	s8 =	sor.u32 s22, s6  }
0x74: {  	[tilespmem:s8+$0x0] =	vst v1  }
0x75: {  	s0 =	sor.u32 s21, s6;
	v1 =	vld.idx.msk [tilespmem:v3+s2+$0x0], $0xffff  }
0x76: {  	[tilespmem:s0+$0x0] =	vst v4;
	v3 =	vadd.s32 $0x2200, v7  }
0x77: {  	v4 =	vld.idx.msk [tilespmem:v5+s2+$0x0], $0xffff  }
0x78: {  	s10 =	sor.u32 $0xC400, s23;
	s14 =	simm.s32 $0x20;
	v5 =	vadd.s32 $0x2200, v2  }
0x79: {  	s12 =	sand.u32 $0x60, s14;
	s3 =	sor.u32 s22, s10  }
0x7a: {  	s13 =	sand.u32 $0x380, s14;
	s14 =	sor.u32 $0x10, s12;
	v6 =	vld.idx.msk [tilespmem:v0+s2+$0x0], $0xffff;
	[tilespmem:s3+$0x0] =	vst v1  }
0x7b: {  	s1 =	sor.u32 s13, s14;
	s0 =	sor.u32 s21, s10;
	v3 =	vld.idx.msk [tilespmem:v3+s2+$0x0], $0xffff  }
0x7c: {  	[tilespmem:s0+$0x0] =	vst v4;
	v1 =	vld [tilespmem:s1+$0x8000];
	v4 =	vadd.s32 $0x2400, v7  }
0x7d: {  	v5 =	vld.idx.msk [tilespmem:v5+s2+$0x0], $0xffff  }
0x7e: {  	v8 =	vadd.s32 $0x2400, v2;
	s15 =	sor.u32 $0xC800, s23  }
0x7f: {  	s16 =	sor.u32 s22, s15  }
0x80: {  	[tilespmem:s16+$0x0] =	vst v3  }
0x81: {  	s0 =	sor.u32 s21, s15;
	v3 =	vld.idx.msk [tilespmem:v4+s2+$0x0], $0xffff  }
0x82: {  	[tilespmem:s0+$0x0] =	vst v5;
	v4 =	vadd.s32 $0x2600, v7  }
0x83: {  	v5 =	vld.idx.msk [tilespmem:v8+s2+$0x0], $0xffff  }
0x84: {  	s17 =	sor.u32 $0xCC00, s23;
	v8 =	vadd.s32 $0x2600, v2;
	v9 =	vld.idx.msk [tilespmem:v1+s2+$0x0], $0xffff  }
0x85: {  	s18 =	sor.u32 s22, s17;
	v10 =	vadd.s32 $0x200, v1  }
0x86: {  	v11 =	vadd.s32 $0x200, v0;
	[tilespmem:s18+$0x0] =	vst v3  }
0x87: {  	s0 =	sor.u32 s21, s17;
	v3 =	vld.idx.msk [tilespmem:v4+s2+$0x0], $0xffff  }
0x88: {  	[tilespmem:s0+$0x0] =	vst v5;
	v4 =	vadd.s32 $0x2800, v7  }
0x89: {  	s19 =	simm.s32 $0x8420;
	v5 =	vld.idx.msk [tilespmem:v8+s2+$0x0], $0xffff;
	[tilespmem:s1+$0x8400] =	vst v9  }
0x8a: {  	s20 =	sor.u32 $0xD000, s23;
	[tilespmem:s19+$0x0] =	vst v6;
	v6 =	vadd.s32 $0x2800, v2;
	v8 =	vld.idx.msk [tilespmem:v10+s2+$0x0], $0xffff  }
0x8b: {  	s24 =	sor.u32 s22, s20;
	v9 =	vld.idx.msk [tilespmem:v11+s2+$0x0], $0xffff;
	v10 =	vadd.s32 $0x400, v1  }
0x8c: {  	[tilespmem:s24+$0x0] =	vst v3;
	v3 =	vadd.s32 $0x400, v0  }
0x8d: {  	s25 =	sor.u32 $0x8800, s13;
	s0 =	sor.u32 s21, s20;
	v4 =	vld.idx.msk [tilespmem:v4+s2+$0x0], $0xffff  }
0x8e: {  	s26 =	sor.u32 s14, s25;
	[tilespmem:s0+$0x0] =	vst v5;
	v5 =	vadd.s32 $0x2A00, v7  }
0x8f: {  	s1 =	sor.u32 s12, s25;
	v6 =	vld.idx.msk [tilespmem:v6+s2+$0x0], $0xffff;
	[tilespmem:s26+$0x0] =	vst v8  }
0x90: {  	s3 =	sor.u32 $0xD400, s23;
	[tilespmem:s1+$0x0] =	vst v9;
	v8 =	vadd.s32 $0x2A00, v2;
	v9 =	vld.idx.msk [tilespmem:v10+s2+$0x0], $0xffff  }
0x91: {  	s4 =	sor.u32 s22, s3;
	v10 =	vadd.s32 $0x600, v1;
	v3 =	vld.idx.msk [tilespmem:v3+s2+$0x0], $0xffff  }
0x92: {  	[tilespmem:s4+$0x0] =	vst v4;
	v4 =	vadd.s32 $0x600, v0  }
0x93: {  	s5 =	sor.u32 $0x8C00, s13;
	s0 =	sor.u32 s21, s3;
	v5 =	vld.idx.msk [tilespmem:v5+s2+$0x0], $0xffff  }
0x94: {  	s6 =	sor.u32 s14, s5;
	[tilespmem:s0+$0x0] =	vst v6;
	v6 =	vadd.s32 $0x2C00, v7  }
0x95: {  	s1 =	sor.u32 s12, s5;
	v8 =	vld.idx.msk [tilespmem:v8+s2+$0x0], $0xffff;
	[tilespmem:s6+$0x0] =	vst v9  }
0x96: {  	s8 =	sor.u32 $0xD800, s23;
	v9 =	vadd.s32 $0x2C00, v2;
	[tilespmem:s1+$0x0] =	vst v3;
	v3 =	vld.idx.msk [tilespmem:v10+s2+$0x0], $0xffff  }
0x97: {  	s10 =	sor.u32 s22, s8;
	v10 =	vadd.s32 $0x800, v1;
	v4 =	vld.idx.msk [tilespmem:v4+s2+$0x0], $0xffff  }
0x98: {  	[tilespmem:s10+$0x0] =	vst v5;
	v5 =	vadd.s32 $0x800, v0  }
0x99: {  	s15 =	sor.u32 $0x9000, s13;
	s0 =	sor.u32 s21, s8;
	v6 =	vld.idx.msk [tilespmem:v6+s2+$0x0], $0xffff  }
0x9a: {  	s16 =	sor.u32 s14, s15;
	[tilespmem:s0+$0x0] =	vst v8;
	v8 =	vadd.s32 $0x2E00, v7  }
0x9b: {  	s1 =	sor.u32 s12, s15;
	v9 =	vld.idx.msk [tilespmem:v9+s2+$0x0], $0xffff;
	[tilespmem:s16+$0x0] =	vst v3  }
0x9c: {  	s17 =	sor.u32 $0xDC00, s23;
	v3 =	vadd.s32 $0x2E00, v2;
	[tilespmem:s1+$0x0] =	vst v4;
	v4 =	vld.idx.msk [tilespmem:v10+s2+$0x0], $0xffff  }
0x9d: {  	s18 =	sor.u32 s22, s17;
	v10 =	vadd.s32 $0xA00, v1;
	v5 =	vld.idx.msk [tilespmem:v5+s2+$0x0], $0xffff  }
0x9e: {  	[tilespmem:s18+$0x0] =	vst v6;
	v6 =	vadd.s32 $0xA00, v0  }
0x9f: {  	s19 =	sor.u32 $0x9400, s13;
	s0 =	sor.u32 s21, s17;
	v8 =	vld.idx.msk [tilespmem:v8+s2+$0x0], $0xffff  }
0xa0: {  	s20 =	sor.u32 s14, s19;
	[tilespmem:s0+$0x0] =	vst v9;
	v9 =	vadd.s32 $0x3000, v7  }
0xa1: {  	s1 =	sor.u32 s12, s19;
	v3 =	vld.idx.msk [tilespmem:v3+s2+$0x0], $0xffff;
	[tilespmem:s20+$0x0] =	vst v4  }
0xa2: {  	s24 =	sor.u32 $0xE000, s23;
	v4 =	vadd.s32 $0x3000, v2;
	[tilespmem:s1+$0x0] =	vst v5;
	v5 =	vld.idx.msk [tilespmem:v10+s2+$0x0], $0xffff  }
0xa3: {  	s25 =	sor.u32 s22, s24;
	v10 =	vadd.s32 $0xC00, v1;
	v6 =	vld.idx.msk [tilespmem:v6+s2+$0x0], $0xffff  }
0xa4: {  	[tilespmem:s25+$0x0] =	vst v8;
	v8 =	vadd.s32 $0xC00, v0  }
0xa5: {  	s26 =	sor.u32 $0x9800, s13;
	s0 =	sor.u32 s21, s24;
	v9 =	vld.idx.msk [tilespmem:v9+s2+$0x0], $0xffff  }
0xa6: {  	s3 =	sor.u32 s14, s26;
	[tilespmem:s0+$0x0] =	vst v3;
	v3 =	vadd.s32 $0x3200, v7  }
0xa7: {  	s1 =	sor.u32 s12, s26;
	v4 =	vld.idx.msk [tilespmem:v4+s2+$0x0], $0xffff;
	[tilespmem:s3+$0x0] =	vst v5  }
0xa8: {  	s4 =	sor.u32 $0xE400, s23;
	v5 =	vadd.s32 $0x3200, v2;
	[tilespmem:s1+$0x0] =	vst v6;
	v6 =	vld.idx.msk [tilespmem:v10+s2+$0x0], $0xffff  }
0xa9: {  	s5 =	sor.u32 s22, s4;
	v10 =	vadd.s32 $0xE00, v1;
	v8 =	vld.idx.msk [tilespmem:v8+s2+$0x0], $0xffff  }
0xaa: {  	[tilespmem:s5+$0x0] =	vst v9;
	v9 =	vadd.s32 $0xE00, v0  }
0xab: {  	s6 =	sor.u32 $0x9C00, s13;
	s0 =	sor.u32 s21, s4;
	v3 =	vld.idx.msk [tilespmem:v3+s2+$0x0], $0xffff  }
0xac: {  	s8 =	sor.u32 s14, s6;
	[tilespmem:s0+$0x0] =	vst v4;
	v4 =	vadd.s32 $0x3400, v7  }
0xad: {  	s1 =	sor.u32 s12, s6;
	v5 =	vld.idx.msk [tilespmem:v5+s2+$0x0], $0xffff;
	[tilespmem:s8+$0x0] =	vst v6  }
0xae: {  	s10 =	sor.u32 $0xE800, s23;
	v6 =	vadd.s32 $0x3400, v2;
	[tilespmem:s1+$0x0] =	vst v8;
	v8 =	vld.idx.msk [tilespmem:v10+s2+$0x0], $0xffff  }
0xaf: {  	s15 =	sor.u32 s22, s10;
	v10 =	vadd.s32 $0x1000, v1;
	v9 =	vld.idx.msk [tilespmem:v9+s2+$0x0], $0xffff  }
0xb0: {  	[tilespmem:s15+$0x0] =	vst v3;
	v3 =	vadd.s32 $0x1000, v0  }
0xb1: {  	s16 =	sor.u32 $0xA000, s13;
	s0 =	sor.u32 s21, s10;
	v4 =	vld.idx.msk [tilespmem:v4+s2+$0x0], $0xffff  }
0xb2: {  	s17 =	sor.u32 s14, s16;
	[tilespmem:s0+$0x0] =	vst v5;
	v5 =	vadd.s32 $0x3600, v7  }
0xb3: {  	s1 =	sor.u32 s12, s16;
	v6 =	vld.idx.msk [tilespmem:v6+s2+$0x0], $0xffff;
	[tilespmem:s17+$0x0] =	vst v8  }
0xb4: {  	s18 =	sor.u32 $0xEC00, s23;
	v8 =	vadd.s32 $0x3600, v2;
	[tilespmem:s1+$0x0] =	vst v9;
	v9 =	vld.idx.msk [tilespmem:v10+s2+$0x0], $0xffff  }
0xb5: {  	s19 =	sor.u32 s22, s18;
	v10 =	vadd.s32 $0x1200, v1;
	v3 =	vld.idx.msk [tilespmem:v3+s2+$0x0], $0xffff  }
0xb6: {  	[tilespmem:s19+$0x0] =	vst v4;
	v4 =	vadd.s32 $0x1200, v0  }
0xb7: {  	s20 =	sor.u32 $0xA400, s13;
	s0 =	sor.u32 s21, s18;
	v5 =	vld.idx.msk [tilespmem:v5+s2+$0x0], $0xffff  }
0xb8: {  	s24 =	sor.u32 s14, s20;
	[tilespmem:s0+$0x0] =	vst v6;
	v6 =	vadd.s32 $0x3800, v7  }
0xb9: {  	s1 =	sor.u32 s12, s20;
	v8 =	vld.idx.msk [tilespmem:v8+s2+$0x0], $0xffff;
	[tilespmem:s24+$0x0] =	vst v9  }
0xba: {  	s25 =	sor.u32 $0xF000, s23;
	v9 =	vadd.s32 $0x3800, v2;
	[tilespmem:s1+$0x0] =	vst v3;
	v3 =	vld.idx.msk [tilespmem:v10+s2+$0x0], $0xffff  }
0xbb: {  	s26 =	sor.u32 s22, s25;
	v10 =	vadd.s32 $0x1400, v1;
	v4 =	vld.idx.msk [tilespmem:v4+s2+$0x0], $0xffff  }
0xbc: {  	[tilespmem:s26+$0x0] =	vst v5;
	v5 =	vadd.s32 $0x1400, v0  }
0xbd: {  	s3 =	sor.u32 $0xA800, s13;
	s0 =	sor.u32 s21, s25;
	v6 =	vld.idx.msk [tilespmem:v6+s2+$0x0], $0xffff  }
0xbe: {  	s4 =	sor.u32 s14, s3;
	[tilespmem:s0+$0x0] =	vst v8;
	v8 =	vadd.s32 $0x3A00, v7  }
0xbf: {  	s1 =	sor.u32 s12, s3;
	v9 =	vld.idx.msk [tilespmem:v9+s2+$0x0], $0xffff;
	[tilespmem:s4+$0x0] =	vst v3  }
0xc0: {  	s5 =	sor.u32 $0xF400, s23;
	v3 =	vadd.s32 $0x3A00, v2;
	[tilespmem:s1+$0x0] =	vst v4;
	v4 =	vld.idx.msk [tilespmem:v10+s2+$0x0], $0xffff  }
0xc1: {  	s6 =	sor.u32 s22, s5;
	v10 =	vadd.s32 $0x1600, v1;
	v5 =	vld.idx.msk [tilespmem:v5+s2+$0x0], $0xffff  }
0xc2: {  	[tilespmem:s6+$0x0] =	vst v6;
	v6 =	vadd.s32 $0x1600, v0  }
0xc3: {  	s8 =	sor.u32 $0xAC00, s13;
	s0 =	sor.u32 s21, s5;
	v8 =	vld.idx.msk [tilespmem:v8+s2+$0x0], $0xffff  }
0xc4: {  	s10 =	sor.u32 s14, s8;
	[tilespmem:s0+$0x0] =	vst v9;
	v9 =	vadd.s32 $0x3C00, v7  }
0xc5: {  	s1 =	sor.u32 s12, s8;
	v3 =	vld.idx.msk [tilespmem:v3+s2+$0x0], $0xffff;
	[tilespmem:s10+$0x0] =	vst v4  }
0xc6: {  	s15 =	sor.u32 $0xF800, s23;
	v4 =	vadd.s32 $0x3C00, v2;
	[tilespmem:s1+$0x0] =	vst v5;
	v5 =	vld.idx.msk [tilespmem:v10+s2+$0x0], $0xffff  }
0xc7: {  	s16 =	sor.u32 s22, s15;
	v10 =	vadd.s32 $0x1800, v1;
	v6 =	vld.idx.msk [tilespmem:v6+s2+$0x0], $0xffff  }
0xc8: {  	[tilespmem:s16+$0x0] =	vst v8;
	v8 =	vadd.s32 $0x1800, v0  }
0xc9: {  	s17 =	sor.u32 $0xB000, s13;
	s0 =	sor.u32 s21, s15;
	v9 =	vld.idx.msk [tilespmem:v9+s2+$0x0], $0xffff  }
0xca: {  	s18 =	sor.u32 s14, s17;
	[tilespmem:s0+$0x0] =	vst v3;
	v3 =	vadd.s32 $0x3E00, v7  }
0xcb: {  	s1 =	sor.u32 s12, s17;
	v4 =	vld.idx.msk [tilespmem:v4+s2+$0x0], $0xffff;
	[tilespmem:s18+$0x0] =	vst v5  }
0xcc: {  	s19 =	sor.u32 $0xFC00, s23;
	v5 =	vadd.s32 $0x3E00, v2;
	[tilespmem:s1+$0x0] =	vst v6;
	v6 =	vld.idx.msk [tilespmem:v10+s2+$0x0], $0xffff  }
0xcd: {  	s20 =	sor.u32 s22, s19;
	v10 =	vadd.s32 $0x1A00, v1;
	v8 =	vld.idx.msk [tilespmem:v8+s2+$0x0], $0xffff  }
0xce: {  	[tilespmem:s20+$0x0] =	vst v9;
	v9 =	vadd.s32 $0x1A00, v0  }
0xcf: {  	s24 =	sor.u32 $0xB400, s13;
	s0 =	sor.u32 s21, s19;
	v3 =	vld.idx.msk [tilespmem:v3+s2+$0x0], $0xffff  }
0xd0: {  	s25 =	sor.u32 s14, s24;
	[tilespmem:s0+$0x0] =	vst v4;
	v4 =	vadd.s32 $0x4000, v7  }
0xd1: {  	s1 =	sor.u32 s12, s24;
	v5 =	vld.idx.msk [tilespmem:v5+s2+$0x0], $0xffff;
	[tilespmem:s25+$0x0] =	vst v6  }
0xd2: {  	s26 =	sor.u32 $0x10000, s23;
	v6 =	vadd.s32 $0x4000, v2;
	[tilespmem:s1+$0x0] =	vst v8;
	v8 =	vld.idx.msk [tilespmem:v10+s2+$0x0], $0xffff  }
0xd3: {  	s3 =	sor.u32 s22, s26;
	v10 =	vadd.s32 $0x1C00, v1;
	v9 =	vld.idx.msk [tilespmem:v9+s2+$0x0], $0xffff  }
0xd4: {  	[tilespmem:s3+$0x0] =	vst v3;
	v3 =	vadd.s32 $0x1C00, v0  }
0xd5: {  	s4 =	sor.u32 $0xB800, s13;
	s0 =	sor.u32 s21, s26;
	v4 =	vld.idx.msk [tilespmem:v4+s2+$0x0], $0xffff  }
0xd6: {  	s5 =	sor.u32 s14, s4;
	[tilespmem:s0+$0x0] =	vst v5;
	v5 =	vadd.s32 $0x4200, v7  }
0xd7: {  	s1 =	sor.u32 s12, s4;
	v6 =	vld.idx.msk [tilespmem:v6+s2+$0x0], $0xffff;
	[tilespmem:s5+$0x0] =	vst v8  }
0xd8: {  	s6 =	sor.u32 $0x10400, s23;
	v8 =	vadd.s32 $0x4200, v2;
	[tilespmem:s1+$0x0] =	vst v9;
	v9 =	vld.idx.msk [tilespmem:v10+s2+$0x0], $0xffff  }
0xd9: {  	s8 =	sor.u32 s22, s6;
	v10 =	vadd.s32 $0x1E00, v1;
	v3 =	vld.idx.msk [tilespmem:v3+s2+$0x0], $0xffff  }
0xda: {  	[tilespmem:s8+$0x0] =	vst v4;
	v4 =	vadd.s32 $0x1E00, v0  }
0xdb: {  	s10 =	sor.u32 $0xBC00, s13;
	s0 =	sor.u32 s21, s6;
	v5 =	vld.idx.msk [tilespmem:v5+s2+$0x0], $0xffff  }
0xdc: {  	s15 =	sor.u32 s14, s10;
	[tilespmem:s0+$0x0] =	vst v6;
	v6 =	vadd.s32 $0x4400, v7  }
0xdd: {  	s1 =	sor.u32 s12, s10;
	v8 =	vld.idx.msk [tilespmem:v8+s2+$0x0], $0xffff;
	[tilespmem:s15+$0x0] =	vst v9  }
0xde: {  	s16 =	sor.u32 $0x10800, s23;
	v9 =	vadd.s32 $0x4400, v2;
	[tilespmem:s1+$0x0] =	vst v3;
	v3 =	vld.idx.msk [tilespmem:v10+s2+$0x0], $0xffff  }
0xdf: {  	s17 =	sor.u32 s22, s16;
	v10 =	vadd.s32 $0x2000, v1;
	v4 =	vld.idx.msk [tilespmem:v4+s2+$0x0], $0xffff  }
0xe0: {  	[tilespmem:s17+$0x0] =	vst v5;
	v5 =	vadd.s32 $0x2000, v0  }
0xe1: {  	s18 =	sor.u32 $0xC000, s13;
	s0 =	sor.u32 s21, s16;
	v6 =	vld.idx.msk [tilespmem:v6+s2+$0x0], $0xffff  }
0xe2: {  	s19 =	sor.u32 s14, s18;
	[tilespmem:s0+$0x0] =	vst v8;
	v8 =	vadd.s32 $0x4600, v7  }
0xe3: {  	s1 =	sor.u32 s12, s18;
	v9 =	vld.idx.msk [tilespmem:v9+s2+$0x0], $0xffff;
	[tilespmem:s19+$0x0] =	vst v3  }
0xe4: {  	v11 =	vadd.s32 $0x4600, v2;
	s20 =	sor.u32 $0x10C00, s23;
	[tilespmem:s1+$0x0] =	vst v4;
	v4 =	vld.idx.msk [tilespmem:v10+s2+$0x0], $0xffff  }
0xe5: {  	s24 =	sor.u32 s22, s20;
	v10 =	vadd.s32 $0x2200, v1;
	v5 =	vld.idx.msk [tilespmem:v5+s2+$0x0], $0xffff  }
0xe6: {  	[tilespmem:s24+$0x0] =	vst v6;
	v6 =	vadd.s32 $0x2200, v0  }
0xe7: {  	s26 =	sor.u32 $0xC400, s13;
	s25 =	simm.s32 $0x8040;
	s0 =	sor.u32 s21, s20;
	v8 =	vld.idx.msk [tilespmem:v8+s2+$0x0], $0xffff  }
0xe8: {  	s4 =	sor.u32 s14, s26;
	s5 =	simm.s32 $0x40;
	v3 =	vld [tilespmem:s25+$0x0];
	[tilespmem:s0+$0x0] =	vst v9;
	v9 =	vadd.s32 $0x4800, v7  }
0xe9: {  	s3 =	sor.u32 s12, s26;
	s15 =	sand.u32 $0x60, s5;
	v11 =	vld.idx.msk [tilespmem:v11+s2+$0x0], $0xffff;
	[tilespmem:s4+$0x0] =	vst v4  }
0xea: {  	s6 =	sor.u32 $0x11000, s23;
	s16 =	sand.u32 $0x380, s5;
	s17 =	sor.u32 $0x10, s15;
	[tilespmem:s3+$0x0] =	vst v5;
	v5 =	vld.idx.msk [tilespmem:v10+s2+$0x0], $0xffff  }
0xeb: {  	s8 =	sor.u32 s22, s6;
	s1 =	sor.u32 s16, s17;
	v10 =	vadd.s32 $0x2400, v1;
	v6 =	vld.idx.msk [tilespmem:v6+s2+$0x0], $0xffff  }
0xec: {  	v4 =	vld [tilespmem:s1+$0x8000];
	[tilespmem:s8+$0x0] =	vst v8;
	v8 =	vadd.s32 $0x2400, v0  }
0xed: {  	v12 =	vadd.s32 $0x4800, v2;
	s10 =	sor.u32 $0xC800, s13;
	v9 =	vld.idx.msk [tilespmem:v9+s2+$0x0], $0xffff  }
0xee: {  	v13 =	vadd.s32 $0x4A00, v7;
	s4 =	sor.u32 s14, s10  }
0xef: {  	s3 =	sor.u32 s12, s10;
	[tilespmem:s4+$0x0] =	vst v5  }
0xf0: {  	s18 =	sor.u32 $0x11400, s23;
	s0 =	sor.u32 s21, s6;
	[tilespmem:s3+$0x0] =	vst v6;
	v5 =	vld.idx.msk [tilespmem:v10+s2+$0x0], $0xffff  }
0xf1: {  	s19 =	sor.u32 s22, s18;
	[tilespmem:s0+$0x0] =	vst v11;
	v6 =	vld.idx.msk [tilespmem:v8+s2+$0x0], $0xffff;
	v8 =	vadd.s32 $0x2600, v1  }
0xf2: {  	v10 =	vld.idx.msk [tilespmem:v12+s2+$0x0], $0xffff;
	[tilespmem:s19+$0x0] =	vst v9;
	v9 =	vadd.s32 $0x2600, v0  }
0xf3: {  	s20 =	sor.u32 $0xCC00, s13;
	v11 =	vadd.s32 $0x4A00, v2;
	v12 =	vld.idx.msk [tilespmem:v13+s2+$0x0], $0xffff  }
0xf4: {  	v14 =	vadd.s32 $0x4C00, v7;
	s24 =	sor.u32 s14, s20;
	v13 =	vld.idx.msk [tilespmem:v4+s2+$0x0], $0xffff  }
0xf5: {  	v15 =	vld.idx.msk [tilespmem:v3+s2+$0x0], $0xffff;
	s0 =	sor.u32 s12, s20;
	v16 =	vadd.s32 $0x200, v4;
	[tilespmem:s24+$0x0] =	vst v5  }
0xf6: {  	s25 =	sor.u32 $0x11800, s23;
	s3 =	sor.u32 s21, s18;
	v5 =	vadd.s32 $0x200, v3;
	[tilespmem:s0+$0x0] =	vst v6;
	v6 =	vld.idx.msk [tilespmem:v8+s2+$0x0], $0xffff  }
0xf7: {  	s26 =	sor.u32 s22, s25;
	[tilespmem:s3+$0x0] =	vst v10;
	v8 =	vld.idx.msk [tilespmem:v9+s2+$0x0], $0xffff;
	v9 =	vadd.s32 $0x2800, v1  }
0xf8: {  	v10 =	vld.idx.msk [tilespmem:v11+s2+$0x0], $0xffff;
	v11 =	vadd.s32 $0x2800, v0;
	[tilespmem:s26+$0x0] =	vst v12  }
0xf9: {  	s5 =	sor.u32 $0xD000, s13;
	s4 =	simm.s32 $0x8440;
	v12 =	vadd.s32 $0x4C00, v2;
	[tilespmem:s1+$0x8400] =	vst v13;
	v13 =	vld.idx.msk [tilespmem:v14+s2+$0x0], $0xffff  }
0xfa: {  	s6 =	sor.u32 s14, s5;
	[tilespmem:s4+$0x0] =	vst v15;
	v15 =	vadd.s32 $0x4E00, v7;
	v14 =	vld.idx.msk [tilespmem:v16+s2+$0x0], $0xffff  }
0xfb: {  	s1 =	sor.u32 s12, s5;
	v16 =	vadd.s32 $0x400, v4;
	v5 =	vld.idx.msk [tilespmem:v5+s2+$0x0], $0xffff;
	[tilespmem:s6+$0x0] =	vst v6  }
0xfc: {  	s8 =	sor.u32 $0x11C00, s23;
	s0 =	sor.u32 s21, s25;
	v6 =	vadd.s32 $0x400, v3;
	[tilespmem:s1+$0x0] =	vst v8;
	v8 =	vld.idx.msk [tilespmem:v9+s2+$0x0], $0xffff  }
0xfd: {  	s10 =	sor.u32 $0x8800, s16;
	s18 =	sor.u32 s22, s8;
	[tilespmem:s0+$0x0] =	vst v10;
	v10 =	vadd.s32 $0x2A00, v1;
	v9 =	vld.idx.msk [tilespmem:v11+s2+$0x0], $0xffff  }
0xfe: {  	s19 =	sor.u32 s17, s10;
	v11 =	vld.idx.msk [tilespmem:v12+s2+$0x0], $0xffff;
	v12 =	vadd.s32 $0x2A00, v0;
	[tilespmem:s18+$0x0] =	vst v13  }
0xff: {  	s20 =	sor.u32 $0xD400, s13;
	s0 =	sor.u32 s15, s10;
	[tilespmem:s19+$0x0] =	vst v14;
	v14 =	vadd.s32 $0x4E00, v2;
	v13 =	vld.idx.msk [tilespmem:v15+s2+$0x0], $0xffff  }
0x100: {  	s24 =	sor.u32 s14, s20;
	[tilespmem:s0+$0x0] =	vst v5;
	v5 =	vld.idx.msk [tilespmem:v16+s2+$0x0], $0xffff;
	v15 =	vadd.s32 $0x5000, v7  }
0x101: {  	s3 =	sor.u32 s12, s20;
	v16 =	vadd.s32 $0x600, v4;
	v6 =	vld.idx.msk [tilespmem:v6+s2+$0x0], $0xffff;
	[tilespmem:s24+$0x0] =	vst v8  }
0x102: {  	s25 =	sor.u32 s21, s8;
	s26 =	sor.u32 $0x12000, s23;
	v8 =	vadd.s32 $0x600, v3;
	[tilespmem:s3+$0x0] =	vst v9;
	v9 =	vld.idx.msk [tilespmem:v10+s2+$0x0], $0xffff  }
0x103: {  	s4 =	sor.u32 $0x8C00, s16;
	s5 =	sor.u32 s22, s26;
	[tilespmem:s25+$0x0] =	vst v11;
	v11 =	vadd.s32 $0x2C00, v1;
	v10 =	vld.idx.msk [tilespmem:v12+s2+$0x0], $0xffff  }
0x104: {  	s6 =	sor.u32 s17, s4;
	v12 =	vld.idx.msk [tilespmem:v14+s2+$0x0], $0xffff;
	[tilespmem:s5+$0x0] =	vst v13;
	v13 =	vadd.s32 $0x2C00, v0  }
0x105: {  	s8 =	sor.u32 s15, s4;
	s10 =	sor.u32 $0xD800, s13;
	v14 =	vadd.s32 $0x5000, v2;
	[tilespmem:s6+$0x0] =	vst v5;
	v5 =	vld.idx.msk [tilespmem:v15+s2+$0x0], $0xffff  }
0x106: {  	s18 =	sor.u32 s14, s10;
	[tilespmem:s8+$0x0] =	vst v6;
	v6 =	vld.idx.msk [tilespmem:v16+s2+$0x0], $0xffff;
	v15 =	vadd.s32 $0x5200, v7  }
0x107: {  	s3 =	sor.u32 s12, s10;
	v16 =	vadd.s32 $0x800, v4;
	v8 =	vld.idx.msk [tilespmem:v8+s2+$0x0], $0xffff;
	[tilespmem:s18+$0x0] =	vst v9  }
0x108: {  	s20 =	sor.u32 $0x12400, s23;
	s19 =	sor.u32 s21, s26;
	v9 =	vadd.s32 $0x800, v3;
	[tilespmem:s3+$0x0] =	vst v10;
	v10 =	vld.idx.msk [tilespmem:v11+s2+$0x0], $0xffff  }
0x109: {  	s24 =	sor.u32 $0x9000, s16;
	s25 =	sor.u32 s22, s20;
	[tilespmem:s19+$0x0] =	vst v12;
	v12 =	vadd.s32 $0x2E00, v1;
	v11 =	vld.idx.msk [tilespmem:v13+s2+$0x0], $0xffff  }
0x10a: {  	s26 =	sor.u32 s17, s24;
	v13 =	vld.idx.msk [tilespmem:v14+s2+$0x0], $0xffff;
	[tilespmem:s25+$0x0] =	vst v5;
	v5 =	vadd.s32 $0x2E00, v0  }
0x10b: {  	s5 =	sor.u32 s15, s24;
	s6 =	sor.u32 $0xDC00, s13;
	v14 =	vadd.s32 $0x5200, v2;
	[tilespmem:s26+$0x0] =	vst v6;
	v6 =	vld.idx.msk [tilespmem:v15+s2+$0x0], $0xffff  }
0x10c: {  	s8 =	sor.u32 s14, s6;
	[tilespmem:s5+$0x0] =	vst v8;
	v8 =	vld.idx.msk [tilespmem:v16+s2+$0x0], $0xffff;
	v15 =	vadd.s32 $0x5400, v7  }
0x10d: {  	s3 =	sor.u32 s12, s6;
	v16 =	vadd.s32 $0xA00, v4;
	v9 =	vld.idx.msk [tilespmem:v9+s2+$0x0], $0xffff;
	[tilespmem:s8+$0x0] =	vst v10  }
0x10e: {  	s10 =	sor.u32 s21, s20;
	s18 =	sor.u32 $0x12800, s23;
	v10 =	vadd.s32 $0xA00, v3;
	[tilespmem:s3+$0x0] =	vst v11;
	v11 =	vld.idx.msk [tilespmem:v12+s2+$0x0], $0xffff  }
0x10f: {  	s19 =	sor.u32 $0x9400, s16;
	s20 =	sor.u32 s22, s18;
	[tilespmem:s10+$0x0] =	vst v13;
	v12 =	vadd.s32 $0x3000, v1;
	v5 =	vld.idx.msk [tilespmem:v5+s2+$0x0], $0xffff  }
0x110: {  	s24 =	sor.u32 s17, s19;
	v13 =	vld.idx.msk [tilespmem:v14+s2+$0x0], $0xffff;
	[tilespmem:s20+$0x0] =	vst v6;
	v6 =	vadd.s32 $0x3000, v0  }
0x111: {  	s25 =	sor.u32 s15, s19;
	s26 =	sor.u32 $0xE000, s13;
	v14 =	vadd.s32 $0x5400, v2;
	[tilespmem:s24+$0x0] =	vst v8;
	v8 =	vld.idx.msk [tilespmem:v15+s2+$0x0], $0xffff  }
0x112: {  	s4 =	sor.u32 s14, s26;
	[tilespmem:s25+$0x0] =	vst v9;
	v9 =	vld.idx.msk [tilespmem:v16+s2+$0x0], $0xffff;
	v15 =	vadd.s32 $0x5600, v7  }
0x113: {  	s3 =	sor.u32 s12, s26;
	v16 =	vadd.s32 $0xC00, v4;
	v10 =	vld.idx.msk [tilespmem:v10+s2+$0x0], $0xffff;
	[tilespmem:s4+$0x0] =	vst v11  }
0x114: {  	s6 =	sor.u32 $0x12C00, s23;
	s5 =	sor.u32 s21, s18;
	v11 =	vadd.s32 $0xC00, v3;
	[tilespmem:s3+$0x0] =	vst v5;
	v5 =	vld.idx.msk [tilespmem:v12+s2+$0x0], $0xffff  }
0x115: {  	s8 =	sor.u32 $0x9800, s16;
	s10 =	sor.u32 s22, s6;
	[tilespmem:s5+$0x0] =	vst v13;
	v12 =	vadd.s32 $0x3200, v1;
	v6 =	vld.idx.msk [tilespmem:v6+s2+$0x0], $0xffff  }
0x116: {  	s18 =	sor.u32 s17, s8;
	v13 =	vld.idx.msk [tilespmem:v14+s2+$0x0], $0xffff;
	[tilespmem:s10+$0x0] =	vst v8;
	v8 =	vadd.s32 $0x3200, v0  }
0x117: {  	s19 =	sor.u32 s15, s8;
	s20 =	sor.u32 $0xE400, s13;
	v14 =	vadd.s32 $0x5600, v2;
	[tilespmem:s18+$0x0] =	vst v9;
	v9 =	vld.idx.msk [tilespmem:v15+s2+$0x0], $0xffff  }
0x118: {  	s24 =	sor.u32 s14, s20;
	[tilespmem:s19+$0x0] =	vst v10;
	v10 =	vld.idx.msk [tilespmem:v16+s2+$0x0], $0xffff;
	v15 =	vadd.s32 $0x5800, v7  }
0x119: {  	s3 =	sor.u32 s12, s20;
	v16 =	vadd.s32 $0xE00, v4;
	v11 =	vld.idx.msk [tilespmem:v11+s2+$0x0], $0xffff;
	[tilespmem:s24+$0x0] =	vst v5  }
0x11a: {  	s26 =	sor.u32 $0x13000, s23;
	s25 =	sor.u32 s21, s6;
	v5 =	vadd.s32 $0xE00, v3;
	[tilespmem:s3+$0x0] =	vst v6;
	v6 =	vld.idx.msk [tilespmem:v12+s2+$0x0], $0xffff  }
0x11b: {  	s4 =	sor.u32 $0x9C00, s16;
	s5 =	sor.u32 s22, s26;
	[tilespmem:s25+$0x0] =	vst v13;
	v12 =	vadd.s32 $0x3400, v1;
	v8 =	vld.idx.msk [tilespmem:v8+s2+$0x0], $0xffff  }
0x11c: {  	s6 =	sor.u32 s17, s4;
	v13 =	vld.idx.msk [tilespmem:v14+s2+$0x0], $0xffff;
	[tilespmem:s5+$0x0] =	vst v9;
	v9 =	vadd.s32 $0x3400, v0  }
0x11d: {  	s8 =	sor.u32 s15, s4;
	s10 =	sor.u32 $0xE800, s13;
	v14 =	vadd.s32 $0x5800, v2;
	[tilespmem:s6+$0x0] =	vst v10;
	v10 =	vld.idx.msk [tilespmem:v15+s2+$0x0], $0xffff  }
0x11e: {  	s18 =	sor.u32 s14, s10;
	[tilespmem:s8+$0x0] =	vst v11;
	v11 =	vld.idx.msk [tilespmem:v16+s2+$0x0], $0xffff;
	v15 =	vadd.s32 $0x5A00, v7  }
0x11f: {  	s3 =	sor.u32 s12, s10;
	v16 =	vadd.s32 $0x1000, v4;
	v5 =	vld.idx.msk [tilespmem:v5+s2+$0x0], $0xffff;
	[tilespmem:s18+$0x0] =	vst v6  }
0x120: {  	s20 =	sor.u32 $0x13400, s23;
	s19 =	sor.u32 s21, s26;
	[tilespmem:s3+$0x0] =	vst v8;
	v8 =	vld.idx.msk [tilespmem:v12+s2+$0x0], $0xffff  }
0x121: {  	s24 =	sor.u32 $0xA000, s16;
	s25 =	sor.u32 s22, s20;
	v6 =	vadd.s32 $0x1000, v3;
	[tilespmem:s19+$0x0] =	vst v13;
	v9 =	vld.idx.msk [tilespmem:v9+s2+$0x0], $0xffff  }
0x122: {  	s26 =	sor.u32 s17, s24;
	v12 =	vadd.s32 $0x3600, v1;
	v13 =	vld.idx.msk [tilespmem:v14+s2+$0x0], $0xffff;
	[tilespmem:s25+$0x0] =	vst v10  }
0x123: {  	[tilespmem:s26+$0x0] =	vst v11;
	v10 =	vadd.s32 $0x3600, v0;
	v11 =	vld.idx.msk [tilespmem:v15+s2+$0x0], $0xffff  }
0x124: {  	s4 =	sor.u32 $0xEC00, s13;
	s5 =	simm.s32 $0x8060;
	s3 =	sor.u32 s15, s24;
	v14 =	vld.idx.msk [tilespmem:v16+s2+$0x0], $0xffff;
	v15 =	vadd.s32 $0x5A00, v2  }
0x125: {  	s6 =	sor.u32 s14, s4;
	[tilespmem:s3+$0x0] =	vst v5;
	v16 =	vadd.s32 $0x5C00, v7;
	v5 =	vld [tilespmem:s5+$0x0]  }
0x126: {  	v17 =	vadd.s32 $0x1200, v4;
	s0 =	sor.u32 s12, s4;
	v6 =	vld.idx.msk [tilespmem:v6+s2+$0x0], $0xffff;
	[tilespmem:s6+$0x0] =	vst v8  }
0x127: {  	s1 =	sor.u32 s21, s20;
	s8 =	sor.u32 $0x13800, s23;
	v8 =	vadd.s32 $0x1200, v3;
	[tilespmem:s0+$0x0] =	vst v9;
	v9 =	vld.idx.msk [tilespmem:v12+s2+$0x0], $0xffff  }
0x128: {  	s10 =	sor.u32 $0xA400, s16;
	s18 =	sor.u32 s22, s8;
	[tilespmem:s1+$0x0] =	vst v13;
	v12 =	vadd.s32 $0x3800, v1;
	v10 =	vld.idx.msk [tilespmem:v10+s2+$0x0], $0xffff  }
0x129: {  	s19 =	sor.u32 s17, s10;
	v13 =	vld.idx.msk [tilespmem:v15+s2+$0x0], $0xffff;
	[tilespmem:s18+$0x0] =	vst v11;
	v11 =	vadd.s32 $0x3800, v0  }
0x12a: {  	s20 =	sor.u32 s15, s10;
	s24 =	sor.u32 $0xF000, s13;
	[tilespmem:s19+$0x0] =	vst v14;
	v15 =	vadd.s32 $0x5C00, v2;
	v14 =	vld.idx.msk [tilespmem:v16+s2+$0x0], $0xffff  }
0x12b: {  	s25 =	sor.u32 s14, s24;
	[tilespmem:s20+$0x0] =	vst v6;
	v6 =	vld.idx.msk [tilespmem:v17+s2+$0x0], $0xffff;
	v16 =	vadd.s32 $0x5E00, v7  }
0x12c: {  	s3 =	sor.u32 s12, s24;
	v17 =	vadd.s32 $0x1400, v4;
	v8 =	vld.idx.msk [tilespmem:v8+s2+$0x0], $0xffff;
	[tilespmem:s25+$0x0] =	vst v9  }
0x12d: {  	s26 =	sor.u32 $0x13C00, s23;
	s0 =	sor.u32 s21, s8;
	v9 =	vadd.s32 $0x1400, v3;
	[tilespmem:s3+$0x0] =	vst v10;
	v10 =	vld.idx.msk [tilespmem:v12+s2+$0x0], $0xffff  }
0x12e: {  	s4 =	sor.u32 $0xA800, s16;
	s5 =	sor.u32 s22, s26;
	v12 =	vadd.s32 $0x3A00, v1;
	v11 =	vld.idx.msk [tilespmem:v11+s2+$0x0], $0xffff;
	[tilespmem:s0+$0x0] =	vst v13  }
0x12f: {  	s6 =	sor.u32 s17, s4;
	v13 =	vld.idx.msk [tilespmem:v15+s2+$0x0], $0xffff;
	[tilespmem:s5+$0x0] =	vst v14;
	v14 =	vadd.s32 $0x3A00, v0  }
0x130: {  	s10 =	sor.u32 $0xF400, s13;
	s8 =	sor.u32 s15, s4;
	[tilespmem:s6+$0x0] =	vst v6;
	v15 =	vadd.s32 $0x5E00, v2;
	v6 =	vld.idx.msk [tilespmem:v16+s2+$0x0], $0xffff  }
0x131: {  	s18 =	sor.u32 s14, s10;
	[tilespmem:s8+$0x0] =	vst v8;
	v8 =	vld.idx.msk [tilespmem:v17+s2+$0x0], $0xffff;
	v16 =	vadd.s32 $0x6000, v7  }
0x132: {  	s3 =	sor.u32 s12, s10;
	v17 =	vadd.s32 $0x1600, v4;
	v9 =	vld.idx.msk [tilespmem:v9+s2+$0x0], $0xffff;
	[tilespmem:s18+$0x0] =	vst v10  }
0x133: {  	s19 =	sor.u32 s21, s26;
	s20 =	sor.u32 $0x14000, s23;
	v10 =	vadd.s32 $0x1600, v3;
	[tilespmem:s3+$0x0] =	vst v11;
	v11 =	vld.idx.msk [tilespmem:v12+s2+$0x0], $0xffff  }
0x134: {  	s24 =	sor.u32 $0xAC00, s16;
	s25 =	sor.u32 s22, s20;
	v12 =	vld.idx.msk [tilespmem:v14+s2+$0x0], $0xffff;
	[tilespmem:s19+$0x0] =	vst v13;
	v13 =	vadd.s32 $0x3C00, v1  }
0x135: {  	s26 =	sor.u32 s17, s24;
	v14 =	vld.idx.msk [tilespmem:v15+s2+$0x0], $0xffff;
	[tilespmem:s25+$0x0] =	vst v6;
	v6 =	vadd.s32 $0x3C00, v0  }
0x136: {  	s5 =	sor.u32 s15, s24;
	s6 =	sor.u32 $0xF800, s13;
	[tilespmem:s26+$0x0] =	vst v8;
	v15 =	vadd.s32 $0x6000, v2;
	v8 =	vld.idx.msk [tilespmem:v16+s2+$0x0], $0xffff  }
0x137: {  	s8 =	sor.u32 s14, s6;
	[tilespmem:s5+$0x0] =	vst v9;
	v9 =	vld.idx.msk [tilespmem:v17+s2+$0x0], $0xffff;
	v16 =	vadd.s32 $0x6200, v7  }
0x138: {  	s3 =	sor.u32 s12, s6;
	v17 =	vadd.s32 $0x1800, v4;
	v10 =	vld.idx.msk [tilespmem:v10+s2+$0x0], $0xffff;
	[tilespmem:s8+$0x0] =	vst v11  }
0x139: {  	s10 =	sor.u32 s21, s20;
	s18 =	sor.u32 $0x14400, s23;
	v11 =	vadd.s32 $0x1800, v3;
	[tilespmem:s3+$0x0] =	vst v12;
	v12 =	vld.idx.msk [tilespmem:v13+s2+$0x0], $0xffff  }
0x13a: {  	s20 =	sor.u32 s22, s18;
	s19 =	sor.u32 $0xB000, s16;
	v13 =	vadd.s32 $0x3E00, v1;
	v6 =	vld.idx.msk [tilespmem:v6+s2+$0x0], $0xffff;
	[tilespmem:s10+$0x0] =	vst v14  }
0x13b: {  	s24 =	sor.u32 s17, s19;
	v14 =	vld.idx.msk [tilespmem:v15+s2+$0x0], $0xffff;
	[tilespmem:s20+$0x0] =	vst v8;
	v8 =	vadd.s32 $0x3E00, v0  }
0x13c: {  	s25 =	sor.u32 s15, s19;
	s26 =	sor.u32 $0xFC00, s13;
	[tilespmem:s24+$0x0] =	vst v9;
	v15 =	vadd.s32 $0x6200, v2;
	v9 =	vld.idx.msk [tilespmem:v16+s2+$0x0], $0xffff  }
0x13d: {  	s4 =	sor.u32 s14, s26;
	[tilespmem:s25+$0x0] =	vst v10;
	v10 =	vld.idx.msk [tilespmem:v17+s2+$0x0], $0xffff;
	v16 =	vadd.s32 $0x6400, v7  }
0x13e: {  	s3 =	sor.u32 s12, s26;
	v17 =	vadd.s32 $0x1A00, v4;
	v11 =	vld.idx.msk [tilespmem:v11+s2+$0x0], $0xffff;
	[tilespmem:s4+$0x0] =	vst v12  }
0x13f: {  	s6 =	sor.u32 $0x14800, s23;
	s5 =	sor.u32 s21, s18;
	v12 =	vadd.s32 $0x1A00, v3;
	[tilespmem:s3+$0x0] =	vst v6;
	v6 =	vld.idx.msk [tilespmem:v13+s2+$0x0], $0xffff  }
0x140: {  	s8 =	sor.u32 $0xB400, s16;
	s10 =	sor.u32 s22, s6;
	v13 =	vadd.s32 $0x4000, v1;
	v8 =	vld.idx.msk [tilespmem:v8+s2+$0x0], $0xffff;
	[tilespmem:s5+$0x0] =	vst v14  }
0x141: {  	s18 =	sor.u32 s17, s8;
	v14 =	vld.idx.msk [tilespmem:v15+s2+$0x0], $0xffff;
	[tilespmem:s10+$0x0] =	vst v9;
	v9 =	vadd.s32 $0x4000, v0  }
0x142: {  	s19 =	sor.u32 s15, s8;
	s20 =	sor.u32 $0x10000, s13;
	[tilespmem:s18+$0x0] =	vst v10;
	v15 =	vadd.s32 $0x6400, v2;
	v10 =	vld.idx.msk [tilespmem:v16+s2+$0x0], $0xffff  }
0x143: {  	s24 =	sor.u32 s14, s20;
	[tilespmem:s19+$0x0] =	vst v11;
	v11 =	vld.idx.msk [tilespmem:v17+s2+$0x0], $0xffff;
	v16 =	vadd.s32 $0x6600, v7  }
0x144: {  	s3 =	sor.u32 s12, s20;
	v17 =	vadd.s32 $0x1C00, v4;
	v12 =	vld.idx.msk [tilespmem:v12+s2+$0x0], $0xffff;
	[tilespmem:s24+$0x0] =	vst v6  }
0x145: {  	s26 =	sor.u32 $0x14C00, s23;
	s25 =	sor.u32 s21, s6;
	v6 =	vadd.s32 $0x1C00, v3;
	[tilespmem:s3+$0x0] =	vst v8;
	v8 =	vld.idx.msk [tilespmem:v13+s2+$0x0], $0xffff  }
0x146: {  	s4 =	sor.u32 $0xB800, s16;
	s5 =	sor.u32 s22, s26;
	v13 =	vadd.s32 $0x4200, v1;
	v9 =	vld.idx.msk [tilespmem:v9+s2+$0x0], $0xffff;
	[tilespmem:s25+$0x0] =	vst v14  }
0x147: {  	s6 =	sor.u32 s17, s4;
	v14 =	vld.idx.msk [tilespmem:v15+s2+$0x0], $0xffff;
	[tilespmem:s5+$0x0] =	vst v10;
	v10 =	vadd.s32 $0x4200, v0  }
0x148: {  	s8 =	sor.u32 s15, s4;
	s10 =	sor.u32 $0x10400, s13;
	[tilespmem:s6+$0x0] =	vst v11;
	v15 =	vadd.s32 $0x6600, v2;
	v11 =	vld.idx.msk [tilespmem:v16+s2+$0x0], $0xffff  }
0x149: {  	s18 =	sor.u32 s14, s10;
	[tilespmem:s8+$0x0] =	vst v12;
	v12 =	vld.idx.msk [tilespmem:v17+s2+$0x0], $0xffff;
	v16 =	vadd.s32 $0x6800, v7  }
0x14a: {  	s3 =	sor.u32 s12, s10;
	v17 =	vadd.s32 $0x1E00, v4;
	v6 =	vld.idx.msk [tilespmem:v6+s2+$0x0], $0xffff;
	[tilespmem:s18+$0x0] =	vst v8  }
0x14b: {  	s20 =	sor.u32 $0x15000, s23;
	s19 =	sor.u32 s21, s26;
	v8 =	vadd.s32 $0x1E00, v3;
	[tilespmem:s3+$0x0] =	vst v9;
	v9 =	vld.idx.msk [tilespmem:v13+s2+$0x0], $0xffff  }
0x14c: {  	s24 =	sor.u32 $0xBC00, s16;
	s25 =	sor.u32 s22, s20;
	v13 =	vadd.s32 $0x4400, v1;
	v10 =	vld.idx.msk [tilespmem:v10+s2+$0x0], $0xffff;
	[tilespmem:s19+$0x0] =	vst v14  }
0x14d: {  	s26 =	sor.u32 s17, s24;
	v14 =	vld.idx.msk [tilespmem:v15+s2+$0x0], $0xffff;
	[tilespmem:s25+$0x0] =	vst v11;
	v11 =	vadd.s32 $0x4400, v0  }
0x14e: {  	s4 =	sor.u32 $0x10800, s13;
	s3 =	sor.u32 s15, s24;
	[tilespmem:s26+$0x0] =	vst v12;
	v15 =	vadd.s32 $0x6800, v2;
	v12 =	vld.idx.msk [tilespmem:v16+s2+$0x0], $0xffff  }
0x14f: {  	s5 =	sor.u32 s14, s4;
	[tilespmem:s3+$0x0] =	vst v6;
	v6 =	vld.idx.msk [tilespmem:v17+s2+$0x0], $0xffff;
	v16 =	vadd.s32 $0x6A00, v7  }
0x150: {  	s3 =	sor.u32 s12, s4;
	v17 =	vadd.s32 $0x2000, v4;
	v8 =	vld.idx.msk [tilespmem:v8+s2+$0x0], $0xffff;
	[tilespmem:s5+$0x0] =	vst v9  }
0x151: {  	s6 =	sor.u32 s21, s20;
	s8 =	sor.u32 $0x15400, s23;
	[tilespmem:s3+$0x0] =	vst v10;
	v10 =	vld.idx.msk [tilespmem:v13+s2+$0x0], $0xffff  }
0x152: {  	s10 =	sor.u32 $0xC000, s16;
	s18 =	sor.u32 s22, s8;
	v9 =	vadd.s32 $0x2000, v3;
	v11 =	vld.idx.msk [tilespmem:v11+s2+$0x0], $0xffff;
	[tilespmem:s6+$0x0] =	vst v14  }
0x153: {  	s19 =	sor.u32 s17, s10;
	v13 =	vadd.s32 $0x4600, v1;
	v14 =	vld.idx.msk [tilespmem:v15+s2+$0x0], $0xffff;
	[tilespmem:s18+$0x0] =	vst v12  }
0x154: {  	s20 =	sor.u32 s15, s10;
	[tilespmem:s19+$0x0] =	vst v6;
	v6 =	vadd.s32 $0x4600, v0;
	v12 =	vld.idx.msk [tilespmem:v16+s2+$0x0], $0xffff  }
0x155: {  	s24 =	sor.u32 $0x10C00, s13;
	v15 =	vadd.s32 $0x6A00, v2;
	[tilespmem:s20+$0x0] =	vst v8;
	v8 =	vld.idx.msk [tilespmem:v17+s2+$0x0], $0xffff  }
0x156: {  	s25 =	sor.u32 s14, s24;
	v16 =	vadd.s32 $0x6C00, v7;
	v17 =	vld.idx.msk [tilespmem:v5+s2+$0x0], $0xffff  }
0x157: {  	v18 =	vadd.s32 $0x2200, v4;
	s0 =	sor.u32 s12, s24;
	v9 =	vld.idx.msk [tilespmem:v9+s2+$0x0], $0xffff;
	[tilespmem:s25+$0x0] =	vst v10  }
0x158: {  	s1 =	sor.u32 s21, s8;
	s26 =	sor.u32 $0x15800, s23;
	v10 =	vadd.s32 $0x2200, v3;
	[tilespmem:s0+$0x0] =	vst v11;
	v11 =	vld.idx.msk [tilespmem:v13+s2+$0x0], $0xffff  }
0x159: {  	s5 =	sor.u32 $0xC400, s16;
	s6 =	sor.u32 s22, s26;
	v13 =	vld.idx.msk [tilespmem:v6+s2+$0x0], $0xffff;
	[tilespmem:s1+$0x0] =	vst v14  }
0x15a: {  	s24 =	simm.s32 $0x60;
	s8 =	sor.u32 s17, s5;
	v14 =	vadd.s32 $0x4800, v1;
	v15 =	vld.idx.msk [tilespmem:v15+s2+$0x0], $0xffff;
	[tilespmem:s6+$0x0] =	vst v12  }
0x15b: {  	s19 =	sand.u32 $0x60, s24;
	s0 =	sor.u32 s15, s5;
	[tilespmem:s8+$0x0] =	vst v8;
	v8 =	vadd.s32 $0x4800, v0;
	v12 =	vld.idx.msk [tilespmem:v16+s2+$0x0], $0xffff  }
0x15c: {  	s10 =	sor.u32 $0x11000, s13;
	s20 =	sand.u32 $0x380, s24;
	s18 =	sor.u32 $0x10, s19;
	[tilespmem:s0+$0x0] =	vst v9;
	v9 =	vld.idx.msk [tilespmem:v18+s2+$0x0], $0xffff;
	v16 =	vadd.s32 $0x6C00, v2  }
0x15d: {  	s25 =	sor.u32 s14, s10;
	s0 =	sor.u32 s20, s18;
	v18 =	vadd.s32 $0x6E00, v7;
	v10 =	vld.idx.msk [tilespmem:v10+s2+$0x0], $0xffff  }
0x15e: {  	v19 =	vadd.s32 $0x2400, v4;
	s1 =	sor.u32 s12, s10;
	v6 =	vld [tilespmem:s0+$0x8000];
	[tilespmem:s25+$0x0] =	vst v11  }
0x15f: {  	s3 =	sor.u32 s21, s26;
	v11 =	vadd.s32 $0x2400, v3;
	[tilespmem:s1+$0x0] =	vst v13;
	v13 =	vld.idx.msk [tilespmem:v14+s2+$0x0], $0xffff;
	s1 =	sor.u32 $0x15C00, s23  }
0x160: {  	s26 =	sor.u32 $0xC800, s16;
	v14 =	vadd.s32 $0x200, v5;
	v8 =	vld.idx.msk [tilespmem:v8+s2+$0x0], $0xffff;
	[tilespmem:s3+$0x0] =	vst v15;
	s5 =	sor.u32 s22, s1  }
0x161: {  	s8 =	sor.u32 s17, s26;
	v15 =	vadd.s32 $0x4A00, v1;
	v16 =	vld.idx.msk [tilespmem:v16+s2+$0x0], $0xffff;
	[tilespmem:s5+$0x0] =	vst v12  }
0x162: {  	s6 =	sor.u32 s15, s26;
	[tilespmem:s8+$0x0] =	vst v9;
	v9 =	vld.idx.msk [tilespmem:v18+s2+$0x0], $0xffff  }
0x163: {  	s10 =	sor.u32 $0x11400, s13;
	s25 =	simm.s32 $0x8460;
	v12 =	vadd.s32 $0x4A00, v0;
	[tilespmem:s6+$0x0] =	vst v10;
	v10 =	vld.idx.msk [tilespmem:v19+s2+$0x0], $0xffff  }
0x164: {  	s26 =	sor.u32 s14, s10;
	[tilespmem:s25+$0x0] =	vst v17;
	v17 =	vadd.s32 $0x7000, v7;
	v11 =	vld.idx.msk [tilespmem:v11+s2+$0x0], $0xffff  }
0x165: {  	s3 =	sor.u32 s12, s10;
	v18 =	vadd.s32 $0x2600, v4;
	v14 =	vld.idx.msk [tilespmem:v14+s2+$0x0], $0xffff;
	[tilespmem:s26+$0x0] =	vst v13  }
0x166: {  	s4 =	sor.u32 $0x16000, s23;
	s1 =	sor.u32 s21, s1;
	v13 =	vadd.s32 $0x2600, v3;
	v15 =	vld.idx.msk [tilespmem:v15+s2+$0x0], $0xffff;
	[tilespmem:s3+$0x0] =	vst v8  }
0x167: {  	s5 =	sor.u32 $0xCC00, s16;
	v19 =	vadd.s32 $0x6E00, v2;
	s6 =	sor.u32 s22, s4;
	v8 =	vld.idx.msk [tilespmem:v6+s2+$0x0], $0xffff;
	[tilespmem:s1+$0x0] =	vst v16  }
0x168: {  	v20 =	vadd.s32 $0x4C00, v1;
	s10 =	sor.u32 s17, s5;
	v12 =	vld.idx.msk [tilespmem:v12+s2+$0x0], $0xffff;
	[tilespmem:s6+$0x0] =	vst v9  }
0x169: {  	s26 =	sor.u32 $0x11800, s13;
	s3 =	sor.u32 s15, s5;
	v9 =	vadd.s32 $0x200, v6;
	[tilespmem:s10+$0x0] =	vst v10;
	v10 =	vld.idx.msk [tilespmem:v17+s2+$0x0], $0xffff  }
0x16a: {  	s5 =	sor.u32 s14, s26;
	[tilespmem:s3+$0x0] =	vst v11;
	v11 =	vld.idx.msk [tilespmem:v18+s2+$0x0], $0xffff;
	v17 =	vadd.s32 $0x4C00, v0  }
0x16b: {  	v16 =	vadd.s32 $0x7200, v7;
	v13 =	vld.idx.msk [tilespmem:v13+s2+$0x0], $0xffff;
	[tilespmem:s5+$0x0] =	vst v15  }
0x16c: {  	s6 =	sor.u32 s12, s26;
	v18 =	vadd.s32 $0x2800, v4;
	v15 =	vld.idx.msk [tilespmem:v19+s2+$0x0], $0xffff;
	[tilespmem:s0+$0x8400] =	vst v8;
	s0 =	sor.u32 $0x16400, s23  }
0x16d: {  	s8 =	sor.u32 $0xD000, s16;
	v8 =	vadd.s32 $0x2800, v3;
	v19 =	vld.idx.msk [tilespmem:v20+s2+$0x0], $0xffff;
	[tilespmem:s6+$0x0] =	vst v12;
	s10 =	sor.u32 s22, s0  }
0x16e: {  	s26 =	sor.u32 s17, s8;
	v12 =	vadd.s32 $0x7000, v2;
	v9 =	vld.idx.msk [tilespmem:v9+s2+$0x0], $0xffff;
	[tilespmem:s10+$0x0] =	vst v10  }
0x16f: {  	s3 =	sor.u32 s15, s8;
	v20 =	vadd.s32 $0x4E00, v1;
	v17 =	vld.idx.msk [tilespmem:v17+s2+$0x0], $0xffff;
	[tilespmem:s26+$0x0] =	vst v11  }
0x170: {  	s4 =	sor.u32 s21, s4;
	s1 =	sor.u32 $0x11C00, s13;
	v10 =	vadd.s32 $0x400, v6;
	v11 =	vld.idx.msk [tilespmem:v16+s2+$0x0], $0xffff;
	[tilespmem:s3+$0x0] =	vst v13  }
0x171: {  	s5 =	sor.u32 $0x8800, s20;
	s6 =	sor.u32 s14, s1;
	v16 =	vadd.s32 $0x400, v5;
	v13 =	vld.idx.msk [tilespmem:v18+s2+$0x0], $0xffff;
	[tilespmem:s4+$0x0] =	vst v15  }
0x172: {  	v18 =	vld.idx.msk [tilespmem:v8+s2+$0x0], $0xffff;
	v15 =	vadd.s32 $0x7400, v7;
	s4 =	sor.u32 s19, s5;
	[tilespmem:s6+$0x0] =	vst v19  }
0x173: {  	v21 =	vadd.s32 $0x2A00, v4;
	s10 =	sor.u32 s18, s5;
	v8 =	vld.idx.msk [tilespmem:v12+s2+$0x0], $0xffff;
	[tilespmem:s4+$0x0] =	vst v14  }
0x174: {  	s1 =	sor.u32 s12, s1;
	s3 =	sor.u32 $0x16800, s23;
	[tilespmem:s10+$0x0] =	vst v9;
	v9 =	vadd.s32 $0x2A00, v3;
	v12 =	vld.idx.msk [tilespmem:v20+s2+$0x0], $0xffff  }
0x175: {  	s26 =	sor.u32 $0xD400, s16;
	s5 =	sor.u32 s22, s3;
	v14 =	vadd.s32 $0x4E00, v0;
	v10 =	vld.idx.msk [tilespmem:v10+s2+$0x0], $0xffff;
	[tilespmem:s1+$0x0] =	vst v17  }
0x176: {  	s6 =	sor.u32 s17, s26;
	v19 =	vadd.s32 $0x5000, v1;
	v16 =	vld.idx.msk [tilespmem:v16+s2+$0x0], $0xffff;
	[tilespmem:s5+$0x0] =	vst v11  }
0x177: {  	s8 =	sor.u32 $0x12000, s13;
	s4 =	sor.u32 s15, s26;
	v11 =	vadd.s32 $0x600, v6;
	[tilespmem:s6+$0x0] =	vst v13;
	v13 =	vld.idx.msk [tilespmem:v15+s2+$0x0], $0xffff  }
0x178: {  	s26 =	sor.u32 $0x8C00, s20;
	s5 =	sor.u32 s14, s8;
	v15 =	vadd.s32 $0x600, v5;
	[tilespmem:s4+$0x0] =	vst v18;
	v18 =	vld.idx.msk [tilespmem:v21+s2+$0x0], $0xffff  }
0x179: {  	v17 =	vadd.s32 $0x7600, v7;
	s6 =	sor.u32 s18, s26;
	v9 =	vld.idx.msk [tilespmem:v9+s2+$0x0], $0xffff;
	[tilespmem:s5+$0x0] =	vst v12  }
0x17a: {  	v20 =	vadd.s32 $0x2C00, v4;
	s26 =	sor.u32 s19, s26;
	s4 =	sor.u32 $0x16C00, s23;
	v14 =	vld.idx.msk [tilespmem:v14+s2+$0x0], $0xffff;
	[tilespmem:s6+$0x0] =	vst v10  }
0x17b: {  	s5 =	sor.u32 $0xD800, s16;
	v10 =	vadd.s32 $0x2C00, v3;
	v12 =	vld.idx.msk [tilespmem:v19+s2+$0x0], $0xffff;
	s6 =	sor.u32 s22, s4;
	[tilespmem:s26+$0x0] =	vst v16  }
0x17c: {  	v11 =	vld.idx.msk [tilespmem:v11+s2+$0x0], $0xffff;
	v16 =	vadd.s32 $0x5000, v0;
	s26 =	sor.u32 s17, s5;
	[tilespmem:s6+$0x0] =	vst v13  }
0x17d: {  	v19 =	vadd.s32 $0x5200, v1;
	s1 =	sor.u32 s15, s5;
	v15 =	vld.idx.msk [tilespmem:v15+s2+$0x0], $0xffff;
	[tilespmem:s26+$0x0] =	vst v18  }
0x17e: {  	s8 =	sor.u32 s12, s8;
	v13 =	vadd.s32 $0x800, v6;
	v17 =	vld.idx.msk [tilespmem:v17+s2+$0x0], $0xffff;
	[tilespmem:s1+$0x0] =	vst v9;
	s1 =	sor.u32 $0x12400, s13  }
0x17f: {  	v18 =	vadd.s32 $0x800, v5;
	s26 =	sor.u32 $0x9000, s20;
	[tilespmem:s8+$0x0] =	vst v14;
	v9 =	vld.idx.msk [tilespmem:v20+s2+$0x0], $0xffff;
	s5 =	sor.u32 s14, s1  }
0x180: {  	v14 =	vadd.s32 $0x7800, v7;
	s6 =	sor.u32 s18, s26;
	v10 =	vld.idx.msk [tilespmem:v10+s2+$0x0], $0xffff;
	[tilespmem:s5+$0x0] =	vst v12  }
0x181: {  	s10 =	sor.u32 $0x17000, s23;
	v20 =	vadd.s32 $0x2E00, v4;
	v16 =	vld.idx.msk [tilespmem:v16+s2+$0x0], $0xffff;
	s5 =	sor.u32 s19, s26;
	[tilespmem:s6+$0x0] =	vst v11  }
0x182: {  	v11 =	vadd.s32 $0x2E00, v3;
	s6 =	sor.u32 $0xDC00, s16;
	v12 =	vld.idx.msk [tilespmem:v19+s2+$0x0], $0xffff;
	[tilespmem:s5+$0x0] =	vst v15;
	s5 =	sor.u32 s22, s10  }
0x183: {  	v13 =	vld.idx.msk [tilespmem:v13+s2+$0x0], $0xffff;
	v15 =	vadd.s32 $0x5200, v0;
	s28 =	sor.u32 s17, s6;
	[tilespmem:s5+$0x0] =	vst v17  }
0x184: {  	v19 =	vadd.s32 $0x5400, v1;
	s8 =	sor.u32 s15, s6;
	v18 =	vld.idx.msk [tilespmem:v18+s2+$0x0], $0xffff;
	[tilespmem:s28+$0x0] =	vst v9  }
0x185: {  	s1 =	sor.u32 s12, s1;
	v17 =	vadd.s32 $0xA00, v6;
	v9 =	vld.idx.msk [tilespmem:v14+s2+$0x0], $0xffff;
	[tilespmem:s8+$0x0] =	vst v10;
	s8 =	sor.u32 $0x12800, s13  }
0x186: {  	s6 =	sor.u32 $0x9400, s20;
	v14 =	vadd.s32 $0xA00, v5;
	v10 =	vld.idx.msk [tilespmem:v20+s2+$0x0], $0xffff;
	[tilespmem:s1+$0x0] =	vst v16;
	s5 =	sor.u32 s14, s8  }
0x187: {  	s28 =	sor.u32 s18, s6;
	v11 =	vld.idx.msk [tilespmem:v11+s2+$0x0], $0xffff;
	v16 =	vadd.s32 $0x7A00, v7;
	[tilespmem:s5+$0x0] =	vst v12  }
0x188: {  	s26 =	sor.u32 $0x17400, s23;
	s6 =	sor.u32 s19, s6;
	v20 =	vadd.s32 $0x3000, v4;
	v15 =	vld.idx.msk [tilespmem:v15+s2+$0x0], $0xffff;
	[tilespmem:s28+$0x0] =	vst v13  }
0x189: {  	v12 =	vadd.s32 $0x3000, v3;
	s5 =	sor.u32 $0xE000, s16;
	s28 =	sor.u32 s22, s26;
	v13 =	vld.idx.msk [tilespmem:v19+s2+$0x0], $0xffff;
	[tilespmem:s6+$0x0] =	vst v18  }
0x18a: {  	v17 =	vld.idx.msk [tilespmem:v17+s2+$0x0], $0xffff;
	v18 =	vadd.s32 $0x5400, v0;
	s29 =	sor.u32 s17, s5;
	[tilespmem:s28+$0x0] =	vst v9  }
0x18b: {  	v19 =	vadd.s32 $0x5600, v1;
	s1 =	sor.u32 s15, s5;
	v14 =	vld.idx.msk [tilespmem:v14+s2+$0x0], $0xffff;
	[tilespmem:s29+$0x0] =	vst v10  }
0x18c: {  	s8 =	sor.u32 s12, s8;
	v9 =	vadd.s32 $0xC00, v6;
	v10 =	vld.idx.msk [tilespmem:v16+s2+$0x0], $0xffff;
	[tilespmem:s1+$0x0] =	vst v11;
	s1 =	sor.u32 $0x12C00, s13  }
0x18d: {  	s28 =	sor.u32 $0x9800, s20;
	v16 =	vadd.s32 $0xC00, v5;
	v11 =	vld.idx.msk [tilespmem:v20+s2+$0x0], $0xffff;
	[tilespmem:s8+$0x0] =	vst v15;
	s6 =	sor.u32 s14, s1  }
0x18e: {  	s29 =	sor.u32 s18, s28;
	v12 =	vld.idx.msk [tilespmem:v12+s2+$0x0], $0xffff;
	v15 =	vadd.s32 $0x7C00, v7;
	[tilespmem:s6+$0x0] =	vst v13  }
0x18f: {  	s5 =	sor.u32 s19, s28;
	s28 =	sor.u32 $0x17800, s23;
	v20 =	vadd.s32 $0x3200, v4;
	v18 =	vld.idx.msk [tilespmem:v18+s2+$0x0], $0xffff;
	[tilespmem:s29+$0x0] =	vst v17  }
0x190: {  	v13 =	vadd.s32 $0x3200, v3;
	s6 =	sor.u32 $0xE400, s16;
	s29 =	sor.u32 s22, s28;
	v17 =	vld.idx.msk [tilespmem:v19+s2+$0x0], $0xffff;
	[tilespmem:s5+$0x0] =	vst v14  }
0x191: {  	v9 =	vld.idx.msk [tilespmem:v9+s2+$0x0], $0xffff;
	v14 =	vadd.s32 $0x5600, v0;
	s30 =	sor.u32 s17, s6;
	[tilespmem:s29+$0x0] =	vst v10  }
0x192: {  	v19 =	vadd.s32 $0x5800, v1;
	s8 =	sor.u32 s15, s6;
	v16 =	vld.idx.msk [tilespmem:v16+s2+$0x0], $0xffff;
	[tilespmem:s30+$0x0] =	vst v11  }
0x193: {  	s1 =	sor.u32 s12, s1;
	s29 =	sor.u32 $0x13000, s13;
	v11 =	vld.idx.msk [tilespmem:v15+s2+$0x0], $0xffff;
	v15 =	vadd.s32 $0xE00, v5;
	[tilespmem:s8+$0x0] =	vst v12  }
0x194: {  	s5 =	sor.u32 $0x9C00, s20;
	v10 =	vadd.s32 $0xE00, v6;
	v12 =	vld.idx.msk [tilespmem:v20+s2+$0x0], $0xffff;
	s6 =	sor.u32 s14, s29;
	[tilespmem:s1+$0x0] =	vst v18  }
0x195: {  	v7 =	vadd.s32 $0x7E00, v7;
	s30 =	sor.u32 s18, s5;
	v13 =	vld.idx.msk [tilespmem:v13+s2+$0x0], $0xffff;
	[tilespmem:s6+$0x0] =	vst v17  }
0x196: {  	s8 =	sor.u32 s19, s5;
	s5 =	sor.u32 $0x17C00, s23;
	v18 =	vadd.s32 $0x3400, v4;
	v20 =	vld.idx.msk [tilespmem:v14+s2+$0x0], $0xffff;
	[tilespmem:s30+$0x0] =	vst v9  }
0x197: {  	s31 =	sor.u32 s22, s5;
	v9 =	vadd.s32 $0x3400, v3;
	s30 =	sor.u32 $0xE800, s16;
	v17 =	vld.idx.msk [tilespmem:v19+s2+$0x0], $0xffff;
	[tilespmem:s8+$0x0] =	vst v16  }
0x198: {  	s1 =	sor.u32 s21, s0;
	s6 =	sor.u32 s17, s30;
	v19 =	vld.idx.msk [tilespmem:v15+s2+$0x0], $0xffff;
	[tilespmem:s31+$0x0] =	vst v11;
	v15 =	vadd.s32 $0x5A00, v1  }
0x199: {  	s0 =	sor.u32 s21, s3;
	v10 =	vld.idx.msk [tilespmem:v10+s2+$0x0], $0xffff;
	v16 =	vadd.s32 $0x5800, v0;
	s31 =	sor.u32 s21, s4;
	s4 =	sor.u32 s15, s30;
	[tilespmem:s6+$0x0] =	vst v12  }
0x19a: {  	v63 =	vadd.s32 $0x1000, v6;
	s3 =	sor.u32 $0x13400, s13;
	s30 =	sor.u32 s21, s10;
	s10 =	sor.u32 s12, s29;
	v12 =	vld.idx.msk [tilespmem:v7+s2+$0x0], $0xffff;
	[tilespmem:s4+$0x0] =	vst v13  }
0x19b: {  	v22 =	vadd.s32 $0x1000, v5;
	v13 =	vld.idx.msk [tilespmem:v18+s2+$0x0], $0xffff;
	[tilespmem:s10+$0x0] =	vst v20;
	s10 =	sor.u32 s14, s3  }
0x19c: {  	s28 =	sor.u32 s21, s28;
	s8 =	simm.s32 $0x6;
	s6 =	sor.u32 $0xA000, s20;
	v14 =	vld.idx.msk [tilespmem:v9+s2+$0x0], $0xffff;
	[tilespmem:s10+$0x0] =	vst v17  }
0x19d: {  	s29 =	sor.u32 s21, s26;
	s26 =	sor.u32 s21, s5;
	s10 =	sor.u32 s18, s6;
	v7 =	vld.idx.msk [tilespmem:v15+s2+$0x0], $0xffff;
	v15 =	vadd.s32 $0x3600, v4  }
0x19e: {  	s4 =	sor.u32 s12, s3;
	s5 =	sor.u32 s19, s6;
	s6 =	sor.u32 $0x18000, s23;
	v11 =	vld.idx.msk [tilespmem:v16+s2+$0x0], $0xffff;
	[tilespmem:s10+$0x0] =	vst v10;
	v16 =	vadd.s32 $0x3600, v3  }
0x19f: {  	v9 =	vadd.s32 $0x5A00, v0;
	s10 =	sor.u32 $0xEC00, s16;
	s21 =	sor.u32 s21, s6;
	s23 =	sor.u32 s22, s6;
	[tilespmem:s5+$0x0] =	vst v19;
	v17 =	vld.idx.msk [tilespmem:v63+s2+$0x0], $0xffff  }
0x1a0: {  	s22 =	simm.s32 $0x8080;
	v10 =	vadd.s32 $0x5C00, v1;
	s3 =	sor.u32 s15, s10;
	s10 =	sor.u32 s17, s10;
	v18 =	vld.idx.msk [tilespmem:v22+s2+$0x0], $0xffff;
	[tilespmem:s23+$0x0] =	vst v12  }
.LBB2_2:
0x1a1: {  	v12 =	vld [tilespmem:s22+$0x0];
	v19 =	vadd.s32 $0x1200, v6;
	[tilespmem:s10+$0x0] =	vst v13;
	s23 =	smov.u32 s12;
	s12 =	smov.u32 s15;
	s15 =	smov.u32 s19  }
0x1a2: {  	v13 =	vadd.s32 $0x1200, v5;
	s5 =	sor.u32 $0x13800, s13;
	s10 =	smov.u32 s14;
	[tilespmem:s3+$0x0] =	vst v14;
	v14 =	vld.idx.msk [tilespmem:v15+s2+$0x0], $0xffff;
	s3 =	smov.u32 s20  }
0x1a3: {  	s6 =	sor.u32 $0xA400, s3;
	v15 =	vld.idx.msk [tilespmem:v16+s2+$0x0], $0xffff;
	[tilespmem:s4+$0x0] =	vst v11;
	s4 =	sor.u32 s23, s5;
	s5 =	sor.u32 s10, s5;
	v11 =	vadd.s32 $0x7200, v2  }
0x1a4: {  	s14 =	smov.u32 s17;
	v16 =	vadd.s32 $0x3800, v4;
	s19 =	sor.u32 s15, s6;
	s6 =	sor.u32 s18, s6;
	v9 =	vld.idx.msk [tilespmem:v9+s2+$0x0], $0xffff;
	[tilespmem:s5+$0x0] =	vst v7  }
0x1a5: {  	s17 =	smov.u32 s18;
	v7 =	vadd.s32 $0x3800, v3;
	[tilespmem:s6+$0x0] =	vst v17;
	v10 =	vld.idx.msk [tilespmem:v10+s2+$0x0], $0xffff  }
0x1a6: {  	s5 =	sor.u32 $0xF000, s16;
	[tilespmem:s19+$0x0] =	vst v18;
	v17 =	vld.idx.msk [tilespmem:v19+s2+$0x0], $0xffff;
	v18 =	vadd.s32 $0x5C00, v0  }
0x1a7: {  	s6 =	sor.u32 s12, s5;
	s5 =	sor.u32 s14, s5;
	v19 =	vadd.s32 $0x5E00, v1;
	v13 =	vld.idx.msk [tilespmem:v13+s2+$0x0], $0xffff;
	[tilespmem:s1+$0x0] =	vst v8  }
0x1a8: {  	v8 =	vadd.s32 $0x1400, v6;
	[tilespmem:s5+$0x0] =	vst v14;
	v11 =	vld.idx.msk [tilespmem:v11+s2+$0x0], $0xffff  }
0x1a9: {  	s1 =	sor.u32 $0x13C00, s13;
	v14 =	vadd.s32 $0x1400, v5;
	[tilespmem:s6+$0x0] =	vst v15;
	v15 =	vld.idx.msk [tilespmem:v16+s2+$0x0], $0xffff  }
0x1aa: {  	s5 =	sor.u32 $0xA800, s3;
	v7 =	vld.idx.msk [tilespmem:v7+s2+$0x0], $0xffff;
	[tilespmem:s4+$0x0] =	vst v9;
	s4 =	sor.u32 s23, s1;
	s1 =	sor.u32 s10, s1;
	v9 =	vadd.s32 $0x7400, v2  }
0x1ab: {  	s6 =	sor.u32 s15, s5;
	s5 =	sor.u32 s17, s5;
	v16 =	vadd.s32 $0x3A00, v4;
	v18 =	vld.idx.msk [tilespmem:v18+s2+$0x0], $0xffff;
	[tilespmem:s1+$0x0] =	vst v10  }
0x1ac: {  	v10 =	vadd.s32 $0x3A00, v3;
	[tilespmem:s5+$0x0] =	vst v17;
	v17 =	vld.idx.msk [tilespmem:v19+s2+$0x0], $0xffff  }
0x1ad: {  	s1 =	sor.u32 $0xF400, s16;
	[tilespmem:s6+$0x0] =	vst v13;
	v8 =	vld.idx.msk [tilespmem:v8+s2+$0x0], $0xffff;
	v13 =	vadd.s32 $0x5E00, v0  }
0x1ae: {  	s5 =	sor.u32 s12, s1;
	s1 =	sor.u32 s14, s1;
	v19 =	vadd.s32 $0x6000, v1;
	v14 =	vld.idx.msk [tilespmem:v14+s2+$0x0], $0xffff;
	[tilespmem:s0+$0x0] =	vst v11  }
0x1af: {  	v11 =	vadd.s32 $0x1600, v6;
	[tilespmem:s1+$0x0] =	vst v15;
	v9 =	vld.idx.msk [tilespmem:v9+s2+$0x0], $0xffff  }
0x1b0: {  	s0 =	sor.u32 $0x14000, s13;
	v15 =	vadd.s32 $0x1600, v5;
	[tilespmem:s5+$0x0] =	vst v7;
	v7 =	vld.idx.msk [tilespmem:v16+s2+$0x0], $0xffff  }
0x1b1: {  	s1 =	sor.u32 $0xAC00, s3;
	v16 =	vadd.s32 $0x7600, v2;
	v10 =	vld.idx.msk [tilespmem:v10+s2+$0x0], $0xffff;
	[tilespmem:s4+$0x0] =	vst v18;
	s4 =	sor.u32 s23, s0;
	s0 =	sor.u32 s10, s0  }
0x1b2: {  	s5 =	sor.u32 s15, s1;
	s1 =	sor.u32 s17, s1;
	v18 =	vadd.s32 $0x3C00, v4;
	v13 =	vld.idx.msk [tilespmem:v13+s2+$0x0], $0xffff;
	[tilespmem:s0+$0x0] =	vst v17  }
0x1b3: {  	[tilespmem:s1+$0x0] =	vst v8;
	v8 =	vadd.s32 $0x3C00, v3;
	v17 =	vld.idx.msk [tilespmem:v19+s2+$0x0], $0xffff  }
0x1b4: {  	s0 =	sor.u32 $0xF800, s16;
	[tilespmem:s5+$0x0] =	vst v14;
	v11 =	vld.idx.msk [tilespmem:v11+s2+$0x0], $0xffff;
	v14 =	vadd.s32 $0x6000, v0  }
0x1b5: {  	s1 =	sor.u32 s12, s0;
	s0 =	sor.u32 s14, s0;
	v19 =	vadd.s32 $0x6200, v1;
	v15 =	vld.idx.msk [tilespmem:v15+s2+$0x0], $0xffff;
	[tilespmem:s31+$0x0] =	vst v9  }
0x1b6: {  	v9 =	vadd.s32 $0x1800, v6;
	[tilespmem:s0+$0x0] =	vst v7;
	v7 =	vld.idx.msk [tilespmem:v16+s2+$0x0], $0xffff  }
0x1b7: {  	v16 =	vadd.s32 $0x1800, v5;
	s0 =	sor.u32 $0x14400, s13;
	[tilespmem:s1+$0x0] =	vst v10;
	v10 =	vld.idx.msk [tilespmem:v18+s2+$0x0], $0xffff  }
0x1b8: {  	s1 =	sor.u32 $0xB000, s3;
	v8 =	vld.idx.msk [tilespmem:v8+s2+$0x0], $0xffff;
	[tilespmem:s4+$0x0] =	vst v13;
	s4 =	sor.u32 s23, s0;
	s0 =	sor.u32 s10, s0;
	v13 =	vadd.s32 $0x7800, v2  }
0x1b9: {  	v18 =	vadd.s32 $0x3E00, v4;
	s5 =	sor.u32 s15, s1;
	s1 =	sor.u32 s17, s1;
	v14 =	vld.idx.msk [tilespmem:v14+s2+$0x0], $0xffff;
	[tilespmem:s0+$0x0] =	vst v17  }
0x1ba: {  	[tilespmem:s1+$0x0] =	vst v11;
	v11 =	vadd.s32 $0x3E00, v3;
	v17 =	vld.idx.msk [tilespmem:v19+s2+$0x0], $0xffff  }
0x1bb: {  	s0 =	sor.u32 $0xFC00, s16;
	[tilespmem:s5+$0x0] =	vst v15;
	v9 =	vld.idx.msk [tilespmem:v9+s2+$0x0], $0xffff;
	v15 =	vadd.s32 $0x6200, v0  }
0x1bc: {  	s1 =	sor.u32 s12, s0;
	s0 =	sor.u32 s14, s0;
	v19 =	vadd.s32 $0x6400, v1;
	v16 =	vld.idx.msk [tilespmem:v16+s2+$0x0], $0xffff;
	[tilespmem:s30+$0x0] =	vst v7  }
0x1bd: {  	v7 =	vadd.s32 $0x1A00, v6;
	[tilespmem:s0+$0x0] =	vst v10;
	v10 =	vld.idx.msk [tilespmem:v13+s2+$0x0], $0xffff  }
0x1be: {  	v13 =	vadd.s32 $0x1A00, v5;
	s0 =	sor.u32 $0x14800, s13;
	[tilespmem:s1+$0x0] =	vst v8;
	v8 =	vld.idx.msk [tilespmem:v18+s2+$0x0], $0xffff  }
0x1bf: {  	s1 =	sor.u32 $0xB400, s3;
	v11 =	vld.idx.msk [tilespmem:v11+s2+$0x0], $0xffff;
	[tilespmem:s4+$0x0] =	vst v14;
	s4 =	sor.u32 s23, s0;
	s0 =	sor.u32 s10, s0;
	v14 =	vadd.s32 $0x7A00, v2  }
0x1c0: {  	v18 =	vadd.s32 $0x4000, v4;
	s5 =	sor.u32 s15, s1;
	s1 =	sor.u32 s17, s1;
	v15 =	vld.idx.msk [tilespmem:v15+s2+$0x0], $0xffff;
	[tilespmem:s0+$0x0] =	vst v17  }
0x1c1: {  	[tilespmem:s1+$0x0] =	vst v9;
	v9 =	vadd.s32 $0x4000, v3;
	v17 =	vld.idx.msk [tilespmem:v19+s2+$0x0], $0xffff  }
0x1c2: {  	s0 =	sor.u32 $0x10000, s16;
	[tilespmem:s5+$0x0] =	vst v16;
	v7 =	vld.idx.msk [tilespmem:v7+s2+$0x0], $0xffff;
	v16 =	vadd.s32 $0x6400, v0  }
0x1c3: {  	s1 =	sor.u32 s12, s0;
	s0 =	sor.u32 s14, s0;
	v19 =	vadd.s32 $0x6600, v1;
	v13 =	vld.idx.msk [tilespmem:v13+s2+$0x0], $0xffff;
	[tilespmem:s29+$0x0] =	vst v10  }
0x1c4: {  	v10 =	vadd.s32 $0x1C00, v6;
	[tilespmem:s0+$0x0] =	vst v8;
	v8 =	vld.idx.msk [tilespmem:v14+s2+$0x0], $0xffff  }
0x1c5: {  	v14 =	vadd.s32 $0x1C00, v5;
	s0 =	sor.u32 $0x14C00, s13;
	[tilespmem:s1+$0x0] =	vst v11;
	v11 =	vld.idx.msk [tilespmem:v18+s2+$0x0], $0xffff  }
0x1c6: {  	s1 =	sor.u32 $0xB800, s3;
	v9 =	vld.idx.msk [tilespmem:v9+s2+$0x0], $0xffff;
	[tilespmem:s4+$0x0] =	vst v15;
	s4 =	sor.u32 s23, s0;
	s0 =	sor.u32 s10, s0;
	v15 =	vadd.s32 $0x7C00, v2  }
0x1c7: {  	v18 =	vadd.s32 $0x4200, v4;
	s5 =	sor.u32 s15, s1;
	s1 =	sor.u32 s17, s1;
	v16 =	vld.idx.msk [tilespmem:v16+s2+$0x0], $0xffff;
	[tilespmem:s0+$0x0] =	vst v17  }
0x1c8: {  	[tilespmem:s1+$0x0] =	vst v7;
	v7 =	vadd.s32 $0x4200, v3;
	v17 =	vld.idx.msk [tilespmem:v19+s2+$0x0], $0xffff  }
0x1c9: {  	s0 =	sor.u32 $0x10400, s16;
	[tilespmem:s5+$0x0] =	vst v13;
	v10 =	vld.idx.msk [tilespmem:v10+s2+$0x0], $0xffff;
	v13 =	vadd.s32 $0x6600, v0  }
0x1ca: {  	s1 =	sor.u32 s12, s0;
	s0 =	sor.u32 s14, s0;
	v19 =	vadd.s32 $0x6800, v1;
	v14 =	vld.idx.msk [tilespmem:v14+s2+$0x0], $0xffff;
	[tilespmem:s28+$0x0] =	vst v8  }
0x1cb: {  	v8 =	vadd.s32 $0x1E00, v6;
	[tilespmem:s0+$0x0] =	vst v11;
	v11 =	vld.idx.msk [tilespmem:v15+s2+$0x0], $0xffff  }
0x1cc: {  	v15 =	vadd.s32 $0x1E00, v5;
	s0 =	sor.u32 $0x15000, s13;
	[tilespmem:s1+$0x0] =	vst v9;
	v9 =	vld.idx.msk [tilespmem:v18+s2+$0x0], $0xffff  }
0x1cd: {  	s1 =	sor.u32 $0xBC00, s3;
	v7 =	vld.idx.msk [tilespmem:v7+s2+$0x0], $0xffff;
	[tilespmem:s4+$0x0] =	vst v16;
	s4 =	sor.u32 s23, s0;
	s0 =	sor.u32 s10, s0;
	v16 =	vadd.s32 $0x7E00, v2;
	v2 =	vmovc v0;
	v0 =	vmovc v3;
	v3 =	vmov v5;
	v5 =	vmov v12  }
0x1ce: {  	s5 =	sor.u32 s15, s1;
	s1 =	sor.u32 s17, s1;
	v12 =	vadd.s32 $0x4400, v4;
	v13 =	vld.idx.msk [tilespmem:v13+s2+$0x0], $0xffff;
	[tilespmem:s0+$0x0] =	vst v17  }
0x1cf: {  	[tilespmem:s1+$0x0] =	vst v10;
	v10 =	vadd.s32 $0x4400, v0;
	v17 =	vld.idx.msk [tilespmem:v19+s2+$0x0], $0xffff  }
0x1d0: {  	s0 =	sor.u32 $0x10800, s16;
	[tilespmem:s5+$0x0] =	vst v14;
	v8 =	vld.idx.msk [tilespmem:v8+s2+$0x0], $0xffff;
	v14 =	vadd.s32 $0x6800, v2  }
0x1d1: {  	v18 =	vadd.s32 $0x6A00, v1;
	s1 =	sor.u32 s12, s0;
	s0 =	sor.u32 s14, s0;
	v15 =	vld.idx.msk [tilespmem:v15+s2+$0x0], $0xffff;
	[tilespmem:s26+$0x0] =	vst v11  }
0x1d2: {  	v11 =	vadd.s32 $0x2000, v6;
	[tilespmem:s0+$0x0] =	vst v9;
	v9 =	vld.idx.msk [tilespmem:v16+s2+$0x0], $0xffff  }
0x1d3: {  	v16 =	vadd.s32 $0x2000, v3;
	s0 =	sor.u32 $0x15400, s13;
	[tilespmem:s1+$0x0] =	vst v7;
	v7 =	vld.idx.msk [tilespmem:v12+s2+$0x0], $0xffff  }
0x1d4: {  	s1 =	sor.u32 $0xC000, s3;
	v10 =	vld.idx.msk [tilespmem:v10+s2+$0x0], $0xffff;
	[tilespmem:s4+$0x0] =	vst v13;
	s4 =	sor.u32 s23, s0;
	s0 =	sor.u32 s10, s0  }
0x1d5: {  	v12 =	vadd.s32 $0x4600, v4;
	s5 =	sor.u32 s15, s1;
	s1 =	sor.u32 s17, s1;
	v13 =	vld.idx.msk [tilespmem:v14+s2+$0x0], $0xffff;
	[tilespmem:s0+$0x0] =	vst v17  }
0x1d6: {  	[tilespmem:s1+$0x0] =	vst v8;
	v8 =	vadd.s32 $0x4600, v0;
	v14 =	vld.idx.msk [tilespmem:v18+s2+$0x0], $0xffff  }
0x1d7: {  	s0 =	sor.u32 $0x10C00, s16;
	[tilespmem:s5+$0x0] =	vst v15;
	v11 =	vld.idx.msk [tilespmem:v11+s2+$0x0], $0xffff;
	v15 =	vadd.s32 $0x6A00, v2  }
0x1d8: {  	v17 =	vadd.s32 $0x6C00, v1;
	s1 =	sor.u32 s12, s0;
	s0 =	sor.u32 s14, s0;
	v16 =	vld.idx.msk [tilespmem:v16+s2+$0x0], $0xffff;
	[tilespmem:s21+$0x0] =	vst v9  }
0x1d9: {  	v18 =	vadd.s32 $0x2200, v6;
	v9 =	vld.idx.msk [tilespmem:v5+s2+$0x0], $0xffff;
	[tilespmem:s0+$0x0] =	vst v7  }
0x1da: {  	v7 =	vadd.s32 $0x2200, v3;
	s0 =	sor.u32 $0x15800, s13;
	[tilespmem:s1+$0x0] =	vst v10;
	v10 =	vld.idx.msk [tilespmem:v12+s2+$0x0], $0xffff  }
0x1db: {  	s1 =	sor.u32 $0xC400, s3;
	v8 =	vld.idx.msk [tilespmem:v8+s2+$0x0], $0xffff;
	[tilespmem:s4+$0x0] =	vst v13;
	s4 =	sor.u32 s23, s0;
	s0 =	sor.u32 s10, s0  }
0x1dc: {  	s24 =	sadd.s32 $0x20, s24;
	v12 =	vadd.s32 $0x4800, v4;
	s5 =	sor.u32 s15, s1;
	s1 =	sor.u32 s17, s1;
	v13 =	vld.idx.msk [tilespmem:v15+s2+$0x0], $0xffff;
	[tilespmem:s0+$0x0] =	vst v14  }
0x1dd: {  	s20 =	sand.u32 $0x380, s24;
	s19 =	sand.u32 $0x60, s24;
	[tilespmem:s1+$0x0] =	vst v11;
	v11 =	vadd.s32 $0x4800, v0;
	v14 =	vld.idx.msk [tilespmem:v17+s2+$0x0], $0xffff  }
0x1de: {  	s8 =	sadd.s32 $0x2, s8;
	s18 =	sor.u32 $0x10, s19;
	s1 =	sor.u32 $0x11000, s16;
	[tilespmem:s5+$0x0] =	vst v16;
	v15 =	vld.idx.msk [tilespmem:v18+s2+$0x0], $0xffff;
	v16 =	vadd.s32 $0x6C00, v2  }
0x1df: {  	p0 =	slt.u32 s8, $0x3E;
	s0 =	sor.u32 s20, s18;
	s5 =	sor.u32 s14, s1;
	v18 =	vadd.s32 $0x6E00, v1;
	v17 =	vld.idx.msk [tilespmem:v7+s2+$0x0], $0xffff  }
0x1e0: {  	v19 =	vadd.s32 $0x2400, v6;
	s1 =	sor.u32 s12, s1;
	v7 =	vld [tilespmem:s0+$0x8000];
	[tilespmem:s5+$0x0] =	vst v10  }
0x1e1: {  	v10 =	vadd.s32 $0x2400, v3;
	[tilespmem:s1+$0x0] =	vst v8;
	v8 =	vld.idx.msk [tilespmem:v12+s2+$0x0], $0xffff;
	s1 =	sor.u32 $0x15C00, s13  }
0x1e2: {  	s5 =	sor.u32 $0xC800, s3;
	v12 =	vadd.s32 $0x200, v5;
	v11 =	vld.idx.msk [tilespmem:v11+s2+$0x0], $0xffff;
	[tilespmem:s4+$0x0] =	vst v13;
	s4 =	sor.u32 s23, s1;
	s1 =	sor.u32 s10, s1  }
0x1e3: {  	s6 =	sor.u32 s15, s5;
	s5 =	sor.u32 s17, s5;
	v13 =	vadd.s32 $0x4A00, v4;
	v16 =	vld.idx.msk [tilespmem:v16+s2+$0x0], $0xffff;
	[tilespmem:s1+$0x0] =	vst v14  }
0x1e4: {  	[tilespmem:s5+$0x0] =	vst v15;
	v14 =	vld.idx.msk [tilespmem:v18+s2+$0x0], $0xffff  }
0x1e5: {  	s25 =	sadd.s32 $0x20, s25;
	s1 =	sor.u32 $0x11400, s16;
	[tilespmem:s6+$0x0] =	vst v17;
	v15 =	vld.idx.msk [tilespmem:v19+s2+$0x0], $0xffff;
	v17 =	vadd.s32 $0x4A00, v0  }
0x1e6: {  	s5 =	sor.u32 s12, s1;
	s1 =	sor.u32 s14, s1;
	[tilespmem:s25+$0x0] =	vst v9;
	v9 =	vld.idx.msk [tilespmem:v10+s2+$0x0], $0xffff;
	v10 =	vadd.s32 $0x7000, v1  }
0x1e7: {  	v18 =	vadd.s32 $0x2600, v6;
	v12 =	vld.idx.msk [tilespmem:v12+s2+$0x0], $0xffff;
	[tilespmem:s1+$0x0] =	vst v8  }
0x1e8: {  	v8 =	vadd.s32 $0x2600, v3;
	s1 =	sor.u32 $0x16000, s13;
	[tilespmem:s5+$0x0] =	vst v11;
	v11 =	vld.idx.msk [tilespmem:v13+s2+$0x0], $0xffff  }
0x1e9: {  	s5 =	sor.u32 $0xCC00, s3;
	v13 =	vld.idx.msk [tilespmem:v7+s2+$0x0], $0xffff;
	[tilespmem:s4+$0x0] =	vst v16;
	v16 =	vadd.s32 $0x6E00, v2;
	s4 =	sor.u32 s23, s1;
	s1 =	sor.u32 s10, s1  }
0x1ea: {  	v19 =	vadd.s32 $0x4C00, v4;
	s6 =	sor.u32 s15, s5;
	s5 =	sor.u32 s17, s5;
	v17 =	vld.idx.msk [tilespmem:v17+s2+$0x0], $0xffff;
	[tilespmem:s1+$0x0] =	vst v14  }
0x1eb: {  	v14 =	vadd.s32 $0x200, v7;
	[tilespmem:s5+$0x0] =	vst v15;
	v10 =	vld.idx.msk [tilespmem:v10+s2+$0x0], $0xffff  }
0x1ec: {  	s1 =	sor.u32 $0x11800, s16;
	v15 =	vadd.s32 $0x4C00, v0;
	[tilespmem:s6+$0x0] =	vst v9;
	v9 =	vld.idx.msk [tilespmem:v18+s2+$0x0], $0xffff  }
0x1ed: {  	s5 =	sor.u32 s12, s1;
	s1 =	sor.u32 s14, s1;
	v18 =	vadd.s32 $0x7200, v1;
	v8 =	vld.idx.msk [tilespmem:v8+s2+$0x0], $0xffff  }
0x1ee: {  	v20 =	vadd.s32 $0x2800, v6;
	[tilespmem:s1+$0x0] =	vst v11;
	v11 =	vld.idx.msk [tilespmem:v16+s2+$0x0], $0xffff  }
0x1ef: {  	[tilespmem:s0+$0x8400] =	vst v13;
	v13 =	vadd.s32 $0x2800, v3;
	v16 =	vld.idx.msk [tilespmem:v19+s2+$0x0], $0xffff;
	s0 =	sor.u32 $0x16400, s13  }
0x1f0: {  	s6 =	sor.u32 $0xD000, s3;
	v14 =	vld.idx.msk [tilespmem:v14+s2+$0x0], $0xffff;
	[tilespmem:s5+$0x0] =	vst v17;
	v17 =	vadd.s32 $0x7000, v2;
	s1 =	sor.u32 s23, s0;
	s0 =	sor.u32 s10, s0  }
0x1f1: {  	v19 =	vadd.s32 $0x4E00, v4;
	s5 =	sor.u32 s15, s6;
	s6 =	sor.u32 s17, s6;
	v15 =	vld.idx.msk [tilespmem:v15+s2+$0x0], $0xffff;
	[tilespmem:s0+$0x0] =	vst v10  }
0x1f2: {  	v10 =	vadd.s32 $0x400, v7;
	[tilespmem:s6+$0x0] =	vst v9;
	v9 =	vld.idx.msk [tilespmem:v18+s2+$0x0], $0xffff  }
0x1f3: {  	s0 =	sor.u32 $0x11C00, s16;
	v18 =	vadd.s32 $0x400, v5;
	[tilespmem:s5+$0x0] =	vst v8;
	v20 =	vld.idx.msk [tilespmem:v20+s2+$0x0], $0xffff  }
0x1f4: {  	s6 =	sor.u32 s12, s0;
	s0 =	sor.u32 s14, s0;
	s5 =	sor.u32 $0x8800, s20;
	v13 =	vld.idx.msk [tilespmem:v13+s2+$0x0], $0xffff;
	[tilespmem:s4+$0x0] =	vst v11;
	v11 =	vadd.s32 $0x7400, v1  }
0x1f5: {  	v21 =	vadd.s32 $0x2A00, v6;
	s4 =	sor.u32 s19, s5;
	s5 =	sor.u32 s18, s5;
	[tilespmem:s0+$0x0] =	vst v16;
	v8 =	vld.idx.msk [tilespmem:v17+s2+$0x0], $0xffff  }
0x1f6: {  	[tilespmem:s5+$0x0] =	vst v14;
	v14 =	vadd.s32 $0x2A00, v3;
	v16 =	vld.idx.msk [tilespmem:v19+s2+$0x0], $0xffff;
	s5 =	sor.u32 $0x16800, s13  }
0x1f7: {  	[tilespmem:s4+$0x0] =	vst v12;
	v10 =	vld.idx.msk [tilespmem:v10+s2+$0x0], $0xffff;
	s4 =	sor.u32 $0xD400, s3;
	v12 =	vadd.s32 $0x4E00, v0;
	s0 =	sor.u32 s23, s5;
	s5 =	sor.u32 s10, s5  }
0x1f8: {  	v17 =	vld.idx.msk [tilespmem:v18+s2+$0x0], $0xffff;
	s21 =	sor.u32 s15, s4;
	s4 =	sor.u32 s17, s4;
	v18 =	vadd.s32 $0x5000, v4;
	[tilespmem:s5+$0x0] =	vst v9  }
0x1f9: {  	v9 =	vadd.s32 $0x600, v7;
	[tilespmem:s4+$0x0] =	vst v20;
	v11 =	vld.idx.msk [tilespmem:v11+s2+$0x0], $0xffff  }
0x1fa: {  	v19 =	vadd.s32 $0x600, v5;
	s4 =	sor.u32 $0x12000, s16;
	[tilespmem:s21+$0x0] =	vst v13;
	v13 =	vld.idx.msk [tilespmem:v21+s2+$0x0], $0xffff  }
0x1fb: {  	s5 =	sor.u32 $0x8C00, s20;
	v14 =	vld.idx.msk [tilespmem:v14+s2+$0x0], $0xffff;
	[tilespmem:s6+$0x0] =	vst v15;
	s6 =	sor.u32 s12, s4;
	s4 =	sor.u32 s14, s4;
	v15 =	vadd.s32 $0x7600, v1  }
0x1fc: {  	v20 =	vadd.s32 $0x2C00, v6;
	s21 =	sor.u32 s19, s5;
	s5 =	sor.u32 s18, s5;
	v12 =	vld.idx.msk [tilespmem:v12+s2+$0x0], $0xffff;
	[tilespmem:s4+$0x0] =	vst v16  }
0x1fd: {  	s4 =	sor.u32 $0x16C00, s13;
	[tilespmem:s5+$0x0] =	vst v10;
	v10 =	vadd.s32 $0x2C00, v3;
	v16 =	vld.idx.msk [tilespmem:v18+s2+$0x0], $0xffff  }
0x1fe: {  	s5 =	sor.u32 $0xD800, s3;
	s31 =	sor.u32 s23, s4;
	s4 =	sor.u32 s10, s4;
	[tilespmem:s21+$0x0] =	vst v17;
	v9 =	vld.idx.msk [tilespmem:v9+s2+$0x0], $0xffff;
	v17 =	vadd.s32 $0x5000, v0  }
0x1ff: {  	s21 =	sor.u32 s15, s5;
	s5 =	sor.u32 s17, s5;
	v18 =	vld.idx.msk [tilespmem:v19+s2+$0x0], $0xffff;
	v19 =	vadd.s32 $0x5200, v4;
	[tilespmem:s4+$0x0] =	vst v11  }
0x200: {  	v11 =	vadd.s32 $0x800, v7;
	[tilespmem:s5+$0x0] =	vst v13;
	v13 =	vld.idx.msk [tilespmem:v15+s2+$0x0], $0xffff  }
0x201: {  	s4 =	sor.u32 $0x12400, s16;
	v15 =	vadd.s32 $0x800, v5;
	[tilespmem:s21+$0x0] =	vst v14;
	v14 =	vld.idx.msk [tilespmem:v20+s2+$0x0], $0xffff  }
0x202: {  	s5 =	sor.u32 $0x9000, s20;
	v10 =	vld.idx.msk [tilespmem:v10+s2+$0x0], $0xffff;
	[tilespmem:s6+$0x0] =	vst v12;
	s6 =	sor.u32 s12, s4;
	s4 =	sor.u32 s14, s4;
	v12 =	vadd.s32 $0x7800, v1  }
0x203: {  	s21 =	sor.u32 s19, s5;
	s5 =	sor.u32 s18, s5;
	v20 =	vadd.s32 $0x2E00, v6;
	v17 =	vld.idx.msk [tilespmem:v17+s2+$0x0], $0xffff;
	[tilespmem:s4+$0x0] =	vst v16  }
0x204: {  	s4 =	sor.u32 $0x17000, s13;
	[tilespmem:s5+$0x0] =	vst v9;
	v9 =	vadd.s32 $0x2E00, v3;
	v16 =	vld.idx.msk [tilespmem:v19+s2+$0x0], $0xffff  }
0x205: {  	s5 =	sor.u32 $0xDC00, s3;
	s30 =	sor.u32 s23, s4;
	s4 =	sor.u32 s10, s4;
	[tilespmem:s21+$0x0] =	vst v18;
	v11 =	vld.idx.msk [tilespmem:v11+s2+$0x0], $0xffff;
	v18 =	vadd.s32 $0x5200, v0  }
0x206: {  	v19 =	vadd.s32 $0x5400, v4;
	s21 =	sor.u32 s15, s5;
	s5 =	sor.u32 s17, s5;
	v15 =	vld.idx.msk [tilespmem:v15+s2+$0x0], $0xffff;
	[tilespmem:s4+$0x0] =	vst v13  }
0x207: {  	v13 =	vadd.s32 $0xA00, v7;
	[tilespmem:s5+$0x0] =	vst v14;
	v12 =	vld.idx.msk [tilespmem:v12+s2+$0x0], $0xffff  }
0x208: {  	s4 =	sor.u32 $0x12800, s16;
	v14 =	vadd.s32 $0xA00, v5;
	[tilespmem:s21+$0x0] =	vst v10;
	v10 =	vld.idx.msk [tilespmem:v20+s2+$0x0], $0xffff  }
0x209: {  	s5 =	sor.u32 $0x9400, s20;
	v9 =	vld.idx.msk [tilespmem:v9+s2+$0x0], $0xffff;
	[tilespmem:s6+$0x0] =	vst v17;
	s6 =	sor.u32 s12, s4;
	s4 =	sor.u32 s14, s4;
	v17 =	vadd.s32 $0x7A00, v1  }
0x20a: {  	s21 =	sor.u32 s19, s5;
	s5 =	sor.u32 s18, s5;
	v20 =	vadd.s32 $0x3000, v6;
	v18 =	vld.idx.msk [tilespmem:v18+s2+$0x0], $0xffff;
	[tilespmem:s4+$0x0] =	vst v16  }
0x20b: {  	s4 =	sor.u32 $0x17400, s13;
	[tilespmem:s5+$0x0] =	vst v11;
	v11 =	vadd.s32 $0x3000, v3;
	v16 =	vld.idx.msk [tilespmem:v19+s2+$0x0], $0xffff  }
0x20c: {  	s5 =	sor.u32 $0xE000, s3;
	s29 =	sor.u32 s23, s4;
	s4 =	sor.u32 s10, s4;
	[tilespmem:s21+$0x0] =	vst v15;
	v13 =	vld.idx.msk [tilespmem:v13+s2+$0x0], $0xffff;
	v15 =	vadd.s32 $0x5400, v0  }
0x20d: {  	v19 =	vadd.s32 $0x5600, v4;
	s21 =	sor.u32 s15, s5;
	s5 =	sor.u32 s17, s5;
	v14 =	vld.idx.msk [tilespmem:v14+s2+$0x0], $0xffff;
	[tilespmem:s4+$0x0] =	vst v12  }
0x20e: {  	v12 =	vadd.s32 $0xC00, v7;
	[tilespmem:s5+$0x0] =	vst v10;
	v10 =	vld.idx.msk [tilespmem:v17+s2+$0x0], $0xffff  }
0x20f: {  	s4 =	sor.u32 $0x12C00, s16;
	v17 =	vadd.s32 $0xC00, v5;
	[tilespmem:s21+$0x0] =	vst v9;
	v9 =	vld.idx.msk [tilespmem:v20+s2+$0x0], $0xffff  }
0x210: {  	s5 =	sor.u32 $0x9800, s20;
	v11 =	vld.idx.msk [tilespmem:v11+s2+$0x0], $0xffff;
	[tilespmem:s6+$0x0] =	vst v18;
	s6 =	sor.u32 s12, s4;
	s4 =	sor.u32 s14, s4;
	v18 =	vadd.s32 $0x7C00, v1  }
0x211: {  	s21 =	sor.u32 s19, s5;
	s5 =	sor.u32 s18, s5;
	v20 =	vadd.s32 $0x3200, v6;
	v15 =	vld.idx.msk [tilespmem:v15+s2+$0x0], $0xffff;
	[tilespmem:s4+$0x0] =	vst v16  }
0x212: {  	s4 =	sor.u32 $0x17800, s13;
	[tilespmem:s5+$0x0] =	vst v13;
	v13 =	vadd.s32 $0x3200, v3;
	v16 =	vld.idx.msk [tilespmem:v19+s2+$0x0], $0xffff  }
0x213: {  	s5 =	sor.u32 $0xE400, s3;
	s28 =	sor.u32 s23, s4;
	s4 =	sor.u32 s10, s4;
	[tilespmem:s21+$0x0] =	vst v14;
	v12 =	vld.idx.msk [tilespmem:v12+s2+$0x0], $0xffff;
	v14 =	vadd.s32 $0x5600, v0  }
0x214: {  	v19 =	vadd.s32 $0x5800, v4;
	s21 =	sor.u32 s15, s5;
	s5 =	sor.u32 s17, s5;
	v17 =	vld.idx.msk [tilespmem:v17+s2+$0x0], $0xffff;
	[tilespmem:s4+$0x0] =	vst v10  }
0x215: {  	v10 =	vadd.s32 $0xE00, v7;
	[tilespmem:s5+$0x0] =	vst v9;
	v9 =	vld.idx.msk [tilespmem:v18+s2+$0x0], $0xffff  }
0x216: {  	s4 =	sor.u32 $0x13000, s16;
	v18 =	vadd.s32 $0xE00, v5;
	[tilespmem:s21+$0x0] =	vst v11;
	v11 =	vld.idx.msk [tilespmem:v20+s2+$0x0], $0xffff  }
0x217: {  	s5 =	sor.u32 $0x9C00, s20;
	v13 =	vld.idx.msk [tilespmem:v13+s2+$0x0], $0xffff;
	[tilespmem:s6+$0x0] =	vst v15;
	s6 =	sor.u32 s12, s4;
	s4 =	sor.u32 s14, s4;
	v15 =	vadd.s32 $0x7E00, v1;
	v1 =	vmovc v4;
	v4 =	vmov v6;
	v6 =	vmov v7  }
0x218: {  	s21 =	sor.u32 s19, s5;
	s5 =	sor.u32 s18, s5;
	v7 =	vadd.s32 $0x3400, v4;
	v20 =	vld.idx.msk [tilespmem:v14+s2+$0x0], $0xffff;
	[tilespmem:s4+$0x0] =	vst v16  }
0x219: {  	s4 =	sor.u32 $0x17C00, s13;
	[tilespmem:s5+$0x0] =	vst v12;
	v12 =	vadd.s32 $0x3400, v3;
	v16 =	vld.idx.msk [tilespmem:v19+s2+$0x0], $0xffff  }
0x21a: {  	s5 =	sor.u32 $0xE800, s3;
	s26 =	sor.u32 s23, s4;
	s4 =	sor.u32 s10, s4;
	[tilespmem:s21+$0x0] =	vst v17;
	v10 =	vld.idx.msk [tilespmem:v10+s2+$0x0], $0xffff;
	v17 =	vadd.s32 $0x5800, v0  }
0x21b: {  	v19 =	vadd.s32 $0x5A00, v1;
	s21 =	sor.u32 s15, s5;
	s5 =	sor.u32 s17, s5;
	v18 =	vld.idx.msk [tilespmem:v18+s2+$0x0], $0xffff;
	[tilespmem:s4+$0x0] =	vst v9  }
0x21c: {  	v9 =	vadd.s32 $0x1000, v6;
	[tilespmem:s5+$0x0] =	vst v11;
	v21 =	vld.idx.msk [tilespmem:v15+s2+$0x0], $0xffff  }
0x21d: {  	v22 =	vadd.s32 $0x1000, v5;
	s5 =	sor.u32 $0x13400, s16;
	[tilespmem:s21+$0x0] =	vst v13;
	v13 =	vld.idx.msk [tilespmem:v7+s2+$0x0], $0xffff;
	s21 =	sor.u32 $0xA000, s20  }
.Ltmp0:
0x21e: {  	s4 =	sor.u32 s12, s5;
	s5 =	sor.u32 s14, s5;
	v14 =	vld.idx.msk [tilespmem:v12+s2+$0x0], $0xffff;
	[tilespmem:s6+$0x0] =	vst v20;
	(pc) =	sbr.rel @p0 .LBB2_2-.Ltmp0, $4  }
0x21f: {  	v15 =	vadd.s32 $0x3600, v4;
	s6 =	sor.u32 s19, s21;
	s21 =	sor.u32 s18, s21;
	v11 =	vld.idx.msk [tilespmem:v17+s2+$0x0], $0xffff;
	[tilespmem:s5+$0x0] =	vst v16  }
0x220: {  	v16 =	vadd.s32 $0x3600, v3;
	s5 =	sor.u32 $0x18000, s13;
	s13 =	smov.u32 s16;
	s16 =	smov.u32 s3;
	[tilespmem:s21+$0x0] =	vst v10;
	v7 =	vld.idx.msk [tilespmem:v19+s2+$0x0], $0xffff  }
0x221: {  	s21 =	sor.u32 s23, s5;
	s5 =	sor.u32 s10, s5;
	[tilespmem:s6+$0x0] =	vst v18;
	v17 =	vld.idx.msk [tilespmem:v9+s2+$0x0], $0xffff;
	s6 =	sor.u32 $0xEC00, s16;
	v9 =	vadd.s32 $0x5A00, v0  }
0x222: {  	s22 =	sadd.s32 $0x20, s22;
	v10 =	vadd.s32 $0x5C00, v1;
	v18 =	vld.idx.msk [tilespmem:v22+s2+$0x0], $0xffff;
	s3 =	sor.u32 s15, s6;
	s10 =	sor.u32 s17, s6;
	[tilespmem:s5+$0x0] =	vst v21  }
0x223: {  	v12 =	vadd.s32 $0x1200, v6  }
0x224: {  	v19 =	vadd.s32 $0x1200, v5  }
0x225: {  	s5 =	sor.u32 $0xA400, s20  }
0x226: {  	s6 =	sor.u32 s18, s5  }
0x227: {  	s5 =	sor.u32 s19, s5;
	[tilespmem:s6+$0x0] =	vst v17  }
0x228: {  	[tilespmem:s5+$0x0] =	vst v18;
	v12 =	vld.idx.msk [tilespmem:v12+s2+$0x0], $0xffff  }
0x229: {  	v37 =	vadd.s32 $0x1400, v6;
	v36 =	vld.idx.msk [tilespmem:v19+s2+$0x0], $0xffff  }
0x22a: {  	v38 =	vadd.s32 $0x1400, v5  }
0x22b: {  	s6 =	sor.u32 $0xA800, s20  }
0x22c: {  	s8 =	sor.u32 s18, s6  }
0x22d: {  	s5 =	sor.u32 s19, s6;
	[tilespmem:s8+$0x0] =	vst v12  }
0x22e: {  	[tilespmem:s5+$0x0] =	vst v36;
	v12 =	vld.idx.msk [tilespmem:v37+s2+$0x0], $0xffff  }
0x22f: {  	v39 =	vadd.s32 $0x1600, v6;
	v17 =	vld.idx.msk [tilespmem:v38+s2+$0x0], $0xffff  }
0x230: {  	v40 =	vadd.s32 $0x1600, v5  }
0x231: {  	s22 =	sor.u32 $0xAC00, s20  }
0x232: {  	s23 =	sor.u32 s18, s22  }
0x233: {  	s5 =	sor.u32 s19, s22;
	[tilespmem:s23+$0x0] =	vst v12  }
0x234: {  	[tilespmem:s5+$0x0] =	vst v17;
	v12 =	vld.idx.msk [tilespmem:v39+s2+$0x0], $0xffff  }
0x235: {  	v41 =	vadd.s32 $0x1800, v6;
	v17 =	vld.idx.msk [tilespmem:v40+s2+$0x0], $0xffff  }
0x236: {  	v42 =	vadd.s32 $0x1800, v5  }
0x237: {  	s24 =	sor.u32 $0xB000, s20  }
0x238: {  	s25 =	sor.u32 s18, s24  }
0x239: {  	s5 =	sor.u32 s19, s24;
	[tilespmem:s25+$0x0] =	vst v12  }
0x23a: {  	[tilespmem:s5+$0x0] =	vst v17;
	v12 =	vld.idx.msk [tilespmem:v41+s2+$0x0], $0xffff  }
0x23b: {  	v43 =	vadd.s32 $0x1A00, v6;
	v17 =	vld.idx.msk [tilespmem:v42+s2+$0x0], $0xffff  }
0x23c: {  	v44 =	vadd.s32 $0x1A00, v5  }
0x23d: {  	s6 =	sor.u32 $0xB400, s20  }
0x23e: {  	s8 =	sor.u32 s18, s6  }
0x23f: {  	s5 =	sor.u32 s19, s6;
	[tilespmem:s8+$0x0] =	vst v12  }
0x240: {  	[tilespmem:s5+$0x0] =	vst v17;
	v12 =	vld.idx.msk [tilespmem:v43+s2+$0x0], $0xffff  }
0x241: {  	v45 =	vadd.s32 $0x1C00, v6;
	v17 =	vld.idx.msk [tilespmem:v44+s2+$0x0], $0xffff  }
0x242: {  	v46 =	vadd.s32 $0x1C00, v5  }
0x243: {  	s22 =	sor.u32 $0xB800, s20  }
0x244: {  	s23 =	sor.u32 s18, s22  }
0x245: {  	s5 =	sor.u32 s19, s22;
	[tilespmem:s23+$0x0] =	vst v12  }
0x246: {  	[tilespmem:s5+$0x0] =	vst v17;
	v12 =	vld.idx.msk [tilespmem:v45+s2+$0x0], $0xffff  }
0x247: {  	v47 =	vadd.s32 $0x1E00, v6;
	v17 =	vld.idx.msk [tilespmem:v46+s2+$0x0], $0xffff  }
0x248: {  	v48 =	vadd.s32 $0x1E00, v5  }
0x249: {  	s24 =	sor.u32 $0xBC00, s20  }
0x24a: {  	s25 =	sor.u32 s18, s24  }
0x24b: {  	s5 =	sor.u32 s19, s24;
	[tilespmem:s25+$0x0] =	vst v12  }
0x24c: {  	[tilespmem:s5+$0x0] =	vst v17;
	v12 =	vld.idx.msk [tilespmem:v47+s2+$0x0], $0xffff  }
0x24d: {  	v49 =	vadd.s32 $0x2000, v6;
	v17 =	vld.idx.msk [tilespmem:v48+s2+$0x0], $0xffff  }
0x24e: {  	v50 =	vadd.s32 $0x2000, v5  }
0x24f: {  	s6 =	sor.u32 $0xC000, s20  }
0x250: {  	s8 =	sor.u32 s18, s6  }
0x251: {  	s5 =	sor.u32 s19, s6;
	[tilespmem:s8+$0x0] =	vst v12  }
0x252: {  	[tilespmem:s5+$0x0] =	vst v17;
	v12 =	vld.idx.msk [tilespmem:v49+s2+$0x0], $0xffff  }
0x253: {  	v51 =	vadd.s32 $0x2200, v6;
	v17 =	vld.idx.msk [tilespmem:v50+s2+$0x0], $0xffff  }
0x254: {  	v52 =	vadd.s32 $0x2200, v5  }
0x255: {  	s22 =	sor.u32 $0xC400, s20  }
0x256: {  	s23 =	sor.u32 s18, s22  }
0x257: {  	s5 =	sor.u32 s19, s22;
	[tilespmem:s23+$0x0] =	vst v12  }
0x258: {  	[tilespmem:s5+$0x0] =	vst v17;
	v12 =	vld.idx.msk [tilespmem:v51+s2+$0x0], $0xffff  }
0x259: {  	v53 =	vadd.s32 $0x2400, v6;
	v17 =	vld.idx.msk [tilespmem:v52+s2+$0x0], $0xffff  }
0x25a: {  	v54 =	vadd.s32 $0x2400, v5  }
0x25b: {  	s24 =	sor.u32 $0xC800, s20  }
0x25c: {  	s25 =	sor.u32 s18, s24  }
0x25d: {  	s5 =	sor.u32 s19, s24;
	[tilespmem:s25+$0x0] =	vst v12  }
0x25e: {  	[tilespmem:s5+$0x0] =	vst v17;
	v12 =	vld.idx.msk [tilespmem:v53+s2+$0x0], $0xffff  }
0x25f: {  	v55 =	vadd.s32 $0x2600, v6;
	v17 =	vld.idx.msk [tilespmem:v54+s2+$0x0], $0xffff  }
0x260: {  	v56 =	vadd.s32 $0x2600, v5  }
0x261: {  	s6 =	sor.u32 $0xCC00, s20  }
0x262: {  	s8 =	sor.u32 s18, s6  }
0x263: {  	s5 =	sor.u32 s19, s6;
	[tilespmem:s8+$0x0] =	vst v12  }
0x264: {  	[tilespmem:s5+$0x0] =	vst v17;
	v12 =	vld.idx.msk [tilespmem:v55+s2+$0x0], $0xffff  }
0x265: {  	v57 =	vadd.s32 $0x2800, v6;
	v17 =	vld.idx.msk [tilespmem:v56+s2+$0x0], $0xffff  }
0x266: {  	v58 =	vadd.s32 $0x2800, v5  }
0x267: {  	s22 =	sor.u32 $0xD000, s20  }
0x268: {  	s23 =	sor.u32 s18, s22  }
0x269: {  	s5 =	sor.u32 s19, s22;
	[tilespmem:s23+$0x0] =	vst v12  }
0x26a: {  	[tilespmem:s5+$0x0] =	vst v17;
	v12 =	vld.idx.msk [tilespmem:v57+s2+$0x0], $0xffff  }
0x26b: {  	v59 =	vadd.s32 $0x2A00, v6;
	v17 =	vld.idx.msk [tilespmem:v58+s2+$0x0], $0xffff  }
0x26c: {  	v60 =	vadd.s32 $0x2A00, v5  }
0x26d: {  	s24 =	sor.u32 $0xD400, s20  }
0x26e: {  	s25 =	sor.u32 s18, s24  }
0x26f: {  	s5 =	sor.u32 s19, s24;
	[tilespmem:s25+$0x0] =	vst v12  }
0x270: {  	[tilespmem:s5+$0x0] =	vst v17;
	v12 =	vld.idx.msk [tilespmem:v59+s2+$0x0], $0xffff  }
0x271: {  	v61 =	vadd.s32 $0x2C00, v6;
	v17 =	vld.idx.msk [tilespmem:v60+s2+$0x0], $0xffff  }
0x272: {  	v62 =	vadd.s32 $0x2C00, v5  }
0x273: {  	s6 =	sor.u32 $0xD800, s20  }
0x274: {  	s8 =	sor.u32 s18, s6  }
0x275: {  	s5 =	sor.u32 s19, s6;
	[tilespmem:s8+$0x0] =	vst v12  }
0x276: {  	[tilespmem:s5+$0x0] =	vst v17;
	v12 =	vld.idx.msk [tilespmem:v61+s2+$0x0], $0xffff  }
0x277: {  	v63 =	vadd.s32 $0x2E00, v6;
	v17 =	vld.idx.msk [tilespmem:v62+s2+$0x0], $0xffff  }
0x278: {  	v21 =	vadd.s32 $0x2E00, v5  }
0x279: {  	s22 =	sor.u32 $0xDC00, s20  }
0x27a: {  	s23 =	sor.u32 s18, s22  }
0x27b: {  	s5 =	sor.u32 s19, s22;
	[tilespmem:s23+$0x0] =	vst v12  }
0x27c: {  	[tilespmem:s5+$0x0] =	vst v17;
	v12 =	vld.idx.msk [tilespmem:v63+s2+$0x0], $0xffff  }
0x27d: {  	v22 =	vadd.s32 $0x3000, v6;
	v17 =	vld.idx.msk [tilespmem:v21+s2+$0x0], $0xffff  }
0x27e: {  	v23 =	vadd.s32 $0x3000, v5  }
0x27f: {  	s24 =	sor.u32 $0xE000, s20  }
0x280: {  	s25 =	sor.u32 s18, s24  }
0x281: {  	s5 =	sor.u32 s19, s24;
	[tilespmem:s25+$0x0] =	vst v12  }
0x282: {  	[tilespmem:s5+$0x0] =	vst v17;
	v12 =	vld.idx.msk [tilespmem:v22+s2+$0x0], $0xffff  }
0x283: {  	v24 =	vadd.s32 $0x3200, v6;
	v17 =	vld.idx.msk [tilespmem:v23+s2+$0x0], $0xffff  }
0x284: {  	v25 =	vadd.s32 $0x3200, v5  }
0x285: {  	s6 =	sor.u32 $0xE400, s20  }
0x286: {  	s8 =	sor.u32 s18, s6  }
0x287: {  	s5 =	sor.u32 s19, s6;
	[tilespmem:s8+$0x0] =	vst v12  }
0x288: {  	[tilespmem:s5+$0x0] =	vst v17;
	v12 =	vld.idx.msk [tilespmem:v24+s2+$0x0], $0xffff  }
0x289: {  	v26 =	vadd.s32 $0x3400, v6;
	v17 =	vld.idx.msk [tilespmem:v25+s2+$0x0], $0xffff  }
0x28a: {  	v27 =	vadd.s32 $0x3400, v5  }
0x28b: {  	s22 =	sor.u32 $0xE800, s20  }
0x28c: {  	s23 =	sor.u32 s18, s22  }
0x28d: {  	s5 =	sor.u32 s19, s22;
	[tilespmem:s23+$0x0] =	vst v12  }
0x28e: {  	[tilespmem:s5+$0x0] =	vst v17;
	v12 =	vld.idx.msk [tilespmem:v26+s2+$0x0], $0xffff  }
0x28f: {  	v28 =	vadd.s32 $0x3600, v6;
	v17 =	vld.idx.msk [tilespmem:v27+s2+$0x0], $0xffff  }
0x290: {  	v29 =	vadd.s32 $0x3600, v5  }
0x291: {  	[tilespmem:s10+$0x0] =	vst v13;
	s24 =	sor.u32 $0xEC00, s20  }
0x292: {  	[tilespmem:s3+$0x0] =	vst v14;
	v13 =	vld.idx.msk [tilespmem:v15+s2+$0x0], $0xffff;
	s25 =	sor.u32 s18, s24  }
0x293: {  	v30 =	vadd.s32 $0x3800, v4;
	v14 =	vld.idx.msk [tilespmem:v16+s2+$0x0], $0xffff;
	s5 =	sor.u32 s19, s24;
	[tilespmem:s25+$0x0] =	vst v12  }
0x294: {  	v31 =	vadd.s32 $0x3800, v3;
	[tilespmem:s5+$0x0] =	vst v17;
	v32 =	vld.idx.msk [tilespmem:v28+s2+$0x0], $0xffff  }
0x295: {  	v33 =	vadd.s32 $0x3800, v6;
	s5 =	sor.u32 $0xF000, s16;
	v17 =	vld.idx.msk [tilespmem:v29+s2+$0x0], $0xffff  }
0x296: {  	v34 =	vadd.s32 $0x3800, v5;
	s6 =	sor.u32 s17, s5  }
0x297: {  	s8 =	sor.u32 $0xF000, s20;
	s3 =	sor.u32 s15, s5;
	[tilespmem:s6+$0x0] =	vst v13  }
0x298: {  	s10 =	sor.u32 s18, s8;
	[tilespmem:s3+$0x0] =	vst v14;
	v13 =	vld.idx.msk [tilespmem:v30+s2+$0x0], $0xffff  }
0x299: {  	v35 =	vadd.s32 $0x3A00, v4;
	s5 =	sor.u32 s19, s8;
	v12 =	vld.idx.msk [tilespmem:v31+s2+$0x0], $0xffff;
	[tilespmem:s10+$0x0] =	vst v32  }
0x29a: {  	v36 =	vadd.s32 $0x3A00, v3;
	[tilespmem:s5+$0x0] =	vst v17;
	v16 =	vld.idx.msk [tilespmem:v33+s2+$0x0], $0xffff  }
0x29b: {  	v37 =	vadd.s32 $0x3A00, v6;
	s22 =	sor.u32 $0xF400, s16;
	v17 =	vld.idx.msk [tilespmem:v34+s2+$0x0], $0xffff  }
0x29c: {  	v38 =	vadd.s32 $0x3A00, v5;
	s23 =	sor.u32 s17, s22  }
0x29d: {  	s24 =	sor.u32 $0xF400, s20;
	s3 =	sor.u32 s15, s22;
	[tilespmem:s23+$0x0] =	vst v13  }
0x29e: {  	s25 =	sor.u32 s18, s24;
	[tilespmem:s3+$0x0] =	vst v12;
	v39 =	vld.idx.msk [tilespmem:v35+s2+$0x0], $0xffff  }
0x29f: {  	v41 =	vadd.s32 $0x3C00, v4;
	s5 =	sor.u32 s19, s24;
	v40 =	vld.idx.msk [tilespmem:v36+s2+$0x0], $0xffff;
	[tilespmem:s25+$0x0] =	vst v16  }
0x2a0: {  	v42 =	vadd.s32 $0x3C00, v3;
	[tilespmem:s5+$0x0] =	vst v17;
	v16 =	vld.idx.msk [tilespmem:v37+s2+$0x0], $0xffff  }
0x2a1: {  	v43 =	vadd.s32 $0x3C00, v6;
	s5 =	sor.u32 $0xF800, s16;
	v17 =	vld.idx.msk [tilespmem:v38+s2+$0x0], $0xffff  }
0x2a2: {  	v44 =	vadd.s32 $0x3C00, v5;
	s6 =	sor.u32 s17, s5  }
0x2a3: {  	s8 =	sor.u32 $0xF800, s20;
	s3 =	sor.u32 s15, s5;
	[tilespmem:s6+$0x0] =	vst v39  }
0x2a4: {  	s10 =	sor.u32 s18, s8;
	[tilespmem:s3+$0x0] =	vst v40;
	v12 =	vld.idx.msk [tilespmem:v41+s2+$0x0], $0xffff  }
0x2a5: {  	v45 =	vadd.s32 $0x3E00, v4;
	s5 =	sor.u32 s19, s8;
	v13 =	vld.idx.msk [tilespmem:v42+s2+$0x0], $0xffff;
	[tilespmem:s10+$0x0] =	vst v16  }
0x2a6: {  	v46 =	vadd.s32 $0x3E00, v3;
	[tilespmem:s5+$0x0] =	vst v17;
	v16 =	vld.idx.msk [tilespmem:v43+s2+$0x0], $0xffff  }
0x2a7: {  	v47 =	vadd.s32 $0x3E00, v6;
	s22 =	sor.u32 $0xFC00, s16;
	v17 =	vld.idx.msk [tilespmem:v44+s2+$0x0], $0xffff  }
0x2a8: {  	v48 =	vadd.s32 $0x3E00, v5;
	s23 =	sor.u32 s17, s22  }
0x2a9: {  	s24 =	sor.u32 $0xFC00, s20;
	s3 =	sor.u32 s15, s22;
	[tilespmem:s23+$0x0] =	vst v12  }
0x2aa: {  	s25 =	sor.u32 s18, s24;
	[tilespmem:s3+$0x0] =	vst v13;
	v12 =	vld.idx.msk [tilespmem:v45+s2+$0x0], $0xffff  }
0x2ab: {  	v49 =	vadd.s32 $0x4000, v4;
	s5 =	sor.u32 s19, s24;
	v13 =	vld.idx.msk [tilespmem:v46+s2+$0x0], $0xffff;
	[tilespmem:s25+$0x0] =	vst v16  }
0x2ac: {  	v50 =	vadd.s32 $0x4000, v3;
	[tilespmem:s5+$0x0] =	vst v17;
	v16 =	vld.idx.msk [tilespmem:v47+s2+$0x0], $0xffff  }
0x2ad: {  	v51 =	vadd.s32 $0x4000, v6;
	s5 =	sor.u32 $0x10000, s16;
	v17 =	vld.idx.msk [tilespmem:v48+s2+$0x0], $0xffff  }
0x2ae: {  	v52 =	vadd.s32 $0x4000, v5;
	s6 =	sor.u32 s17, s5  }
0x2af: {  	s8 =	sor.u32 $0x10000, s20;
	s3 =	sor.u32 s15, s5;
	[tilespmem:s6+$0x0] =	vst v12  }
0x2b0: {  	s10 =	sor.u32 s18, s8;
	[tilespmem:s3+$0x0] =	vst v13;
	v12 =	vld.idx.msk [tilespmem:v49+s2+$0x0], $0xffff  }
0x2b1: {  	v53 =	vadd.s32 $0x4200, v4;
	s5 =	sor.u32 s19, s8;
	v13 =	vld.idx.msk [tilespmem:v50+s2+$0x0], $0xffff;
	[tilespmem:s10+$0x0] =	vst v16  }
0x2b2: {  	v54 =	vadd.s32 $0x4200, v3;
	[tilespmem:s5+$0x0] =	vst v17;
	v16 =	vld.idx.msk [tilespmem:v51+s2+$0x0], $0xffff  }
0x2b3: {  	v55 =	vadd.s32 $0x4200, v6;
	s22 =	sor.u32 $0x10400, s16;
	v17 =	vld.idx.msk [tilespmem:v52+s2+$0x0], $0xffff  }
0x2b4: {  	v56 =	vadd.s32 $0x4200, v5;
	s23 =	sor.u32 s17, s22  }
0x2b5: {  	s24 =	sor.u32 $0x10400, s20;
	s3 =	sor.u32 s15, s22;
	[tilespmem:s23+$0x0] =	vst v12  }
0x2b6: {  	s25 =	sor.u32 s18, s24;
	[tilespmem:s3+$0x0] =	vst v13;
	v12 =	vld.idx.msk [tilespmem:v53+s2+$0x0], $0xffff  }
0x2b7: {  	v57 =	vadd.s32 $0x4400, v4;
	s5 =	sor.u32 s19, s24;
	v13 =	vld.idx.msk [tilespmem:v54+s2+$0x0], $0xffff;
	[tilespmem:s25+$0x0] =	vst v16  }
0x2b8: {  	v58 =	vadd.s32 $0x4400, v3;
	[tilespmem:s5+$0x0] =	vst v17;
	v16 =	vld.idx.msk [tilespmem:v55+s2+$0x0], $0xffff  }
0x2b9: {  	v59 =	vadd.s32 $0x4400, v6;
	s5 =	sor.u32 $0x10800, s16;
	v17 =	vld.idx.msk [tilespmem:v56+s2+$0x0], $0xffff  }
0x2ba: {  	v60 =	vadd.s32 $0x4400, v5;
	s6 =	sor.u32 s17, s5  }
0x2bb: {  	s8 =	sor.u32 $0x10800, s20;
	s3 =	sor.u32 s15, s5;
	[tilespmem:s6+$0x0] =	vst v12  }
0x2bc: {  	s10 =	sor.u32 s18, s8;
	[tilespmem:s3+$0x0] =	vst v13;
	v12 =	vld.idx.msk [tilespmem:v57+s2+$0x0], $0xffff  }
0x2bd: {  	v61 =	vadd.s32 $0x4600, v4;
	s5 =	sor.u32 s19, s8;
	v13 =	vld.idx.msk [tilespmem:v58+s2+$0x0], $0xffff;
	[tilespmem:s10+$0x0] =	vst v16  }
0x2be: {  	v62 =	vadd.s32 $0x4600, v3;
	[tilespmem:s5+$0x0] =	vst v17;
	v16 =	vld.idx.msk [tilespmem:v59+s2+$0x0], $0xffff  }
0x2bf: {  	v63 =	vadd.s32 $0x4600, v6;
	s22 =	sor.u32 $0x10C00, s16;
	v17 =	vld.idx.msk [tilespmem:v60+s2+$0x0], $0xffff  }
0x2c0: {  	v21 =	vadd.s32 $0x4600, v5;
	s23 =	sor.u32 s17, s22  }
0x2c1: {  	s24 =	sor.u32 $0x10C00, s20;
	s3 =	sor.u32 s15, s22;
	[tilespmem:s23+$0x0] =	vst v12  }
0x2c2: {  	s25 =	sor.u32 s18, s24;
	[tilespmem:s3+$0x0] =	vst v13;
	v12 =	vld.idx.msk [tilespmem:v61+s2+$0x0], $0xffff  }
0x2c3: {  	v22 =	vadd.s32 $0x4800, v4;
	s5 =	sor.u32 s19, s24;
	v13 =	vld.idx.msk [tilespmem:v62+s2+$0x0], $0xffff;
	[tilespmem:s25+$0x0] =	vst v16  }
0x2c4: {  	v23 =	vadd.s32 $0x4800, v3;
	[tilespmem:s5+$0x0] =	vst v17;
	v16 =	vld.idx.msk [tilespmem:v63+s2+$0x0], $0xffff  }
0x2c5: {  	v24 =	vadd.s32 $0x4800, v6;
	s6 =	sor.u32 $0x11000, s16;
	v17 =	vld.idx.msk [tilespmem:v21+s2+$0x0], $0xffff  }
0x2c6: {  	v25 =	vadd.s32 $0x4800, v5;
	s8 =	sor.u32 s17, s6  }
0x2c7: {  	s10 =	sor.u32 $0x11000, s20;
	s3 =	sor.u32 s15, s6;
	[tilespmem:s8+$0x0] =	vst v12  }
0x2c8: {  	s22 =	sor.u32 s18, s10;
	[tilespmem:s3+$0x0] =	vst v13;
	v12 =	vld.idx.msk [tilespmem:v22+s2+$0x0], $0xffff  }
0x2c9: {  	v26 =	vadd.s32 $0x4A00, v4;
	s5 =	sor.u32 s19, s10;
	v13 =	vld.idx.msk [tilespmem:v23+s2+$0x0], $0xffff;
	[tilespmem:s22+$0x0] =	vst v16  }
0x2ca: {  	v27 =	vadd.s32 $0x4A00, v3;
	[tilespmem:s5+$0x0] =	vst v17;
	v16 =	vld.idx.msk [tilespmem:v24+s2+$0x0], $0xffff  }
0x2cb: {  	v28 =	vadd.s32 $0x4A00, v6;
	s23 =	sor.u32 $0x11400, s16;
	v17 =	vld.idx.msk [tilespmem:v25+s2+$0x0], $0xffff  }
0x2cc: {  	v29 =	vadd.s32 $0x4A00, v5;
	s24 =	sor.u32 s17, s23  }
0x2cd: {  	s25 =	sor.u32 $0x11400, s20;
	s3 =	sor.u32 s15, s23;
	[tilespmem:s24+$0x0] =	vst v12  }
0x2ce: {  	s6 =	sor.u32 s18, s25;
	[tilespmem:s3+$0x0] =	vst v13;
	v12 =	vld.idx.msk [tilespmem:v26+s2+$0x0], $0xffff  }
0x2cf: {  	v30 =	vadd.s32 $0x4C00, v4;
	s5 =	sor.u32 s19, s25;
	v13 =	vld.idx.msk [tilespmem:v27+s2+$0x0], $0xffff;
	[tilespmem:s6+$0x0] =	vst v16  }
0x2d0: {  	v31 =	vadd.s32 $0x4C00, v3;
	[tilespmem:s5+$0x0] =	vst v17;
	v16 =	vld.idx.msk [tilespmem:v28+s2+$0x0], $0xffff  }
0x2d1: {  	v32 =	vadd.s32 $0x4C00, v6;
	s8 =	sor.u32 $0x11800, s16;
	v17 =	vld.idx.msk [tilespmem:v29+s2+$0x0], $0xffff  }
0x2d2: {  	v33 =	vadd.s32 $0x4C00, v5;
	s10 =	sor.u32 s17, s8  }
0x2d3: {  	s22 =	sor.u32 $0x11800, s20;
	s3 =	sor.u32 s15, s8;
	[tilespmem:s10+$0x0] =	vst v12  }
0x2d4: {  	s23 =	sor.u32 s18, s22;
	[tilespmem:s3+$0x0] =	vst v13;
	v12 =	vld.idx.msk [tilespmem:v30+s2+$0x0], $0xffff  }
0x2d5: {  	v34 =	vadd.s32 $0x4E00, v4;
	s5 =	sor.u32 s19, s22;
	v13 =	vld.idx.msk [tilespmem:v31+s2+$0x0], $0xffff;
	[tilespmem:s23+$0x0] =	vst v16  }
0x2d6: {  	v35 =	vadd.s32 $0x4E00, v3;
	[tilespmem:s5+$0x0] =	vst v17;
	v16 =	vld.idx.msk [tilespmem:v32+s2+$0x0], $0xffff  }
0x2d7: {  	v36 =	vadd.s32 $0x4E00, v6;
	s24 =	sor.u32 $0x11C00, s16;
	v17 =	vld.idx.msk [tilespmem:v33+s2+$0x0], $0xffff  }
0x2d8: {  	v37 =	vadd.s32 $0x4E00, v5;
	s25 =	sor.u32 s17, s24  }
0x2d9: {  	s6 =	sor.u32 $0x11C00, s20;
	s3 =	sor.u32 s15, s24;
	[tilespmem:s25+$0x0] =	vst v12  }
0x2da: {  	s8 =	sor.u32 s18, s6;
	[tilespmem:s3+$0x0] =	vst v13;
	v12 =	vld.idx.msk [tilespmem:v34+s2+$0x0], $0xffff  }
0x2db: {  	v38 =	vadd.s32 $0x5000, v4;
	s5 =	sor.u32 s19, s6;
	v39 =	vld.idx.msk [tilespmem:v35+s2+$0x0], $0xffff;
	[tilespmem:s8+$0x0] =	vst v16  }
0x2dc: {  	v40 =	vadd.s32 $0x5000, v3;
	[tilespmem:s5+$0x0] =	vst v17;
	v16 =	vld.idx.msk [tilespmem:v36+s2+$0x0], $0xffff  }
0x2dd: {  	v41 =	vadd.s32 $0x5000, v6;
	s10 =	sor.u32 $0x12000, s16;
	v42 =	vld.idx.msk [tilespmem:v37+s2+$0x0], $0xffff  }
0x2de: {  	v43 =	vadd.s32 $0x5000, v5;
	s22 =	sor.u32 s17, s10  }
0x2df: {  	s23 =	sor.u32 $0x12000, s20;
	s3 =	sor.u32 s15, s10;
	[tilespmem:s22+$0x0] =	vst v12  }
0x2e0: {  	s24 =	sor.u32 s18, s23;
	[tilespmem:s3+$0x0] =	vst v39;
	v12 =	vld.idx.msk [tilespmem:v38+s2+$0x0], $0xffff  }
0x2e1: {  	v44 =	vadd.s32 $0x5200, v4;
	s25 =	sor.u32 s19, s23;
	v14 =	vld.idx.msk [tilespmem:v40+s2+$0x0], $0xffff;
	[tilespmem:s24+$0x0] =	vst v16  }
0x2e2: {  	v45 =	vadd.s32 $0x5200, v3;
	[tilespmem:s25+$0x0] =	vst v42;
	v16 =	vld.idx.msk [tilespmem:v41+s2+$0x0], $0xffff  }
0x2e3: {  	v46 =	vadd.s32 $0x5200, v6;
	s5 =	sor.u32 $0x12400, s16;
	v18 =	vld.idx.msk [tilespmem:v43+s2+$0x0], $0xffff  }
0x2e4: {  	[tilespmem:s4+$0x0] =	vst v11;
	v47 =	vadd.s32 $0x5200, v5;
	s6 =	sor.u32 s17, s5  }
0x2e5: {  	v52 =	vadd.s32 $0x7200, v2;
	s8 =	sor.u32 $0x12400, s20;
	s3 =	sor.u32 s15, s5;
	[tilespmem:s6+$0x0] =	vst v12  }
0x2e6: {  	s10 =	sor.u32 s18, s8;
	[tilespmem:s3+$0x0] =	vst v14;
	v12 =	vld.idx.msk [tilespmem:v44+s2+$0x0], $0xffff  }
0x2e7: {  	v48 =	vadd.s32 $0x5400, v4;
	s4 =	sor.u32 s19, s8;
	v14 =	vld.idx.msk [tilespmem:v45+s2+$0x0], $0xffff;
	[tilespmem:s10+$0x0] =	vst v16  }
0x2e8: {  	v49 =	vadd.s32 $0x5400, v3;
	s22 =	sor.u32 $0x13800, s13;
	[tilespmem:s4+$0x0] =	vst v18;
	v16 =	vld.idx.msk [tilespmem:v46+s2+$0x0], $0xffff  }
0x2e9: {  	[tilespmem:s1+$0x0] =	vst v8;
	v50 =	vadd.s32 $0x5400, v6;
	s23 =	sor.u32 s14, s22;
	s24 =	sor.u32 $0x12800, s16;
	v11 =	vld.idx.msk [tilespmem:v47+s2+$0x0], $0xffff  }
0x2ea: {  	v51 =	vadd.s32 $0x5400, v5;
	v57 =	vld.idx.msk [tilespmem:v52+s2+$0x0], $0xffff;
	[tilespmem:s23+$0x0] =	vst v7;
	s25 =	sor.u32 s17, s24  }
0x2eb: {  	v9 =	vld.idx.msk [tilespmem:v9+s2+$0x0], $0xffff;
	s5 =	sor.u32 $0x12800, s20;
	s4 =	sor.u32 s15, s24;
	[tilespmem:s25+$0x0] =	vst v12  }
0x2ec: {  	v53 =	vadd.s32 $0x5C00, v0;
	s6 =	sor.u32 s18, s5;
	[tilespmem:s4+$0x0] =	vst v14;
	v13 =	vld.idx.msk [tilespmem:v48+s2+$0x0], $0xffff  }
0x2ed: {  	v54 =	vadd.s32 $0x5600, v4;
	s1 =	sor.u32 s19, s5;
	v15 =	vld.idx.msk [tilespmem:v49+s2+$0x0], $0xffff;
	[tilespmem:s6+$0x0] =	vst v16  }
0x2ee: {  	v55 =	vadd.s32 $0x5600, v3;
	[tilespmem:s1+$0x0] =	vst v11;
	v7 =	vld.idx.msk [tilespmem:v50+s2+$0x0], $0xffff  }
0x2ef: {  	v56 =	vadd.s32 $0x5600, v6;
	[tilespmem:s0+$0x0] =	vst v57;
	s3 =	sor.u32 s12, s22;
	s22 =	sor.u32 $0x12C00, s16;
	v8 =	vld.idx.msk [tilespmem:v51+s2+$0x0], $0xffff  }
0x2f0: {  	v58 =	vadd.s32 $0x5600, v5;
	v10 =	vld.idx.msk [tilespmem:v10+s2+$0x0], $0xffff;
	[tilespmem:s3+$0x0] =	vst v9;
	s23 =	sor.u32 s17, s22  }
0x2f1: {  	v59 =	vadd.s32 $0x5E00, v1;
	s3 =	sor.u32 s15, s22;
	s24 =	sor.u32 $0x12C00, s20;
	v12 =	vld.idx.msk [tilespmem:v53+s2+$0x0], $0xffff;
	[tilespmem:s23+$0x0] =	vst v13  }
0x2f2: {  	v60 =	vadd.s32 $0x7400, v2;
	s25 =	sor.u32 s18, s24;
	[tilespmem:s3+$0x0] =	vst v15;
	v14 =	vld.idx.msk [tilespmem:v54+s2+$0x0], $0xffff  }
0x2f3: {  	v61 =	vadd.s32 $0x5800, v4;
	s8 =	sor.u32 $0x13C00, s13;
	s1 =	sor.u32 s19, s24;
	v15 =	vld.idx.msk [tilespmem:v55+s2+$0x0], $0xffff;
	[tilespmem:s25+$0x0] =	vst v7  }
0x2f4: {  	v62 =	vadd.s32 $0x5800, v3;
	s10 =	sor.u32 s14, s8;
	[tilespmem:s1+$0x0] =	vst v8;
	v9 =	vld.idx.msk [tilespmem:v56+s2+$0x0], $0xffff  }
0x2f5: {  	v63 =	vadd.s32 $0x5800, v6;
	s5 =	sor.u32 $0x13000, s16;
	[tilespmem:s10+$0x0] =	vst v10;
	s4 =	sor.u32 s12, s8;
	v10 =	vld.idx.msk [tilespmem:v58+s2+$0x0], $0xffff  }
0x2f6: {  	v21 =	vadd.s32 $0x5800, v5;
	v20 =	vld.idx.msk [tilespmem:v59+s2+$0x0], $0xffff;
	s6 =	sor.u32 s17, s5;
	[tilespmem:s4+$0x0] =	vst v12  }
0x2f7: {  	v22 =	vadd.s32 $0x5E00, v0;
	s0 =	sor.u32 s15, s5;
	s8 =	sor.u32 $0x13000, s20;
	v13 =	vld.idx.msk [tilespmem:v60+s2+$0x0], $0xffff;
	[tilespmem:s6+$0x0] =	vst v14  }
0x2f8: {  	v23 =	vadd.s32 $0x6000, v1;
	s10 =	sor.u32 s18, s8;
	[tilespmem:s0+$0x0] =	vst v15;
	v7 =	vld.idx.msk [tilespmem:v61+s2+$0x0], $0xffff  }
0x2f9: {  	v24 =	vadd.s32 $0x5A00, v4;
	s22 =	sor.u32 $0x14000, s13;
	s1 =	sor.u32 s19, s8;
	v8 =	vld.idx.msk [tilespmem:v62+s2+$0x0], $0xffff;
	[tilespmem:s10+$0x0] =	vst v9  }
0x2fa: {  	v25 =	vadd.s32 $0x5A00, v3;
	s23 =	sor.u32 s14, s22;
	[tilespmem:s1+$0x0] =	vst v10;
	v11 =	vld.idx.msk [tilespmem:v63+s2+$0x0], $0xffff  }
0x2fb: {  	v26 =	vadd.s32 $0x5A00, v6;
	s24 =	sor.u32 $0x13400, s16;
	[tilespmem:s23+$0x0] =	vst v20;
	v12 =	vld.idx.msk [tilespmem:v21+s2+$0x0], $0xffff  }
0x2fc: {  	v28 =	vadd.s32 $0x5A00, v5;
	v27 =	vld.idx.msk [tilespmem:v22+s2+$0x0], $0xffff;
	s25 =	sor.u32 s17, s24;
	[tilespmem:s31+$0x0] =	vst v13  }
0x2fd: {  	v29 =	vadd.s32 $0x7600, v2;
	s31 =	sor.u32 $0x13400, s20;
	v14 =	vld.idx.msk [tilespmem:v23+s2+$0x0], $0xffff;
	s1 =	sor.u32 s15, s24;
	[tilespmem:s25+$0x0] =	vst v7  }
0x2fe: {  	v30 =	vadd.s32 $0x6000, v0;
	s4 =	sor.u32 s18, s31;
	[tilespmem:s1+$0x0] =	vst v8;
	v9 =	vld.idx.msk [tilespmem:v24+s2+$0x0], $0xffff  }
0x2ff: {  	v31 =	vadd.s32 $0x5C00, v4;
	s3 =	sor.u32 s19, s31;
	v10 =	vld.idx.msk [tilespmem:v25+s2+$0x0], $0xffff;
	[tilespmem:s4+$0x0] =	vst v11  }
0x300: {  	v32 =	vadd.s32 $0x5C00, v3;
	s5 =	sor.u32 $0x14400, s13;
	s0 =	sor.u32 s12, s22;
	[tilespmem:s3+$0x0] =	vst v12;
	v15 =	vld.idx.msk [tilespmem:v26+s2+$0x0], $0xffff  }
0x301: {  	v33 =	vadd.s32 $0x5C00, v6;
	s8 =	sor.u32 $0x13800, s16;
	s6 =	sor.u32 s14, s5;
	[tilespmem:s0+$0x0] =	vst v27;
	v13 =	vld.idx.msk [tilespmem:v28+s2+$0x0], $0xffff  }
0x302: {  	v35 =	vadd.s32 $0x5C00, v5;
	v34 =	vld.idx.msk [tilespmem:v29+s2+$0x0], $0xffff;
	s10 =	sor.u32 s17, s8;
	[tilespmem:s6+$0x0] =	vst v14  }
0x303: {  	v36 =	vadd.s32 $0x6200, v1;
	s22 =	sor.u32 $0x13800, s20;
	v7 =	vld.idx.msk [tilespmem:v30+s2+$0x0], $0xffff;
	s3 =	sor.u32 s15, s8;
	[tilespmem:s10+$0x0] =	vst v9  }
0x304: {  	v37 =	vadd.s32 $0x7800, v2;
	s23 =	sor.u32 s18, s22;
	[tilespmem:s3+$0x0] =	vst v10;
	v8 =	vld.idx.msk [tilespmem:v31+s2+$0x0], $0xffff  }
0x305: {  	v38 =	vadd.s32 $0x5E00, v4;
	s0 =	sor.u32 s19, s22;
	v11 =	vld.idx.msk [tilespmem:v32+s2+$0x0], $0xffff;
	[tilespmem:s23+$0x0] =	vst v15  }
0x306: {  	v39 =	vadd.s32 $0x5E00, v3;
	[tilespmem:s0+$0x0] =	vst v13;
	v12 =	vld.idx.msk [tilespmem:v33+s2+$0x0], $0xffff  }
0x307: {  	v40 =	vadd.s32 $0x5E00, v6;
	s24 =	sor.u32 s12, s5;
	[tilespmem:s30+$0x0] =	vst v34;
	s25 =	sor.u32 $0x13C00, s16;
	v14 =	vld.idx.msk [tilespmem:v35+s2+$0x0], $0xffff  }
0x308: {  	v42 =	vadd.s32 $0x5E00, v5;
	v41 =	vld.idx.msk [tilespmem:v36+s2+$0x0], $0xffff;
	s30 =	sor.u32 s17, s25;
	[tilespmem:s24+$0x0] =	vst v7  }
0x309: {  	v43 =	vadd.s32 $0x6200, v0;
	s31 =	sor.u32 $0x13C00, s20;
	s1 =	sor.u32 s15, s25;
	v9 =	vld.idx.msk [tilespmem:v37+s2+$0x0], $0xffff;
	[tilespmem:s30+$0x0] =	vst v8  }
0x30a: {  	v44 =	vadd.s32 $0x6400, v1;
	s3 =	sor.u32 s18, s31;
	[tilespmem:s1+$0x0] =	vst v11;
	v10 =	vld.idx.msk [tilespmem:v38+s2+$0x0], $0xffff  }
0x30b: {  	v45 =	vadd.s32 $0x6000, v4;
	s4 =	sor.u32 $0x14800, s13;
	s0 =	sor.u32 s19, s31;
	v46 =	vld.idx.msk [tilespmem:v39+s2+$0x0], $0xffff;
	[tilespmem:s3+$0x0] =	vst v12  }
0x30c: {  	v47 =	vadd.s32 $0x6000, v3;
	s5 =	sor.u32 s14, s4;
	[tilespmem:s0+$0x0] =	vst v14;
	v48 =	vld.idx.msk [tilespmem:v40+s2+$0x0], $0xffff  }
0x30d: {  	v49 =	vadd.s32 $0x6000, v6;
	s6 =	sor.u32 $0x14000, s16;
	[tilespmem:s5+$0x0] =	vst v41;
	v7 =	vld.idx.msk [tilespmem:v42+s2+$0x0], $0xffff  }
0x30e: {  	v51 =	vadd.s32 $0x6000, v5;
	s8 =	sor.u32 s17, s6;
	v50 =	vld.idx.msk [tilespmem:v43+s2+$0x0], $0xffff;
	[tilespmem:s29+$0x0] =	vst v9  }
0x30f: {  	v52 =	vadd.s32 $0x7A00, v2;
	s10 =	sor.u32 $0x14000, s20;
	v8 =	vld.idx.msk [tilespmem:v44+s2+$0x0], $0xffff;
	s0 =	sor.u32 s15, s6;
	[tilespmem:s8+$0x0] =	vst v10  }
0x310: {  	v53 =	vadd.s32 $0x6400, v0;
	s22 =	sor.u32 s18, s10;
	[tilespmem:s0+$0x0] =	vst v46;
	v11 =	vld.idx.msk [tilespmem:v45+s2+$0x0], $0xffff  }
0x311: {  	v54 =	vadd.s32 $0x6200, v4;
	s3 =	sor.u32 s19, s10;
	v13 =	vld.idx.msk [tilespmem:v47+s2+$0x0], $0xffff;
	[tilespmem:s22+$0x0] =	vst v48  }
0x312: {  	v55 =	vadd.s32 $0x6200, v3;
	s24 =	sor.u32 $0x14C00, s13;
	s23 =	sor.u32 s12, s4;
	[tilespmem:s3+$0x0] =	vst v7;
	v15 =	vld.idx.msk [tilespmem:v49+s2+$0x0], $0xffff  }
0x313: {  	v56 =	vadd.s32 $0x6200, v6;
	s25 =	sor.u32 s14, s24;
	[tilespmem:s23+$0x0] =	vst v50;
	s29 =	sor.u32 $0x14400, s16;
	v9 =	vld.idx.msk [tilespmem:v51+s2+$0x0], $0xffff  }
0x314: {  	v58 =	vadd.s32 $0x6200, v5;
	v57 =	vld.idx.msk [tilespmem:v52+s2+$0x0], $0xffff;
	s30 =	sor.u32 s17, s29;
	[tilespmem:s25+$0x0] =	vst v8  }
0x315: {  	v59 =	vadd.s32 $0x6600, v1;
	s31 =	sor.u32 $0x14400, s20;
	v10 =	vld.idx.msk [tilespmem:v53+s2+$0x0], $0xffff;
	s3 =	sor.u32 s15, s29;
	[tilespmem:s30+$0x0] =	vst v11  }
0x316: {  	v60 =	vadd.s32 $0x7C00, v2;
	s4 =	sor.u32 s18, s31;
	[tilespmem:s3+$0x0] =	vst v13;
	v12 =	vld.idx.msk [tilespmem:v54+s2+$0x0], $0xffff  }
0x317: {  	v61 =	vadd.s32 $0x6400, v4;
	s0 =	sor.u32 s19, s31;
	v14 =	vld.idx.msk [tilespmem:v55+s2+$0x0], $0xffff;
	[tilespmem:s4+$0x0] =	vst v15  }
0x318: {  	v62 =	vadd.s32 $0x6400, v3;
	[tilespmem:s0+$0x0] =	vst v9;
	v7 =	vld.idx.msk [tilespmem:v56+s2+$0x0], $0xffff  }
0x319: {  	v63 =	vadd.s32 $0x6400, v6;
	s5 =	sor.u32 s12, s24;
	s6 =	sor.u32 $0x14800, s16;
	[tilespmem:s28+$0x0] =	vst v57;
	v8 =	vld.idx.msk [tilespmem:v58+s2+$0x0], $0xffff  }
0x31a: {  	v21 =	vadd.s32 $0x6400, v5;
	v20 =	vld.idx.msk [tilespmem:v59+s2+$0x0], $0xffff;
	s8 =	sor.u32 s17, s6;
	[tilespmem:s5+$0x0] =	vst v10  }
0x31b: {  	v22 =	vadd.s32 $0x6600, v0;
	s10 =	sor.u32 $0x14800, s20;
	s1 =	sor.u32 s15, s6;
	v11 =	vld.idx.msk [tilespmem:v60+s2+$0x0], $0xffff;
	[tilespmem:s8+$0x0] =	vst v12  }
0x31c: {  	v23 =	vadd.s32 $0x6800, v1;
	s22 =	sor.u32 s18, s10;
	[tilespmem:s1+$0x0] =	vst v14;
	v13 =	vld.idx.msk [tilespmem:v61+s2+$0x0], $0xffff  }
0x31d: {  	v24 =	vadd.s32 $0x6600, v4;
	s23 =	sor.u32 $0x15000, s13;
	s0 =	sor.u32 s19, s10;
	v9 =	vld.idx.msk [tilespmem:v62+s2+$0x0], $0xffff;
	[tilespmem:s22+$0x0] =	vst v7  }
0x31e: {  	v25 =	vadd.s32 $0x6600, v3;
	s24 =	sor.u32 s14, s23;
	[tilespmem:s0+$0x0] =	vst v8;
	v26 =	vld.idx.msk [tilespmem:v63+s2+$0x0], $0xffff  }
0x31f: {  	v27 =	vadd.s32 $0x6600, v6;
	s25 =	sor.u32 $0x14C00, s16;
	[tilespmem:s24+$0x0] =	vst v20;
	v10 =	vld.idx.msk [tilespmem:v21+s2+$0x0], $0xffff  }
0x320: {  	v29 =	vadd.s32 $0x6600, v5;
	v28 =	vld.idx.msk [tilespmem:v22+s2+$0x0], $0xffff;
	[tilespmem:s26+$0x0] =	vst v11;
	s26 =	sor.u32 s17, s25  }
0x321: {  	v30 =	vadd.s32 $0x7E00, v2;
	s28 =	sor.u32 $0x14C00, s20;
	v12 =	vld.idx.msk [tilespmem:v23+s2+$0x0], $0xffff;
	s0 =	sor.u32 s15, s25;
	[tilespmem:s26+$0x0] =	vst v13  }
0x322: {  	v31 =	vadd.s32 $0x6800, v0;
	s29 =	sor.u32 s18, s28;
	[tilespmem:s0+$0x0] =	vst v9;
	v7 =	vld.idx.msk [tilespmem:v24+s2+$0x0], $0xffff  }
0x323: {  	v32 =	vadd.s32 $0x6800, v4;
	s3 =	sor.u32 s19, s28;
	v8 =	vld.idx.msk [tilespmem:v25+s2+$0x0], $0xffff;
	[tilespmem:s29+$0x0] =	vst v26  }
0x324: {  	v33 =	vadd.s32 $0x6800, v3;
	s31 =	sor.u32 $0x15400, s13;
	s30 =	sor.u32 s12, s23;
	[tilespmem:s3+$0x0] =	vst v10;
	v15 =	vld.idx.msk [tilespmem:v27+s2+$0x0], $0xffff  }
0x325: {  	v34 =	vadd.s32 $0x6800, v6;
	s4 =	sor.u32 $0x15000, s16;
	[tilespmem:s30+$0x0] =	vst v28;
	s3 =	sor.u32 s14, s31;
	v11 =	vld.idx.msk [tilespmem:v29+s2+$0x0], $0xffff  }
0x326: {  	v35 =	vadd.s32 $0x6800, v5;
	s5 =	sor.u32 s17, s4;
	v2 =	vld.idx.msk [tilespmem:v30+s2+$0x0], $0xffff;
	[tilespmem:s3+$0x0] =	vst v12  }
0x327: {  	v36 =	vadd.s32 $0x6A00, v1;
	s6 =	sor.u32 $0x15000, s20;
	v13 =	vld.idx.msk [tilespmem:v31+s2+$0x0], $0xffff;
	s3 =	sor.u32 s15, s4;
	[tilespmem:s5+$0x0] =	vst v7  }
0x328: {  	v37 =	vadd.s32 $0x6A00, v0;
	s8 =	sor.u32 s18, s6;
	[tilespmem:s3+$0x0] =	vst v8;
	v9 =	vld.idx.msk [tilespmem:v32+s2+$0x0], $0xffff  }
0x329: {  	v38 =	vadd.s32 $0x6A00, v4;
	s0 =	sor.u32 s19, s6;
	v14 =	vld.idx.msk [tilespmem:v33+s2+$0x0], $0xffff;
	[tilespmem:s8+$0x0] =	vst v15  }
0x32a: {  	v39 =	vadd.s32 $0x6A00, v3;
	[tilespmem:s0+$0x0] =	vst v11;
	v10 =	vld.idx.msk [tilespmem:v34+s2+$0x0], $0xffff  }
0x32b: {  	v40 =	vadd.s32 $0x6A00, v6;
	s10 =	sor.u32 s12, s31;
	s22 =	sor.u32 $0x15400, s16;
	[tilespmem:s21+$0x0] =	vst v2;
	v12 =	vld.idx.msk [tilespmem:v35+s2+$0x0], $0xffff  }
0x32c: {  	v42 =	vadd.s32 $0x6A00, v5;
	s23 =	sor.u32 s17, s22;
	[tilespmem:s10+$0x0] =	vst v13;
	v41 =	vld.idx.msk [tilespmem:v36+s2+$0x0], $0xffff  }
0x32d: {  	v43 =	vadd.s32 $0x6C00, v1;
	s24 =	sor.u32 $0x15400, s20;
	s1 =	sor.u32 s15, s22;
	v7 =	vld.idx.msk [tilespmem:v37+s2+$0x0], $0xffff;
	[tilespmem:s23+$0x0] =	vst v9  }
0x32e: {  	v44 =	vadd.s32 $0x6C00, v0;
	s25 =	sor.u32 s18, s24;
	[tilespmem:s1+$0x0] =	vst v14;
	v8 =	vld.idx.msk [tilespmem:v38+s2+$0x0], $0xffff  }
0x32f: {  	v45 =	vadd.s32 $0x6C00, v4;
	s26 =	sor.u32 $0x15800, s13;
	s0 =	sor.u32 s19, s24;
	v11 =	vld.idx.msk [tilespmem:v39+s2+$0x0], $0xffff;
	[tilespmem:s25+$0x0] =	vst v10  }
0x330: {  	v46 =	vadd.s32 $0x6C00, v3;
	s28 =	sor.u32 s14, s26;
	[tilespmem:s0+$0x0] =	vst v12;
	v2 =	vld.idx.msk [tilespmem:v40+s2+$0x0], $0xffff  }
0x331: {  	v47 =	vadd.s32 $0x6C00, v6;
	s29 =	sor.u32 $0x15800, s16;
	[tilespmem:s28+$0x0] =	vst v41;
	s1 =	sor.u32 s12, s26;
	v13 =	vld.idx.msk [tilespmem:v42+s2+$0x0], $0xffff  }
0x332: {  	v48 =	vadd.s32 $0x6C00, v5;
	s30 =	sor.u32 s17, s29;
	v15 =	vld.idx.msk [tilespmem:v43+s2+$0x0], $0xffff;
	[tilespmem:s1+$0x0] =	vst v7  }
0x333: {  	v49 =	vadd.s32 $0x6E00, v1;
	s31 =	sor.u32 $0x15800, s20;
	v9 =	vld.idx.msk [tilespmem:v44+s2+$0x0], $0xffff;
	s0 =	sor.u32 s15, s29;
	[tilespmem:s30+$0x0] =	vst v8  }
0x334: {  	v50 =	vadd.s32 $0x6E00, v0;
	s3 =	sor.u32 s18, s31;
	[tilespmem:s0+$0x0] =	vst v11;
	v10 =	vld.idx.msk [tilespmem:v45+s2+$0x0], $0xffff  }
0x335: {  	v51 =	vadd.s32 $0x6E00, v4;
	s4 =	sor.u32 $0x15C00, s13;
	s1 =	sor.u32 s19, s31;
	v11 =	vld.idx.msk [tilespmem:v46+s2+$0x0], $0xffff;
	[tilespmem:s3+$0x0] =	vst v2  }
0x336: {  	v52 =	vadd.s32 $0x6E00, v3;
	s5 =	sor.u32 s14, s4;
	[tilespmem:s1+$0x0] =	vst v13;
	v53 =	vld.idx.msk [tilespmem:v47+s2+$0x0], $0xffff  }
0x337: {  	v54 =	vadd.s32 $0x6E00, v6;
	s6 =	sor.u32 $0x15C00, s16;
	[tilespmem:s5+$0x0] =	vst v15;
	s0 =	sor.u32 s12, s4;
	v7 =	vld.idx.msk [tilespmem:v48+s2+$0x0], $0xffff  }
0x338: {  	v55 =	vadd.s32 $0x6E00, v5;
	s8 =	sor.u32 s17, s6;
	v15 =	vld.idx.msk [tilespmem:v49+s2+$0x0], $0xffff;
	[tilespmem:s0+$0x0] =	vst v9  }
0x339: {  	v56 =	vadd.s32 $0x7000, v1;
	s10 =	sor.u32 $0x15C00, s20;
	v8 =	vld.idx.msk [tilespmem:v50+s2+$0x0], $0xffff;
	s1 =	sor.u32 s15, s6;
	[tilespmem:s8+$0x0] =	vst v10  }
0x33a: {  	v57 =	vadd.s32 $0x7000, v0;
	s21 =	sor.u32 s18, s10;
	[tilespmem:s1+$0x0] =	vst v11;
	v2 =	vld.idx.msk [tilespmem:v51+s2+$0x0], $0xffff  }
0x33b: {  	v58 =	vadd.s32 $0x7000, v4;
	s22 =	sor.u32 $0x16000, s13;
	s0 =	sor.u32 s19, s10;
	v12 =	vld.idx.msk [tilespmem:v52+s2+$0x0], $0xffff;
	[tilespmem:s21+$0x0] =	vst v53  }
0x33c: {  	v59 =	vadd.s32 $0x7000, v3;
	s23 =	sor.u32 s14, s22;
	[tilespmem:s0+$0x0] =	vst v7;
	v13 =	vld.idx.msk [tilespmem:v54+s2+$0x0], $0xffff  }
0x33d: {  	v60 =	vadd.s32 $0x7000, v6;
	s24 =	sor.u32 $0x16000, s16;
	[tilespmem:s23+$0x0] =	vst v15;
	s1 =	sor.u32 s12, s22;
	v9 =	vld.idx.msk [tilespmem:v55+s2+$0x0], $0xffff  }
0x33e: {  	v61 =	vadd.s32 $0x7000, v5;
	s25 =	sor.u32 s17, s24;
	v15 =	vld.idx.msk [tilespmem:v56+s2+$0x0], $0xffff;
	[tilespmem:s1+$0x0] =	vst v8  }
0x33f: {  	v62 =	vadd.s32 $0x7200, v1;
	s26 =	sor.u32 $0x16000, s20;
	v10 =	vld.idx.msk [tilespmem:v57+s2+$0x0], $0xffff;
	s0 =	sor.u32 s15, s24;
	[tilespmem:s25+$0x0] =	vst v2  }
0x340: {  	v63 =	vadd.s32 $0x7200, v0;
	s28 =	sor.u32 s18, s26;
	[tilespmem:s0+$0x0] =	vst v12;
	v11 =	vld.idx.msk [tilespmem:v58+s2+$0x0], $0xffff  }
0x341: {  	v20 =	vadd.s32 $0x7200, v4;
	s29 =	sor.u32 $0x16400, s13;
	s1 =	sor.u32 s19, s26;
	v7 =	vld.idx.msk [tilespmem:v59+s2+$0x0], $0xffff;
	[tilespmem:s28+$0x0] =	vst v13  }
0x342: {  	v21 =	vadd.s32 $0x7200, v3;
	s30 =	sor.u32 s14, s29;
	[tilespmem:s1+$0x0] =	vst v9;
	v13 =	vld.idx.msk [tilespmem:v60+s2+$0x0], $0xffff  }
0x343: {  	v22 =	vadd.s32 $0x7200, v6;
	s31 =	sor.u32 $0x16400, s16;
	[tilespmem:s30+$0x0] =	vst v15;
	s0 =	sor.u32 s12, s29;
	v8 =	vld.idx.msk [tilespmem:v61+s2+$0x0], $0xffff  }
0x344: {  	v23 =	vadd.s32 $0x7200, v5;
	s3 =	sor.u32 s17, s31;
	v15 =	vld.idx.msk [tilespmem:v62+s2+$0x0], $0xffff;
	[tilespmem:s0+$0x0] =	vst v10  }
0x345: {  	v24 =	vadd.s32 $0x7400, v1;
	s4 =	sor.u32 $0x16400, s20;
	v2 =	vld.idx.msk [tilespmem:v63+s2+$0x0], $0xffff;
	s1 =	sor.u32 s15, s31;
	[tilespmem:s3+$0x0] =	vst v11  }
0x346: {  	v25 =	vadd.s32 $0x7400, v0;
	s5 =	sor.u32 s18, s4;
	[tilespmem:s1+$0x0] =	vst v7;
	v12 =	vld.idx.msk [tilespmem:v20+s2+$0x0], $0xffff  }
0x347: {  	v26 =	vadd.s32 $0x7400, v4;
	s6 =	sor.u32 $0x16800, s13;
	s0 =	sor.u32 s19, s4;
	v9 =	vld.idx.msk [tilespmem:v21+s2+$0x0], $0xffff;
	[tilespmem:s5+$0x0] =	vst v13  }
0x348: {  	v27 =	vadd.s32 $0x7400, v3;
	s8 =	sor.u32 s14, s6;
	[tilespmem:s0+$0x0] =	vst v8;
	v13 =	vld.idx.msk [tilespmem:v22+s2+$0x0], $0xffff  }
0x349: {  	v28 =	vadd.s32 $0x7400, v6;
	s10 =	sor.u32 $0x16800, s16;
	[tilespmem:s8+$0x0] =	vst v15;
	s1 =	sor.u32 s12, s6;
	v10 =	vld.idx.msk [tilespmem:v23+s2+$0x0], $0xffff  }
0x34a: {  	v29 =	vadd.s32 $0x7400, v5;
	s21 =	sor.u32 s17, s10;
	v15 =	vld.idx.msk [tilespmem:v24+s2+$0x0], $0xffff;
	[tilespmem:s1+$0x0] =	vst v2  }
0x34b: {  	v30 =	vadd.s32 $0x7600, v1;
	s22 =	sor.u32 $0x16800, s20;
	v11 =	vld.idx.msk [tilespmem:v25+s2+$0x0], $0xffff;
	s0 =	sor.u32 s15, s10;
	[tilespmem:s21+$0x0] =	vst v12  }
0x34c: {  	v31 =	vadd.s32 $0x7600, v0;
	s23 =	sor.u32 s18, s22;
	[tilespmem:s0+$0x0] =	vst v9;
	v7 =	vld.idx.msk [tilespmem:v26+s2+$0x0], $0xffff  }
0x34d: {  	v32 =	vadd.s32 $0x7600, v4;
	s24 =	sor.u32 $0x16C00, s13;
	s1 =	sor.u32 s19, s22;
	v8 =	vld.idx.msk [tilespmem:v27+s2+$0x0], $0xffff;
	[tilespmem:s23+$0x0] =	vst v13  }
0x34e: {  	v33 =	vadd.s32 $0x7600, v3;
	s25 =	sor.u32 s14, s24;
	[tilespmem:s1+$0x0] =	vst v10;
	v13 =	vld.idx.msk [tilespmem:v28+s2+$0x0], $0xffff  }
0x34f: {  	v34 =	vadd.s32 $0x7600, v6;
	s26 =	sor.u32 $0x16C00, s16;
	[tilespmem:s25+$0x0] =	vst v15;
	s0 =	sor.u32 s12, s24;
	v2 =	vld.idx.msk [tilespmem:v29+s2+$0x0], $0xffff  }
0x350: {  	v35 =	vadd.s32 $0x7600, v5;
	s28 =	sor.u32 s17, s26;
	v15 =	vld.idx.msk [tilespmem:v30+s2+$0x0], $0xffff;
	[tilespmem:s0+$0x0] =	vst v11  }
0x351: {  	v36 =	vadd.s32 $0x7800, v1;
	s29 =	sor.u32 $0x16C00, s20;
	v12 =	vld.idx.msk [tilespmem:v31+s2+$0x0], $0xffff;
	s1 =	sor.u32 s15, s26;
	[tilespmem:s28+$0x0] =	vst v7  }
0x352: {  	v37 =	vadd.s32 $0x7800, v0;
	s30 =	sor.u32 s18, s29;
	[tilespmem:s1+$0x0] =	vst v8;
	v9 =	vld.idx.msk [tilespmem:v32+s2+$0x0], $0xffff  }
0x353: {  	v38 =	vadd.s32 $0x7800, v4;
	s31 =	sor.u32 $0x17000, s13;
	s0 =	sor.u32 s19, s29;
	v10 =	vld.idx.msk [tilespmem:v33+s2+$0x0], $0xffff;
	[tilespmem:s30+$0x0] =	vst v13  }
0x354: {  	v39 =	vadd.s32 $0x7800, v3;
	s3 =	sor.u32 s14, s31;
	[tilespmem:s0+$0x0] =	vst v2;
	v13 =	vld.idx.msk [tilespmem:v34+s2+$0x0], $0xffff  }
0x355: {  	v40 =	vadd.s32 $0x7800, v6;
	s4 =	sor.u32 $0x17000, s16;
	[tilespmem:s3+$0x0] =	vst v15;
	s1 =	sor.u32 s12, s31;
	v11 =	vld.idx.msk [tilespmem:v35+s2+$0x0], $0xffff  }
0x356: {  	v41 =	vadd.s32 $0x7800, v5;
	s5 =	sor.u32 s17, s4;
	v15 =	vld.idx.msk [tilespmem:v36+s2+$0x0], $0xffff;
	[tilespmem:s1+$0x0] =	vst v12  }
0x357: {  	v42 =	vadd.s32 $0x7A00, v1;
	s6 =	sor.u32 $0x17000, s20;
	v7 =	vld.idx.msk [tilespmem:v37+s2+$0x0], $0xffff;
	s0 =	sor.u32 s15, s4;
	[tilespmem:s5+$0x0] =	vst v9  }
0x358: {  	v43 =	vadd.s32 $0x7A00, v0;
	s8 =	sor.u32 s18, s6;
	[tilespmem:s0+$0x0] =	vst v10;
	v8 =	vld.idx.msk [tilespmem:v38+s2+$0x0], $0xffff  }
0x359: {  	v44 =	vadd.s32 $0x7A00, v4;
	s10 =	sor.u32 $0x17400, s13;
	s1 =	sor.u32 s19, s6;
	v2 =	vld.idx.msk [tilespmem:v39+s2+$0x0], $0xffff;
	[tilespmem:s8+$0x0] =	vst v13  }
0x35a: {  	v45 =	vadd.s32 $0x7A00, v3;
	s21 =	sor.u32 s14, s10;
	[tilespmem:s1+$0x0] =	vst v11;
	v13 =	vld.idx.msk [tilespmem:v40+s2+$0x0], $0xffff  }
0x35b: {  	v46 =	vadd.s32 $0x7A00, v6;
	s22 =	sor.u32 $0x17400, s16;
	[tilespmem:s21+$0x0] =	vst v15;
	s0 =	sor.u32 s12, s10;
	v12 =	vld.idx.msk [tilespmem:v41+s2+$0x0], $0xffff  }
0x35c: {  	v47 =	vadd.s32 $0x7A00, v5;
	s23 =	sor.u32 s17, s22;
	v15 =	vld.idx.msk [tilespmem:v42+s2+$0x0], $0xffff;
	[tilespmem:s0+$0x0] =	vst v7  }
0x35d: {  	v48 =	vadd.s32 $0x7C00, v1;
	s24 =	sor.u32 $0x17400, s20;
	v9 =	vld.idx.msk [tilespmem:v43+s2+$0x0], $0xffff;
	s1 =	sor.u32 s15, s22;
	[tilespmem:s23+$0x0] =	vst v8  }
0x35e: {  	v49 =	vadd.s32 $0x7C00, v0;
	s25 =	sor.u32 s18, s24;
	[tilespmem:s1+$0x0] =	vst v2;
	v10 =	vld.idx.msk [tilespmem:v44+s2+$0x0], $0xffff  }
0x35f: {  	v50 =	vadd.s32 $0x7C00, v4;
	s26 =	sor.u32 $0x17800, s13;
	s0 =	sor.u32 s19, s24;
	v11 =	vld.idx.msk [tilespmem:v45+s2+$0x0], $0xffff;
	[tilespmem:s25+$0x0] =	vst v13  }
0x360: {  	v51 =	vadd.s32 $0x7C00, v3;
	s28 =	sor.u32 s14, s26;
	[tilespmem:s0+$0x0] =	vst v12;
	v13 =	vld.idx.msk [tilespmem:v46+s2+$0x0], $0xffff  }
0x361: {  	v52 =	vadd.s32 $0x7C00, v6;
	s29 =	sor.u32 $0x17800, s16;
	[tilespmem:s28+$0x0] =	vst v15;
	s1 =	sor.u32 s12, s26;
	v7 =	vld.idx.msk [tilespmem:v47+s2+$0x0], $0xffff  }
0x362: {  	v53 =	vadd.s32 $0x7C00, v5;
	s30 =	sor.u32 s17, s29;
	v15 =	vld.idx.msk [tilespmem:v48+s2+$0x0], $0xffff;
	[tilespmem:s1+$0x0] =	vst v9  }
0x363: {  	v54 =	vadd.s32 $0x7E00, v1;
	s31 =	sor.u32 $0x17800, s20;
	v8 =	vld.idx.msk [tilespmem:v49+s2+$0x0], $0xffff;
	s0 =	sor.u32 s15, s29;
	[tilespmem:s30+$0x0] =	vst v10  }
0x364: {  	v55 =	vadd.s32 $0x7E00, v0;
	s3 =	sor.u32 s18, s31;
	[tilespmem:s0+$0x0] =	vst v11;
	v2 =	vld.idx.msk [tilespmem:v50+s2+$0x0], $0xffff  }
0x365: {  	v56 =	vadd.s32 $0x7E00, v4;
	s4 =	sor.u32 $0x17C00, s13;
	s1 =	sor.u32 s19, s31;
	v57 =	vld.idx.msk [tilespmem:v51+s2+$0x0], $0xffff;
	[tilespmem:s3+$0x0] =	vst v13  }
0x366: {  	v58 =	vadd.s32 $0x7E00, v3;
	s5 =	sor.u32 s14, s4;
	[tilespmem:s1+$0x0] =	vst v7;
	v59 =	vld.idx.msk [tilespmem:v52+s2+$0x0], $0xffff  }
0x367: {  	v60 =	vadd.s32 $0x7E00, v6;
	s6 =	sor.u32 $0x17C00, s16;
	[tilespmem:s5+$0x0] =	vst v15;
	s0 =	sor.u32 s12, s4;
	v9 =	vld.idx.msk [tilespmem:v53+s2+$0x0], $0xffff  }
0x368: {  	v61 =	vadd.s32 $0x7E00, v5;
	s8 =	sor.u32 s17, s6;
	v1 =	vld.idx.msk [tilespmem:v54+s2+$0x0], $0xffff;
	[tilespmem:s0+$0x0] =	vst v8  }
0x369: {  	s10 =	sor.u32 $0x17C00, s20;
	v0 =	vld.idx.msk [tilespmem:v55+s2+$0x0], $0xffff;
	s1 =	sor.u32 s15, s6;
	[tilespmem:s8+$0x0] =	vst v2  }
0x36a: {  	s21 =	sor.u32 s18, s10;
	[tilespmem:s1+$0x0] =	vst v57;
	v2 =	vld.idx.msk [tilespmem:v56+s2+$0x0], $0xffff  }
0x36b: {  	s22 =	sor.u32 $0x18000, s13;
	s0 =	sor.u32 s19, s10;
	v3 =	vld.idx.msk [tilespmem:v58+s2+$0x0], $0xffff;
	[tilespmem:s21+$0x0] =	vst v59  }
0x36c: {  	s23 =	sor.u32 s14, s22;
	[tilespmem:s0+$0x0] =	vst v9;
	v62 =	vld.idx.msk [tilespmem:v60+s2+$0x0], $0xffff  }
0x36d: {  	s24 =	sor.u32 $0x18000, s16;
	[tilespmem:s23+$0x0] =	vst v1;
	s1 =	sor.u32 s12, s22;
	v63 =	vld.idx.msk [tilespmem:v61+s2+$0x0], $0xffff  }
0x36e: {  	s25 =	sor.u32 s17, s24;
	[tilespmem:s1+$0x0] =	vst v0  }
0x36f: {  	s26 =	sor.u32 $0x18000, s20;
	s0 =	sor.u32 s15, s24;
	[tilespmem:s25+$0x0] =	vst v2  }
0x370: {  	s28 =	sor.u32 s18, s26;
	[tilespmem:s0+$0x0] =	vst v3  }
0x371: {  	s1 =	sor.u32 s19, s26;
	[tilespmem:s28+$0x0] =	vst v62  }
0x372: {  	[tilespmem:s1+$0x0] =	vst v63  }
0x373: {  	s29 =	simm.s32 $0x400;
	s30 =	simm.s32 $0x8400;
	s0 =	rddreg [dreg:$0x5]  }
0x374: {  	[hbm4b:s0+s29] =	stream.strided.scatter [tilespmem:s30], [sflag:$0x1], $0x10000, s9, s29, $0x38;
	[tilespmem:$0x18400] =	vst v63  }
0x375: {  	_ =	swait.ge [sflag:s7], $0x10000  }
0x376: {  	s11 =	sadd.s32 $0x1, s11;
	s31 =	rddreg [dreg:$0x6]  }
0x377: {  	p0 =	sne.s32 s11, s31  }
.Ltmp1:
0x378: {  	_ = 	snop;
	(pc) =	sbr.rel @p0 .LBB2_1-.Ltmp1, $3  }
0x379: {  	_ =	sdelay $0x1  }
0x37a: {  	[sflag:s7] =	ssyncset.done $0x0  }
0x37b: {  	s1 =	simm.s32 $0x8400;
	[sflag:s7] =	ssyncadd.s32 $0xFFFF0000  }
0x37c: {  	_ =	sfence.sel $0x180000  }
0x37d: {  	[bflag:$0x0] =	sbarrier.arrive $0xFFFF  }
0x37e: {  	_ =	strace $0x90000047  }
0x37f: {  	s0 =	stileid.u32;
	[bflag:$0x2] =	sbarrier.arrive $0xFFFF  }
0x380: {  	p0 =	sne.s32 s0, $0x0;
	s0 =	rddreg [dreg:$0x2]  }
0x381: {  	s0 =	sadd.s32 @!p0 $0x100000, s0  }
0x382: {  	[sflag:s0] =	ssyncadd.tile.s32 @!p0 $0x1;
	_ =	shalt  }
.Lfunc_end2:
_tile_overlayer_lowered:
.L_overlay_start_2:
0x383: {  	(tag) =	ssettag $0x2  }
0x384: {  	s0 =	rddreg [dreg:$0x0];
	s2 =	stileid.u32  }
0x385: {  	s1 =	rddreg [dreg:$0x1];
	p0 =	sne.s32 s2, $0x0  }
0x386: {  	s3 =	rddreg [dreg:$0x2];
	[bflag:$0x3] =	sbarrier.arrive $0xFFFF;
	s2 =	simm.s32 @!p0 $0x1C01  }
0x387: {  	[timem:s3], [sflag:s2] =	dma.local @!p0 [hbm:s0], s1  }
0x388: {  	s0 =	simm.s32 @!p0 $0x1  }
0x389: {  	_ =	swait.ge @!p0 [sflag:s0], s1  }
0x38a: {  	s1 =	ssub.s32 @!p0 $0x0, s1;
	[sflag:s0] =	ssyncset.done @!p0 $0x0  }
0x38b: {  	[sflag:s0] =	ssyncadd.s32 @!p0 s1  }
0x38c: {  	[bflag:$0x3] =	sbarrier.arrive $0xFFFF  }
0x38d: {  	_ =	shalt  }

</sc_bundles>
